<compile_context>
chip_gen: v7x
topology: tpu7x:2x2x1
jax: 0.10.2.dev20260603
libtpu: 0.0.44.dev20260713+nightly
codegen_flags: <defaults>
</compile_context>

<pallas_src>
import functools

import jax
import jax.numpy as jnp
from jax import lax
from jax.experimental import pallas as pl
from jax.experimental.pallas import tpu as pltpu
from jax.experimental.pallas import tpu_sc as plsc

_N = 10000
_NPAD = 10240
_D = 128
_E = 320000
_NC = 2
_NS = 16
_NW = _NC * _NS
_CH = 128
_EW = 10240
_EPAD = _NW * _EW
_NCHUNK = _EW // _CH
_G = 16
_NG = _NCHUNK // _G
_RPT = _NPAD // _NS
_DEGW = 16


def _zero_rows(rows, width):
  zv = jnp.zeros((16,), jnp.float32)
  def zrow(i, carry):
    for k in range(width // 16):
      rows[i, pl.ds(k * 16, 16)] = zv
    return carry
  lax.fori_loop(0, _CH, zrow, 0)


def _deg_hist():
  mesh = plsc.VectorSubcoreMesh(core_axis_name="c", subcore_axis_name="s")
  out_type = jax.ShapeDtypeStruct((_NC, _NPAD), jnp.float32)
  scratch = (
      pltpu.VMEM_SHARED((_NS, _NPAD), jnp.float32),
      pltpu.VMEM((2, _G, _CH), jnp.int32),
      pltpu.VMEM((_NPAD,), jnp.float32),
      pltpu.VMEM((_RPT,), jnp.float32),
      pltpu.VMEM((_RPT,), jnp.float32),
      pltpu.SemaphoreType.DMA,
  )

  def body(dstr, d_out, dall, dstv, hist, tmp, lacc, semidx):
    c = lax.axis_index("c")
    s = lax.axis_index("s")
    w = c * _NS + s
    zv = jnp.zeros((16,), jnp.float32)
    ones = jnp.ones((16,), jnp.float32)

    def zrow(i, carry):
      hist[pl.ds(i * 16, 16)] = zv
      return carry
    lax.fori_loop(0, _NPAD // 16, zrow, 0)

    pltpu.sync_copy(dstr.at[w, pl.ds(0, _G)], dstv.at[0])

    def group(g, carry):
      sl = lax.rem(g, 2)
      gn = jnp.minimum(g + 1, _NG - 1) * _G
      d = pltpu.async_copy(dstr.at[w, pl.ds(gn, _G)], dstv.at[1 - sl], semidx)
      for j in range(_G):
        for k in range(_CH // 16):
          iv = dstv[sl, j, pl.ds(k * 16, 16)]
          plsc.addupdate_scatter(hist, [iv], ones)
      d.wait()
      return carry
    lax.fori_loop(0, _NG, group, 0)

    pltpu.sync_copy(hist, dall.at[s])
    plsc.subcore_barrier()
    r0 = s * _RPT
    def zrow2(i, carry):
      lacc[pl.ds(i * 16, 16)] = zv
      return carry
    lax.fori_loop(0, _RPT // 16, zrow2, 0)
    def mrg(t, carry):
      pltpu.sync_copy(dall.at[t, pl.ds(r0, _RPT)], tmp)
      def addrow(i, carry2):
        lacc[pl.ds(i * 16, 16)] = lacc[pl.ds(i * 16, 16)] + tmp[pl.ds(i * 16, 16)]
        return carry2
      lax.fori_loop(0, _RPT // 16, addrow, 0)
      return carry
    lax.fori_loop(0, _NS, mrg, 0)
    pltpu.sync_copy(lacc, d_out.at[c, pl.ds(r0, _RPT)])

  return functools.partial(
      pl.kernel, mesh=mesh, out_type=out_type, scratch_types=scratch,
      compiler_params=pltpu.CompilerParams(needs_layout_passes=False))(body)


def _make_segsum():
  mesh = plsc.VectorSubcoreMesh(core_axis_name="c", subcore_axis_name="s")
  out_type = jax.ShapeDtypeStruct((_NC, _NPAD, _D), jnp.float32)
  scratch = (
      pltpu.VMEM_SHARED((_NPAD, _D), jnp.float32),
      pltpu.VMEM((2, _G, _CH), jnp.int32),
      pltpu.VMEM((2, _G, _CH), jnp.int32),
      pltpu.VMEM((_CH, _D), jnp.float32),
      pltpu.VMEM((_CH, _D), jnp.float32),
      pltpu.SemaphoreType.DMA,
      pltpu.SemaphoreType.DMA,
      pltpu.SemaphoreType.DMA,
      pltpu.SemaphoreType.DMA,
      pltpu.SemaphoreType.DMA,
  )

  def body(feat, srcr, dstr, s_out, acc, srcv, dstv, rows, rows1, sem, sem1,
           ssem, ssem1, semidx):
    bufs = (rows, rows1)
    sems = (sem, sem1)
    ssems = (ssem, ssem1)
    c = lax.axis_index("c")
    s = lax.axis_index("s")
    w = c * _NS + s
    r0 = s * _RPT
    nblk = _RPT // _CH

    _zero_rows(rows, _D)
    for t in range(nblk):
      pltpu.sync_copy(rows, acc.at[pl.ds(r0 + t * _CH, _CH)])
    plsc.subcore_barrier()

    pltpu.sync_copy(srcr.at[w, pl.ds(0, _G)], srcv.at[0])
    pltpu.sync_copy(dstr.at[w, pl.ds(0, _G)], dstv.at[0])

    def group(g, carry):
      sl = lax.rem(g, 2)
      gn = jnp.minimum(g + 1, _NG - 1) * _G
      idx_descs = [
          pltpu.async_copy(
              srcr.at[w, pl.ds(gn, _G)], srcv.at[1 - sl], semidx),
          pltpu.async_copy(
              dstr.at[w, pl.ds(gn, _G)], dstv.at[1 - sl], semidx)]
      desc = [pltpu.async_copy(feat.at[srcv.at[sl, 0]], bufs[0], sems[0]),
              None]
      sdesc = [None, None]
      for j in range(_G):
        if j + 1 < _G:
          if sdesc[(j + 1) % 2] is not None:
            sdesc[(j + 1) % 2].wait()
            sdesc[(j + 1) % 2] = None
          desc[(j + 1) % 2] = pltpu.async_copy(
              feat.at[srcv.at[sl, j + 1]], bufs[(j + 1) % 2],
              sems[(j + 1) % 2])
        desc[j % 2].wait()
        sdesc[j % 2] = pltpu.async_copy(
            bufs[j % 2], acc.at[dstv.at[sl, j]], ssems[j % 2], add=True)
      for d in sdesc:
        if d is not None:
          d.wait()
      for d in idx_descs:
        d.wait()
      return carry

    lax.fori_loop(0, _NG, group, 0)
    plsc.subcore_barrier()
    for t in range(nblk):
      rb = r0 + t * _CH
      pltpu.sync_copy(acc.at[pl.ds(rb, _CH)], rows)
      pltpu.sync_copy(rows, s_out.at[c, pl.ds(rb, _CH)])

  return functools.partial(
      pl.kernel, mesh=mesh, out_type=out_type,
      scratch_types=scratch)(body)


_make_segsum = functools.lru_cache(maxsize=None)(_make_segsum)
_deg_hist = functools.lru_cache(maxsize=None)(_deg_hist)

_BN = 2048


def _linr(x, W, b):

  def body(x_ref, w_ref, b_ref, o_ref):
    o_ref[...] = jnp.dot(
        x_ref[...], w_ref[...], preferred_element_type=jnp.float32,
        precision=lax.Precision.HIGHEST) + b_ref[...]

  return pl.pallas_call(
      body,
      grid=(_NPAD // _BN,),
      in_specs=[
          pl.BlockSpec((_BN, _D), lambda i: (i, 0)),
          pl.BlockSpec((_D, _D), lambda i: (0, 0)),
          pl.BlockSpec((1, _D), lambda i: (0, 0)),
      ],
      out_specs=pl.BlockSpec((_BN, _D), lambda i: (i, 0)),
      out_shape=jax.ShapeDtypeStruct((_NPAD, _D), jnp.float32),
  )(x, W, b.reshape(1, _D))


def _dense_fin(S, dpart, xr, W_l, *, first):

  def body(s_ref, d_ref, xr_ref, wl_ref, *out_refs):
    ssum = s_ref[0] + s_ref[1]
    if first:
      o_ref, invd_ref = out_refs
      d = d_ref[0, :, 0] + d_ref[1, :, 0]
      invd = (1.0 / jnp.maximum(d, 1.0))[:, None]
      invd_ref[...] = jnp.broadcast_to(invd, invd_ref.shape)
    else:
      (o_ref,) = out_refs
      invd = d_ref[:, 0][:, None]
    r = jnp.dot(ssum * invd, wl_ref[...], preferred_element_type=jnp.float32,
                precision=lax.Precision.HIGHEST) + xr_ref[...]
    o_ref[...] = jnp.maximum(r, 0.0) if first else jax.nn.sigmoid(r)

  d_spec = (pl.BlockSpec((2, _BN, _DEGW), lambda i: (0, i, 0)) if first
            else pl.BlockSpec((_BN, _DEGW), lambda i: (i, 0)))
  out_shape = [jax.ShapeDtypeStruct((_NPAD, _D), jnp.float32)]
  out_specs = [pl.BlockSpec((_BN, _D), lambda i: (i, 0))]
  if first:
    out_shape.append(jax.ShapeDtypeStruct((_NPAD, _DEGW), jnp.float32))
    out_specs.append(pl.BlockSpec((_BN, _DEGW), lambda i: (i, 0)))
  return pl.pallas_call(
      body,
      grid=(_NPAD // _BN,),
      in_specs=[
          pl.BlockSpec((2, _BN, _D), lambda i: (0, i, 0)),
          d_spec,
          pl.BlockSpec((_BN, _D), lambda i: (i, 0)),
          pl.BlockSpec((_D, _D), lambda i: (0, 0)),
      ],
      out_specs=out_specs,
      out_shape=out_shape,
  )(S, dpart, xr, W_l)


@jax.jit
def kernel(x, edge_index, W1_l, b1_l, W1_r, W2_l, b2_l, W2_r):
  src = edge_index[0]
  dst = edge_index[1]
  npad = _EPAD - _E
  pad_src = (jnp.arange(npad, dtype=jnp.int32) * 37) % _N
  pad_dst = _N + jnp.arange(npad, dtype=jnp.int32) % (_NPAD - _N)
  srcp = jnp.concatenate([src, pad_src]).reshape(_NW, _NCHUNK, _CH)
  dstp = jnp.concatenate([dst, pad_dst]).reshape(_NW, _NCHUNK, _CH)
  xpad = jnp.concatenate([x, jnp.zeros((_NPAD - _N, _D), x.dtype)])

  xr1 = _linr(xpad, W1_r, b1_l)
  deg2 = _deg_hist()(dstp)
  deg = jnp.broadcast_to(deg2[:, :, None], (_NC, _NPAD, _DEGW))
  S1 = _make_segsum()(xpad, srcp, dstp)
  h, invd = _dense_fin(S1, deg, xr1, W1_l, first=True)
  xr2 = _linr(h, W2_r, b2_l)
  S2 = _make_segsum()(h, srcp, dstp)
  (out,) = _dense_fin(S2, invd, xr2, W2_l, first=False)
  return out[:_N]

# --- scband reference (transcript-rebuilt; emitter-appended) ---
"""Pipeline reference for scband-gnn-71811853189872 (READ-ONLY COPY).

The authoritative reference and input builder live on the scoring server;
editing this copy changes nothing except your own understanding.
"""

import jax, jax.numpy as jnp
import numpy as np

N = 10000
E = 320000
D = 128
H = 128
O = 128


def sage_conv(x, src, dst, W_l, b_l, W_r, num_nodes):
    # PyG SAGEConv with mean aggregation:
    #   out = lin_l(mean_{j in N(i)} x_j) + lin_r(x_i)
    # lin_l has bias, lin_r has no bias.
    msg = x[src]  # gather source node features per edge
    summed = jax.ops.segment_sum(msg, dst, num_segments=num_nodes)
    deg = jax.ops.segment_sum(jnp.ones((src.shape[0],), dtype=x.dtype), dst, num_segments=num_nodes)
    agg = summed / jnp.clip(deg, 1.0)[:, None]
    return agg @ W_l + b_l + x @ W_r


def setup_inputs(seed: int = 0) -> dict:
    key = jax.random.key(seed)
    ks = jax.random.split(key, 8)
    x = jax.random.normal(ks[0], (N, D), dtype=jnp.float32)
    edge_index = jax.random.randint(ks[1], (2, E), 0, N, dtype=jnp.int32)
    s1 = 1.0 / np.sqrt(D)
    s2 = 1.0 / np.sqrt(H)
    W1_l = jax.random.normal(ks[2], (D, H), dtype=jnp.float32) * s1
    b1_l = jnp.zeros((H,), dtype=jnp.float32)
    W1_r = jax.random.normal(ks[3], (D, H), dtype=jnp.float32) * s1
    W2_l = jax.random.normal(ks[4], (H, O), dtype=jnp.float32) * s2
    b2_l = jnp.zeros((O,), dtype=jnp.float32)
    W2_r = jax.random.normal(ks[5], (H, O), dtype=jnp.float32) * s2
    return {"x": x, "edge_index": edge_index, "W1_l": W1_l, "b1_l": b1_l, "W1_r": W1_r, "W2_l": W2_l, "b2_l": b2_l, "W2_r": W2_r}


def reference(x, edge_index, W1_l, b1_l, W1_r, W2_l, b2_l, W2_r):
    src = edge_index[0]
    dst = edge_index[1]
    h = sage_conv(x, src, dst, W1_l, b1_l, W1_r, N)
    h = jax.nn.relu(h)
    h = sage_conv(h, src, dst, W2_l, b2_l, W2_r, N)
    return jax.nn.sigmoid(h)

if __name__ == "__main__":
    import jax
    _d = setup_inputs()
    print(jax.jit(kernel)(*tuple(_d.values())))

</pallas_src>

<mosaic_0001>
#map = affine_map<(d0, d1) -> (0, 0)>
#map1 = affine_map<(d0, d1) -> (0, 0, 0)>
module attributes {stable_mosaic.version = 14 : i64} {
  func.func @body(%arg0: i32, %arg1: i32, %arg2: memref<10240x128xf32, #tpu.memory_space<hbm>>, %arg3: memref<32x80x128xi32, #tpu.memory_space<hbm>>, %arg4: memref<32x80x128xi32, #tpu.memory_space<hbm>>, %arg5: memref<2x10240x128xf32, #tpu.memory_space<hbm>>, %arg6: memref<10240x128xf32, #tpu.memory_space<vmem_shared>>, %arg7: memref<2x16x128xi32, #tpu.memory_space<vmem>>, %arg8: memref<2x16x128xi32, #tpu.memory_space<vmem>>, %arg9: memref<128x128xf32, #tpu.memory_space<vmem>>, %arg10: memref<128x128xf32, #tpu.memory_space<vmem>>, %arg11: memref<!tpu.dma_semaphore, #tpu.memory_space<semaphore_mem>>, %arg12: memref<!tpu.dma_semaphore, #tpu.memory_space<semaphore_mem>>, %arg13: memref<!tpu.dma_semaphore, #tpu.memory_space<semaphore_mem>>, %arg14: memref<!tpu.dma_semaphore, #tpu.memory_space<semaphore_mem>>, %arg15: memref<!tpu.dma_semaphore, #tpu.memory_space<semaphore_mem>>) attributes {dimension_semantics = [#tpu.dimension_semantics<core_parallel>, #tpu.dimension_semantics<subcore_parallel>], iteration_bounds = array<i64: 2, 16>, scalar_prefetch = 0 : i64, scratch_operands = 10 : i64, tpu.core_type = #tpu.core_type<sc_vector_subcore>, window_params = [{transform_indices = #map}, {transform_indices = #map1}, {transform_indices = #map1}, {transform_indices = #map1}]} {
    %mul3A = arith.constant 16 : i32
    %mul3A_0 = arith.muli %arg0, %mul3A : i32
    %add3A = arith.addi %mul3A_0, %arg1 : i32
    %mul3A_1 = arith.constant 640 : i32
    %mul3A_2 = arith.muli %arg1, %mul3A_1 : i32
    %broadcast_in_dim3A = arith.constant 0.000000e+00 : f32
    %broadcast_in_dim3A_3 = vector.broadcast %broadcast_in_dim3A : f32 to vector<16xf32>
    %scan3A = arith.constant 0 : i32
    %scan3A_4 = arith.constant 0 : i32
    %scan3A_5 = arith.constant 128 : i32
    %scan3A_6 = arith.addi %scan3A_4, %scan3A_5 : i32
    %scan3A_7 = arith.constant 1 : i32
    scf.for %scan3A_37 = %scan3A_4 to %scan3A_6 step %scan3A_7  : i32 {
      %swap3A = arith.index_cast %scan3A_37 : i32 to index
      %swap3A_38 = arith.constant 0 : index
      %swap3A_39 = tpu.vector_load %arg9[%swap3A, %swap3A_38] {strides = array<i32>} : memref<128x128xf32, #tpu.memory_space<vmem>>, vector<1x16xf32>,
      %swap3A_40 = vector.shape_cast %swap3A_39 : vector<1x16xf32> to vector<16xf32>
      %swap3A_41 = vector.shape_cast %broadcast_in_dim3A_3 : vector<16xf32> to vector<1x16xf32>
      tpu.vector_store %arg9[%swap3A, %swap3A_38], %swap3A_41 {strides = array<i32>} : memref<128x128xf32, #tpu.memory_space<vmem>>, vector<1x16xf32>,
      %swap3A_42 = arith.index_cast %scan3A_37 : i32 to index
      %swap3A_43 = arith.constant 16 : index
      %swap3A_44 = tpu.vector_load %arg9[%swap3A_42, %swap3A_43] {strides = array<i32>} : memref<128x128xf32, #tpu.memory_space<vmem>>, vector<1x16xf32>,
      %swap3A_45 = vector.shape_cast %swap3A_44 : vector<1x16xf32> to vector<16xf32>
      %swap3A_46 = vector.shape_cast %broadcast_in_dim3A_3 : vector<16xf32> to vector<1x16xf32>
      tpu.vector_store %arg9[%swap3A_42, %swap3A_43], %swap3A_46 {strides = array<i32>} : memref<128x128xf32, #tpu.memory_space<vmem>>, vector<1x16xf32>,
      %swap3A_47 = arith.index_cast %scan3A_37 : i32 to index
      %swap3A_48 = arith.constant 32 : index
      %swap3A_49 = tpu.vector_load %arg9[%swap3A_47, %swap3A_48] {strides = array<i32>} : memref<128x128xf32, #tpu.memory_space<vmem>>, vector<1x16xf32>,
      %swap3A_50 = vector.shape_cast %swap3A_49 : vector<1x16xf32> to vector<16xf32>
      %swap3A_51 = vector.shape_cast %broadcast_in_dim3A_3 : vector<16xf32> to vector<1x16xf32>
      tpu.vector_store %arg9[%swap3A_47, %swap3A_48], %swap3A_51 {strides = array<i32>} : memref<128x128xf32, #tpu.memory_space<vmem>>, vector<1x16xf32>,
      %swap3A_52 = arith.index_cast %scan3A_37 : i32 to index
      %swap3A_53 = arith.constant 48 : index
      %swap3A_54 = tpu.vector_load %arg9[%swap3A_52, %swap3A_53] {strides = array<i32>} : memref<128x128xf32, #tpu.memory_space<vmem>>, vector<1x16xf32>,
      %swap3A_55 = vector.shape_cast %swap3A_54 : vector<1x16xf32> to vector<16xf32>
      %swap3A_56 = vector.shape_cast %broadcast_in_dim3A_3 : vector<16xf32> to vector<1x16xf32>
      tpu.vector_store %arg9[%swap3A_52, %swap3A_53], %swap3A_56 {strides = array<i32>} : memref<128x128xf32, #tpu.memory_space<vmem>>, vector<1x16xf32>,
      %swap3A_57 = arith.index_cast %scan3A_37 : i32 to index
      %swap3A_58 = arith.constant 64 : index
      %swap3A_59 = tpu.vector_load %arg9[%swap3A_57, %swap3A_58] {strides = array<i32>} : memref<128x128xf32, #tpu.memory_space<vmem>>, vector<1x16xf32>,
      %swap3A_60 = vector.shape_cast %swap3A_59 : vector<1x16xf32> to vector<16xf32>
      %swap3A_61 = vector.shape_cast %broadcast_in_dim3A_3 : vector<16xf32> to vector<1x16xf32>
      tpu.vector_store %arg9[%swap3A_57, %swap3A_58], %swap3A_61 {strides = array<i32>} : memref<128x128xf32, #tpu.memory_space<vmem>>, vector<1x16xf32>,
      %swap3A_62 = arith.index_cast %scan3A_37 : i32 to index
      %swap3A_63 = arith.constant 80 : index
      %swap3A_64 = tpu.vector_load %arg9[%swap3A_62, %swap3A_63] {strides = array<i32>} : memref<128x128xf32, #tpu.memory_space<vmem>>, vector<1x16xf32>,
      %swap3A_65 = vector.shape_cast %swap3A_64 : vector<1x16xf32> to vector<16xf32>
      %swap3A_66 = vector.shape_cast %broadcast_in_dim3A_3 : vector<16xf32> to vector<1x16xf32>
      tpu.vector_store %arg9[%swap3A_62, %swap3A_63], %swap3A_66 {strides = array<i32>} : memref<128x128xf32, #tpu.memory_space<vmem>>, vector<1x16xf32>,
      %swap3A_67 = arith.index_cast %scan3A_37 : i32 to index
      %swap3A_68 = arith.constant 96 : index
      %swap3A_69 = tpu.vector_load %arg9[%swap3A_67, %swap3A_68] {strides = array<i32>} : memref<128x128xf32, #tpu.memory_space<vmem>>, vector<1x16xf32>,
      %swap3A_70 = vector.shape_cast %swap3A_69 : vector<1x16xf32> to vector<16xf32>
      %swap3A_71 = vector.shape_cast %broadcast_in_dim3A_3 : vector<16xf32> to vector<1x16xf32>
      tpu.vector_store %arg9[%swap3A_67, %swap3A_68], %swap3A_71 {strides = array<i32>} : memref<128x128xf32, #tpu.memory_space<vmem>>, vector<1x16xf32>,
      %swap3A_72 = arith.index_cast %scan3A_37 : i32 to index
      %swap3A_73 = arith.constant 112 : index
      %swap3A_74 = tpu.vector_load %arg9[%swap3A_72, %swap3A_73] {strides = array<i32>} : memref<128x128xf32, #tpu.memory_space<vmem>>, vector<1x16xf32>,
      %swap3A_75 = vector.shape_cast %swap3A_74 : vector<1x16xf32> to vector<16xf32>
      %swap3A_76 = vector.shape_cast %broadcast_in_dim3A_3 : vector<16xf32> to vector<1x16xf32>
      tpu.vector_store %arg9[%swap3A_72, %swap3A_73], %swap3A_76 {strides = array<i32>} : memref<128x128xf32, #tpu.memory_space<vmem>>, vector<1x16xf32>,
    }
    %scan3A_8 = arith.constant 128 : i32
    %add3A_9 = arith.constant 0 : i32
    %add3A_10 = arith.addi %mul3A_2, %add3A_9 : i32
    "tpu.region"() ({
      %run_scoped3A_37 = tpu.sem_alloc : memref<!tpu.dma_semaphore, #tpu.memory_space<semaphore_mem>>
      %dma_start3A = arith.constant 0 : i32
      %dma_start3A_38 = tpu.memref_slice %arg6[%add3A_10, %dma_start3A] : memref<10240x128xf32, #tpu.memory_space<vmem_shared>> -> memref<128x128xf32, #tpu.memory_space<vmem_shared>>
      %dma_start3A_39 = arith.constant 0 : i32
      %dma_start3A_40 = tpu.memref_slice %arg6[%add3A_10, %dma_start3A_39] : memref<10240x128xf32, #tpu.memory_space<vmem_shared>> -> memref<128x128xf32, #tpu.memory_space<vmem_shared>>
      tpu.enqueue_dma source(%arg9 : memref<128x128xf32, #tpu.memory_space<vmem>>) target(%dma_start3A_40 : memref<128x128xf32, #tpu.memory_space<vmem_shared>>) target_semaphore(%run_scoped3A_37 : memref<!tpu.dma_semaphore, #tpu.memory_space<semaphore_mem>>)
      %dma_wait3A = arith.constant 0 : i32
      %dma_wait3A_41 = tpu.memref_slice %arg6[%add3A_10, %dma_wait3A] : memref<10240x128xf32, #tpu.memory_space<vmem_shared>> -> memref<128x128xf32, #tpu.memory_space<vmem_shared>>
      %dma_wait3A_42 = arith.constant 0 : i32
      %dma_wait3A_43 = tpu.memref_slice %arg6[%add3A_10, %dma_wait3A_42] : memref<10240x128xf32, #tpu.memory_space<vmem_shared>> -> memref<128x128xf32, #tpu.memory_space<vmem_shared>>
      tpu.wait_dma2 semaphore(%run_scoped3A_37 : memref<!tpu.dma_semaphore, #tpu.memory_space<semaphore_mem>>) src(%arg9 : memref<128x128xf32, #tpu.memory_space<vmem>>) dst(%dma_wait3A_43 : memref<128x128xf32, #tpu.memory_space<vmem_shared>>)
      tpu.yield
    }) : () -> ()
    %add3A_11 = arith.constant 128 : i32
    %add3A_12 = arith.addi %mul3A_2, %add3A_11 : i32
    "tpu.region"() ({
      %run_scoped3A_37 = tpu.sem_alloc : memref<!tpu.dma_semaphore, #tpu.memory_space<semaphore_mem>>
      %dma_start3A = arith.constant 0 : i32
      %dma_start3A_38 = tpu.memref_slice %arg6[%add3A_12, %dma_start3A] : memref<10240x128xf32, #tpu.memory_space<vmem_shared>> -> memref<128x128xf32, #tpu.memory_space<vmem_shared>>
      %dma_start3A_39 = arith.constant 0 : i32
      %dma_start3A_40 = tpu.memref_slice %arg6[%add3A_12, %dma_start3A_39] : memref<10240x128xf32, #tpu.memory_space<vmem_shared>> -> memref<128x128xf32, #tpu.memory_space<vmem_shared>>
      tpu.enqueue_dma source(%arg9 : memref<128x128xf32, #tpu.memory_space<vmem>>) target(%dma_start3A_40 : memref<128x128xf32, #tpu.memory_space<vmem_shared>>) target_semaphore(%run_scoped3A_37 : memref<!tpu.dma_semaphore, #tpu.memory_space<semaphore_mem>>)
      %dma_wait3A = arith.constant 0 : i32
      %dma_wait3A_41 = tpu.memref_slice %arg6[%add3A_12, %dma_wait3A] : memref<10240x128xf32, #tpu.memory_space<vmem_shared>> -> memref<128x128xf32, #tpu.memory_space<vmem_shared>>
      %dma_wait3A_42 = arith.constant 0 : i32
      %dma_wait3A_43 = tpu.memref_slice %arg6[%add3A_12, %dma_wait3A_42] : memref<10240x128xf32, #tpu.memory_space<vmem_shared>> -> memref<128x128xf32, #tpu.memory_space<vmem_shared>>
      tpu.wait_dma2 semaphore(%run_scoped3A_37 : memref<!tpu.dma_semaphore, #tpu.memory_space<semaphore_mem>>) src(%arg9 : memref<128x128xf32, #tpu.memory_space<vmem>>) dst(%dma_wait3A_43 : memref<128x128xf32, #tpu.memory_space<vmem_shared>>)
      tpu.yield
    }) : () -> ()
    %add3A_13 = arith.constant 256 : i32
    %add3A_14 = arith.addi %mul3A_2, %add3A_13 : i32
    "tpu.region"() ({
      %run_scoped3A_37 = tpu.sem_alloc : memref<!tpu.dma_semaphore, #tpu.memory_space<semaphore_mem>>
      %dma_start3A = arith.constant 0 : i32
      %dma_start3A_38 = tpu.memref_slice %arg6[%add3A_14, %dma_start3A] : memref<10240x128xf32, #tpu.memory_space<vmem_shared>> -> memref<128x128xf32, #tpu.memory_space<vmem_shared>>
      %dma_start3A_39 = arith.constant 0 : i32
      %dma_start3A_40 = tpu.memref_slice %arg6[%add3A_14, %dma_start3A_39] : memref<10240x128xf32, #tpu.memory_space<vmem_shared>> -> memref<128x128xf32, #tpu.memory_space<vmem_shared>>
      tpu.enqueue_dma source(%arg9 : memref<128x128xf32, #tpu.memory_space<vmem>>) target(%dma_start3A_40 : memref<128x128xf32, #tpu.memory_space<vmem_shared>>) target_semaphore(%run_scoped3A_37 : memref<!tpu.dma_semaphore, #tpu.memory_space<semaphore_mem>>)
      %dma_wait3A = arith.constant 0 : i32
      %dma_wait3A_41 = tpu.memref_slice %arg6[%add3A_14, %dma_wait3A] : memref<10240x128xf32, #tpu.memory_space<vmem_shared>> -> memref<128x128xf32, #tpu.memory_space<vmem_shared>>
      %dma_wait3A_42 = arith.constant 0 : i32
      %dma_wait3A_43 = tpu.memref_slice %arg6[%add3A_14, %dma_wait3A_42] : memref<10240x128xf32, #tpu.memory_space<vmem_shared>> -> memref<128x128xf32, #tpu.memory_space<vmem_shared>>
      tpu.wait_dma2 semaphore(%run_scoped3A_37 : memref<!tpu.dma_semaphore, #tpu.memory_space<semaphore_mem>>) src(%arg9 : memref<128x128xf32, #tpu.memory_space<vmem>>) dst(%dma_wait3A_43 : memref<128x128xf32, #tpu.memory_space<vmem_shared>>)
      tpu.yield
    }) : () -> ()
    %add3A_15 = arith.constant 384 : i32
    %add3A_16 = arith.addi %mul3A_2, %add3A_15 : i32
    "tpu.region"() ({
      %run_scoped3A_37 = tpu.sem_alloc : memref<!tpu.dma_semaphore, #tpu.memory_space<semaphore_mem>>
      %dma_start3A = arith.constant 0 : i32
      %dma_start3A_38 = tpu.memref_slice %arg6[%add3A_16, %dma_start3A] : memref<10240x128xf32, #tpu.memory_space<vmem_shared>> -> memref<128x128xf32, #tpu.memory_space<vmem_shared>>
      %dma_start3A_39 = arith.constant 0 : i32
      %dma_start3A_40 = tpu.memref_slice %arg6[%add3A_16, %dma_start3A_39] : memref<10240x128xf32, #tpu.memory_space<vmem_shared>> -> memref<128x128xf32, #tpu.memory_space<vmem_shared>>
      tpu.enqueue_dma source(%arg9 : memref<128x128xf32, #tpu.memory_space<vmem>>) target(%dma_start3A_40 : memref<128x128xf32, #tpu.memory_space<vmem_shared>>) target_semaphore(%run_scoped3A_37 : memref<!tpu.dma_semaphore, #tpu.memory_space<semaphore_mem>>)
      %dma_wait3A = arith.constant 0 : i32
      %dma_wait3A_41 = tpu.memref_slice %arg6[%add3A_16, %dma_wait3A] : memref<10240x128xf32, #tpu.memory_space<vmem_shared>> -> memref<128x128xf32, #tpu.memory_space<vmem_shared>>
      %dma_wait3A_42 = arith.constant 0 : i32
      %dma_wait3A_43 = tpu.memref_slice %arg6[%add3A_16, %dma_wait3A_42] : memref<10240x128xf32, #tpu.memory_space<vmem_shared>> -> memref<128x128xf32, #tpu.memory_space<vmem_shared>>
      tpu.wait_dma2 semaphore(%run_scoped3A_37 : memref<!tpu.dma_semaphore, #tpu.memory_space<semaphore_mem>>) src(%arg9 : memref<128x128xf32, #tpu.memory_space<vmem>>) dst(%dma_wait3A_43 : memref<128x128xf32, #tpu.memory_space<vmem_shared>>)
      tpu.yield
    }) : () -> ()
    %add3A_17 = arith.constant 512 : i32
    %add3A_18 = arith.addi %mul3A_2, %add3A_17 : i32
    "tpu.region"() ({
      %run_scoped3A_37 = tpu.sem_alloc : memref<!tpu.dma_semaphore, #tpu.memory_space<semaphore_mem>>
      %dma_start3A = arith.constant 0 : i32
      %dma_start3A_38 = tpu.memref_slice %arg6[%add3A_18, %dma_start3A] : memref<10240x128xf32, #tpu.memory_space<vmem_shared>> -> memref<128x128xf32, #tpu.memory_space<vmem_shared>>
      %dma_start3A_39 = arith.constant 0 : i32
      %dma_start3A_40 = tpu.memref_slice %arg6[%add3A_18, %dma_start3A_39] : memref<10240x128xf32, #tpu.memory_space<vmem_shared>> -> memref<128x128xf32, #tpu.memory_space<vmem_shared>>
      tpu.enqueue_dma source(%arg9 : memref<128x128xf32, #tpu.memory_space<vmem>>) target(%dma_start3A_40 : memref<128x128xf32, #tpu.memory_space<vmem_shared>>) target_semaphore(%run_scoped3A_37 : memref<!tpu.dma_semaphore, #tpu.memory_space<semaphore_mem>>)
      %dma_wait3A = arith.constant 0 : i32
      %dma_wait3A_41 = tpu.memref_slice %arg6[%add3A_18, %dma_wait3A] : memref<10240x128xf32, #tpu.memory_space<vmem_shared>> -> memref<128x128xf32, #tpu.memory_space<vmem_shared>>
      %dma_wait3A_42 = arith.constant 0 : i32
      %dma_wait3A_43 = tpu.memref_slice %arg6[%add3A_18, %dma_wait3A_42] : memref<10240x128xf32, #tpu.memory_space<vmem_shared>> -> memref<128x128xf32, #tpu.memory_space<vmem_shared>>
      tpu.wait_dma2 semaphore(%run_scoped3A_37 : memref<!tpu.dma_semaphore, #tpu.memory_space<semaphore_mem>>) src(%arg9 : memref<128x128xf32, #tpu.memory_space<vmem>>) dst(%dma_wait3A_43 : memref<128x128xf32, #tpu.memory_space<vmem_shared>>)
      tpu.yield
    }) : () -> ()
    %barrier3A = arith.constant 0 : index
    tpu.barrier barrier_id(%barrier3A)
    %run_scoped3A = arith.constant 0 : i32
    "tpu.region"() ({
      %run_scoped3A_37 = tpu.sem_alloc : memref<!tpu.dma_semaphore, #tpu.memory_space<semaphore_mem>>
      %dma_start3A = arith.constant 0 : i32
      %dma_start3A_38 = arith.constant 0 : i32
      %dma_start3A_39 = tpu.memref_slice %arg7[%run_scoped3A, %dma_start3A, %dma_start3A_38] : memref<2x16x128xi32, #tpu.memory_space<vmem>> -> memref<1x16x128xi32, #tpu.memory_space<vmem>>
      %dma_start3A_40 = tpu.memref_squeeze %dma_start3A_39 : memref<1x16x128xi32, #tpu.memory_space<vmem>> -> memref<16x128xi32, #tpu.memory_space<vmem>>
      %dma_start3A_41 = arith.constant 0 : i32
      %dma_start3A_42 = arith.constant 0 : i32
      %dma_start3A_43 = tpu.memref_slice %arg3[%add3A, %dma_start3A_41, %dma_start3A_42] : memref<32x80x128xi32, #tpu.memory_space<hbm>> -> memref<1x16x128xi32, #tpu.memory_space<hbm>>
      %dma_start3A_44 = tpu.memref_squeeze %dma_start3A_43 : memref<1x16x128xi32, #tpu.memory_space<hbm>> -> memref<16x128xi32, #tpu.memory_space<hbm>>
      %dma_start3A_45 = arith.constant 0 : i32
      %dma_start3A_46 = arith.constant 0 : i32
      %dma_start3A_47 = tpu.memref_slice %arg7[%run_scoped3A, %dma_start3A_45, %dma_start3A_46] : memref<2x16x128xi32, #tpu.memory_space<vmem>> -> memref<1x16x128xi32, #tpu.memory_space<vmem>>
      %dma_start3A_48 = tpu.memref_squeeze %dma_start3A_47 : memref<1x16x128xi32, #tpu.memory_space<vmem>> -> memref<16x128xi32, #tpu.memory_space<vmem>>
      %dma_start3A_49 = arith.constant 0 : i32
      %dma_start3A_50 = arith.constant 0 : i32
      %dma_start3A_51 = tpu.memref_slice %arg3[%add3A, %dma_start3A_49, %dma_start3A_50] : memref<32x80x128xi32, #tpu.memory_space<hbm>> -> memref<1x16x128xi32, #tpu.memory_space<hbm>>
      %dma_start3A_52 = tpu.memref_squeeze %dma_start3A_51 : memref<1x16x128xi32, #tpu.memory_space<hbm>> -> memref<16x128xi32, #tpu.memory_space<hbm>>
      tpu.enqueue_dma source(%dma_start3A_52 : memref<16x128xi32, #tpu.memory_space<hbm>>) target(%dma_start3A_48 : memref<16x128xi32, #tpu.memory_space<vmem>>) target_semaphore(%run_scoped3A_37 : memref<!tpu.dma_semaphore, #tpu.memory_space<semaphore_mem>>)
      %dma_wait3A = arith.constant 0 : i32
      %dma_wait3A_53 = arith.constant 0 : i32
      %dma_wait3A_54 = tpu.memref_slice %arg7[%run_scoped3A, %dma_wait3A, %dma_wait3A_53] : memref<2x16x128xi32, #tpu.memory_space<vmem>> -> memref<1x16x128xi32, #tpu.memory_space<vmem>>
      %dma_wait3A_55 = tpu.memref_squeeze %dma_wait3A_54 : memref<1x16x128xi32, #tpu.memory_space<vmem>> -> memref<16x128xi32, #tpu.memory_space<vmem>>
      %dma_wait3A_56 = arith.constant 0 : i32
      %dma_wait3A_57 = arith.constant 0 : i32
      %dma_wait3A_58 = tpu.memref_slice %arg3[%add3A, %dma_wait3A_56, %dma_wait3A_57] : memref<32x80x128xi32, #tpu.memory_space<hbm>> -> memref<1x16x128xi32, #tpu.memory_space<hbm>>
      %dma_wait3A_59 = tpu.memref_squeeze %dma_wait3A_58 : memref<1x16x128xi32, #tpu.memory_space<hbm>> -> memref<16x128xi32, #tpu.memory_space<hbm>>
      %dma_wait3A_60 = arith.constant 0 : i32
      %dma_wait3A_61 = arith.constant 0 : i32
      %dma_wait3A_62 = tpu.memref_slice %arg7[%run_scoped3A, %dma_wait3A_60, %dma_wait3A_61] : memref<2x16x128xi32, #tpu.memory_space<vmem>> -> memref<1x16x128xi32, #tpu.memory_space<vmem>>
      %dma_wait3A_63 = tpu.memref_squeeze %dma_wait3A_62 : memref<1x16x128xi32, #tpu.memory_space<vmem>> -> memref<16x128xi32, #tpu.memory_space<vmem>>
      %dma_wait3A_64 = arith.constant 0 : i32
      %dma_wait3A_65 = arith.constant 0 : i32
      %dma_wait3A_66 = tpu.memref_slice %arg3[%add3A, %dma_wait3A_64, %dma_wait3A_65] : memref<32x80x128xi32, #tpu.memory_space<hbm>> -> memref<1x16x128xi32, #tpu.memory_space<hbm>>
      %dma_wait3A_67 = tpu.memref_squeeze %dma_wait3A_66 : memref<1x16x128xi32, #tpu.memory_space<hbm>> -> memref<16x128xi32, #tpu.memory_space<hbm>>
      tpu.wait_dma2 semaphore(%run_scoped3A_37 : memref<!tpu.dma_semaphore, #tpu.memory_space<semaphore_mem>>) src(%dma_wait3A_67 : memref<16x128xi32, #tpu.memory_space<hbm>>) dst(%dma_wait3A_63 : memref<16x128xi32, #tpu.memory_space<vmem>>)
      tpu.yield
    }) : () -> ()
    %run_scoped3A_19 = arith.constant 0 : i32
    "tpu.region"() ({
      %run_scoped3A_37 = tpu.sem_alloc : memref<!tpu.dma_semaphore, #tpu.memory_space<semaphore_mem>>
      %dma_start3A = arith.constant 0 : i32
      %dma_start3A_38 = arith.constant 0 : i32
      %dma_start3A_39 = tpu.memref_slice %arg8[%run_scoped3A_19, %dma_start3A, %dma_start3A_38] : memref<2x16x128xi32, #tpu.memory_space<vmem>> -> memref<1x16x128xi32, #tpu.memory_space<vmem>>
      %dma_start3A_40 = tpu.memref_squeeze %dma_start3A_39 : memref<1x16x128xi32, #tpu.memory_space<vmem>> -> memref<16x128xi32, #tpu.memory_space<vmem>>
      %dma_start3A_41 = arith.constant 0 : i32
      %dma_start3A_42 = arith.constant 0 : i32
      %dma_start3A_43 = tpu.memref_slice %arg4[%add3A, %dma_start3A_41, %dma_start3A_42] : memref<32x80x128xi32, #tpu.memory_space<hbm>> -> memref<1x16x128xi32, #tpu.memory_space<hbm>>
      %dma_start3A_44 = tpu.memref_squeeze %dma_start3A_43 : memref<1x16x128xi32, #tpu.memory_space<hbm>> -> memref<16x128xi32, #tpu.memory_space<hbm>>
      %dma_start3A_45 = arith.constant 0 : i32
      %dma_start3A_46 = arith.constant 0 : i32
      %dma_start3A_47 = tpu.memref_slice %arg8[%run_scoped3A_19, %dma_start3A_45, %dma_start3A_46] : memref<2x16x128xi32, #tpu.memory_space<vmem>> -> memref<1x16x128xi32, #tpu.memory_space<vmem>>
      %dma_start3A_48 = tpu.memref_squeeze %dma_start3A_47 : memref<1x16x128xi32, #tpu.memory_space<vmem>> -> memref<16x128xi32, #tpu.memory_space<vmem>>
      %dma_start3A_49 = arith.constant 0 : i32
      %dma_start3A_50 = arith.constant 0 : i32
      %dma_start3A_51 = tpu.memref_slice %arg4[%add3A, %dma_start3A_49, %dma_start3A_50] : memref<32x80x128xi32, #tpu.memory_space<hbm>> -> memref<1x16x128xi32, #tpu.memory_space<hbm>>
      %dma_start3A_52 = tpu.memref_squeeze %dma_start3A_51 : memref<1x16x128xi32, #tpu.memory_space<hbm>> -> memref<16x128xi32, #tpu.memory_space<hbm>>
      tpu.enqueue_dma source(%dma_start3A_52 : memref<16x128xi32, #tpu.memory_space<hbm>>) target(%dma_start3A_48 : memref<16x128xi32, #tpu.memory_space<vmem>>) target_semaphore(%run_scoped3A_37 : memref<!tpu.dma_semaphore, #tpu.memory_space<semaphore_mem>>)
      %dma_wait3A = arith.constant 0 : i32
      %dma_wait3A_53 = arith.constant 0 : i32
      %dma_wait3A_54 = tpu.memref_slice %arg8[%run_scoped3A_19, %dma_wait3A, %dma_wait3A_53] : memref<2x16x128xi32, #tpu.memory_space<vmem>> -> memref<1x16x128xi32, #tpu.memory_space<vmem>>
      %dma_wait3A_55 = tpu.memref_squeeze %dma_wait3A_54 : memref<1x16x128xi32, #tpu.memory_space<vmem>> -> memref<16x128xi32, #tpu.memory_space<vmem>>
      %dma_wait3A_56 = arith.constant 0 : i32
      %dma_wait3A_57 = arith.constant 0 : i32
      %dma_wait3A_58 = tpu.memref_slice %arg4[%add3A, %dma_wait3A_56, %dma_wait3A_57] : memref<32x80x128xi32, #tpu.memory_space<hbm>> -> memref<1x16x128xi32, #tpu.memory_space<hbm>>
      %dma_wait3A_59 = tpu.memref_squeeze %dma_wait3A_58 : memref<1x16x128xi32, #tpu.memory_space<hbm>> -> memref<16x128xi32, #tpu.memory_space<hbm>>
      %dma_wait3A_60 = arith.constant 0 : i32
      %dma_wait3A_61 = arith.constant 0 : i32
      %dma_wait3A_62 = tpu.memref_slice %arg8[%run_scoped3A_19, %dma_wait3A_60, %dma_wait3A_61] : memref<2x16x128xi32, #tpu.memory_space<vmem>> -> memref<1x16x128xi32, #tpu.memory_space<vmem>>
      %dma_wait3A_63 = tpu.memref_squeeze %dma_wait3A_62 : memref<1x16x128xi32, #tpu.memory_space<vmem>> -> memref<16x128xi32, #tpu.memory_space<vmem>>
      %dma_wait3A_64 = arith.constant 0 : i32
      %dma_wait3A_65 = arith.constant 0 : i32
      %dma_wait3A_66 = tpu.memref_slice %arg4[%add3A, %dma_wait3A_64, %dma_wait3A_65] : memref<32x80x128xi32, #tpu.memory_space<hbm>> -> memref<1x16x128xi32, #tpu.memory_space<hbm>>
      %dma_wait3A_67 = tpu.memref_squeeze %dma_wait3A_66 : memref<1x16x128xi32, #tpu.memory_space<hbm>> -> memref<16x128xi32, #tpu.memory_space<hbm>>
      tpu.wait_dma2 semaphore(%run_scoped3A_37 : memref<!tpu.dma_semaphore, #tpu.memory_space<semaphore_mem>>) src(%dma_wait3A_67 : memref<16x128xi32, #tpu.memory_space<hbm>>) dst(%dma_wait3A_63 : memref<16x128xi32, #tpu.memory_space<vmem>>)
      tpu.yield
    }) : () -> ()
    %scan3A_20 = arith.constant 0 : i32
    %scan3A_21 = arith.constant 0 : i32
    %scan3A_22 = arith.constant 5 : i32
    %scan3A_23 = arith.addi %scan3A_21, %scan3A_22 : i32
    %scan3A_24 = arith.constant 1 : i32
    scf.for %scan3A_37 = %scan3A_21 to %scan3A_23 step %scan3A_24  : i32 {
      %rem3A = arith.constant 2 : i32
      %rem3A_38 = arith.remsi %scan3A_37, %rem3A : i32
      %add3A_39 = arith.constant 1 : i32
      %add3A_40 = arith.addi %scan3A_37, %add3A_39 : i32
      %min3A = arith.constant 4 : i32
      %min3A_41 = arith.minsi %add3A_40, %min3A : i32
      %mul3A_42 = arith.constant 16 : i32
      %mul3A_43 = arith.muli %min3A_41, %mul3A_42 : i32
      %sub3A = arith.constant 1 : i32
      %sub3A_44 = arith.subi %sub3A, %rem3A_38 : i32
      %dma_start3A = arith.constant 0 : i32
      %dma_start3A_45 = arith.constant 0 : i32
      %dma_start3A_46 = tpu.memref_slice %arg7[%sub3A_44, %dma_start3A, %dma_start3A_45] : memref<2x16x128xi32, #tpu.memory_space<vmem>> -> memref<1x16x128xi32, #tpu.memory_space<vmem>>
      %dma_start3A_47 = tpu.memref_squeeze %dma_start3A_46 : memref<1x16x128xi32, #tpu.memory_space<vmem>> -> memref<16x128xi32, #tpu.memory_space<vmem>>
      %dma_start3A_48 = arith.constant 0 : i32
      %dma_start3A_49 = tpu.memref_slice %arg3[%add3A, %mul3A_43, %dma_start3A_48] : memref<32x80x128xi32, #tpu.memory_space<hbm>> -> memref<1x16x128xi32, #tpu.memory_space<hbm>>
      %dma_start3A_50 = tpu.memref_squeeze %dma_start3A_49 : memref<1x16x128xi32, #tpu.memory_space<hbm>> -> memref<16x128xi32, #tpu.memory_space<hbm>>
      %dma_start3A_51 = arith.constant 0 : i32
      %dma_start3A_52 = arith.constant 0 : i32
      %dma_start3A_53 = tpu.memref_slice %arg7[%sub3A_44, %dma_start3A_51, %dma_start3A_52] : memref<2x16x128xi32, #tpu.memory_space<vmem>> -> memref<1x16x128xi32, #tpu.memory_space<vmem>>
      %dma_start3A_54 = tpu.memref_squeeze %dma_start3A_53 : memref<1x16x128xi32, #tpu.memory_space<vmem>> -> memref<16x128xi32, #tpu.memory_space<vmem>>
      %dma_start3A_55 = arith.constant 0 : i32
      %dma_start3A_56 = tpu.memref_slice %arg3[%add3A, %mul3A_43, %dma_start3A_55] : memref<32x80x128xi32, #tpu.memory_space<hbm>> -> memref<1x16x128xi32, #tpu.memory_space<hbm>>
      %dma_start3A_57 = tpu.memref_squeeze %dma_start3A_56 : memref<1x16x128xi32, #tpu.memory_space<hbm>> -> memref<16x128xi32, #tpu.memory_space<hbm>>
      tpu.enqueue_dma source(%dma_start3A_57 : memref<16x128xi32, #tpu.memory_space<hbm>>) target(%dma_start3A_54 : memref<16x128xi32, #tpu.memory_space<vmem>>) target_semaphore(%arg15 : memref<!tpu.dma_semaphore, #tpu.memory_space<semaphore_mem>>)
      %sub3A_58 = arith.constant 1 : i32
      %sub3A_59 = arith.subi %sub3A_58, %rem3A_38 : i32
      %dma_start3A_60 = arith.constant 0 : i32
      %dma_start3A_61 = arith.constant 0 : i32
      %dma_start3A_62 = tpu.memref_slice %arg8[%sub3A_59, %dma_start3A_60, %dma_start3A_61] : memref<2x16x128xi32, #tpu.memory_space<vmem>> -> memref<1x16x128xi32, #tpu.memory_space<vmem>>
      %dma_start3A_63 = tpu.memref_squeeze %dma_start3A_62 : memref<1x16x128xi32, #tpu.memory_space<vmem>> -> memref<16x128xi32, #tpu.memory_space<vmem>>
      %dma_start3A_64 = arith.constant 0 : i32
      %dma_start3A_65 = tpu.memref_slice %arg4[%add3A, %mul3A_43, %dma_start3A_64] : memref<32x80x128xi32, #tpu.memory_space<hbm>> -> memref<1x16x128xi32, #tpu.memory_space<hbm>>
      %dma_start3A_66 = tpu.memref_squeeze %dma_start3A_65 : memref<1x16x128xi32, #tpu.memory_space<hbm>> -> memref<16x128xi32, #tpu.memory_space<hbm>>
      %dma_start3A_67 = arith.constant 0 : i32
      %dma_start3A_68 = arith.constant 0 : i32
      %dma_start3A_69 = tpu.memref_slice %arg8[%sub3A_59, %dma_start3A_67, %dma_start3A_68] : memref<2x16x128xi32, #tpu.memory_space<vmem>> -> memref<1x16x128xi32, #tpu.memory_space<vmem>>
      %dma_start3A_70 = tpu.memref_squeeze %dma_start3A_69 : memref<1x16x128xi32, #tpu.memory_space<vmem>> -> memref<16x128xi32, #tpu.memory_space<vmem>>
      %dma_start3A_71 = arith.constant 0 : i32
      %dma_start3A_72 = tpu.memref_slice %arg4[%add3A, %mul3A_43, %dma_start3A_71] : memref<32x80x128xi32, #tpu.memory_space<hbm>> -> memref<1x16x128xi32, #tpu.memory_space<hbm>>
      %dma_start3A_73 = tpu.memref_squeeze %dma_start3A_72 : memref<1x16x128xi32, #tpu.memory_space<hbm>> -> memref<16x128xi32, #tpu.memory_space<hbm>>
      tpu.enqueue_dma source(%dma_start3A_73 : memref<16x128xi32, #tpu.memory_space<hbm>>) target(%dma_start3A_70 : memref<16x128xi32, #tpu.memory_space<vmem>>) target_semaphore(%arg15 : memref<!tpu.dma_semaphore, #tpu.memory_space<semaphore_mem>>)
      %dma_start3A_74 = arith.constant 0 : i32
      %dma_start3A_75 = arith.constant 0 : i32
      %dma_start3A_76 = tpu.memref_slice %arg7[%rem3A_38, %dma_start3A_74, %dma_start3A_75] : memref<2x16x128xi32, #tpu.memory_space<vmem>> -> memref<1x1x128xi32, #tpu.memory_space<vmem>>
      %dma_start3A_77 = tpu.memref_squeeze %dma_start3A_76 : memref<1x1x128xi32, #tpu.memory_space<vmem>> -> memref<128xi32, #tpu.memory_space<vmem>>
      %dma_start3A_78 = arith.constant 0 : i32
      %dma_start3A_79 = arith.constant 0 : i32
      %dma_start3A_80 = tpu.memref_slice %arg2[%dma_start3A_78, %dma_start3A_79] : memref<10240x128xf32, #tpu.memory_space<hbm>> -> memref<10240x128xf32, #tpu.memory_space<hbm>>
      tpu.enqueue_indirect_dma source(%dma_start3A_80 : memref<10240x128xf32, #tpu.memory_space<hbm>>) target(%arg9 : memref<128x128xf32, #tpu.memory_space<vmem>>) offsets(%dma_start3A_77 : memref<128xi32, #tpu.memory_space<vmem>>) semaphore(%arg11 : memref<!tpu.dma_semaphore, #tpu.memory_space<semaphore_mem>>)
      %dma_start3A_81 = arith.constant 1 : i32
      %dma_start3A_82 = arith.constant 0 : i32
      %dma_start3A_83 = tpu.memref_slice %arg7[%rem3A_38, %dma_start3A_81, %dma_start3A_82] : memref<2x16x128xi32, #tpu.memory_space<vmem>> -> memref<1x1x128xi32, #tpu.memory_space<vmem>>
      %dma_start3A_84 = tpu.memref_squeeze %dma_start3A_83 : memref<1x1x128xi32, #tpu.memory_space<vmem>> -> memref<128xi32, #tpu.memory_space<vmem>>
      %dma_start3A_85 = arith.constant 0 : i32
      %dma_start3A_86 = arith.constant 0 : i32
      %dma_start3A_87 = tpu.memref_slice %arg2[%dma_start3A_85, %dma_start3A_86] : memref<10240x128xf32, #tpu.memory_space<hbm>> -> memref<10240x128xf32, #tpu.memory_space<hbm>>
      tpu.enqueue_indirect_dma source(%dma_start3A_87 : memref<10240x128xf32, #tpu.memory_space<hbm>>) target(%arg10 : memref<128x128xf32, #tpu.memory_space<vmem>>) offsets(%dma_start3A_84 : memref<128xi32, #tpu.memory_space<vmem>>) semaphore(%arg12 : memref<!tpu.dma_semaphore, #tpu.memory_space<semaphore_mem>>)
      %dma_wait3A = arith.constant 0 : i32
      %dma_wait3A_88 = arith.constant 0 : i32
      %dma_wait3A_89 = tpu.memref_slice %arg7[%rem3A_38, %dma_wait3A, %dma_wait3A_88] : memref<2x16x128xi32, #tpu.memory_space<vmem>> -> memref<1x1x128xi32, #tpu.memory_space<vmem>>
      %dma_wait3A_90 = tpu.memref_squeeze %dma_wait3A_89 : memref<1x1x128xi32, #tpu.memory_space<vmem>> -> memref<128xi32, #tpu.memory_space<vmem>>
      %dma_wait3A_91 = arith.constant 0 : i32
      %dma_wait3A_92 = arith.constant 0 : i32
      %dma_wait3A_93 = tpu.memref_slice %arg2[%dma_wait3A_91, %dma_wait3A_92] : memref<10240x128xf32, #tpu.memory_space<hbm>> -> memref<10240x128xf32, #tpu.memory_space<hbm>>
      tpu.wait_indirect_dma semaphore(%arg11 : memref<!tpu.dma_semaphore, #tpu.memory_space<semaphore_mem>>) src(%dma_wait3A_93 : memref<10240x128xf32, #tpu.memory_space<hbm>>) dst(%arg9 : memref<128x128xf32, #tpu.memory_space<vmem>>)
      %dma_start3A_94 = arith.constant 0 : i32
      %dma_start3A_95 = arith.constant 0 : i32
      %dma_start3A_96 = tpu.memref_slice %arg8[%rem3A_38, %dma_start3A_94, %dma_start3A_95] : memref<2x16x128xi32, #tpu.memory_space<vmem>> -> memref<1x1x128xi32, #tpu.memory_space<vmem>>
      %dma_start3A_97 = tpu.memref_squeeze %dma_start3A_96 : memref<1x1x128xi32, #tpu.memory_space<vmem>> -> memref<128xi32, #tpu.memory_space<vmem>>
      %dma_start3A_98 = arith.constant 0 : i32
      %dma_start3A_99 = arith.constant 0 : i32
      %dma_start3A_100 = tpu.memref_slice %arg6[%dma_start3A_98, %dma_start3A_99] : memref<10240x128xf32, #tpu.memory_space<vmem_shared>> -> memref<10240x128xf32, #tpu.memory_space<vmem_shared>>
      tpu.enqueue_indirect_dma source(%arg9 : memref<128x128xf32, #tpu.memory_space<vmem>>) target(%dma_start3A_100 : memref<10240x128xf32, #tpu.memory_space<vmem_shared>>) offsets(%dma_start3A_97 : memref<128xi32, #tpu.memory_space<vmem>>) semaphore(%arg13 : memref<!tpu.dma_semaphore, #tpu.memory_space<semaphore_mem>>) {add = true}
      %dma_wait3A_101 = arith.constant 0 : i32
      %dma_wait3A_102 = arith.constant 0 : i32
      %dma_wait3A_103 = tpu.memref_slice %arg8[%rem3A_38, %dma_wait3A_101, %dma_wait3A_102] : memref<2x16x128xi32, #tpu.memory_space<vmem>> -> memref<1x1x128xi32, #tpu.memory_space<vmem>>
      %dma_wait3A_104 = tpu.memref_squeeze %dma_wait3A_103 : memref<1x1x128xi32, #tpu.memory_space<vmem>> -> memref<128xi32, #tpu.memory_space<vmem>>
      %dma_wait3A_105 = arith.constant 0 : i32
      %dma_wait3A_106 = arith.constant 0 : i32
      %dma_wait3A_107 = tpu.memref_slice %arg6[%dma_wait3A_105, %dma_wait3A_106] : memref<10240x128xf32, #tpu.memory_space<vmem_shared>> -> memref<10240x128xf32, #tpu.memory_space<vmem_shared>>
      tpu.wait_indirect_dma semaphore(%arg13 : memref<!tpu.dma_semaphore, #tpu.memory_space<semaphore_mem>>) src(%arg9 : memref<128x128xf32, #tpu.memory_space<vmem>>) dst(%dma_wait3A_107 : memref<10240x128xf32, #tpu.memory_space<vmem_shared>>)
      %dma_start3A_108 = arith.constant 2 : i32
      %dma_start3A_109 = arith.constant 0 : i32
      %dma_start3A_110 = tpu.memref_slice %arg7[%rem3A_38, %dma_start3A_108, %dma_start3A_109] : memref<2x16x128xi32, #tpu.memory_space<vmem>> -> memref<1x1x128xi32, #tpu.memory_space<vmem>>
      %dma_start3A_111 = tpu.memref_squeeze %dma_start3A_110 : memref<1x1x128xi32, #tpu.memory_space<vmem>> -> memref<128xi32, #tpu.memory_space<vmem>>
      %dma_start3A_112 = arith.constant 0 : i32
      %dma_start3A_113 = arith.constant 0 : i32
      %dma_start3A_114 = tpu.memref_slice %arg2[%dma_start3A_112, %dma_start3A_113] : memref<10240x128xf32, #tpu.memory_space<hbm>> -> memref<10240x128xf32, #tpu.memory_space<hbm>>
      tpu.enqueue_indirect_dma source(%dma_start3A_114 : memref<10240x128xf32, #tpu.memory_space<hbm>>) target(%arg9 : memref<128x128xf32, #tpu.memory_space<vmem>>) offsets(%dma_start3A_111 : memref<128xi32, #tpu.memory_space<vmem>>) semaphore(%arg11 : memref<!tpu.dma_semaphore, #tpu.memory_space<semaphore_mem>>)
      %dma_wait3A_115 = arith.constant 1 : i32
      %dma_wait3A_116 = arith.constant 0 : i32
      %dma_wait3A_117 = tpu.memref_slice %arg7[%rem3A_38, %dma_wait3A_115, %dma_wait3A_116] : memref<2x16x128xi32, #tpu.memory_space<vmem>> -> memref<1x1x128xi32, #tpu.memory_space<vmem>>
      %dma_wait3A_118 = tpu.memref_squeeze %dma_wait3A_117 : memref<1x1x128xi32, #tpu.memory_space<vmem>> -> memref<128xi32, #tpu.memory_space<vmem>>
      %dma_wait3A_119 = arith.constant 0 : i32
      %dma_wait3A_120 = arith.constant 0 : i32
      %dma_wait3A_121 = tpu.memref_slice %arg2[%dma_wait3A_119, %dma_wait3A_120] : memref<10240x128xf32, #tpu.memory_space<hbm>> -> memref<10240x128xf32, #tpu.memory_space<hbm>>
      tpu.wait_indirect_dma semaphore(%arg12 : memref<!tpu.dma_semaphore, #tpu.memory_space<semaphore_mem>>) src(%dma_wait3A_121 : memref<10240x128xf32, #tpu.memory_space<hbm>>) dst(%arg10 : memref<128x128xf32, #tpu.memory_space<vmem>>)
      %dma_start3A_122 = arith.constant 1 : i32
      %dma_start3A_123 = arith.constant 0 : i32
      %dma_start3A_124 = tpu.memref_slice %arg8[%rem3A_38, %dma_start3A_122, %dma_start3A_123] : memref<2x16x128xi32, #tpu.memory_space<vmem>> -> memref<1x1x128xi32, #tpu.memory_space<vmem>>
      %dma_start3A_125 = tpu.memref_squeeze %dma_start3A_124 : memref<1x1x128xi32, #tpu.memory_space<vmem>> -> memref<128xi32, #tpu.memory_space<vmem>>
      %dma_start3A_126 = arith.constant 0 : i32
      %dma_start3A_127 = arith.constant 0 : i32
      %dma_start3A_128 = tpu.memref_slice %arg6[%dma_start3A_126, %dma_start3A_127] : memref<10240x128xf32, #tpu.memory_space<vmem_shared>> -> memref<10240x128xf32, #tpu.memory_space<vmem_shared>>
      tpu.enqueue_indirect_dma source(%arg10 : memref<128x128xf32, #tpu.memory_space<vmem>>) target(%dma_start3A_128 : memref<10240x128xf32, #tpu.memory_space<vmem_shared>>) offsets(%dma_start3A_125 : memref<128xi32, #tpu.memory_space<vmem>>) semaphore(%arg14 : memref<!tpu.dma_semaphore, #tpu.memory_space<semaphore_mem>>) {add = true}
      %dma_wait3A_129 = arith.constant 1 : i32
      %dma_wait3A_130 = arith.constant 0 : i32
      %dma_wait3A_131 = tpu.memref_slice %arg8[%rem3A_38, %dma_wait3A_129, %dma_wait3A_130] : memref<2x16x128xi32, #tpu.memory_space<vmem>> -> memref<1x1x128xi32, #tpu.memory_space<vmem>>
      %dma_wait3A_132 = tpu.memref_squeeze %dma_wait3A_131 : memref<1x1x128xi32, #tpu.memory_space<vmem>> -> memref<128xi32, #tpu.memory_space<vmem>>
      %dma_wait3A_133 = arith.constant 0 : i32
      %dma_wait3A_134 = arith.constant 0 : i32
      %dma_wait3A_135 = tpu.memref_slice %arg6[%dma_wait3A_133, %dma_wait3A_134] : memref<10240x128xf32, #tpu.memory_space<vmem_shared>> -> memref<10240x128xf32, #tpu.memory_space<vmem_shared>>
      tpu.wait_indirect_dma semaphore(%arg14 : memref<!tpu.dma_semaphore, #tpu.memory_space<semaphore_mem>>) src(%arg10 : memref<128x128xf32, #tpu.memory_space<vmem>>) dst(%dma_wait3A_135 : memref<10240x128xf32, #tpu.memory_space<vmem_shared>>)
      %dma_start3A_136 = arith.constant 3 : i32
      %dma_start3A_137 = arith.constant 0 : i32
      %dma_start3A_138 = tpu.memref_slice %arg7[%rem3A_38, %dma_start3A_136, %dma_start3A_137] : memref<2x16x128xi32, #tpu.memory_space<vmem>> -> memref<1x1x128xi32, #tpu.memory_space<vmem>>
      %dma_start3A_139 = tpu.memref_squeeze %dma_start3A_138 : memref<1x1x128xi32, #tpu.memory_space<vmem>> -> memref<128xi32, #tpu.memory_space<vmem>>
      %dma_start3A_140 = arith.constant 0 : i32
      %dma_start3A_141 = arith.constant 0 : i32
      %dma_start3A_142 = tpu.memref_slice %arg2[%dma_start3A_140, %dma_start3A_141] : memref<10240x128xf32, #tpu.memory_space<hbm>> -> memref<10240x128xf32, #tpu.memory_space<hbm>>
      tpu.enqueue_indirect_dma source(%dma_start3A_142 : memref<10240x128xf32, #tpu.memory_space<hbm>>) target(%arg10 : memref<128x128xf32, #tpu.memory_space<vmem>>) offsets(%dma_start3A_139 : memref<128xi32, #tpu.memory_space<vmem>>) semaphore(%arg12 : memref<!tpu.dma_semaphore, #tpu.memory_space<semaphore_mem>>)
      %dma_wait3A_143 = arith.constant 2 : i32
      %dma_wait3A_144 = arith.constant 0 : i32
      %dma_wait3A_145 = tpu.memref_slice %arg7[%rem3A_38, %dma_wait3A_143, %dma_wait3A_144] : memref<2x16x128xi32, #tpu.memory_space<vmem>> -> memref<1x1x128xi32, #tpu.memory_space<vmem>>
      %dma_wait3A_146 = tpu.memref_squeeze %dma_wait3A_145 : memref<1x1x128xi32, #tpu.memory_space<vmem>> -> memref<128xi32, #tpu.memory_space<vmem>>
      %dma_wait3A_147 = arith.constant 0 : i32
      %dma_wait3A_148 = arith.constant 0 : i32
      %dma_wait3A_149 = tpu.memref_slice %arg2[%dma_wait3A_147, %dma_wait3A_148] : memref<10240x128xf32, #tpu.memory_space<hbm>> -> memref<10240x128xf32, #tpu.memory_space<hbm>>
      tpu.wait_indirect_dma semaphore(%arg11 : memref<!tpu.dma_semaphore, #tpu.memory_space<semaphore_mem>>) src(%dma_wait3A_149 : memref<10240x128xf32, #tpu.memory_space<hbm>>) dst(%arg9 : memref<128x128xf32, #tpu.memory_space<vmem>>)
      %dma_start3A_150 = arith.constant 2 : i32
      %dma_start3A_151 = arith.constant 0 : i32
      %dma_start3A_152 = tpu.memref_slice %arg8[%rem3A_38, %dma_start3A_150, %dma_start3A_151] : memref<2x16x128xi32, #tpu.memory_space<vmem>> -> memref<1x1x128xi32, #tpu.memory_space<vmem>>
      %dma_start3A_153 = tpu.memref_squeeze %dma_start3A_152 : memref<1x1x128xi32, #tpu.memory_space<vmem>> -> memref<128xi32, #tpu.memory_space<vmem>>
      %dma_start3A_154 = arith.constant 0 : i32
      %dma_start3A_155 = arith.constant 0 : i32
      %dma_start3A_156 = tpu.memref_slice %arg6[%dma_start3A_154, %dma_start3A_155] : memref<10240x128xf32, #tpu.memory_space<vmem_shared>> -> memref<10240x128xf32, #tpu.memory_space<vmem_shared>>
      tpu.enqueue_indirect_dma source(%arg9 : memref<128x128xf32, #tpu.memory_space<vmem>>) target(%dma_start3A_156 : memref<10240x128xf32, #tpu.memory_space<vmem_shared>>) offsets(%dma_start3A_153 : memref<128xi32, #tpu.memory_space<vmem>>) semaphore(%arg13 : memref<!tpu.dma_semaphore, #tpu.memory_space<semaphore_mem>>) {add = true}
      %dma_wait3A_157 = arith.constant 2 : i32
      %dma_wait3A_158 = arith.constant 0 : i32
      %dma_wait3A_159 = tpu.memref_slice %arg8[%rem3A_38, %dma_wait3A_157, %dma_wait3A_158] : memref<2x16x128xi32, #tpu.memory_space<vmem>> -> memref<1x1x128xi32, #tpu.memory_space<vmem>>
      %dma_wait3A_160 = tpu.memref_squeeze %dma_wait3A_159 : memref<1x1x128xi32, #tpu.memory_space<vmem>> -> memref<128xi32, #tpu.memory_space<vmem>>
      %dma_wait3A_161 = arith.constant 0 : i32
      %dma_wait3A_162 = arith.constant 0 : i32
      %dma_wait3A_163 = tpu.memref_slice %arg6[%dma_wait3A_161, %dma_wait3A_162] : memref<10240x128xf32, #tpu.memory_space<vmem_shared>> -> memref<10240x128xf32, #tpu.memory_space<vmem_shared>>
      tpu.wait_indirect_dma semaphore(%arg13 : memref<!tpu.dma_semaphore, #tpu.memory_space<semaphore_mem>>) src(%arg9 : memref<128x128xf32, #tpu.memory_space<vmem>>) dst(%dma_wait3A_163 : memref<10240x128xf32, #tpu.memory_space<vmem_shared>>)
      %dma_start3A_164 = arith.constant 4 : i32
      %dma_start3A_165 = arith.constant 0 : i32
      %dma_start3A_166 = tpu.memref_slice %arg7[%rem3A_38, %dma_start3A_164, %dma_start3A_165] : memref<2x16x128xi32, #tpu.memory_space<vmem>> -> memref<1x1x128xi32, #tpu.memory_space<vmem>>
      %dma_start3A_167 = tpu.memref_squeeze %dma_start3A_166 : memref<1x1x128xi32, #tpu.memory_space<vmem>> -> memref<128xi32, #tpu.memory_space<vmem>>
      %dma_start3A_168 = arith.constant 0 : i32
      %dma_start3A_169 = arith.constant 0 : i32
      %dma_start3A_170 = tpu.memref_slice %arg2[%dma_start3A_168, %dma_start3A_169] : memref<10240x128xf32, #tpu.memory_space<hbm>> -> memref<10240x128xf32, #tpu.memory_space<hbm>>
      tpu.enqueue_indirect_dma source(%dma_start3A_170 : memref<10240x128xf32, #tpu.memory_space<hbm>>) target(%arg9 : memref<128x128xf32, #tpu.memory_space<vmem>>) offsets(%dma_start3A_167 : memref<128xi32, #tpu.memory_space<vmem>>) semaphore(%arg11 : memref<!tpu.dma_semaphore, #tpu.memory_space<semaphore_mem>>)
      %dma_wait3A_171 = arith.constant 3 : i32
      %dma_wait3A_172 = arith.constant 0 : i32
      %dma_wait3A_173 = tpu.memref_slice %arg7[%rem3A_38, %dma_wait3A_171, %dma_wait3A_172] : memref<2x16x128xi32, #tpu.memory_space<vmem>> -> memref<1x1x128xi32, #tpu.memory_space<vmem>>
      %dma_wait3A_174 = tpu.memref_squeeze %dma_wait3A_173 : memref<1x1x128xi32, #tpu.memory_space<vmem>> -> memref<128xi32, #tpu.memory_space<vmem>>
      %dma_wait3A_175 = arith.constant 0 : i32
      %dma_wait3A_176 = arith.constant 0 : i32
      %dma_wait3A_177 = tpu.memref_slice %arg2[%dma_wait3A_175, %dma_wait3A_176] : memref<10240x128xf32, #tpu.memory_space<hbm>> -> memref<10240x128xf32, #tpu.memory_space<hbm>>
      tpu.wait_indirect_dma semaphore(%arg12 : memref<!tpu.dma_semaphore, #tpu.memory_space<semaphore_mem>>) src(%dma_wait3A_177 : memref<10240x128xf32, #tpu.memory_space<hbm>>) dst(%arg10 : memref<128x128xf32, #tpu.memory_space<vmem>>)
      %dma_start3A_178 = arith.constant 3 : i32
      %dma_start3A_179 = arith.constant 0 : i32
      %dma_start3A_180 = tpu.memref_slice %arg8[%rem3A_38, %dma_start3A_178, %dma_start3A_179] : memref<2x16x128xi32, #tpu.memory_space<vmem>> -> memref<1x1x128xi32, #tpu.memory_space<vmem>>
      %dma_start3A_181 = tpu.memref_squeeze %dma_start3A_180 : memref<1x1x128xi32, #tpu.memory_space<vmem>> -> memref<128xi32, #tpu.memory_space<vmem>>
      %dma_start3A_182 = arith.constant 0 : i32
      %dma_start3A_183 = arith.constant 0 : i32
      %dma_start3A_184 = tpu.memref_slice %arg6[%dma_start3A_182, %dma_start3A_183] : memref<10240x128xf32, #tpu.memory_space<vmem_shared>> -> memref<10240x128xf32, #tpu.memory_space<vmem_shared>>
      tpu.enqueue_indirect_dma source(%arg10 : memref<128x128xf32, #tpu.memory_space<vmem>>) target(%dma_start3A_184 : memref<10240x128xf32, #tpu.memory_space<vmem_shared>>) offsets(%dma_start3A_181 : memref<128xi32, #tpu.memory_space<vmem>>) semaphore(%arg14 : memref<!tpu.dma_semaphore, #tpu.memory_space<semaphore_mem>>) {add = true}
      %dma_wait3A_185 = arith.constant 3 : i32
      %dma_wait3A_186 = arith.constant 0 : i32
      %dma_wait3A_187 = tpu.memref_slice %arg8[%rem3A_38, %dma_wait3A_185, %dma_wait3A_186] : memref<2x16x128xi32, #tpu.memory_space<vmem>> -> memref<1x1x128xi32, #tpu.memory_space<vmem>>
      %dma_wait3A_188 = tpu.memref_squeeze %dma_wait3A_187 : memref<1x1x128xi32, #tpu.memory_space<vmem>> -> memref<128xi32, #tpu.memory_space<vmem>>
      %dma_wait3A_189 = arith.constant 0 : i32
      %dma_wait3A_190 = arith.constant 0 : i32
      %dma_wait3A_191 = tpu.memref_slice %arg6[%dma_wait3A_189, %dma_wait3A_190] : memref<10240x128xf32, #tpu.memory_space<vmem_shared>> -> memref<10240x128xf32, #tpu.memory_space<vmem_shared>>
      tpu.wait_indirect_dma semaphore(%arg14 : memref<!tpu.dma_semaphore, #tpu.memory_space<semaphore_mem>>) src(%arg10 : memref<128x128xf32, #tpu.memory_space<vmem>>) dst(%dma_wait3A_191 : memref<10240x128xf32, #tpu.memory_space<vmem_shared>>)
      %dma_start3A_192 = arith.constant 5 : i32
      %dma_start3A_193 = arith.constant 0 : i32
      %dma_start3A_194 = tpu.memref_slice %arg7[%rem3A_38, %dma_start3A_192, %dma_start3A_193] : memref<2x16x128xi32, #tpu.memory_space<vmem>> -> memref<1x1x128xi32, #tpu.memory_space<vmem>>
      %dma_start3A_195 = tpu.memref_squeeze %dma_start3A_194 : memref<1x1x128xi32, #tpu.memory_space<vmem>> -> memref<128xi32, #tpu.memory_space<vmem>>
      %dma_start3A_196 = arith.constant 0 : i32
      %dma_start3A_197 = arith.constant 0 : i32
      %dma_start3A_198 = tpu.memref_slice %arg2[%dma_start3A_196, %dma_start3A_197] : memref<10240x128xf32, #tpu.memory_space<hbm>> -> memref<10240x128xf32, #tpu.memory_space<hbm>>
      tpu.enqueue_indirect_dma source(%dma_start3A_198 : memref<10240x128xf32, #tpu.memory_space<hbm>>) target(%arg10 : memref<128x128xf32, #tpu.memory_space<vmem>>) offsets(%dma_start3A_195 : memref<128xi32, #tpu.memory_space<vmem>>) semaphore(%arg12 : memref<!tpu.dma_semaphore, #tpu.memory_space<semaphore_mem>>)
      %dma_wait3A_199 = arith.constant 4 : i32
      %dma_wait3A_200 = arith.constant 0 : i32
      %dma_wait3A_201 = tpu.memref_slice %arg7[%rem3A_38, %dma_wait3A_199, %dma_wait3A_200] : memref<2x16x128xi32, #tpu.memory_space<vmem>> -> memref<1x1x128xi32, #tpu.memory_space<vmem>>
      %dma_wait3A_202 = tpu.memref_squeeze %dma_wait3A_201 : memref<1x1x128xi32, #tpu.memory_space<vmem>> -> memref<128xi32, #tpu.memory_space<vmem>>
      %dma_wait3A_203 = arith.constant 0 : i32
      %dma_wait3A_204 = arith.constant 0 : i32
      %dma_wait3A_205 = tpu.memref_slice %arg2[%dma_wait3A_203, %dma_wait3A_204] : memref<10240x128xf32, #tpu.memory_space<hbm>> -> memref<10240x128xf32, #tpu.memory_space<hbm>>
      tpu.wait_indirect_dma semaphore(%arg11 : memref<!tpu.dma_semaphore, #tpu.memory_space<semaphore_mem>>) src(%dma_wait3A_205 : memref<10240x128xf32, #tpu.memory_space<hbm>>) dst(%arg9 : memref<128x128xf32, #tpu.memory_space<vmem>>)
      %dma_start3A_206 = arith.constant 4 : i32
      %dma_start3A_207 = arith.constant 0 : i32
      %dma_start3A_208 = tpu.memref_slice %arg8[%rem3A_38, %dma_start3A_206, %dma_start3A_207] : memref<2x16x128xi32, #tpu.memory_space<vmem>> -> memref<1x1x128xi32, #tpu.memory_space<vmem>>
      %dma_start3A_209 = tpu.memref_squeeze %dma_start3A_208 : memref<1x1x128xi32, #tpu.memory_space<vmem>> -> memref<128xi32, #tpu.memory_space<vmem>>
      %dma_start3A_210 = arith.constant 0 : i32
      %dma_start3A_211 = arith.constant 0 : i32
      %dma_start3A_212 = tpu.memref_slice %arg6[%dma_start3A_210, %dma_start3A_211] : memref<10240x128xf32, #tpu.memory_space<vmem_shared>> -> memref<10240x128xf32, #tpu.memory_space<vmem_shared>>
      tpu.enqueue_indirect_dma source(%arg9 : memref<128x128xf32, #tpu.memory_space<vmem>>) target(%dma_start3A_212 : memref<10240x128xf32, #tpu.memory_space<vmem_shared>>) offsets(%dma_start3A_209 : memref<128xi32, #tpu.memory_space<vmem>>) semaphore(%arg13 : memref<!tpu.dma_semaphore, #tpu.memory_space<semaphore_mem>>) {add = true}
      %dma_wait3A_213 = arith.constant 4 : i32
      %dma_wait3A_214 = arith.constant 0 : i32
      %dma_wait3A_215 = tpu.memref_slice %arg8[%rem3A_38, %dma_wait3A_213, %dma_wait3A_214] : memref<2x16x128xi32, #tpu.memory_space<vmem>> -> memref<1x1x128xi32, #tpu.memory_space<vmem>>
      %dma_wait3A_216 = tpu.memref_squeeze %dma_wait3A_215 : memref<1x1x128xi32, #tpu.memory_space<vmem>> -> memref<128xi32, #tpu.memory_space<vmem>>
      %dma_wait3A_217 = arith.constant 0 : i32
      %dma_wait3A_218 = arith.constant 0 : i32
      %dma_wait3A_219 = tpu.memref_slice %arg6[%dma_wait3A_217, %dma_wait3A_218] : memref<10240x128xf32, #tpu.memory_space<vmem_shared>> -> memref<10240x128xf32, #tpu.memory_space<vmem_shared>>
      tpu.wait_indirect_dma semaphore(%arg13 : memref<!tpu.dma_semaphore, #tpu.memory_space<semaphore_mem>>) src(%arg9 : memref<128x128xf32, #tpu.memory_space<vmem>>) dst(%dma_wait3A_219 : memref<10240x128xf32, #tpu.memory_space<vmem_shared>>)
      %dma_start3A_220 = arith.constant 6 : i32
      %dma_start3A_221 = arith.constant 0 : i32
      %dma_start3A_222 = tpu.memref_slice %arg7[%rem3A_38, %dma_start3A_220, %dma_start3A_221] : memref<2x16x128xi32, #tpu.memory_space<vmem>> -> memref<1x1x128xi32, #tpu.memory_space<vmem>>
      %dma_start3A_223 = tpu.memref_squeeze %dma_start3A_222 : memref<1x1x128xi32, #tpu.memory_space<vmem>> -> memref<128xi32, #tpu.memory_space<vmem>>
      %dma_start3A_224 = arith.constant 0 : i32
      %dma_start3A_225 = arith.constant 0 : i32
      %dma_start3A_226 = tpu.memref_slice %arg2[%dma_start3A_224, %dma_start3A_225] : memref<10240x128xf32, #tpu.memory_space<hbm>> -> memref<10240x128xf32, #tpu.memory_space<hbm>>
      tpu.enqueue_indirect_dma source(%dma_start3A_226 : memref<10240x128xf32, #tpu.memory_space<hbm>>) target(%arg9 : memref<128x128xf32, #tpu.memory_space<vmem>>) offsets(%dma_start3A_223 : memref<128xi32, #tpu.memory_space<vmem>>) semaphore(%arg11 : memref<!tpu.dma_semaphore, #tpu.memory_space<semaphore_mem>>)
      %dma_wait3A_227 = arith.constant 5 : i32
      %dma_wait3A_228 = arith.constant 0 : i32
      %dma_wait3A_229 = tpu.memref_slice %arg7[%rem3A_38, %dma_wait3A_227, %dma_wait3A_228] : memref<2x16x128xi32, #tpu.memory_space<vmem>> -> memref<1x1x128xi32, #tpu.memory_space<vmem>>
      %dma_wait3A_230 = tpu.memref_squeeze %dma_wait3A_229 : memref<1x1x128xi32, #tpu.memory_space<vmem>> -> memref<128xi32, #tpu.memory_space<vmem>>
      %dma_wait3A_231 = arith.constant 0 : i32
      %dma_wait3A_232 = arith.constant 0 : i32
      %dma_wait3A_233 = tpu.memref_slice %arg2[%dma_wait3A_231, %dma_wait3A_232] : memref<10240x128xf32, #tpu.memory_space<hbm>> -> memref<10240x128xf32, #tpu.memory_space<hbm>>
      tpu.wait_indirect_dma semaphore(%arg12 : memref<!tpu.dma_semaphore, #tpu.memory_space<semaphore_mem>>) src(%dma_wait3A_233 : memref<10240x128xf32, #tpu.memory_space<hbm>>) dst(%arg10 : memref<128x128xf32, #tpu.memory_space<vmem>>)
      %dma_start3A_234 = arith.constant 5 : i32
      %dma_start3A_235 = arith.constant 0 : i32
      %dma_start3A_236 = tpu.memref_slice %arg8[%rem3A_38, %dma_start3A_234, %dma_start3A_235] : memref<2x16x128xi32, #tpu.memory_space<vmem>> -> memref<1x1x128xi32, #tpu.memory_space<vmem>>
      %dma_start3A_237 = tpu.memref_squeeze %dma_start3A_236 : memref<1x1x128xi32, #tpu.memory_space<vmem>> -> memref<128xi32, #tpu.memory_space<vmem>>
      %dma_start3A_238 = arith.constant 0 : i32
      %dma_start3A_239 = arith.constant 0 : i32
      %dma_start3A_240 = tpu.memref_slice %arg6[%dma_start3A_238, %dma_start3A_239] : memref<10240x128xf32, #tpu.memory_space<vmem_shared>> -> memref<10240x128xf32, #tpu.memory_space<vmem_shared>>
      tpu.enqueue_indirect_dma source(%arg10 : memref<128x128xf32, #tpu.memory_space<vmem>>) target(%dma_start3A_240 : memref<10240x128xf32, #tpu.memory_space<vmem_shared>>) offsets(%dma_start3A_237 : memref<128xi32, #tpu.memory_space<vmem>>) semaphore(%arg14 : memref<!tpu.dma_semaphore, #tpu.memory_space<semaphore_mem>>) {add = true}
      %dma_wait3A_241 = arith.constant 5 : i32
      %dma_wait3A_242 = arith.constant 0 : i32
      %dma_wait3A_243 = tpu.memref_slice %arg8[%rem3A_38, %dma_wait3A_241, %dma_wait3A_242] : memref<2x16x128xi32, #tpu.memory_space<vmem>> -> memref<1x1x128xi32, #tpu.memory_space<vmem>>
      %dma_wait3A_244 = tpu.memref_squeeze %dma_wait3A_243 : memref<1x1x128xi32, #tpu.memory_space<vmem>> -> memref<128xi32, #tpu.memory_space<vmem>>
      %dma_wait3A_245 = arith.constant 0 : i32
      %dma_wait3A_246 = arith.constant 0 : i32
      %dma_wait3A_247 = tpu.memref_slice %arg6[%dma_wait3A_245, %dma_wait3A_246] : memref<10240x128xf32, #tpu.memory_space<vmem_shared>> -> memref<10240x128xf32, #tpu.memory_space<vmem_shared>>
      tpu.wait_indirect_dma semaphore(%arg14 : memref<!tpu.dma_semaphore, #tpu.memory_space<semaphore_mem>>) src(%arg10 : memref<128x128xf32, #tpu.memory_space<vmem>>) dst(%dma_wait3A_247 : memref<10240x128xf32, #tpu.memory_space<vmem_shared>>)
      %dma_start3A_248 = arith.constant 7 : i32
      %dma_start3A_249 = arith.constant 0 : i32
      %dma_start3A_250 = tpu.memref_slice %arg7[%rem3A_38, %dma_start3A_248, %dma_start3A_249] : memref<2x16x128xi32, #tpu.memory_space<vmem>> -> memref<1x1x128xi32, #tpu.memory_space<vmem>>
      %dma_start3A_251 = tpu.memref_squeeze %dma_start3A_250 : memref<1x1x128xi32, #tpu.memory_space<vmem>> -> memref<128xi32, #tpu.memory_space<vmem>>
      %dma_start3A_252 = arith.constant 0 : i32
      %dma_start3A_253 = arith.constant 0 : i32
      %dma_start3A_254 = tpu.memref_slice %arg2[%dma_start3A_252, %dma_start3A_253] : memref<10240x128xf32, #tpu.memory_space<hbm>> -> memref<10240x128xf32, #tpu.memory_space<hbm>>
      tpu.enqueue_indirect_dma source(%dma_start3A_254 : memref<10240x128xf32, #tpu.memory_space<hbm>>) target(%arg10 : memref<128x128xf32, #tpu.memory_space<vmem>>) offsets(%dma_start3A_251 : memref<128xi32, #tpu.memory_space<vmem>>) semaphore(%arg12 : memref<!tpu.dma_semaphore, #tpu.memory_space<semaphore_mem>>)
      %dma_wait3A_255 = arith.constant 6 : i32
      %dma_wait3A_256 = arith.constant 0 : i32
      %dma_wait3A_257 = tpu.memref_slice %arg7[%rem3A_38, %dma_wait3A_255, %dma_wait3A_256] : memref<2x16x128xi32, #tpu.memory_space<vmem>> -> memref<1x1x128xi32, #tpu.memory_space<vmem>>
      %dma_wait3A_258 = tpu.memref_squeeze %dma_wait3A_257 : memref<1x1x128xi32, #tpu.memory_space<vmem>> -> memref<128xi32, #tpu.memory_space<vmem>>
      %dma_wait3A_259 = arith.constant 0 : i32
      %dma_wait3A_260 = arith.constant 0 : i32
      %dma_wait3A_261 = tpu.memref_slice %arg2[%dma_wait3A_259, %dma_wait3A_260] : memref<10240x128xf32, #tpu.memory_space<hbm>> -> memref<10240x128xf32, #tpu.memory_space<hbm>>
      tpu.wait_indirect_dma semaphore(%arg11 : memref<!tpu.dma_semaphore, #tpu.memory_space<semaphore_mem>>) src(%dma_wait3A_261 : memref<10240x128xf32, #tpu.memory_space<hbm>>) dst(%arg9 : memref<128x128xf32, #tpu.memory_space<vmem>>)
      %dma_start3A_262 = arith.constant 6 : i32
      %dma_start3A_263 = arith.constant 0 : i32
      %dma_start3A_264 = tpu.memref_slice %arg8[%rem3A_38, %dma_start3A_262, %dma_start3A_263] : memref<2x16x128xi32, #tpu.memory_space<vmem>> -> memref<1x1x128xi32, #tpu.memory_space<vmem>>
      %dma_start3A_265 = tpu.memref_squeeze %dma_start3A_264 : memref<1x1x128xi32, #tpu.memory_space<vmem>> -> memref<128xi32, #tpu.memory_space<vmem>>
      %dma_start3A_266 = arith.constant 0 : i32
      %dma_start3A_267 = arith.constant 0 : i32
      %dma_start3A_268 = tpu.memref_slice %arg6[%dma_start3A_266, %dma_start3A_267] : memref<10240x128xf32, #tpu.memory_space<vmem_shared>> -> memref<10240x128xf32, #tpu.memory_space<vmem_shared>>
      tpu.enqueue_indirect_dma source(%arg9 : memref<128x128xf32, #tpu.memory_space<vmem>>) target(%dma_start3A_268 : memref<10240x128xf32, #tpu.memory_space<vmem_shared>>) offsets(%dma_start3A_265 : memref<128xi32, #tpu.memory_space<vmem>>) semaphore(%arg13 : memref<!tpu.dma_semaphore, #tpu.memory_space<semaphore_mem>>) {add = true}
      %dma_wait3A_269 = arith.constant 6 : i32
      %dma_wait3A_270 = arith.constant 0 : i32
      %dma_wait3A_271 = tpu.memref_slice %arg8[%rem3A_38, %dma_wait3A_269, %dma_wait3A_270] : memref<2x16x128xi32, #tpu.memory_space<vmem>> -> memref<1x1x128xi32, #tpu.memory_space<vmem>>
      %dma_wait3A_272 = tpu.memref_squeeze %dma_wait3A_271 : memref<1x1x128xi32, #tpu.memory_space<vmem>> -> memref<128xi32, #tpu.memory_space<vmem>>
      %dma_wait3A_273 = arith.constant 0 : i32
      %dma_wait3A_274 = arith.constant 0 : i32
      %dma_wait3A_275 = tpu.memref_slice %arg6[%dma_wait3A_273, %dma_wait3A_274] : memref<10240x128xf32, #tpu.memory_space<vmem_shared>> -> memref<10240x128xf32, #tpu.memory_space<vmem_shared>>
      tpu.wait_indirect_dma semaphore(%arg13 : memref<!tpu.dma_semaphore, #tpu.memory_space<semaphore_mem>>) src(%arg9 : memref<128x128xf32, #tpu.memory_space<vmem>>) dst(%dma_wait3A_275 : memref<10240x128xf32, #tpu.memory_space<vmem_shared>>)
      %dma_start3A_276 = arith.constant 8 : i32
      %dma_start3A_277 = arith.constant 0 : i32
      %dma_start3A_278 = tpu.memref_slice %arg7[%rem3A_38, %dma_start3A_276, %dma_start3A_277] : memref<2x16x128xi32, #tpu.memory_space<vmem>> -> memref<1x1x128xi32, #tpu.memory_space<vmem>>
      %dma_start3A_279 = tpu.memref_squeeze %dma_start3A_278 : memref<1x1x128xi32, #tpu.memory_space<vmem>> -> memref<128xi32, #tpu.memory_space<vmem>>
      %dma_start3A_280 = arith.constant 0 : i32
      %dma_start3A_281 = arith.constant 0 : i32
      %dma_start3A_282 = tpu.memref_slice %arg2[%dma_start3A_280, %dma_start3A_281] : memref<10240x128xf32, #tpu.memory_space<hbm>> -> memref<10240x128xf32, #tpu.memory_space<hbm>>
      tpu.enqueue_indirect_dma source(%dma_start3A_282 : memref<10240x128xf32, #tpu.memory_space<hbm>>) target(%arg9 : memref<128x128xf32, #tpu.memory_space<vmem>>) offsets(%dma_start3A_279 : memref<128xi32, #tpu.memory_space<vmem>>) semaphore(%arg11 : memref<!tpu.dma_semaphore, #tpu.memory_space<semaphore_mem>>)
      %dma_wait3A_283 = arith.constant 7 : i32
      %dma_wait3A_284 = arith.constant 0 : i32
      %dma_wait3A_285 = tpu.memref_slice %arg7[%rem3A_38, %dma_wait3A_283, %dma_wait3A_284] : memref<2x16x128xi32, #tpu.memory_space<vmem>> -> memref<1x1x128xi32, #tpu.memory_space<vmem>>
      %dma_wait3A_286 = tpu.memref_squeeze %dma_wait3A_285 : memref<1x1x128xi32, #tpu.memory_space<vmem>> -> memref<128xi32, #tpu.memory_space<vmem>>
      %dma_wait3A_287 = arith.constant 0 : i32
      %dma_wait3A_288 = arith.constant 0 : i32
      %dma_wait3A_289 = tpu.memref_slice %arg2[%dma_wait3A_287, %dma_wait3A_288] : memref<10240x128xf32, #tpu.memory_space<hbm>> -> memref<10240x128xf32, #tpu.memory_space<hbm>>
      tpu.wait_indirect_dma semaphore(%arg12 : memref<!tpu.dma_semaphore, #tpu.memory_space<semaphore_mem>>) src(%dma_wait3A_289 : memref<10240x128xf32, #tpu.memory_space<hbm>>) dst(%arg10 : memref<128x128xf32, #tpu.memory_space<vmem>>)
      %dma_start3A_290 = arith.constant 7 : i32
      %dma_start3A_291 = arith.constant 0 : i32
      %dma_start3A_292 = tpu.memref_slice %arg8[%rem3A_38, %dma_start3A_290, %dma_start3A_291] : memref<2x16x128xi32, #tpu.memory_space<vmem>> -> memref<1x1x128xi32, #tpu.memory_space<vmem>>
      %dma_start3A_293 = tpu.memref_squeeze %dma_start3A_292 : memref<1x1x128xi32, #tpu.memory_space<vmem>> -> memref<128xi32, #tpu.memory_space<vmem>>
      %dma_start3A_294 = arith.constant 0 : i32
      %dma_start3A_295 = arith.constant 0 : i32
      %dma_start3A_296 = tpu.memref_slice %arg6[%dma_start3A_294, %dma_start3A_295] : memref<10240x128xf32, #tpu.memory_space<vmem_shared>> -> memref<10240x128xf32, #tpu.memory_space<vmem_shared>>
      tpu.enqueue_indirect_dma source(%arg10 : memref<128x128xf32, #tpu.memory_space<vmem>>) target(%dma_start3A_296 : memref<10240x128xf32, #tpu.memory_space<vmem_shared>>) offsets(%dma_start3A_293 : memref<128xi32, #tpu.memory_space<vmem>>) semaphore(%arg14 : memref<!tpu.dma_semaphore, #tpu.memory_space<semaphore_mem>>) {add = true}
      %dma_wait3A_297 = arith.constant 7 : i32
      %dma_wait3A_298 = arith.constant 0 : i32
      %dma_wait3A_299 = tpu.memref_slice %arg8[%rem3A_38, %dma_wait3A_297, %dma_wait3A_298] : memref<2x16x128xi32, #tpu.memory_space<vmem>> -> memref<1x1x128xi32, #tpu.memory_space<vmem>>
      %dma_wait3A_300 = tpu.memref_squeeze %dma_wait3A_299 : memref<1x1x128xi32, #tpu.memory_space<vmem>> -> memref<128xi32, #tpu.memory_space<vmem>>
      %dma_wait3A_301 = arith.constant 0 : i32
      %dma_wait3A_302 = arith.constant 0 : i32
      %dma_wait3A_303 = tpu.memref_slice %arg6[%dma_wait3A_301, %dma_wait3A_302] : memref<10240x128xf32, #tpu.memory_space<vmem_shared>> -> memref<10240x128xf32, #tpu.memory_space<vmem_shared>>
      tpu.wait_indirect_dma semaphore(%arg14 : memref<!tpu.dma_semaphore, #tpu.memory_space<semaphore_mem>>) src(%arg10 : memref<128x128xf32, #tpu.memory_space<vmem>>) dst(%dma_wait3A_303 : memref<10240x128xf32, #tpu.memory_space<vmem_shared>>)
      %dma_start3A_304 = arith.constant 9 : i32
      %dma_start3A_305 = arith.constant 0 : i32
      %dma_start3A_306 = tpu.memref_slice %arg7[%rem3A_38, %dma_start3A_304, %dma_start3A_305] : memref<2x16x128xi32, #tpu.memory_space<vmem>> -> memref<1x1x128xi32, #tpu.memory_space<vmem>>
      %dma_start3A_307 = tpu.memref_squeeze %dma_start3A_306 : memref<1x1x128xi32, #tpu.memory_space<vmem>> -> memref<128xi32, #tpu.memory_space<vmem>>
      %dma_start3A_308 = arith.constant 0 : i32
      %dma_start3A_309 = arith.constant 0 : i32
      %dma_start3A_310 = tpu.memref_slice %arg2[%dma_start3A_308, %dma_start3A_309] : memref<10240x128xf32, #tpu.memory_space<hbm>> -> memref<10240x128xf32, #tpu.memory_space<hbm>>
      tpu.enqueue_indirect_dma source(%dma_start3A_310 : memref<10240x128xf32, #tpu.memory_space<hbm>>) target(%arg10 : memref<128x128xf32, #tpu.memory_space<vmem>>) offsets(%dma_start3A_307 : memref<128xi32, #tpu.memory_space<vmem>>) semaphore(%arg12 : memref<!tpu.dma_semaphore, #tpu.memory_space<semaphore_mem>>)
      %dma_wait3A_311 = arith.constant 8 : i32
      %dma_wait3A_312 = arith.constant 0 : i32
      %dma_wait3A_313 = tpu.memref_slice %arg7[%rem3A_38, %dma_wait3A_311, %dma_wait3A_312] : memref<2x16x128xi32, #tpu.memory_space<vmem>> -> memref<1x1x128xi32, #tpu.memory_space<vmem>>
      %dma_wait3A_314 = tpu.memref_squeeze %dma_wait3A_313 : memref<1x1x128xi32, #tpu.memory_space<vmem>> -> memref<128xi32, #tpu.memory_space<vmem>>
      %dma_wait3A_315 = arith.constant 0 : i32
      %dma_wait3A_316 = arith.constant 0 : i32
      %dma_wait3A_317 = tpu.memref_slice %arg2[%dma_wait3A_315, %dma_wait3A_316] : memref<10240x128xf32, #tpu.memory_space<hbm>> -> memref<10240x128xf32, #tpu.memory_space<hbm>>
      tpu.wait_indirect_dma semaphore(%arg11 : memref<!tpu.dma_semaphore, #tpu.memory_space<semaphore_mem>>) src(%dma_wait3A_317 : memref<10240x128xf32, #tpu.memory_space<hbm>>) dst(%arg9 : memref<128x128xf32, #tpu.memory_space<vmem>>)
      %dma_start3A_318 = arith.constant 8 : i32
      %dma_start3A_319 = arith.constant 0 : i32
      %dma_start3A_320 = tpu.memref_slice %arg8[%rem3A_38, %dma_start3A_318, %dma_start3A_319] : memref<2x16x128xi32, #tpu.memory_space<vmem>> -> memref<1x1x128xi32, #tpu.memory_space<vmem>>
      %dma_start3A_321 = tpu.memref_squeeze %dma_start3A_320 : memref<1x1x128xi32, #tpu.memory_space<vmem>> -> memref<128xi32, #tpu.memory_space<vmem>>
      %dma_start3A_322 = arith.constant 0 : i32
      %dma_start3A_323 = arith.constant 0 : i32
      %dma_start3A_324 = tpu.memref_slice %arg6[%dma_start3A_322, %dma_start3A_323] : memref<10240x128xf32, #tpu.memory_space<vmem_shared>> -> memref<10240x128xf32, #tpu.memory_space<vmem_shared>>
      tpu.enqueue_indirect_dma source(%arg9 : memref<128x128xf32, #tpu.memory_space<vmem>>) target(%dma_start3A_324 : memref<10240x128xf32, #tpu.memory_space<vmem_shared>>) offsets(%dma_start3A_321 : memref<128xi32, #tpu.memory_space<vmem>>) semaphore(%arg13 : memref<!tpu.dma_semaphore, #tpu.memory_space<semaphore_mem>>) {add = true}
      %dma_wait3A_325 = arith.constant 8 : i32
      %dma_wait3A_326 = arith.constant 0 : i32
      %dma_wait3A_327 = tpu.memref_slice %arg8[%rem3A_38, %dma_wait3A_325, %dma_wait3A_326] : memref<2x16x128xi32, #tpu.memory_space<vmem>> -> memref<1x1x128xi32, #tpu.memory_space<vmem>>
      %dma_wait3A_328 = tpu.memref_squeeze %dma_wait3A_327 : memref<1x1x128xi32, #tpu.memory_space<vmem>> -> memref<128xi32, #tpu.memory_space<vmem>>
      %dma_wait3A_329 = arith.constant 0 : i32
      %dma_wait3A_330 = arith.constant 0 : i32
      %dma_wait3A_331 = tpu.memref_slice %arg6[%dma_wait3A_329, %dma_wait3A_330] : memref<10240x128xf32, #tpu.memory_space<vmem_shared>> -> memref<10240x128xf32, #tpu.memory_space<vmem_shared>>
      tpu.wait_indirect_dma semaphore(%arg13 : memref<!tpu.dma_semaphore, #tpu.memory_space<semaphore_mem>>) src(%arg9 : memref<128x128xf32, #tpu.memory_space<vmem>>) dst(%dma_wait3A_331 : memref<10240x128xf32, #tpu.memory_space<vmem_shared>>)
      %dma_start3A_332 = arith.constant 10 : i32
      %dma_start3A_333 = arith.constant 0 : i32
      %dma_start3A_334 = tpu.memref_slice %arg7[%rem3A_38, %dma_start3A_332, %dma_start3A_333] : memref<2x16x128xi32, #tpu.memory_space<vmem>> -> memref<1x1x128xi32, #tpu.memory_space<vmem>>
      %dma_start3A_335 = tpu.memref_squeeze %dma_start3A_334 : memref<1x1x128xi32, #tpu.memory_space<vmem>> -> memref<128xi32, #tpu.memory_space<vmem>>
      %dma_start3A_336 = arith.constant 0 : i32
      %dma_start3A_337 = arith.constant 0 : i32
      %dma_start3A_338 = tpu.memref_slice %arg2[%dma_start3A_336, %dma_start3A_337] : memref<10240x128xf32, #tpu.memory_space<hbm>> -> memref<10240x128xf32, #tpu.memory_space<hbm>>
      tpu.enqueue_indirect_dma source(%dma_start3A_338 : memref<10240x128xf32, #tpu.memory_space<hbm>>) target(%arg9 : memref<128x128xf32, #tpu.memory_space<vmem>>) offsets(%dma_start3A_335 : memref<128xi32, #tpu.memory_space<vmem>>) semaphore(%arg11 : memref<!tpu.dma_semaphore, #tpu.memory_space<semaphore_mem>>)
      %dma_wait3A_339 = arith.constant 9 : i32
      %dma_wait3A_340 = arith.constant 0 : i32
      %dma_wait3A_341 = tpu.memref_slice %arg7[%rem3A_38, %dma_wait3A_339, %dma_wait3A_340] : memref<2x16x128xi32, #tpu.memory_space<vmem>> -> memref<1x1x128xi32, #tpu.memory_space<vmem>>
      %dma_wait3A_342 = tpu.memref_squeeze %dma_wait3A_341 : memref<1x1x128xi32, #tpu.memory_space<vmem>> -> memref<128xi32, #tpu.memory_space<vmem>>
      %dma_wait3A_343 = arith.constant 0 : i32
      %dma_wait3A_344 = arith.constant 0 : i32
      %dma_wait3A_345 = tpu.memref_slice %arg2[%dma_wait3A_343, %dma_wait3A_344] : memref<10240x128xf32, #tpu.memory_space<hbm>> -> memref<10240x128xf32, #tpu.memory_space<hbm>>
      tpu.wait_indirect_dma semaphore(%arg12 : memref<!tpu.dma_semaphore, #tpu.memory_space<semaphore_mem>>) src(%dma_wait3A_345 : memref<10240x128xf32, #tpu.memory_space<hbm>>) dst(%arg10 : memref<128x128xf32, #tpu.memory_space<vmem>>)
      %dma_start3A_346 = arith.constant 9 : i32
      %dma_start3A_347 = arith.constant 0 : i32
      %dma_start3A_348 = tpu.memref_slice %arg8[%rem3A_38, %dma_start3A_346, %dma_start3A_347] : memref<2x16x128xi32, #tpu.memory_space<vmem>> -> memref<1x1x128xi32, #tpu.memory_space<vmem>>
      %dma_start3A_349 = tpu.memref_squeeze %dma_start3A_348 : memref<1x1x128xi32, #tpu.memory_space<vmem>> -> memref<128xi32, #tpu.memory_space<vmem>>
      %dma_start3A_350 = arith.constant 0 : i32
      %dma_start3A_351 = arith.constant 0 : i32
      %dma_start3A_352 = tpu.memref_slice %arg6[%dma_start3A_350, %dma_start3A_351] : memref<10240x128xf32, #tpu.memory_space<vmem_shared>> -> memref<10240x128xf32, #tpu.memory_space<vmem_shared>>
      tpu.enqueue_indirect_dma source(%arg10 : memref<128x128xf32, #tpu.memory_space<vmem>>) target(%dma_start3A_352 : memref<10240x128xf32, #tpu.memory_space<vmem_shared>>) offsets(%dma_start3A_349 : memref<128xi32, #tpu.memory_space<vmem>>) semaphore(%arg14 : memref<!tpu.dma_semaphore, #tpu.memory_space<semaphore_mem>>) {add = true}
      %dma_wait3A_353 = arith.constant 9 : i32
      %dma_wait3A_354 = arith.constant 0 : i32
      %dma_wait3A_355 = tpu.memref_slice %arg8[%rem3A_38, %dma_wait3A_353, %dma_wait3A_354] : memref<2x16x128xi32, #tpu.memory_space<vmem>> -> memref<1x1x128xi32, #tpu.memory_space<vmem>>
      %dma_wait3A_356 = tpu.memref_squeeze %dma_wait3A_355 : memref<1x1x128xi32, #tpu.memory_space<vmem>> -> memref<128xi32, #tpu.memory_space<vmem>>
      %dma_wait3A_357 = arith.constant 0 : i32
      %dma_wait3A_358 = arith.constant 0 : i32
      %dma_wait3A_359 = tpu.memref_slice %arg6[%dma_wait3A_357, %dma_wait3A_358] : memref<10240x128xf32, #tpu.memory_space<vmem_shared>> -> memref<10240x128xf32, #tpu.memory_space<vmem_shared>>
      tpu.wait_indirect_dma semaphore(%arg14 : memref<!tpu.dma_semaphore, #tpu.memory_space<semaphore_mem>>) src(%arg10 : memref<128x128xf32, #tpu.memory_space<vmem>>) dst(%dma_wait3A_359 : memref<10240x128xf32, #tpu.memory_space<vmem_shared>>)
      %dma_start3A_360 = arith.constant 11 : i32
      %dma_start3A_361 = arith.constant 0 : i32
      %dma_start3A_362 = tpu.memref_slice %arg7[%rem3A_38, %dma_start3A_360, %dma_start3A_361] : memref<2x16x128xi32, #tpu.memory_space<vmem>> -> memref<1x1x128xi32, #tpu.memory_space<vmem>>
      %dma_start3A_363 = tpu.memref_squeeze %dma_start3A_362 : memref<1x1x128xi32, #tpu.memory_space<vmem>> -> memref<128xi32, #tpu.memory_space<vmem>>
      %dma_start3A_364 = arith.constant 0 : i32
      %dma_start3A_365 = arith.constant 0 : i32
      %dma_start3A_366 = tpu.memref_slice %arg2[%dma_start3A_364, %dma_start3A_365] : memref<10240x128xf32, #tpu.memory_space<hbm>> -> memref<10240x128xf32, #tpu.memory_space<hbm>>
      tpu.enqueue_indirect_dma source(%dma_start3A_366 : memref<10240x128xf32, #tpu.memory_space<hbm>>) target(%arg10 : memref<128x128xf32, #tpu.memory_space<vmem>>) offsets(%dma_start3A_363 : memref<128xi32, #tpu.memory_space<vmem>>) semaphore(%arg12 : memref<!tpu.dma_semaphore, #tpu.memory_space<semaphore_mem>>)
      %dma_wait3A_367 = arith.constant 10 : i32
      %dma_wait3A_368 = arith.constant 0 : i32
      %dma_wait3A_369 = tpu.memref_slice %arg7[%rem3A_38, %dma_wait3A_367, %dma_wait3A_368] : memref<2x16x128xi32, #tpu.memory_space<vmem>> -> memref<1x1x128xi32, #tpu.memory_space<vmem>>
      %dma_wait3A_370 = tpu.memref_squeeze %dma_wait3A_369 : memref<1x1x128xi32, #tpu.memory_space<vmem>> -> memref<128xi32, #tpu.memory_space<vmem>>
      %dma_wait3A_371 = arith.constant 0 : i32
      %dma_wait3A_372 = arith.constant 0 : i32
      %dma_wait3A_373 = tpu.memref_slice %arg2[%dma_wait3A_371, %dma_wait3A_372] : memref<10240x128xf32, #tpu.memory_space<hbm>> -> memref<10240x128xf32, #tpu.memory_space<hbm>>
      tpu.wait_indirect_dma semaphore(%arg11 : memref<!tpu.dma_semaphore, #tpu.memory_space<semaphore_mem>>) src(%dma_wait3A_373 : memref<10240x128xf32, #tpu.memory_space<hbm>>) dst(%arg9 : memref<128x128xf32, #tpu.memory_space<vmem>>)
      %dma_start3A_374 = arith.constant 10 : i32
      %dma_start3A_375 = arith.constant 0 : i32
      %dma_start3A_376 = tpu.memref_slice %arg8[%rem3A_38, %dma_start3A_374, %dma_start3A_375] : memref<2x16x128xi32, #tpu.memory_space<vmem>> -> memref<1x1x128xi32, #tpu.memory_space<vmem>>
      %dma_start3A_377 = tpu.memref_squeeze %dma_start3A_376 : memref<1x1x128xi32, #tpu.memory_space<vmem>> -> memref<128xi32, #tpu.memory_space<vmem>>
      %dma_start3A_378 = arith.constant 0 : i32
      %dma_start3A_379 = arith.constant 0 : i32
      %dma_start3A_380 = tpu.memref_slice %arg6[%dma_start3A_378, %dma_start3A_379] : memref<10240x128xf32, #tpu.memory_space<vmem_shared>> -> memref<10240x128xf32, #tpu.memory_space<vmem_shared>>
      tpu.enqueue_indirect_dma source(%arg9 : memref<128x128xf32, #tpu.memory_space<vmem>>) target(%dma_start3A_380 : memref<10240x128xf32, #tpu.memory_space<vmem_shared>>) offsets(%dma_start3A_377 : memref<128xi32, #tpu.memory_space<vmem>>) semaphore(%arg13 : memref<!tpu.dma_semaphore, #tpu.memory_space<semaphore_mem>>) {add = true}
      %dma_wait3A_381 = arith.constant 10 : i32
      %dma_wait3A_382 = arith.constant 0 : i32
      %dma_wait3A_383 = tpu.memref_slice %arg8[%rem3A_38, %dma_wait3A_381, %dma_wait3A_382] : memref<2x16x128xi32, #tpu.memory_space<vmem>> -> memref<1x1x128xi32, #tpu.memory_space<vmem>>
      %dma_wait3A_384 = tpu.memref_squeeze %dma_wait3A_383 : memref<1x1x128xi32, #tpu.memory_space<vmem>> -> memref<128xi32, #tpu.memory_space<vmem>>
      %dma_wait3A_385 = arith.constant 0 : i32
      %dma_wait3A_386 = arith.constant 0 : i32
      %dma_wait3A_387 = tpu.memref_slice %arg6[%dma_wait3A_385, %dma_wait3A_386] : memref<10240x128xf32, #tpu.memory_space<vmem_shared>> -> memref<10240x128xf32, #tpu.memory_space<vmem_shared>>
      tpu.wait_indirect_dma semaphore(%arg13 : memref<!tpu.dma_semaphore, #tpu.memory_space<semaphore_mem>>) src(%arg9 : memref<128x128xf32, #tpu.memory_space<vmem>>) dst(%dma_wait3A_387 : memref<10240x128xf32, #tpu.memory_space<vmem_shared>>)
      %dma_start3A_388 = arith.constant 12 : i32
      %dma_start3A_389 = arith.constant 0 : i32
      %dma_start3A_390 = tpu.memref_slice %arg7[%rem3A_38, %dma_start3A_388, %dma_start3A_389] : memref<2x16x128xi32, #tpu.memory_space<vmem>> -> memref<1x1x128xi32, #tpu.memory_space<vmem>>
      %dma_start3A_391 = tpu.memref_squeeze %dma_start3A_390 : memref<1x1x128xi32, #tpu.memory_space<vmem>> -> memref<128xi32, #tpu.memory_space<vmem>>
      %dma_start3A_392 = arith.constant 0 : i32
      %dma_start3A_393 = arith.constant 0 : i32
      %dma_start3A_394 = tpu.memref_slice %arg2[%dma_start3A_392, %dma_start3A_393] : memref<10240x128xf32, #tpu.memory_space<hbm>> -> memref<10240x128xf32, #tpu.memory_space<hbm>>
      tpu.enqueue_indirect_dma source(%dma_start3A_394 : memref<10240x128xf32, #tpu.memory_space<hbm>>) target(%arg9 : memref<128x128xf32, #tpu.memory_space<vmem>>) offsets(%dma_start3A_391 : memref<128xi32, #tpu.memory_space<vmem>>) semaphore(%arg11 : memref<!tpu.dma_semaphore, #tpu.memory_space<semaphore_mem>>)
      %dma_wait3A_395 = arith.constant 11 : i32
      %dma_wait3A_396 = arith.constant 0 : i32
      %dma_wait3A_397 = tpu.memref_slice %arg7[%rem3A_38, %dma_wait3A_395, %dma_wait3A_396] : memref<2x16x128xi32, #tpu.memory_space<vmem>> -> memref<1x1x128xi32, #tpu.memory_space<vmem>>
      %dma_wait3A_398 = tpu.memref_squeeze %dma_wait3A_397 : memref<1x1x128xi32, #tpu.memory_space<vmem>> -> memref<128xi32, #tpu.memory_space<vmem>>
      %dma_wait3A_399 = arith.constant 0 : i32
      %dma_wait3A_400 = arith.constant 0 : i32
      %dma_wait3A_401 = tpu.memref_slice %arg2[%dma_wait3A_399, %dma_wait3A_400] : memref<10240x128xf32, #tpu.memory_space<hbm>> -> memref<10240x128xf32, #tpu.memory_space<hbm>>
      tpu.wait_indirect_dma semaphore(%arg12 : memref<!tpu.dma_semaphore, #tpu.memory_space<semaphore_mem>>) src(%dma_wait3A_401 : memref<10240x128xf32, #tpu.memory_space<hbm>>) dst(%arg10 : memref<128x128xf32, #tpu.memory_space<vmem>>)
      %dma_start3A_402 = arith.constant 11 : i32
      %dma_start3A_403 = arith.constant 0 : i32
      %dma_start3A_404 = tpu.memref_slice %arg8[%rem3A_38, %dma_start3A_402, %dma_start3A_403] : memref<2x16x128xi32, #tpu.memory_space<vmem>> -> memref<1x1x128xi32, #tpu.memory_space<vmem>>
      %dma_start3A_405 = tpu.memref_squeeze %dma_start3A_404 : memref<1x1x128xi32, #tpu.memory_space<vmem>> -> memref<128xi32, #tpu.memory_space<vmem>>
      %dma_start3A_406 = arith.constant 0 : i32
      %dma_start3A_407 = arith.constant 0 : i32
      %dma_start3A_408 = tpu.memref_slice %arg6[%dma_start3A_406, %dma_start3A_407] : memref<10240x128xf32, #tpu.memory_space<vmem_shared>> -> memref<10240x128xf32, #tpu.memory_space<vmem_shared>>
      tpu.enqueue_indirect_dma source(%arg10 : memref<128x128xf32, #tpu.memory_space<vmem>>) target(%dma_start3A_408 : memref<10240x128xf32, #tpu.memory_space<vmem_shared>>) offsets(%dma_start3A_405 : memref<128xi32, #tpu.memory_space<vmem>>) semaphore(%arg14 : memref<!tpu.dma_semaphore, #tpu.memory_space<semaphore_mem>>) {add = true}
      %dma_wait3A_409 = arith.constant 11 : i32
      %dma_wait3A_410 = arith.constant 0 : i32
      %dma_wait3A_411 = tpu.memref_slice %arg8[%rem3A_38, %dma_wait3A_409, %dma_wait3A_410] : memref<2x16x128xi32, #tpu.memory_space<vmem>> -> memref<1x1x128xi32, #tpu.memory_space<vmem>>
      %dma_wait3A_412 = tpu.memref_squeeze %dma_wait3A_411 : memref<1x1x128xi32, #tpu.memory_space<vmem>> -> memref<128xi32, #tpu.memory_space<vmem>>
      %dma_wait3A_413 = arith.constant 0 : i32
      %dma_wait3A_414 = arith.constant 0 : i32
      %dma_wait3A_415 = tpu.memref_slice %arg6[%dma_wait3A_413, %dma_wait3A_414] : memref<10240x128xf32, #tpu.memory_space<vmem_shared>> -> memref<10240x128xf32, #tpu.memory_space<vmem_shared>>
      tpu.wait_indirect_dma semaphore(%arg14 : memref<!tpu.dma_semaphore, #tpu.memory_space<semaphore_mem>>) src(%arg10 : memref<128x128xf32, #tpu.memory_space<vmem>>) dst(%dma_wait3A_415 : memref<10240x128xf32, #tpu.memory_space<vmem_shared>>)
      %dma_start3A_416 = arith.constant 13 : i32
      %dma_start3A_417 = arith.constant 0 : i32
      %dma_start3A_418 = tpu.memref_slice %arg7[%rem3A_38, %dma_start3A_416, %dma_start3A_417] : memref<2x16x128xi32, #tpu.memory_space<vmem>> -> memref<1x1x128xi32, #tpu.memory_space<vmem>>
      %dma_start3A_419 = tpu.memref_squeeze %dma_start3A_418 : memref<1x1x128xi32, #tpu.memory_space<vmem>> -> memref<128xi32, #tpu.memory_space<vmem>>
      %dma_start3A_420 = arith.constant 0 : i32
      %dma_start3A_421 = arith.constant 0 : i32
      %dma_start3A_422 = tpu.memref_slice %arg2[%dma_start3A_420, %dma_start3A_421] : memref<10240x128xf32, #tpu.memory_space<hbm>> -> memref<10240x128xf32, #tpu.memory_space<hbm>>
      tpu.enqueue_indirect_dma source(%dma_start3A_422 : memref<10240x128xf32, #tpu.memory_space<hbm>>) target(%arg10 : memref<128x128xf32, #tpu.memory_space<vmem>>) offsets(%dma_start3A_419 : memref<128xi32, #tpu.memory_space<vmem>>) semaphore(%arg12 : memref<!tpu.dma_semaphore, #tpu.memory_space<semaphore_mem>>)
      %dma_wait3A_423 = arith.constant 12 : i32
      %dma_wait3A_424 = arith.constant 0 : i32
      %dma_wait3A_425 = tpu.memref_slice %arg7[%rem3A_38, %dma_wait3A_423, %dma_wait3A_424] : memref<2x16x128xi32, #tpu.memory_space<vmem>> -> memref<1x1x128xi32, #tpu.memory_space<vmem>>
      %dma_wait3A_426 = tpu.memref_squeeze %dma_wait3A_425 : memref<1x1x128xi32, #tpu.memory_space<vmem>> -> memref<128xi32, #tpu.memory_space<vmem>>
      %dma_wait3A_427 = arith.constant 0 : i32
      %dma_wait3A_428 = arith.constant 0 : i32
      %dma_wait3A_429 = tpu.memref_slice %arg2[%dma_wait3A_427, %dma_wait3A_428] : memref<10240x128xf32, #tpu.memory_space<hbm>> -> memref<10240x128xf32, #tpu.memory_space<hbm>>
      tpu.wait_indirect_dma semaphore(%arg11 : memref<!tpu.dma_semaphore, #tpu.memory_space<semaphore_mem>>) src(%dma_wait3A_429 : memref<10240x128xf32, #tpu.memory_space<hbm>>) dst(%arg9 : memref<128x128xf32, #tpu.memory_space<vmem>>)
      %dma_start3A_430 = arith.constant 12 : i32
      %dma_start3A_431 = arith.constant 0 : i32
      %dma_start3A_432 = tpu.memref_slice %arg8[%rem3A_38, %dma_start3A_430, %dma_start3A_431] : memref<2x16x128xi32, #tpu.memory_space<vmem>> -> memref<1x1x128xi32, #tpu.memory_space<vmem>>
      %dma_start3A_433 = tpu.memref_squeeze %dma_start3A_432 : memref<1x1x128xi32, #tpu.memory_space<vmem>> -> memref<128xi32, #tpu.memory_space<vmem>>
      %dma_start3A_434 = arith.constant 0 : i32
      %dma_start3A_435 = arith.constant 0 : i32
      %dma_start3A_436 = tpu.memref_slice %arg6[%dma_start3A_434, %dma_start3A_435] : memref<10240x128xf32, #tpu.memory_space<vmem_shared>> -> memref<10240x128xf32, #tpu.memory_space<vmem_shared>>
      tpu.enqueue_indirect_dma source(%arg9 : memref<128x128xf32, #tpu.memory_space<vmem>>) target(%dma_start3A_436 : memref<10240x128xf32, #tpu.memory_space<vmem_shared>>) offsets(%dma_start3A_433 : memref<128xi32, #tpu.memory_space<vmem>>) semaphore(%arg13 : memref<!tpu.dma_semaphore, #tpu.memory_space<semaphore_mem>>) {add = true}
      %dma_wait3A_437 = arith.constant 12 : i32
      %dma_wait3A_438 = arith.constant 0 : i32
      %dma_wait3A_439 = tpu.memref_slice %arg8[%rem3A_38, %dma_wait3A_437, %dma_wait3A_438] : memref<2x16x128xi32, #tpu.memory_space<vmem>> -> memref<1x1x128xi32, #tpu.memory_space<vmem>>
      %dma_wait3A_440 = tpu.memref_squeeze %dma_wait3A_439 : memref<1x1x128xi32, #tpu.memory_space<vmem>> -> memref<128xi32, #tpu.memory_space<vmem>>
      %dma_wait3A_441 = arith.constant 0 : i32
      %dma_wait3A_442 = arith.constant 0 : i32
      %dma_wait3A_443 = tpu.memref_slice %arg6[%dma_wait3A_441, %dma_wait3A_442] : memref<10240x128xf32, #tpu.memory_space<vmem_shared>> -> memref<10240x128xf32, #tpu.memory_space<vmem_shared>>
      tpu.wait_indirect_dma semaphore(%arg13 : memref<!tpu.dma_semaphore, #tpu.memory_space<semaphore_mem>>) src(%arg9 : memref<128x128xf32, #tpu.memory_space<vmem>>) dst(%dma_wait3A_443 : memref<10240x128xf32, #tpu.memory_space<vmem_shared>>)
      %dma_start3A_444 = arith.constant 14 : i32
      %dma_start3A_445 = arith.constant 0 : i32
      %dma_start3A_446 = tpu.memref_slice %arg7[%rem3A_38, %dma_start3A_444, %dma_start3A_445] : memref<2x16x128xi32, #tpu.memory_space<vmem>> -> memref<1x1x128xi32, #tpu.memory_space<vmem>>
      %dma_start3A_447 = tpu.memref_squeeze %dma_start3A_446 : memref<1x1x128xi32, #tpu.memory_space<vmem>> -> memref<128xi32, #tpu.memory_space<vmem>>
      %dma_start3A_448 = arith.constant 0 : i32
      %dma_start3A_449 = arith.constant 0 : i32
      %dma_start3A_450 = tpu.memref_slice %arg2[%dma_start3A_448, %dma_start3A_449] : memref<10240x128xf32, #tpu.memory_space<hbm>> -> memref<10240x128xf32, #tpu.memory_space<hbm>>
      tpu.enqueue_indirect_dma source(%dma_start3A_450 : memref<10240x128xf32, #tpu.memory_space<hbm>>) target(%arg9 : memref<128x128xf32, #tpu.memory_space<vmem>>) offsets(%dma_start3A_447 : memref<128xi32, #tpu.memory_space<vmem>>) semaphore(%arg11 : memref<!tpu.dma_semaphore, #tpu.memory_space<semaphore_mem>>)
      %dma_wait3A_451 = arith.constant 13 : i32
      %dma_wait3A_452 = arith.constant 0 : i32
      %dma_wait3A_453 = tpu.memref_slice %arg7[%rem3A_38, %dma_wait3A_451, %dma_wait3A_452] : memref<2x16x128xi32, #tpu.memory_space<vmem>> -> memref<1x1x128xi32, #tpu.memory_space<vmem>>
      %dma_wait3A_454 = tpu.memref_squeeze %dma_wait3A_453 : memref<1x1x128xi32, #tpu.memory_space<vmem>> -> memref<128xi32, #tpu.memory_space<vmem>>
      %dma_wait3A_455 = arith.constant 0 : i32
      %dma_wait3A_456 = arith.constant 0 : i32
      %dma_wait3A_457 = tpu.memref_slice %arg2[%dma_wait3A_455, %dma_wait3A_456] : memref<10240x128xf32, #tpu.memory_space<hbm>> -> memref<10240x128xf32, #tpu.memory_space<hbm>>
      tpu.wait_indirect_dma semaphore(%arg12 : memref<!tpu.dma_semaphore, #tpu.memory_space<semaphore_mem>>) src(%dma_wait3A_457 : memref<10240x128xf32, #tpu.memory_space<hbm>>) dst(%arg10 : memref<128x128xf32, #tpu.memory_space<vmem>>)
      %dma_start3A_458 = arith.constant 13 : i32
      %dma_start3A_459 = arith.constant 0 : i32
      %dma_start3A_460 = tpu.memref_slice %arg8[%rem3A_38, %dma_start3A_458, %dma_start3A_459] : memref<2x16x128xi32, #tpu.memory_space<vmem>> -> memref<1x1x128xi32, #tpu.memory_space<vmem>>
      %dma_start3A_461 = tpu.memref_squeeze %dma_start3A_460 : memref<1x1x128xi32, #tpu.memory_space<vmem>> -> memref<128xi32, #tpu.memory_space<vmem>>
      %dma_start3A_462 = arith.constant 0 : i32
      %dma_start3A_463 = arith.constant 0 : i32
      %dma_start3A_464 = tpu.memref_slice %arg6[%dma_start3A_462, %dma_start3A_463] : memref<10240x128xf32, #tpu.memory_space<vmem_shared>> -> memref<10240x128xf32, #tpu.memory_space<vmem_shared>>
      tpu.enqueue_indirect_dma source(%arg10 : memref<128x128xf32, #tpu.memory_space<vmem>>) target(%dma_start3A_464 : memref<10240x128xf32, #tpu.memory_space<vmem_shared>>) offsets(%dma_start3A_461 : memref<128xi32, #tpu.memory_space<vmem>>) semaphore(%arg14 : memref<!tpu.dma_semaphore, #tpu.memory_space<semaphore_mem>>) {add = true}
      %dma_wait3A_465 = arith.constant 13 : i32
      %dma_wait3A_466 = arith.constant 0 : i32
      %dma_wait3A_467 = tpu.memref_slice %arg8[%rem3A_38, %dma_wait3A_465, %dma_wait3A_466] : memref<2x16x128xi32, #tpu.memory_space<vmem>> -> memref<1x1x128xi32, #tpu.memory_space<vmem>>
      %dma_wait3A_468 = tpu.memref_squeeze %dma_wait3A_467 : memref<1x1x128xi32, #tpu.memory_space<vmem>> -> memref<128xi32, #tpu.memory_space<vmem>>
      %dma_wait3A_469 = arith.constant 0 : i32
      %dma_wait3A_470 = arith.constant 0 : i32
      %dma_wait3A_471 = tpu.memref_slice %arg6[%dma_wait3A_469, %dma_wait3A_470] : memref<10240x128xf32, #tpu.memory_space<vmem_shared>> -> memref<10240x128xf32, #tpu.memory_space<vmem_shared>>
      tpu.wait_indirect_dma semaphore(%arg14 : memref<!tpu.dma_semaphore, #tpu.memory_space<semaphore_mem>>) src(%arg10 : memref<128x128xf32, #tpu.memory_space<vmem>>) dst(%dma_wait3A_471 : memref<10240x128xf32, #tpu.memory_space<vmem_shared>>)
      %dma_start3A_472 = arith.constant 15 : i32
      %dma_start3A_473 = arith.constant 0 : i32
      %dma_start3A_474 = tpu.memref_slice %arg7[%rem3A_38, %dma_start3A_472, %dma_start3A_473] : memref<2x16x128xi32, #tpu.memory_space<vmem>> -> memref<1x1x128xi32, #tpu.memory_space<vmem>>
      %dma_start3A_475 = tpu.memref_squeeze %dma_start3A_474 : memref<1x1x128xi32, #tpu.memory_space<vmem>> -> memref<128xi32, #tpu.memory_space<vmem>>
      %dma_start3A_476 = arith.constant 0 : i32
      %dma_start3A_477 = arith.constant 0 : i32
      %dma_start3A_478 = tpu.memref_slice %arg2[%dma_start3A_476, %dma_start3A_477] : memref<10240x128xf32, #tpu.memory_space<hbm>> -> memref<10240x128xf32, #tpu.memory_space<hbm>>
      tpu.enqueue_indirect_dma source(%dma_start3A_478 : memref<10240x128xf32, #tpu.memory_space<hbm>>) target(%arg10 : memref<128x128xf32, #tpu.memory_space<vmem>>) offsets(%dma_start3A_475 : memref<128xi32, #tpu.memory_space<vmem>>) semaphore(%arg12 : memref<!tpu.dma_semaphore, #tpu.memory_space<semaphore_mem>>)
      %dma_wait3A_479 = arith.constant 14 : i32
      %dma_wait3A_480 = arith.constant 0 : i32
      %dma_wait3A_481 = tpu.memref_slice %arg7[%rem3A_38, %dma_wait3A_479, %dma_wait3A_480] : memref<2x16x128xi32, #tpu.memory_space<vmem>> -> memref<1x1x128xi32, #tpu.memory_space<vmem>>
      %dma_wait3A_482 = tpu.memref_squeeze %dma_wait3A_481 : memref<1x1x128xi32, #tpu.memory_space<vmem>> -> memref<128xi32, #tpu.memory_space<vmem>>
      %dma_wait3A_483 = arith.constant 0 : i32
      %dma_wait3A_484 = arith.constant 0 : i32
      %dma_wait3A_485 = tpu.memref_slice %arg2[%dma_wait3A_483, %dma_wait3A_484] : memref<10240x128xf32, #tpu.memory_space<hbm>> -> memref<10240x128xf32, #tpu.memory_space<hbm>>
      tpu.wait_indirect_dma semaphore(%arg11 : memref<!tpu.dma_semaphore, #tpu.memory_space<semaphore_mem>>) src(%dma_wait3A_485 : memref<10240x128xf32, #tpu.memory_space<hbm>>) dst(%arg9 : memref<128x128xf32, #tpu.memory_space<vmem>>)
      %dma_start3A_486 = arith.constant 14 : i32
      %dma_start3A_487 = arith.constant 0 : i32
      %dma_start3A_488 = tpu.memref_slice %arg8[%rem3A_38, %dma_start3A_486, %dma_start3A_487] : memref<2x16x128xi32, #tpu.memory_space<vmem>> -> memref<1x1x128xi32, #tpu.memory_space<vmem>>
      %dma_start3A_489 = tpu.memref_squeeze %dma_start3A_488 : memref<1x1x128xi32, #tpu.memory_space<vmem>> -> memref<128xi32, #tpu.memory_space<vmem>>
      %dma_start3A_490 = arith.constant 0 : i32
      %dma_start3A_491 = arith.constant 0 : i32
      %dma_start3A_492 = tpu.memref_slice %arg6[%dma_start3A_490, %dma_start3A_491] : memref<10240x128xf32, #tpu.memory_space<vmem_shared>> -> memref<10240x128xf32, #tpu.memory_space<vmem_shared>>
      tpu.enqueue_indirect_dma source(%arg9 : memref<128x128xf32, #tpu.memory_space<vmem>>) target(%dma_start3A_492 : memref<10240x128xf32, #tpu.memory_space<vmem_shared>>) offsets(%dma_start3A_489 : memref<128xi32, #tpu.memory_space<vmem>>) semaphore(%arg13 : memref<!tpu.dma_semaphore, #tpu.memory_space<semaphore_mem>>) {add = true}
      %dma_wait3A_493 = arith.constant 15 : i32
      %dma_wait3A_494 = arith.constant 0 : i32
      %dma_wait3A_495 = tpu.memref_slice %arg7[%rem3A_38, %dma_wait3A_493, %dma_wait3A_494] : memref<2x16x128xi32, #tpu.memory_space<vmem>> -> memref<1x1x128xi32, #tpu.memory_space<vmem>>
      %dma_wait3A_496 = tpu.memref_squeeze %dma_wait3A_495 : memref<1x1x128xi32, #tpu.memory_space<vmem>> -> memref<128xi32, #tpu.memory_space<vmem>>
      %dma_wait3A_497 = arith.constant 0 : i32
      %dma_wait3A_498 = arith.constant 0 : i32
      %dma_wait3A_499 = tpu.memref_slice %arg2[%dma_wait3A_497, %dma_wait3A_498] : memref<10240x128xf32, #tpu.memory_space<hbm>> -> memref<10240x128xf32, #tpu.memory_space<hbm>>
      tpu.wait_indirect_dma semaphore(%arg12 : memref<!tpu.dma_semaphore, #tpu.memory_space<semaphore_mem>>) src(%dma_wait3A_499 : memref<10240x128xf32, #tpu.memory_space<hbm>>) dst(%arg10 : memref<128x128xf32, #tpu.memory_space<vmem>>)
      %dma_start3A_500 = arith.constant 15 : i32
      %dma_start3A_501 = arith.constant 0 : i32
      %dma_start3A_502 = tpu.memref_slice %arg8[%rem3A_38, %dma_start3A_500, %dma_start3A_501] : memref<2x16x128xi32, #tpu.memory_space<vmem>> -> memref<1x1x128xi32, #tpu.memory_space<vmem>>
      %dma_start3A_503 = tpu.memref_squeeze %dma_start3A_502 : memref<1x1x128xi32, #tpu.memory_space<vmem>> -> memref<128xi32, #tpu.memory_space<vmem>>
      %dma_start3A_504 = arith.constant 0 : i32
      %dma_start3A_505 = arith.constant 0 : i32
      %dma_start3A_506 = tpu.memref_slice %arg6[%dma_start3A_504, %dma_start3A_505] : memref<10240x128xf32, #tpu.memory_space<vmem_shared>> -> memref<10240x128xf32, #tpu.memory_space<vmem_shared>>
      tpu.enqueue_indirect_dma source(%arg10 : memref<128x128xf32, #tpu.memory_space<vmem>>) target(%dma_start3A_506 : memref<10240x128xf32, #tpu.memory_space<vmem_shared>>) offsets(%dma_start3A_503 : memref<128xi32, #tpu.memory_space<vmem>>) semaphore(%arg14 : memref<!tpu.dma_semaphore, #tpu.memory_space<semaphore_mem>>) {add = true}
      %dma_wait3A_507 = arith.constant 14 : i32
      %dma_wait3A_508 = arith.constant 0 : i32
      %dma_wait3A_509 = tpu.memref_slice %arg8[%rem3A_38, %dma_wait3A_507, %dma_wait3A_508] : memref<2x16x128xi32, #tpu.memory_space<vmem>> -> memref<1x1x128xi32, #tpu.memory_space<vmem>>
      %dma_wait3A_510 = tpu.memref_squeeze %dma_wait3A_509 : memref<1x1x128xi32, #tpu.memory_space<vmem>> -> memref<128xi32, #tpu.memory_space<vmem>>
      %dma_wait3A_511 = arith.constant 0 : i32
      %dma_wait3A_512 = arith.constant 0 : i32
      %dma_wait3A_513 = tpu.memref_slice %arg6[%dma_wait3A_511, %dma_wait3A_512] : memref<10240x128xf32, #tpu.memory_space<vmem_shared>> -> memref<10240x128xf32, #tpu.memory_space<vmem_shared>>
      tpu.wait_indirect_dma semaphore(%arg13 : memref<!tpu.dma_semaphore, #tpu.memory_space<semaphore_mem>>) src(%arg9 : memref<128x128xf32, #tpu.memory_space<vmem>>) dst(%dma_wait3A_513 : memref<10240x128xf32, #tpu.memory_space<vmem_shared>>)
      %dma_wait3A_514 = arith.constant 15 : i32
      %dma_wait3A_515 = arith.constant 0 : i32
      %dma_wait3A_516 = tpu.memref_slice %arg8[%rem3A_38, %dma_wait3A_514, %dma_wait3A_515] : memref<2x16x128xi32, #tpu.memory_space<vmem>> -> memref<1x1x128xi32, #tpu.memory_space<vmem>>
      %dma_wait3A_517 = tpu.memref_squeeze %dma_wait3A_516 : memref<1x1x128xi32, #tpu.memory_space<vmem>> -> memref<128xi32, #tpu.memory_space<vmem>>
      %dma_wait3A_518 = arith.constant 0 : i32
      %dma_wait3A_519 = arith.constant 0 : i32
      %dma_wait3A_520 = tpu.memref_slice %arg6[%dma_wait3A_518, %dma_wait3A_519] : memref<10240x128xf32, #tpu.memory_space<vmem_shared>> -> memref<10240x128xf32, #tpu.memory_space<vmem_shared>>
      tpu.wait_indirect_dma semaphore(%arg14 : memref<!tpu.dma_semaphore, #tpu.memory_space<semaphore_mem>>) src(%arg10 : memref<128x128xf32, #tpu.memory_space<vmem>>) dst(%dma_wait3A_520 : memref<10240x128xf32, #tpu.memory_space<vmem_shared>>)
      %dma_wait3A_521 = arith.constant 0 : i32
      %dma_wait3A_522 = arith.constant 0 : i32
      %dma_wait3A_523 = tpu.memref_slice %arg7[%sub3A_44, %dma_wait3A_521, %dma_wait3A_522] : memref<2x16x128xi32, #tpu.memory_space<vmem>> -> memref<1x16x128xi32, #tpu.memory_space<vmem>>
      %dma_wait3A_524 = tpu.memref_squeeze %dma_wait3A_523 : memref<1x16x128xi32, #tpu.memory_space<vmem>> -> memref<16x128xi32, #tpu.memory_space<vmem>>
      %dma_wait3A_525 = arith.constant 0 : i32
      %dma_wait3A_526 = tpu.memref_slice %arg3[%add3A, %mul3A_43, %dma_wait3A_525] : memref<32x80x128xi32, #tpu.memory_space<hbm>> -> memref<1x16x128xi32, #tpu.memory_space<hbm>>
      %dma_wait3A_527 = tpu.memref_squeeze %dma_wait3A_526 : memref<1x16x128xi32, #tpu.memory_space<hbm>> -> memref<16x128xi32, #tpu.memory_space<hbm>>
      %dma_wait3A_528 = arith.constant 0 : i32
      %dma_wait3A_529 = arith.constant 0 : i32
      %dma_wait3A_530 = tpu.memref_slice %arg7[%sub3A_44, %dma_wait3A_528, %dma_wait3A_529] : memref<2x16x128xi32, #tpu.memory_space<vmem>> -> memref<1x16x128xi32, #tpu.memory_space<vmem>>
      %dma_wait3A_531 = tpu.memref_squeeze %dma_wait3A_530 : memref<1x16x128xi32, #tpu.memory_space<vmem>> -> memref<16x128xi32, #tpu.memory_space<vmem>>
      %dma_wait3A_532 = arith.constant 0 : i32
      %dma_wait3A_533 = tpu.memref_slice %arg3[%add3A, %mul3A_43, %dma_wait3A_532] : memref<32x80x128xi32, #tpu.memory_space<hbm>> -> memref<1x16x128xi32, #tpu.memory_space<hbm>>
      %dma_wait3A_534 = tpu.memref_squeeze %dma_wait3A_533 : memref<1x16x128xi32, #tpu.memory_space<hbm>> -> memref<16x128xi32, #tpu.memory_space<hbm>>
      tpu.wait_dma2 semaphore(%arg15 : memref<!tpu.dma_semaphore, #tpu.memory_space<semaphore_mem>>) src(%dma_wait3A_534 : memref<16x128xi32, #tpu.memory_space<hbm>>) dst(%dma_wait3A_531 : memref<16x128xi32, #tpu.memory_space<vmem>>)
      %dma_wait3A_535 = arith.constant 0 : i32
      %dma_wait3A_536 = arith.constant 0 : i32
      %dma_wait3A_537 = tpu.memref_slice %arg8[%sub3A_59, %dma_wait3A_535, %dma_wait3A_536] : memref<2x16x128xi32, #tpu.memory_space<vmem>> -> memref<1x16x128xi32, #tpu.memory_space<vmem>>
      %dma_wait3A_538 = tpu.memref_squeeze %dma_wait3A_537 : memref<1x16x128xi32, #tpu.memory_space<vmem>> -> memref<16x128xi32, #tpu.memory_space<vmem>>
      %dma_wait3A_539 = arith.constant 0 : i32
      %dma_wait3A_540 = tpu.memref_slice %arg4[%add3A, %mul3A_43, %dma_wait3A_539] : memref<32x80x128xi32, #tpu.memory_space<hbm>> -> memref<1x16x128xi32, #tpu.memory_space<hbm>>
      %dma_wait3A_541 = tpu.memref_squeeze %dma_wait3A_540 : memref<1x16x128xi32, #tpu.memory_space<hbm>> -> memref<16x128xi32, #tpu.memory_space<hbm>>
      %dma_wait3A_542 = arith.constant 0 : i32
      %dma_wait3A_543 = arith.constant 0 : i32
      %dma_wait3A_544 = tpu.memref_slice %arg8[%sub3A_59, %dma_wait3A_542, %dma_wait3A_543] : memref<2x16x128xi32, #tpu.memory_space<vmem>> -> memref<1x16x128xi32, #tpu.memory_space<vmem>>
      %dma_wait3A_545 = tpu.memref_squeeze %dma_wait3A_544 : memref<1x16x128xi32, #tpu.memory_space<vmem>> -> memref<16x128xi32, #tpu.memory_space<vmem>>
      %dma_wait3A_546 = arith.constant 0 : i32
      %dma_wait3A_547 = tpu.memref_slice %arg4[%add3A, %mul3A_43, %dma_wait3A_546] : memref<32x80x128xi32, #tpu.memory_space<hbm>> -> memref<1x16x128xi32, #tpu.memory_space<hbm>>
      %dma_wait3A_548 = tpu.memref_squeeze %dma_wait3A_547 : memref<1x16x128xi32, #tpu.memory_space<hbm>> -> memref<16x128xi32, #tpu.memory_space<hbm>>
      tpu.wait_dma2 semaphore(%arg15 : memref<!tpu.dma_semaphore, #tpu.memory_space<semaphore_mem>>) src(%dma_wait3A_548 : memref<16x128xi32, #tpu.memory_space<hbm>>) dst(%dma_wait3A_545 : memref<16x128xi32, #tpu.memory_space<vmem>>)
    }
    %scan3A_25 = arith.constant 5 : i32
    %barrier3A_26 = arith.constant 0 : index
    tpu.barrier barrier_id(%barrier3A_26)
    %add3A_27 = arith.constant 0 : i32
    %add3A_28 = arith.addi %mul3A_2, %add3A_27 : i32
    "tpu.region"() ({
      %run_scoped3A_37 = tpu.sem_alloc : memref<!tpu.dma_semaphore, #tpu.memory_space<semaphore_mem>>
      %dma_start3A = arith.constant 0 : i32
      %dma_start3A_38 = tpu.memref_slice %arg6[%add3A_28, %dma_start3A] : memref<10240x128xf32, #tpu.memory_space<vmem_shared>> -> memref<128x128xf32, #tpu.memory_space<vmem_shared>>
      %dma_start3A_39 = arith.constant 0 : i32
      %dma_start3A_40 = tpu.memref_slice %arg6[%add3A_28, %dma_start3A_39] : memref<10240x128xf32, #tpu.memory_space<vmem_shared>> -> memref<128x128xf32, #tpu.memory_space<vmem_shared>>
      tpu.enqueue_dma source(%dma_start3A_40 : memref<128x128xf32, #tpu.memory_space<vmem_shared>>) target(%arg9 : memref<128x128xf32, #tpu.memory_space<vmem>>) target_semaphore(%run_scoped3A_37 : memref<!tpu.dma_semaphore, #tpu.memory_space<semaphore_mem>>)
      %dma_wait3A = arith.constant 0 : i32
      %dma_wait3A_41 = tpu.memref_slice %arg6[%add3A_28, %dma_wait3A] : memref<10240x128xf32, #tpu.memory_space<vmem_shared>> -> memref<128x128xf32, #tpu.memory_space<vmem_shared>>
      %dma_wait3A_42 = arith.constant 0 : i32
      %dma_wait3A_43 = tpu.memref_slice %arg6[%add3A_28, %dma_wait3A_42] : memref<10240x128xf32, #tpu.memory_space<vmem_shared>> -> memref<128x128xf32, #tpu.memory_space<vmem_shared>>
      tpu.wait_dma2 semaphore(%run_scoped3A_37 : memref<!tpu.dma_semaphore, #tpu.memory_space<semaphore_mem>>) src(%dma_wait3A_43 : memref<128x128xf32, #tpu.memory_space<vmem_shared>>) dst(%arg9 : memref<128x128xf32, #tpu.memory_space<vmem>>)
      tpu.yield
    }) : () -> ()
    "tpu.region"() ({
      %run_scoped3A_37 = tpu.sem_alloc : memref<!tpu.dma_semaphore, #tpu.memory_space<semaphore_mem>>
      %dma_start3A = arith.constant 0 : i32
      %dma_start3A_38 = tpu.memref_slice %arg5[%arg0, %add3A_28, %dma_start3A] : memref<2x10240x128xf32, #tpu.memory_space<hbm>> -> memref<1x128x128xf32, #tpu.memory_space<hbm>>
      %dma_start3A_39 = tpu.memref_squeeze %dma_start3A_38 : memref<1x128x128xf32, #tpu.memory_space<hbm>> -> memref<128x128xf32, #tpu.memory_space<hbm>>
      %dma_start3A_40 = arith.constant 0 : i32
      %dma_start3A_41 = tpu.memref_slice %arg5[%arg0, %add3A_28, %dma_start3A_40] : memref<2x10240x128xf32, #tpu.memory_space<hbm>> -> memref<1x128x128xf32, #tpu.memory_space<hbm>>
      %dma_start3A_42 = tpu.memref_squeeze %dma_start3A_41 : memref<1x128x128xf32, #tpu.memory_space<hbm>> -> memref<128x128xf32, #tpu.memory_space<hbm>>
      tpu.enqueue_dma source(%arg9 : memref<128x128xf32, #tpu.memory_space<vmem>>) target(%dma_start3A_42 : memref<128x128xf32, #tpu.memory_space<hbm>>) target_semaphore(%run_scoped3A_37 : memref<!tpu.dma_semaphore, #tpu.memory_space<semaphore_mem>>)
      %dma_wait3A = arith.constant 0 : i32
      %dma_wait3A_43 = tpu.memref_slice %arg5[%arg0, %add3A_28, %dma_wait3A] : memref<2x10240x128xf32, #tpu.memory_space<hbm>> -> memref<1x128x128xf32, #tpu.memory_space<hbm>>
      %dma_wait3A_44 = tpu.memref_squeeze %dma_wait3A_43 : memref<1x128x128xf32, #tpu.memory_space<hbm>> -> memref<128x128xf32, #tpu.memory_space<hbm>>
      %dma_wait3A_45 = arith.constant 0 : i32
      %dma_wait3A_46 = tpu.memref_slice %arg5[%arg0, %add3A_28, %dma_wait3A_45] : memref<2x10240x128xf32, #tpu.memory_space<hbm>> -> memref<1x128x128xf32, #tpu.memory_space<hbm>>
      %dma_wait3A_47 = tpu.memref_squeeze %dma_wait3A_46 : memref<1x128x128xf32, #tpu.memory_space<hbm>> -> memref<128x128xf32, #tpu.memory_space<hbm>>
      tpu.wait_dma2 semaphore(%run_scoped3A_37 : memref<!tpu.dma_semaphore, #tpu.memory_space<semaphore_mem>>) src(%arg9 : memref<128x128xf32, #tpu.memory_space<vmem>>) dst(%dma_wait3A_47 : memref<128x128xf32, #tpu.memory_space<hbm>>)
      tpu.yield
    }) : () -> ()
    %add3A_29 = arith.constant 128 : i32
    %add3A_30 = arith.addi %mul3A_2, %add3A_29 : i32
    "tpu.region"() ({
      %run_scoped3A_37 = tpu.sem_alloc : memref<!tpu.dma_semaphore, #tpu.memory_space<semaphore_mem>>
      %dma_start3A = arith.constant 0 : i32
      %dma_start3A_38 = tpu.memref_slice %arg6[%add3A_30, %dma_start3A] : memref<10240x128xf32, #tpu.memory_space<vmem_shared>> -> memref<128x128xf32, #tpu.memory_space<vmem_shared>>
      %dma_start3A_39 = arith.constant 0 : i32
      %dma_start3A_40 = tpu.memref_slice %arg6[%add3A_30, %dma_start3A_39] : memref<10240x128xf32, #tpu.memory_space<vmem_shared>> -> memref<128x128xf32, #tpu.memory_space<vmem_shared>>
      tpu.enqueue_dma source(%dma_start3A_40 : memref<128x128xf32, #tpu.memory_space<vmem_shared>>) target(%arg9 : memref<128x128xf32, #tpu.memory_space<vmem>>) target_semaphore(%run_scoped3A_37 : memref<!tpu.dma_semaphore, #tpu.memory_space<semaphore_mem>>)
      %dma_wait3A = arith.constant 0 : i32
      %dma_wait3A_41 = tpu.memref_slice %arg6[%add3A_30, %dma_wait3A] : memref<10240x128xf32, #tpu.memory_space<vmem_shared>> -> memref<128x128xf32, #tpu.memory_space<vmem_shared>>
      %dma_wait3A_42 = arith.constant 0 : i32
      %dma_wait3A_43 = tpu.memref_slice %arg6[%add3A_30, %dma_wait3A_42] : memref<10240x128xf32, #tpu.memory_space<vmem_shared>> -> memref<128x128xf32, #tpu.memory_space<vmem_shared>>
      tpu.wait_dma2 semaphore(%run_scoped3A_37 : memref<!tpu.dma_semaphore, #tpu.memory_space<semaphore_mem>>) src(%dma_wait3A_43 : memref<128x128xf32, #tpu.memory_space<vmem_shared>>) dst(%arg9 : memref<128x128xf32, #tpu.memory_space<vmem>>)
      tpu.yield
    }) : () -> ()
    "tpu.region"() ({
      %run_scoped3A_37 = tpu.sem_alloc : memref<!tpu.dma_semaphore, #tpu.memory_space<semaphore_mem>>
      %dma_start3A = arith.constant 0 : i32
      %dma_start3A_38 = tpu.memref_slice %arg5[%arg0, %add3A_30, %dma_start3A] : memref<2x10240x128xf32, #tpu.memory_space<hbm>> -> memref<1x128x128xf32, #tpu.memory_space<hbm>>
      %dma_start3A_39 = tpu.memref_squeeze %dma_start3A_38 : memref<1x128x128xf32, #tpu.memory_space<hbm>> -> memref<128x128xf32, #tpu.memory_space<hbm>>
      %dma_start3A_40 = arith.constant 0 : i32
      %dma_start3A_41 = tpu.memref_slice %arg5[%arg0, %add3A_30, %dma_start3A_40] : memref<2x10240x128xf32, #tpu.memory_space<hbm>> -> memref<1x128x128xf32, #tpu.memory_space<hbm>>
      %dma_start3A_42 = tpu.memref_squeeze %dma_start3A_41 : memref<1x128x128xf32, #tpu.memory_space<hbm>> -> memref<128x128xf32, #tpu.memory_space<hbm>>
      tpu.enqueue_dma source(%arg9 : memref<128x128xf32, #tpu.memory_space<vmem>>) target(%dma_start3A_42 : memref<128x128xf32, #tpu.memory_space<hbm>>) target_semaphore(%run_scoped3A_37 : memref<!tpu.dma_semaphore, #tpu.memory_space<semaphore_mem>>)
      %dma_wait3A = arith.constant 0 : i32
      %dma_wait3A_43 = tpu.memref_slice %arg5[%arg0, %add3A_30, %dma_wait3A] : memref<2x10240x128xf32, #tpu.memory_space<hbm>> -> memref<1x128x128xf32, #tpu.memory_space<hbm>>
      %dma_wait3A_44 = tpu.memref_squeeze %dma_wait3A_43 : memref<1x128x128xf32, #tpu.memory_space<hbm>> -> memref<128x128xf32, #tpu.memory_space<hbm>>
      %dma_wait3A_45 = arith.constant 0 : i32
      %dma_wait3A_46 = tpu.memref_slice %arg5[%arg0, %add3A_30, %dma_wait3A_45] : memref<2x10240x128xf32, #tpu.memory_space<hbm>> -> memref<1x128x128xf32, #tpu.memory_space<hbm>>
      %dma_wait3A_47 = tpu.memref_squeeze %dma_wait3A_46 : memref<1x128x128xf32, #tpu.memory_space<hbm>> -> memref<128x128xf32, #tpu.memory_space<hbm>>
      tpu.wait_dma2 semaphore(%run_scoped3A_37 : memref<!tpu.dma_semaphore, #tpu.memory_space<semaphore_mem>>) src(%arg9 : memref<128x128xf32, #tpu.memory_space<vmem>>) dst(%dma_wait3A_47 : memref<128x128xf32, #tpu.memory_space<hbm>>)
      tpu.yield
    }) : () -> ()
    %add3A_31 = arith.constant 256 : i32
    %add3A_32 = arith.addi %mul3A_2, %add3A_31 : i32
    "tpu.region"() ({
      %run_scoped3A_37 = tpu.sem_alloc : memref<!tpu.dma_semaphore, #tpu.memory_space<semaphore_mem>>
      %dma_start3A = arith.constant 0 : i32
      %dma_start3A_38 = tpu.memref_slice %arg6[%add3A_32, %dma_start3A] : memref<10240x128xf32, #tpu.memory_space<vmem_shared>> -> memref<128x128xf32, #tpu.memory_space<vmem_shared>>
      %dma_start3A_39 = arith.constant 0 : i32
      %dma_start3A_40 = tpu.memref_slice %arg6[%add3A_32, %dma_start3A_39] : memref<10240x128xf32, #tpu.memory_space<vmem_shared>> -> memref<128x128xf32, #tpu.memory_space<vmem_shared>>
      tpu.enqueue_dma source(%dma_start3A_40 : memref<128x128xf32, #tpu.memory_space<vmem_shared>>) target(%arg9 : memref<128x128xf32, #tpu.memory_space<vmem>>) target_semaphore(%run_scoped3A_37 : memref<!tpu.dma_semaphore, #tpu.memory_space<semaphore_mem>>)
      %dma_wait3A = arith.constant 0 : i32
      %dma_wait3A_41 = tpu.memref_slice %arg6[%add3A_32, %dma_wait3A] : memref<10240x128xf32, #tpu.memory_space<vmem_shared>> -> memref<128x128xf32, #tpu.memory_space<vmem_shared>>
      %dma_wait3A_42 = arith.constant 0 : i32
      %dma_wait3A_43 = tpu.memref_slice %arg6[%add3A_32, %dma_wait3A_42] : memref<10240x128xf32, #tpu.memory_space<vmem_shared>> -> memref<128x128xf32, #tpu.memory_space<vmem_shared>>
      tpu.wait_dma2 semaphore(%run_scoped3A_37 : memref<!tpu.dma_semaphore, #tpu.memory_space<semaphore_mem>>) src(%dma_wait3A_43 : memref<128x128xf32, #tpu.memory_space<vmem_shared>>) dst(%arg9 : memref<128x128xf32, #tpu.memory_space<vmem>>)
      tpu.yield
    }) : () -> ()
    "tpu.region"() ({
      %run_scoped3A_37 = tpu.sem_alloc : memref<!tpu.dma_semaphore, #tpu.memory_space<semaphore_mem>>
      %dma_start3A = arith.constant 0 : i32
      %dma_start3A_38 = tpu.memref_slice %arg5[%arg0, %add3A_32, %dma_start3A] : memref<2x10240x128xf32, #tpu.memory_space<hbm>> -> memref<1x128x128xf32, #tpu.memory_space<hbm>>
      %dma_start3A_39 = tpu.memref_squeeze %dma_start3A_38 : memref<1x128x128xf32, #tpu.memory_space<hbm>> -> memref<128x128xf32, #tpu.memory_space<hbm>>
      %dma_start3A_40 = arith.constant 0 : i32
      %dma_start3A_41 = tpu.memref_slice %arg5[%arg0, %add3A_32, %dma_start3A_40] : memref<2x10240x128xf32, #tpu.memory_space<hbm>> -> memref<1x128x128xf32, #tpu.memory_space<hbm>>
      %dma_start3A_42 = tpu.memref_squeeze %dma_start3A_41 : memref<1x128x128xf32, #tpu.memory_space<hbm>> -> memref<128x128xf32, #tpu.memory_space<hbm>>
      tpu.enqueue_dma source(%arg9 : memref<128x128xf32, #tpu.memory_space<vmem>>) target(%dma_start3A_42 : memref<128x128xf32, #tpu.memory_space<hbm>>) target_semaphore(%run_scoped3A_37 : memref<!tpu.dma_semaphore, #tpu.memory_space<semaphore_mem>>)
      %dma_wait3A = arith.constant 0 : i32
      %dma_wait3A_43 = tpu.memref_slice %arg5[%arg0, %add3A_32, %dma_wait3A] : memref<2x10240x128xf32, #tpu.memory_space<hbm>> -> memref<1x128x128xf32, #tpu.memory_space<hbm>>
      %dma_wait3A_44 = tpu.memref_squeeze %dma_wait3A_43 : memref<1x128x128xf32, #tpu.memory_space<hbm>> -> memref<128x128xf32, #tpu.memory_space<hbm>>
      %dma_wait3A_45 = arith.constant 0 : i32
      %dma_wait3A_46 = tpu.memref_slice %arg5[%arg0, %add3A_32, %dma_wait3A_45] : memref<2x10240x128xf32, #tpu.memory_space<hbm>> -> memref<1x128x128xf32, #tpu.memory_space<hbm>>
      %dma_wait3A_47 = tpu.memref_squeeze %dma_wait3A_46 : memref<1x128x128xf32, #tpu.memory_space<hbm>> -> memref<128x128xf32, #tpu.memory_space<hbm>>
      tpu.wait_dma2 semaphore(%run_scoped3A_37 : memref<!tpu.dma_semaphore, #tpu.memory_space<semaphore_mem>>) src(%arg9 : memref<128x128xf32, #tpu.memory_space<vmem>>) dst(%dma_wait3A_47 : memref<128x128xf32, #tpu.memory_space<hbm>>)
      tpu.yield
    }) : () -> ()
    %add3A_33 = arith.constant 384 : i32
    %add3A_34 = arith.addi %mul3A_2, %add3A_33 : i32
    "tpu.region"() ({
      %run_scoped3A_37 = tpu.sem_alloc : memref<!tpu.dma_semaphore, #tpu.memory_space<semaphore_mem>>
      %dma_start3A = arith.constant 0 : i32
      %dma_start3A_38 = tpu.memref_slice %arg6[%add3A_34, %dma_start3A] : memref<10240x128xf32, #tpu.memory_space<vmem_shared>> -> memref<128x128xf32, #tpu.memory_space<vmem_shared>>
      %dma_start3A_39 = arith.constant 0 : i32
      %dma_start3A_40 = tpu.memref_slice %arg6[%add3A_34, %dma_start3A_39] : memref<10240x128xf32, #tpu.memory_space<vmem_shared>> -> memref<128x128xf32, #tpu.memory_space<vmem_shared>>
      tpu.enqueue_dma source(%dma_start3A_40 : memref<128x128xf32, #tpu.memory_space<vmem_shared>>) target(%arg9 : memref<128x128xf32, #tpu.memory_space<vmem>>) target_semaphore(%run_scoped3A_37 : memref<!tpu.dma_semaphore, #tpu.memory_space<semaphore_mem>>)
      %dma_wait3A = arith.constant 0 : i32
      %dma_wait3A_41 = tpu.memref_slice %arg6[%add3A_34, %dma_wait3A] : memref<10240x128xf32, #tpu.memory_space<vmem_shared>> -> memref<128x128xf32, #tpu.memory_space<vmem_shared>>
      %dma_wait3A_42 = arith.constant 0 : i32
      %dma_wait3A_43 = tpu.memref_slice %arg6[%add3A_34, %dma_wait3A_42] : memref<10240x128xf32, #tpu.memory_space<vmem_shared>> -> memref<128x128xf32, #tpu.memory_space<vmem_shared>>
      tpu.wait_dma2 semaphore(%run_scoped3A_37 : memref<!tpu.dma_semaphore, #tpu.memory_space<semaphore_mem>>) src(%dma_wait3A_43 : memref<128x128xf32, #tpu.memory_space<vmem_shared>>) dst(%arg9 : memref<128x128xf32, #tpu.memory_space<vmem>>)
      tpu.yield
    }) : () -> ()
    "tpu.region"() ({
      %run_scoped3A_37 = tpu.sem_alloc : memref<!tpu.dma_semaphore, #tpu.memory_space<semaphore_mem>>
      %dma_start3A = arith.constant 0 : i32
      %dma_start3A_38 = tpu.memref_slice %arg5[%arg0, %add3A_34, %dma_start3A] : memref<2x10240x128xf32, #tpu.memory_space<hbm>> -> memref<1x128x128xf32, #tpu.memory_space<hbm>>
      %dma_start3A_39 = tpu.memref_squeeze %dma_start3A_38 : memref<1x128x128xf32, #tpu.memory_space<hbm>> -> memref<128x128xf32, #tpu.memory_space<hbm>>
      %dma_start3A_40 = arith.constant 0 : i32
      %dma_start3A_41 = tpu.memref_slice %arg5[%arg0, %add3A_34, %dma_start3A_40] : memref<2x10240x128xf32, #tpu.memory_space<hbm>> -> memref<1x128x128xf32, #tpu.memory_space<hbm>>
      %dma_start3A_42 = tpu.memref_squeeze %dma_start3A_41 : memref<1x128x128xf32, #tpu.memory_space<hbm>> -> memref<128x128xf32, #tpu.memory_space<hbm>>
      tpu.enqueue_dma source(%arg9 : memref<128x128xf32, #tpu.memory_space<vmem>>) target(%dma_start3A_42 : memref<128x128xf32, #tpu.memory_space<hbm>>) target_semaphore(%run_scoped3A_37 : memref<!tpu.dma_semaphore, #tpu.memory_space<semaphore_mem>>)
      %dma_wait3A = arith.constant 0 : i32
      %dma_wait3A_43 = tpu.memref_slice %arg5[%arg0, %add3A_34, %dma_wait3A] : memref<2x10240x128xf32, #tpu.memory_space<hbm>> -> memref<1x128x128xf32, #tpu.memory_space<hbm>>
      %dma_wait3A_44 = tpu.memref_squeeze %dma_wait3A_43 : memref<1x128x128xf32, #tpu.memory_space<hbm>> -> memref<128x128xf32, #tpu.memory_space<hbm>>
      %dma_wait3A_45 = arith.constant 0 : i32
      %dma_wait3A_46 = tpu.memref_slice %arg5[%arg0, %add3A_34, %dma_wait3A_45] : memref<2x10240x128xf32, #tpu.memory_space<hbm>> -> memref<1x128x128xf32, #tpu.memory_space<hbm>>
      %dma_wait3A_47 = tpu.memref_squeeze %dma_wait3A_46 : memref<1x128x128xf32, #tpu.memory_space<hbm>> -> memref<128x128xf32, #tpu.memory_space<hbm>>
      tpu.wait_dma2 semaphore(%run_scoped3A_37 : memref<!tpu.dma_semaphore, #tpu.memory_space<semaphore_mem>>) src(%arg9 : memref<128x128xf32, #tpu.memory_space<vmem>>) dst(%dma_wait3A_47 : memref<128x128xf32, #tpu.memory_space<hbm>>)
      tpu.yield
    }) : () -> ()
    %add3A_35 = arith.constant 512 : i32
    %add3A_36 = arith.addi %mul3A_2, %add3A_35 : i32
    "tpu.region"() ({
      %run_scoped3A_37 = tpu.sem_alloc : memref<!tpu.dma_semaphore, #tpu.memory_space<semaphore_mem>>
      %dma_start3A = arith.constant 0 : i32
      %dma_start3A_38 = tpu.memref_slice %arg6[%add3A_36, %dma_start3A] : memref<10240x128xf32, #tpu.memory_space<vmem_shared>> -> memref<128x128xf32, #tpu.memory_space<vmem_shared>>
      %dma_start3A_39 = arith.constant 0 : i32
      %dma_start3A_40 = tpu.memref_slice %arg6[%add3A_36, %dma_start3A_39] : memref<10240x128xf32, #tpu.memory_space<vmem_shared>> -> memref<128x128xf32, #tpu.memory_space<vmem_shared>>
      tpu.enqueue_dma source(%dma_start3A_40 : memref<128x128xf32, #tpu.memory_space<vmem_shared>>) target(%arg9 : memref<128x128xf32, #tpu.memory_space<vmem>>) target_semaphore(%run_scoped3A_37 : memref<!tpu.dma_semaphore, #tpu.memory_space<semaphore_mem>>)
      %dma_wait3A = arith.constant 0 : i32
      %dma_wait3A_41 = tpu.memref_slice %arg6[%add3A_36, %dma_wait3A] : memref<10240x128xf32, #tpu.memory_space<vmem_shared>> -> memref<128x128xf32, #tpu.memory_space<vmem_shared>>
      %dma_wait3A_42 = arith.constant 0 : i32
      %dma_wait3A_43 = tpu.memref_slice %arg6[%add3A_36, %dma_wait3A_42] : memref<10240x128xf32, #tpu.memory_space<vmem_shared>> -> memref<128x128xf32, #tpu.memory_space<vmem_shared>>
      tpu.wait_dma2 semaphore(%run_scoped3A_37 : memref<!tpu.dma_semaphore, #tpu.memory_space<semaphore_mem>>) src(%dma_wait3A_43 : memref<128x128xf32, #tpu.memory_space<vmem_shared>>) dst(%arg9 : memref<128x128xf32, #tpu.memory_space<vmem>>)
      tpu.yield
    }) : () -> ()
    "tpu.region"() ({
      %run_scoped3A_37 = tpu.sem_alloc : memref<!tpu.dma_semaphore, #tpu.memory_space<semaphore_mem>>
      %dma_start3A = arith.constant 0 : i32
      %dma_start3A_38 = tpu.memref_slice %arg5[%arg0, %add3A_36, %dma_start3A] : memref<2x10240x128xf32, #tpu.memory_space<hbm>> -> memref<1x128x128xf32, #tpu.memory_space<hbm>>
      %dma_start3A_39 = tpu.memref_squeeze %dma_start3A_38 : memref<1x128x128xf32, #tpu.memory_space<hbm>> -> memref<128x128xf32, #tpu.memory_space<hbm>>
      %dma_start3A_40 = arith.constant 0 : i32
      %dma_start3A_41 = tpu.memref_slice %arg5[%arg0, %add3A_36, %dma_start3A_40] : memref<2x10240x128xf32, #tpu.memory_space<hbm>> -> memref<1x128x128xf32, #tpu.memory_space<hbm>>
      %dma_start3A_42 = tpu.memref_squeeze %dma_start3A_41 : memref<1x128x128xf32, #tpu.memory_space<hbm>> -> memref<128x128xf32, #tpu.memory_space<hbm>>
      tpu.enqueue_dma source(%arg9 : memref<128x128xf32, #tpu.memory_space<vmem>>) target(%dma_start3A_42 : memref<128x128xf32, #tpu.memory_space<hbm>>) target_semaphore(%run_scoped3A_37 : memref<!tpu.dma_semaphore, #tpu.memory_space<semaphore_mem>>)
      %dma_wait3A = arith.constant 0 : i32
      %dma_wait3A_43 = tpu.memref_slice %arg5[%arg0, %add3A_36, %dma_wait3A] : memref<2x10240x128xf32, #tpu.memory_space<hbm>> -> memref<1x128x128xf32, #tpu.memory_space<hbm>>
      %dma_wait3A_44 = tpu.memref_squeeze %dma_wait3A_43 : memref<1x128x128xf32, #tpu.memory_space<hbm>> -> memref<128x128xf32, #tpu.memory_space<hbm>>
      %dma_wait3A_45 = arith.constant 0 : i32
      %dma_wait3A_46 = tpu.memref_slice %arg5[%arg0, %add3A_36, %dma_wait3A_45] : memref<2x10240x128xf32, #tpu.memory_space<hbm>> -> memref<1x128x128xf32, #tpu.memory_space<hbm>>
      %dma_wait3A_47 = tpu.memref_squeeze %dma_wait3A_46 : memref<1x128x128xf32, #tpu.memory_space<hbm>> -> memref<128x128xf32, #tpu.memory_space<hbm>>
      tpu.wait_dma2 semaphore(%run_scoped3A_37 : memref<!tpu.dma_semaphore, #tpu.memory_space<semaphore_mem>>) src(%arg9 : memref<128x128xf32, #tpu.memory_space<vmem>>) dst(%dma_wait3A_47 : memref<128x128xf32, #tpu.memory_space<hbm>>)
      tpu.yield
    }) : () -> ()
    return
  }
}

#map = affine_map<(d0, d1) -> (0, 0, 0)>
#map1 = affine_map<(d0, d1) -> (0, 0)>
module attributes {stable_mosaic.version = 14 : i64} {
  func.func @body(%arg0: i32, %arg1: i32, %arg2: memref<32x80x128xi32, #tpu.memory_space<hbm>>, %arg3: memref<2x10240xf32, #tpu.memory_space<hbm>>, %arg4: memref<16x10240xf32, #tpu.memory_space<vmem_shared>>, %arg5: memref<2x16x128xi32, #tpu.memory_space<vmem>>, %arg6: memref<10240xf32, #tpu.memory_space<vmem>>, %arg7: memref<640xf32, #tpu.memory_space<vmem>>, %arg8: memref<640xf32, #tpu.memory_space<vmem>>, %arg9: memref<!tpu.dma_semaphore, #tpu.memory_space<semaphore_mem>>) attributes {dimension_semantics = [#tpu.dimension_semantics<core_parallel>, #tpu.dimension_semantics<subcore_parallel>], iteration_bounds = array<i64: 2, 16>, scalar_prefetch = 0 : i64, scratch_operands = 6 : i64, tpu.core_type = #tpu.core_type<sc_vector_subcore>, window_params = [{transform_indices = #map}, {transform_indices = #map1}]} {
    %mul3A = arith.constant 16 : i32
    %mul3A_0 = arith.muli %arg0, %mul3A : i32
    %add3A = arith.addi %mul3A_0, %arg1 : i32
    %broadcast_in_dim3A = arith.constant 0.000000e+00 : f32
    %broadcast_in_dim3A_1 = vector.broadcast %broadcast_in_dim3A : f32 to vector<16xf32>
    %broadcast_in_dim3A_2 = arith.constant 1.000000e+00 : f32
    %broadcast_in_dim3A_3 = vector.broadcast %broadcast_in_dim3A_2 : f32 to vector<16xf32>
    %scan3A = arith.constant 0 : i32
    %scan3A_4 = arith.constant 0 : i32
    %scan3A_5 = arith.constant 640 : i32
    %scan3A_6 = arith.addi %scan3A_4, %scan3A_5 : i32
    %scan3A_7 = arith.constant 1 : i32
    scf.for %scan3A_29 = %scan3A_4 to %scan3A_6 step %scan3A_7  : i32 {
      %mul3A_30 = arith.constant 16 : i32
      %mul3A_31 = arith.muli %scan3A_29, %mul3A_30 : i32
      %swap3A = arith.index_cast %mul3A_31 : i32 to index
      %swap3A_32 = tpu.vector_load %arg6[%swap3A] {strides = array<i32>} : memref<10240xf32, #tpu.memory_space<vmem>>, vector<16xf32>,
      tpu.vector_store %arg6[%swap3A], %broadcast_in_dim3A_1 {strides = array<i32>} : memref<10240xf32, #tpu.memory_space<vmem>>, vector<16xf32>,
    }
    %scan3A_8 = arith.constant 640 : i32
    %run_scoped3A = arith.constant 0 : i32
    "tpu.region"() ({
      %run_scoped3A_29 = tpu.sem_alloc : memref<!tpu.dma_semaphore, #tpu.memory_space<semaphore_mem>>
      %dma_start3A = arith.constant 0 : i32
      %dma_start3A_30 = arith.constant 0 : i32
      %dma_start3A_31 = tpu.memref_slice %arg5[%run_scoped3A, %dma_start3A, %dma_start3A_30] : memref<2x16x128xi32, #tpu.memory_space<vmem>> -> memref<1x16x128xi32, #tpu.memory_space<vmem>>
      %dma_start3A_32 = tpu.memref_squeeze %dma_start3A_31 : memref<1x16x128xi32, #tpu.memory_space<vmem>> -> memref<16x128xi32, #tpu.memory_space<vmem>>
      %dma_start3A_33 = arith.constant 0 : i32
      %dma_start3A_34 = arith.constant 0 : i32
      %dma_start3A_35 = tpu.memref_slice %arg2[%add3A, %dma_start3A_33, %dma_start3A_34] : memref<32x80x128xi32, #tpu.memory_space<hbm>> -> memref<1x16x128xi32, #tpu.memory_space<hbm>>
      %dma_start3A_36 = tpu.memref_squeeze %dma_start3A_35 : memref<1x16x128xi32, #tpu.memory_space<hbm>> -> memref<16x128xi32, #tpu.memory_space<hbm>>
      %dma_start3A_37 = arith.constant 0 : i32
      %dma_start3A_38 = arith.constant 0 : i32
      %dma_start3A_39 = tpu.memref_slice %arg5[%run_scoped3A, %dma_start3A_37, %dma_start3A_38] : memref<2x16x128xi32, #tpu.memory_space<vmem>> -> memref<1x16x128xi32, #tpu.memory_space<vmem>>
      %dma_start3A_40 = tpu.memref_squeeze %dma_start3A_39 : memref<1x16x128xi32, #tpu.memory_space<vmem>> -> memref<16x128xi32, #tpu.memory_space<vmem>>
      %dma_start3A_41 = arith.constant 0 : i32
      %dma_start3A_42 = arith.constant 0 : i32
      %dma_start3A_43 = tpu.memref_slice %arg2[%add3A, %dma_start3A_41, %dma_start3A_42] : memref<32x80x128xi32, #tpu.memory_space<hbm>> -> memref<1x16x128xi32, #tpu.memory_space<hbm>>
      %dma_start3A_44 = tpu.memref_squeeze %dma_start3A_43 : memref<1x16x128xi32, #tpu.memory_space<hbm>> -> memref<16x128xi32, #tpu.memory_space<hbm>>
      tpu.enqueue_dma source(%dma_start3A_44 : memref<16x128xi32, #tpu.memory_space<hbm>>) target(%dma_start3A_40 : memref<16x128xi32, #tpu.memory_space<vmem>>) target_semaphore(%run_scoped3A_29 : memref<!tpu.dma_semaphore, #tpu.memory_space<semaphore_mem>>)
      %dma_wait3A = arith.constant 0 : i32
      %dma_wait3A_45 = arith.constant 0 : i32
      %dma_wait3A_46 = tpu.memref_slice %arg5[%run_scoped3A, %dma_wait3A, %dma_wait3A_45] : memref<2x16x128xi32, #tpu.memory_space<vmem>> -> memref<1x16x128xi32, #tpu.memory_space<vmem>>
      %dma_wait3A_47 = tpu.memref_squeeze %dma_wait3A_46 : memref<1x16x128xi32, #tpu.memory_space<vmem>> -> memref<16x128xi32, #tpu.memory_space<vmem>>
      %dma_wait3A_48 = arith.constant 0 : i32
      %dma_wait3A_49 = arith.constant 0 : i32
      %dma_wait3A_50 = tpu.memref_slice %arg2[%add3A, %dma_wait3A_48, %dma_wait3A_49] : memref<32x80x128xi32, #tpu.memory_space<hbm>> -> memref<1x16x128xi32, #tpu.memory_space<hbm>>
      %dma_wait3A_51 = tpu.memref_squeeze %dma_wait3A_50 : memref<1x16x128xi32, #tpu.memory_space<hbm>> -> memref<16x128xi32, #tpu.memory_space<hbm>>
      %dma_wait3A_52 = arith.constant 0 : i32
      %dma_wait3A_53 = arith.constant 0 : i32
      %dma_wait3A_54 = tpu.memref_slice %arg5[%run_scoped3A, %dma_wait3A_52, %dma_wait3A_53] : memref<2x16x128xi32, #tpu.memory_space<vmem>> -> memref<1x16x128xi32, #tpu.memory_space<vmem>>
      %dma_wait3A_55 = tpu.memref_squeeze %dma_wait3A_54 : memref<1x16x128xi32, #tpu.memory_space<vmem>> -> memref<16x128xi32, #tpu.memory_space<vmem>>
      %dma_wait3A_56 = arith.constant 0 : i32
      %dma_wait3A_57 = arith.constant 0 : i32
      %dma_wait3A_58 = tpu.memref_slice %arg2[%add3A, %dma_wait3A_56, %dma_wait3A_57] : memref<32x80x128xi32, #tpu.memory_space<hbm>> -> memref<1x16x128xi32, #tpu.memory_space<hbm>>
      %dma_wait3A_59 = tpu.memref_squeeze %dma_wait3A_58 : memref<1x16x128xi32, #tpu.memory_space<hbm>> -> memref<16x128xi32, #tpu.memory_space<hbm>>
      tpu.wait_dma2 semaphore(%run_scoped3A_29 : memref<!tpu.dma_semaphore, #tpu.memory_space<semaphore_mem>>) src(%dma_wait3A_59 : memref<16x128xi32, #tpu.memory_space<hbm>>) dst(%dma_wait3A_55 : memref<16x128xi32, #tpu.memory_space<vmem>>)
      tpu.yield
    }) : () -> ()
    %scan3A_9 = arith.constant 0 : i32
    %scan3A_10 = arith.constant 0 : i32
    %scan3A_11 = arith.constant 5 : i32
    %scan3A_12 = arith.addi %scan3A_10, %scan3A_11 : i32
    %scan3A_13 = arith.constant 1 : i32
    scf.for %scan3A_29 = %scan3A_10 to %scan3A_12 step %scan3A_13  : i32 {
      %rem3A = arith.constant 2 : i32
      %rem3A_30 = arith.remsi %scan3A_29, %rem3A : i32
      %add3A_31 = arith.constant 1 : i32
      %add3A_32 = arith.addi %scan3A_29, %add3A_31 : i32
      %min3A = arith.constant 4 : i32
      %min3A_33 = arith.minsi %add3A_32, %min3A : i32
      %mul3A_34 = arith.constant 16 : i32
      %mul3A_35 = arith.muli %min3A_33, %mul3A_34 : i32
      %sub3A = arith.constant 1 : i32
      %sub3A_36 = arith.subi %sub3A, %rem3A_30 : i32
      %dma_start3A = arith.constant 0 : i32
      %dma_start3A_37 = arith.constant 0 : i32
      %dma_start3A_38 = tpu.memref_slice %arg5[%sub3A_36, %dma_start3A, %dma_start3A_37] : memref<2x16x128xi32, #tpu.memory_space<vmem>> -> memref<1x16x128xi32, #tpu.memory_space<vmem>>
      %dma_start3A_39 = tpu.memref_squeeze %dma_start3A_38 : memref<1x16x128xi32, #tpu.memory_space<vmem>> -> memref<16x128xi32, #tpu.memory_space<vmem>>
      %dma_start3A_40 = arith.constant 0 : i32
      %dma_start3A_41 = tpu.memref_slice %arg2[%add3A, %mul3A_35, %dma_start3A_40] : memref<32x80x128xi32, #tpu.memory_space<hbm>> -> memref<1x16x128xi32, #tpu.memory_space<hbm>>
      %dma_start3A_42 = tpu.memref_squeeze %dma_start3A_41 : memref<1x16x128xi32, #tpu.memory_space<hbm>> -> memref<16x128xi32, #tpu.memory_space<hbm>>
      %dma_start3A_43 = arith.constant 0 : i32
      %dma_start3A_44 = arith.constant 0 : i32
      %dma_start3A_45 = tpu.memref_slice %arg5[%sub3A_36, %dma_start3A_43, %dma_start3A_44] : memref<2x16x128xi32, #tpu.memory_space<vmem>> -> memref<1x16x128xi32, #tpu.memory_space<vmem>>
      %dma_start3A_46 = tpu.memref_squeeze %dma_start3A_45 : memref<1x16x128xi32, #tpu.memory_space<vmem>> -> memref<16x128xi32, #tpu.memory_space<vmem>>
      %dma_start3A_47 = arith.constant 0 : i32
      %dma_start3A_48 = tpu.memref_slice %arg2[%add3A, %mul3A_35, %dma_start3A_47] : memref<32x80x128xi32, #tpu.memory_space<hbm>> -> memref<1x16x128xi32, #tpu.memory_space<hbm>>
      %dma_start3A_49 = tpu.memref_squeeze %dma_start3A_48 : memref<1x16x128xi32, #tpu.memory_space<hbm>> -> memref<16x128xi32, #tpu.memory_space<hbm>>
      tpu.enqueue_dma source(%dma_start3A_49 : memref<16x128xi32, #tpu.memory_space<hbm>>) target(%dma_start3A_46 : memref<16x128xi32, #tpu.memory_space<vmem>>) target_semaphore(%arg9 : memref<!tpu.dma_semaphore, #tpu.memory_space<semaphore_mem>>)
      %get3A = arith.constant 0 : i32
      %get3A_50 = arith.index_cast %rem3A_30 : i32 to index
      %get3A_51 = arith.index_cast %get3A : i32 to index
      %get3A_52 = arith.constant 0 : index
      %get3A_53 = tpu.vector_load %arg5[%get3A_50, %get3A_51, %get3A_52] {strides = array<i32>} : memref<2x16x128xi32, #tpu.memory_space<vmem>>, vector<16xi32>,
      tpu.vector_store_idx %arg6[%get3A_53], %broadcast_in_dim3A_3 {add = true} : memref<10240xf32, #tpu.memory_space<vmem>>[vector<16xi32>], vector<16xf32>,
      %get3A_54 = arith.constant 0 : i32
      %get3A_55 = arith.index_cast %rem3A_30 : i32 to index
      %get3A_56 = arith.index_cast %get3A_54 : i32 to index
      %get3A_57 = arith.constant 16 : index
      %get3A_58 = tpu.vector_load %arg5[%get3A_55, %get3A_56, %get3A_57] {strides = array<i32>} : memref<2x16x128xi32, #tpu.memory_space<vmem>>, vector<16xi32>,
      tpu.vector_store_idx %arg6[%get3A_58], %broadcast_in_dim3A_3 {add = true} : memref<10240xf32, #tpu.memory_space<vmem>>[vector<16xi32>], vector<16xf32>,
      %get3A_59 = arith.constant 0 : i32
      %get3A_60 = arith.index_cast %rem3A_30 : i32 to index
      %get3A_61 = arith.index_cast %get3A_59 : i32 to index
      %get3A_62 = arith.constant 32 : index
      %get3A_63 = tpu.vector_load %arg5[%get3A_60, %get3A_61, %get3A_62] {strides = array<i32>} : memref<2x16x128xi32, #tpu.memory_space<vmem>>, vector<16xi32>,
      tpu.vector_store_idx %arg6[%get3A_63], %broadcast_in_dim3A_3 {add = true} : memref<10240xf32, #tpu.memory_space<vmem>>[vector<16xi32>], vector<16xf32>,
      %get3A_64 = arith.constant 0 : i32
      %get3A_65 = arith.index_cast %rem3A_30 : i32 to index
      %get3A_66 = arith.index_cast %get3A_64 : i32 to index
      %get3A_67 = arith.constant 48 : index
      %get3A_68 = tpu.vector_load %arg5[%get3A_65, %get3A_66, %get3A_67] {strides = array<i32>} : memref<2x16x128xi32, #tpu.memory_space<vmem>>, vector<16xi32>,
      tpu.vector_store_idx %arg6[%get3A_68], %broadcast_in_dim3A_3 {add = true} : memref<10240xf32, #tpu.memory_space<vmem>>[vector<16xi32>], vector<16xf32>,
      %get3A_69 = arith.constant 0 : i32
      %get3A_70 = arith.index_cast %rem3A_30 : i32 to index
      %get3A_71 = arith.index_cast %get3A_69 : i32 to index
      %get3A_72 = arith.constant 64 : index
      %get3A_73 = tpu.vector_load %arg5[%get3A_70, %get3A_71, %get3A_72] {strides = array<i32>} : memref<2x16x128xi32, #tpu.memory_space<vmem>>, vector<16xi32>,
      tpu.vector_store_idx %arg6[%get3A_73], %broadcast_in_dim3A_3 {add = true} : memref<10240xf32, #tpu.memory_space<vmem>>[vector<16xi32>], vector<16xf32>,
      %get3A_74 = arith.constant 0 : i32
      %get3A_75 = arith.index_cast %rem3A_30 : i32 to index
      %get3A_76 = arith.index_cast %get3A_74 : i32 to index
      %get3A_77 = arith.constant 80 : index
      %get3A_78 = tpu.vector_load %arg5[%get3A_75, %get3A_76, %get3A_77] {strides = array<i32>} : memref<2x16x128xi32, #tpu.memory_space<vmem>>, vector<16xi32>,
      tpu.vector_store_idx %arg6[%get3A_78], %broadcast_in_dim3A_3 {add = true} : memref<10240xf32, #tpu.memory_space<vmem>>[vector<16xi32>], vector<16xf32>,
      %get3A_79 = arith.constant 0 : i32
      %get3A_80 = arith.index_cast %rem3A_30 : i32 to index
      %get3A_81 = arith.index_cast %get3A_79 : i32 to index
      %get3A_82 = arith.constant 96 : index
      %get3A_83 = tpu.vector_load %arg5[%get3A_80, %get3A_81, %get3A_82] {strides = array<i32>} : memref<2x16x128xi32, #tpu.memory_space<vmem>>, vector<16xi32>,
      tpu.vector_store_idx %arg6[%get3A_83], %broadcast_in_dim3A_3 {add = true} : memref<10240xf32, #tpu.memory_space<vmem>>[vector<16xi32>], vector<16xf32>,
      %get3A_84 = arith.constant 0 : i32
      %get3A_85 = arith.index_cast %rem3A_30 : i32 to index
      %get3A_86 = arith.index_cast %get3A_84 : i32 to index
      %get3A_87 = arith.constant 112 : index
      %get3A_88 = tpu.vector_load %arg5[%get3A_85, %get3A_86, %get3A_87] {strides = array<i32>} : memref<2x16x128xi32, #tpu.memory_space<vmem>>, vector<16xi32>,
      tpu.vector_store_idx %arg6[%get3A_88], %broadcast_in_dim3A_3 {add = true} : memref<10240xf32, #tpu.memory_space<vmem>>[vector<16xi32>], vector<16xf32>,
      %get3A_89 = arith.constant 1 : i32
      %get3A_90 = arith.index_cast %rem3A_30 : i32 to index
      %get3A_91 = arith.index_cast %get3A_89 : i32 to index
      %get3A_92 = arith.constant 0 : index
      %get3A_93 = tpu.vector_load %arg5[%get3A_90, %get3A_91, %get3A_92] {strides = array<i32>} : memref<2x16x128xi32, #tpu.memory_space<vmem>>, vector<16xi32>,
      tpu.vector_store_idx %arg6[%get3A_93], %broadcast_in_dim3A_3 {add = true} : memref<10240xf32, #tpu.memory_space<vmem>>[vector<16xi32>], vector<16xf32>,
      %get3A_94 = arith.constant 1 : i32
      %get3A_95 = arith.index_cast %rem3A_30 : i32 to index
      %get3A_96 = arith.index_cast %get3A_94 : i32 to index
      %get3A_97 = arith.constant 16 : index
      %get3A_98 = tpu.vector_load %arg5[%get3A_95, %get3A_96, %get3A_97] {strides = array<i32>} : memref<2x16x128xi32, #tpu.memory_space<vmem>>, vector<16xi32>,
      tpu.vector_store_idx %arg6[%get3A_98], %broadcast_in_dim3A_3 {add = true} : memref<10240xf32, #tpu.memory_space<vmem>>[vector<16xi32>], vector<16xf32>,
      %get3A_99 = arith.constant 1 : i32
      %get3A_100 = arith.index_cast %rem3A_30 : i32 to index
      %get3A_101 = arith.index_cast %get3A_99 : i32 to index
      %get3A_102 = arith.constant 32 : index
      %get3A_103 = tpu.vector_load %arg5[%get3A_100, %get3A_101, %get3A_102] {strides = array<i32>} : memref<2x16x128xi32, #tpu.memory_space<vmem>>, vector<16xi32>,
      tpu.vector_store_idx %arg6[%get3A_103], %broadcast_in_dim3A_3 {add = true} : memref<10240xf32, #tpu.memory_space<vmem>>[vector<16xi32>], vector<16xf32>,
      %get3A_104 = arith.constant 1 : i32
      %get3A_105 = arith.index_cast %rem3A_30 : i32 to index
      %get3A_106 = arith.index_cast %get3A_104 : i32 to index
      %get3A_107 = arith.constant 48 : index
      %get3A_108 = tpu.vector_load %arg5[%get3A_105, %get3A_106, %get3A_107] {strides = array<i32>} : memref<2x16x128xi32, #tpu.memory_space<vmem>>, vector<16xi32>,
      tpu.vector_store_idx %arg6[%get3A_108], %broadcast_in_dim3A_3 {add = true} : memref<10240xf32, #tpu.memory_space<vmem>>[vector<16xi32>], vector<16xf32>,
      %get3A_109 = arith.constant 1 : i32
      %get3A_110 = arith.index_cast %rem3A_30 : i32 to index
      %get3A_111 = arith.index_cast %get3A_109 : i32 to index
      %get3A_112 = arith.constant 64 : index
      %get3A_113 = tpu.vector_load %arg5[%get3A_110, %get3A_111, %get3A_112] {strides = array<i32>} : memref<2x16x128xi32, #tpu.memory_space<vmem>>, vector<16xi32>,
      tpu.vector_store_idx %arg6[%get3A_113], %broadcast_in_dim3A_3 {add = true} : memref<10240xf32, #tpu.memory_space<vmem>>[vector<16xi32>], vector<16xf32>,
      %get3A_114 = arith.constant 1 : i32
      %get3A_115 = arith.index_cast %rem3A_30 : i32 to index
      %get3A_116 = arith.index_cast %get3A_114 : i32 to index
      %get3A_117 = arith.constant 80 : index
      %get3A_118 = tpu.vector_load %arg5[%get3A_115, %get3A_116, %get3A_117] {strides = array<i32>} : memref<2x16x128xi32, #tpu.memory_space<vmem>>, vector<16xi32>,
      tpu.vector_store_idx %arg6[%get3A_118], %broadcast_in_dim3A_3 {add = true} : memref<10240xf32, #tpu.memory_space<vmem>>[vector<16xi32>], vector<16xf32>,
      %get3A_119 = arith.constant 1 : i32
      %get3A_120 = arith.index_cast %rem3A_30 : i32 to index
      %get3A_121 = arith.index_cast %get3A_119 : i32 to index
      %get3A_122 = arith.constant 96 : index
      %get3A_123 = tpu.vector_load %arg5[%get3A_120, %get3A_121, %get3A_122] {strides = array<i32>} : memref<2x16x128xi32, #tpu.memory_space<vmem>>, vector<16xi32>,
      tpu.vector_store_idx %arg6[%get3A_123], %broadcast_in_dim3A_3 {add = true} : memref<10240xf32, #tpu.memory_space<vmem>>[vector<16xi32>], vector<16xf32>,
      %get3A_124 = arith.constant 1 : i32
      %get3A_125 = arith.index_cast %rem3A_30 : i32 to index
      %get3A_126 = arith.index_cast %get3A_124 : i32 to index
      %get3A_127 = arith.constant 112 : index
      %get3A_128 = tpu.vector_load %arg5[%get3A_125, %get3A_126, %get3A_127] {strides = array<i32>} : memref<2x16x128xi32, #tpu.memory_space<vmem>>, vector<16xi32>,
      tpu.vector_store_idx %arg6[%get3A_128], %broadcast_in_dim3A_3 {add = true} : memref<10240xf32, #tpu.memory_space<vmem>>[vector<16xi32>], vector<16xf32>,
      %get3A_129 = arith.constant 2 : i32
      %get3A_130 = arith.index_cast %rem3A_30 : i32 to index
      %get3A_131 = arith.index_cast %get3A_129 : i32 to index
      %get3A_132 = arith.constant 0 : index
      %get3A_133 = tpu.vector_load %arg5[%get3A_130, %get3A_131, %get3A_132] {strides = array<i32>} : memref<2x16x128xi32, #tpu.memory_space<vmem>>, vector<16xi32>,
      tpu.vector_store_idx %arg6[%get3A_133], %broadcast_in_dim3A_3 {add = true} : memref<10240xf32, #tpu.memory_space<vmem>>[vector<16xi32>], vector<16xf32>,
      %get3A_134 = arith.constant 2 : i32
      %get3A_135 = arith.index_cast %rem3A_30 : i32 to index
      %get3A_136 = arith.index_cast %get3A_134 : i32 to index
      %get3A_137 = arith.constant 16 : index
      %get3A_138 = tpu.vector_load %arg5[%get3A_135, %get3A_136, %get3A_137] {strides = array<i32>} : memref<2x16x128xi32, #tpu.memory_space<vmem>>, vector<16xi32>,
      tpu.vector_store_idx %arg6[%get3A_138], %broadcast_in_dim3A_3 {add = true} : memref<10240xf32, #tpu.memory_space<vmem>>[vector<16xi32>], vector<16xf32>,
      %get3A_139 = arith.constant 2 : i32
      %get3A_140 = arith.index_cast %rem3A_30 : i32 to index
      %get3A_141 = arith.index_cast %get3A_139 : i32 to index
      %get3A_142 = arith.constant 32 : index
      %get3A_143 = tpu.vector_load %arg5[%get3A_140, %get3A_141, %get3A_142] {strides = array<i32>} : memref<2x16x128xi32, #tpu.memory_space<vmem>>, vector<16xi32>,
      tpu.vector_store_idx %arg6[%get3A_143], %broadcast_in_dim3A_3 {add = true} : memref<10240xf32, #tpu.memory_space<vmem>>[vector<16xi32>], vector<16xf32>,
      %get3A_144 = arith.constant 2 : i32
      %get3A_145 = arith.index_cast %rem3A_30 : i32 to index
      %get3A_146 = arith.index_cast %get3A_144 : i32 to index
      %get3A_147 = arith.constant 48 : index
      %get3A_148 = tpu.vector_load %arg5[%get3A_145, %get3A_146, %get3A_147] {strides = array<i32>} : memref<2x16x128xi32, #tpu.memory_space<vmem>>, vector<16xi32>,
      tpu.vector_store_idx %arg6[%get3A_148], %broadcast_in_dim3A_3 {add = true} : memref<10240xf32, #tpu.memory_space<vmem>>[vector<16xi32>], vector<16xf32>,
      %get3A_149 = arith.constant 2 : i32
      %get3A_150 = arith.index_cast %rem3A_30 : i32 to index
      %get3A_151 = arith.index_cast %get3A_149 : i32 to index
      %get3A_152 = arith.constant 64 : index
      %get3A_153 = tpu.vector_load %arg5[%get3A_150, %get3A_151, %get3A_152] {strides = array<i32>} : memref<2x16x128xi32, #tpu.memory_space<vmem>>, vector<16xi32>,
      tpu.vector_store_idx %arg6[%get3A_153], %broadcast_in_dim3A_3 {add = true} : memref<10240xf32, #tpu.memory_space<vmem>>[vector<16xi32>], vector<16xf32>,
      %get3A_154 = arith.constant 2 : i32
      %get3A_155 = arith.index_cast %rem3A_30 : i32 to index
      %get3A_156 = arith.index_cast %get3A_154 : i32 to index
      %get3A_157 = arith.constant 80 : index
      %get3A_158 = tpu.vector_load %arg5[%get3A_155, %get3A_156, %get3A_157] {strides = array<i32>} : memref<2x16x128xi32, #tpu.memory_space<vmem>>, vector<16xi32>,
      tpu.vector_store_idx %arg6[%get3A_158], %broadcast_in_dim3A_3 {add = true} : memref<10240xf32, #tpu.memory_space<vmem>>[vector<16xi32>], vector<16xf32>,
      %get3A_159 = arith.constant 2 : i32
      %get3A_160 = arith.index_cast %rem3A_30 : i32 to index
      %get3A_161 = arith.index_cast %get3A_159 : i32 to index
      %get3A_162 = arith.constant 96 : index
      %get3A_163 = tpu.vector_load %arg5[%get3A_160, %get3A_161, %get3A_162] {strides = array<i32>} : memref<2x16x128xi32, #tpu.memory_space<vmem>>, vector<16xi32>,
      tpu.vector_store_idx %arg6[%get3A_163], %broadcast_in_dim3A_3 {add = true} : memref<10240xf32, #tpu.memory_space<vmem>>[vector<16xi32>], vector<16xf32>,
      %get3A_164 = arith.constant 2 : i32
      %get3A_165 = arith.index_cast %rem3A_30 : i32 to index
      %get3A_166 = arith.index_cast %get3A_164 : i32 to index
      %get3A_167 = arith.constant 112 : index
      %get3A_168 = tpu.vector_load %arg5[%get3A_165, %get3A_166, %get3A_167] {strides = array<i32>} : memref<2x16x128xi32, #tpu.memory_space<vmem>>, vector<16xi32>,
      tpu.vector_store_idx %arg6[%get3A_168], %broadcast_in_dim3A_3 {add = true} : memref<10240xf32, #tpu.memory_space<vmem>>[vector<16xi32>], vector<16xf32>,
      %get3A_169 = arith.constant 3 : i32
      %get3A_170 = arith.index_cast %rem3A_30 : i32 to index
      %get3A_171 = arith.index_cast %get3A_169 : i32 to index
      %get3A_172 = arith.constant 0 : index
      %get3A_173 = tpu.vector_load %arg5[%get3A_170, %get3A_171, %get3A_172] {strides = array<i32>} : memref<2x16x128xi32, #tpu.memory_space<vmem>>, vector<16xi32>,
      tpu.vector_store_idx %arg6[%get3A_173], %broadcast_in_dim3A_3 {add = true} : memref<10240xf32, #tpu.memory_space<vmem>>[vector<16xi32>], vector<16xf32>,
      %get3A_174 = arith.constant 3 : i32
      %get3A_175 = arith.index_cast %rem3A_30 : i32 to index
      %get3A_176 = arith.index_cast %get3A_174 : i32 to index
      %get3A_177 = arith.constant 16 : index
      %get3A_178 = tpu.vector_load %arg5[%get3A_175, %get3A_176, %get3A_177] {strides = array<i32>} : memref<2x16x128xi32, #tpu.memory_space<vmem>>, vector<16xi32>,
      tpu.vector_store_idx %arg6[%get3A_178], %broadcast_in_dim3A_3 {add = true} : memref<10240xf32, #tpu.memory_space<vmem>>[vector<16xi32>], vector<16xf32>,
      %get3A_179 = arith.constant 3 : i32
      %get3A_180 = arith.index_cast %rem3A_30 : i32 to index
      %get3A_181 = arith.index_cast %get3A_179 : i32 to index
      %get3A_182 = arith.constant 32 : index
      %get3A_183 = tpu.vector_load %arg5[%get3A_180, %get3A_181, %get3A_182] {strides = array<i32>} : memref<2x16x128xi32, #tpu.memory_space<vmem>>, vector<16xi32>,
      tpu.vector_store_idx %arg6[%get3A_183], %broadcast_in_dim3A_3 {add = true} : memref<10240xf32, #tpu.memory_space<vmem>>[vector<16xi32>], vector<16xf32>,
      %get3A_184 = arith.constant 3 : i32
      %get3A_185 = arith.index_cast %rem3A_30 : i32 to index
      %get3A_186 = arith.index_cast %get3A_184 : i32 to index
      %get3A_187 = arith.constant 48 : index
      %get3A_188 = tpu.vector_load %arg5[%get3A_185, %get3A_186, %get3A_187] {strides = array<i32>} : memref<2x16x128xi32, #tpu.memory_space<vmem>>, vector<16xi32>,
      tpu.vector_store_idx %arg6[%get3A_188], %broadcast_in_dim3A_3 {add = true} : memref<10240xf32, #tpu.memory_space<vmem>>[vector<16xi32>], vector<16xf32>,
      %get3A_189 = arith.constant 3 : i32
      %get3A_190 = arith.index_cast %rem3A_30 : i32 to index
      %get3A_191 = arith.index_cast %get3A_189 : i32 to index
      %get3A_192 = arith.constant 64 : index
      %get3A_193 = tpu.vector_load %arg5[%get3A_190, %get3A_191, %get3A_192] {strides = array<i32>} : memref<2x16x128xi32, #tpu.memory_space<vmem>>, vector<16xi32>,
      tpu.vector_store_idx %arg6[%get3A_193], %broadcast_in_dim3A_3 {add = true} : memref<10240xf32, #tpu.memory_space<vmem>>[vector<16xi32>], vector<16xf32>,
      %get3A_194 = arith.constant 3 : i32
      %get3A_195 = arith.index_cast %rem3A_30 : i32 to index
      %get3A_196 = arith.index_cast %get3A_194 : i32 to index
      %get3A_197 = arith.constant 80 : index
      %get3A_198 = tpu.vector_load %arg5[%get3A_195, %get3A_196, %get3A_197] {strides = array<i32>} : memref<2x16x128xi32, #tpu.memory_space<vmem>>, vector<16xi32>,
      tpu.vector_store_idx %arg6[%get3A_198], %broadcast_in_dim3A_3 {add = true} : memref<10240xf32, #tpu.memory_space<vmem>>[vector<16xi32>], vector<16xf32>,
      %get3A_199 = arith.constant 3 : i32
      %get3A_200 = arith.index_cast %rem3A_30 : i32 to index
      %get3A_201 = arith.index_cast %get3A_199 : i32 to index
      %get3A_202 = arith.constant 96 : index
      %get3A_203 = tpu.vector_load %arg5[%get3A_200, %get3A_201, %get3A_202] {strides = array<i32>} : memref<2x16x128xi32, #tpu.memory_space<vmem>>, vector<16xi32>,
      tpu.vector_store_idx %arg6[%get3A_203], %broadcast_in_dim3A_3 {add = true} : memref<10240xf32, #tpu.memory_space<vmem>>[vector<16xi32>], vector<16xf32>,
      %get3A_204 = arith.constant 3 : i32
      %get3A_205 = arith.index_cast %rem3A_30 : i32 to index
      %get3A_206 = arith.index_cast %get3A_204 : i32 to index
      %get3A_207 = arith.constant 112 : index
      %get3A_208 = tpu.vector_load %arg5[%get3A_205, %get3A_206, %get3A_207] {strides = array<i32>} : memref<2x16x128xi32, #tpu.memory_space<vmem>>, vector<16xi32>,
      tpu.vector_store_idx %arg6[%get3A_208], %broadcast_in_dim3A_3 {add = true} : memref<10240xf32, #tpu.memory_space<vmem>>[vector<16xi32>], vector<16xf32>,
      %get3A_209 = arith.constant 4 : i32
      %get3A_210 = arith.index_cast %rem3A_30 : i32 to index
      %get3A_211 = arith.index_cast %get3A_209 : i32 to index
      %get3A_212 = arith.constant 0 : index
      %get3A_213 = tpu.vector_load %arg5[%get3A_210, %get3A_211, %get3A_212] {strides = array<i32>} : memref<2x16x128xi32, #tpu.memory_space<vmem>>, vector<16xi32>,
      tpu.vector_store_idx %arg6[%get3A_213], %broadcast_in_dim3A_3 {add = true} : memref<10240xf32, #tpu.memory_space<vmem>>[vector<16xi32>], vector<16xf32>,
      %get3A_214 = arith.constant 4 : i32
      %get3A_215 = arith.index_cast %rem3A_30 : i32 to index
      %get3A_216 = arith.index_cast %get3A_214 : i32 to index
      %get3A_217 = arith.constant 16 : index
      %get3A_218 = tpu.vector_load %arg5[%get3A_215, %get3A_216, %get3A_217] {strides = array<i32>} : memref<2x16x128xi32, #tpu.memory_space<vmem>>, vector<16xi32>,
      tpu.vector_store_idx %arg6[%get3A_218], %broadcast_in_dim3A_3 {add = true} : memref<10240xf32, #tpu.memory_space<vmem>>[vector<16xi32>], vector<16xf32>,
      %get3A_219 = arith.constant 4 : i32
      %get3A_220 = arith.index_cast %rem3A_30 : i32 to index
      %get3A_221 = arith.index_cast %get3A_219 : i32 to index
      %get3A_222 = arith.constant 32 : index
      %get3A_223 = tpu.vector_load %arg5[%get3A_220, %get3A_221, %get3A_222] {strides = array<i32>} : memref<2x16x128xi32, #tpu.memory_space<vmem>>, vector<16xi32>,
      tpu.vector_store_idx %arg6[%get3A_223], %broadcast_in_dim3A_3 {add = true} : memref<10240xf32, #tpu.memory_space<vmem>>[vector<16xi32>], vector<16xf32>,
      %get3A_224 = arith.constant 4 : i32
      %get3A_225 = arith.index_cast %rem3A_30 : i32 to index
      %get3A_226 = arith.index_cast %get3A_224 : i32 to index
      %get3A_227 = arith.constant 48 : index
      %get3A_228 = tpu.vector_load %arg5[%get3A_225, %get3A_226, %get3A_227] {strides = array<i32>} : memref<2x16x128xi32, #tpu.memory_space<vmem>>, vector<16xi32>,
      tpu.vector_store_idx %arg6[%get3A_228], %broadcast_in_dim3A_3 {add = true} : memref<10240xf32, #tpu.memory_space<vmem>>[vector<16xi32>], vector<16xf32>,
      %get3A_229 = arith.constant 4 : i32
      %get3A_230 = arith.index_cast %rem3A_30 : i32 to index
      %get3A_231 = arith.index_cast %get3A_229 : i32 to index
      %get3A_232 = arith.constant 64 : index
      %get3A_233 = tpu.vector_load %arg5[%get3A_230, %get3A_231, %get3A_232] {strides = array<i32>} : memref<2x16x128xi32, #tpu.memory_space<vmem>>, vector<16xi32>,
      tpu.vector_store_idx %arg6[%get3A_233], %broadcast_in_dim3A_3 {add = true} : memref<10240xf32, #tpu.memory_space<vmem>>[vector<16xi32>], vector<16xf32>,
      %get3A_234 = arith.constant 4 : i32
      %get3A_235 = arith.index_cast %rem3A_30 : i32 to index
      %get3A_236 = arith.index_cast %get3A_234 : i32 to index
      %get3A_237 = arith.constant 80 : index
      %get3A_238 = tpu.vector_load %arg5[%get3A_235, %get3A_236, %get3A_237] {strides = array<i32>} : memref<2x16x128xi32, #tpu.memory_space<vmem>>, vector<16xi32>,
      tpu.vector_store_idx %arg6[%get3A_238], %broadcast_in_dim3A_3 {add = true} : memref<10240xf32, #tpu.memory_space<vmem>>[vector<16xi32>], vector<16xf32>,
      %get3A_239 = arith.constant 4 : i32
      %get3A_240 = arith.index_cast %rem3A_30 : i32 to index
      %get3A_241 = arith.index_cast %get3A_239 : i32 to index
      %get3A_242 = arith.constant 96 : index
      %get3A_243 = tpu.vector_load %arg5[%get3A_240, %get3A_241, %get3A_242] {strides = array<i32>} : memref<2x16x128xi32, #tpu.memory_space<vmem>>, vector<16xi32>,
      tpu.vector_store_idx %arg6[%get3A_243], %broadcast_in_dim3A_3 {add = true} : memref<10240xf32, #tpu.memory_space<vmem>>[vector<16xi32>], vector<16xf32>,
      %get3A_244 = arith.constant 4 : i32
      %get3A_245 = arith.index_cast %rem3A_30 : i32 to index
      %get3A_246 = arith.index_cast %get3A_244 : i32 to index
      %get3A_247 = arith.constant 112 : index
      %get3A_248 = tpu.vector_load %arg5[%get3A_245, %get3A_246, %get3A_247] {strides = array<i32>} : memref<2x16x128xi32, #tpu.memory_space<vmem>>, vector<16xi32>,
      tpu.vector_store_idx %arg6[%get3A_248], %broadcast_in_dim3A_3 {add = true} : memref<10240xf32, #tpu.memory_space<vmem>>[vector<16xi32>], vector<16xf32>,
      %get3A_249 = arith.constant 5 : i32
      %get3A_250 = arith.index_cast %rem3A_30 : i32 to index
      %get3A_251 = arith.index_cast %get3A_249 : i32 to index
      %get3A_252 = arith.constant 0 : index
      %get3A_253 = tpu.vector_load %arg5[%get3A_250, %get3A_251, %get3A_252] {strides = array<i32>} : memref<2x16x128xi32, #tpu.memory_space<vmem>>, vector<16xi32>,
      tpu.vector_store_idx %arg6[%get3A_253], %broadcast_in_dim3A_3 {add = true} : memref<10240xf32, #tpu.memory_space<vmem>>[vector<16xi32>], vector<16xf32>,
      %get3A_254 = arith.constant 5 : i32
      %get3A_255 = arith.index_cast %rem3A_30 : i32 to index
      %get3A_256 = arith.index_cast %get3A_254 : i32 to index
      %get3A_257 = arith.constant 16 : index
      %get3A_258 = tpu.vector_load %arg5[%get3A_255, %get3A_256, %get3A_257] {strides = array<i32>} : memref<2x16x128xi32, #tpu.memory_space<vmem>>, vector<16xi32>,
      tpu.vector_store_idx %arg6[%get3A_258], %broadcast_in_dim3A_3 {add = true} : memref<10240xf32, #tpu.memory_space<vmem>>[vector<16xi32>], vector<16xf32>,
      %get3A_259 = arith.constant 5 : i32
      %get3A_260 = arith.index_cast %rem3A_30 : i32 to index
      %get3A_261 = arith.index_cast %get3A_259 : i32 to index
      %get3A_262 = arith.constant 32 : index
      %get3A_263 = tpu.vector_load %arg5[%get3A_260, %get3A_261, %get3A_262] {strides = array<i32>} : memref<2x16x128xi32, #tpu.memory_space<vmem>>, vector<16xi32>,
      tpu.vector_store_idx %arg6[%get3A_263], %broadcast_in_dim3A_3 {add = true} : memref<10240xf32, #tpu.memory_space<vmem>>[vector<16xi32>], vector<16xf32>,
      %get3A_264 = arith.constant 5 : i32
      %get3A_265 = arith.index_cast %rem3A_30 : i32 to index
      %get3A_266 = arith.index_cast %get3A_264 : i32 to index
      %get3A_267 = arith.constant 48 : index
      %get3A_268 = tpu.vector_load %arg5[%get3A_265, %get3A_266, %get3A_267] {strides = array<i32>} : memref<2x16x128xi32, #tpu.memory_space<vmem>>, vector<16xi32>,
      tpu.vector_store_idx %arg6[%get3A_268], %broadcast_in_dim3A_3 {add = true} : memref<10240xf32, #tpu.memory_space<vmem>>[vector<16xi32>], vector<16xf32>,
      %get3A_269 = arith.constant 5 : i32
      %get3A_270 = arith.index_cast %rem3A_30 : i32 to index
      %get3A_271 = arith.index_cast %get3A_269 : i32 to index
      %get3A_272 = arith.constant 64 : index
      %get3A_273 = tpu.vector_load %arg5[%get3A_270, %get3A_271, %get3A_272] {strides = array<i32>} : memref<2x16x128xi32, #tpu.memory_space<vmem>>, vector<16xi32>,
      tpu.vector_store_idx %arg6[%get3A_273], %broadcast_in_dim3A_3 {add = true} : memref<10240xf32, #tpu.memory_space<vmem>>[vector<16xi32>], vector<16xf32>,
      %get3A_274 = arith.constant 5 : i32
      %get3A_275 = arith.index_cast %rem3A_30 : i32 to index
      %get3A_276 = arith.index_cast %get3A_274 : i32 to index
      %get3A_277 = arith.constant 80 : index
      %get3A_278 = tpu.vector_load %arg5[%get3A_275, %get3A_276, %get3A_277] {strides = array<i32>} : memref<2x16x128xi32, #tpu.memory_space<vmem>>, vector<16xi32>,
      tpu.vector_store_idx %arg6[%get3A_278], %broadcast_in_dim3A_3 {add = true} : memref<10240xf32, #tpu.memory_space<vmem>>[vector<16xi32>], vector<16xf32>,
      %get3A_279 = arith.constant 5 : i32
      %get3A_280 = arith.index_cast %rem3A_30 : i32 to index
      %get3A_281 = arith.index_cast %get3A_279 : i32 to index
      %get3A_282 = arith.constant 96 : index
      %get3A_283 = tpu.vector_load %arg5[%get3A_280, %get3A_281, %get3A_282] {strides = array<i32>} : memref<2x16x128xi32, #tpu.memory_space<vmem>>, vector<16xi32>,
      tpu.vector_store_idx %arg6[%get3A_283], %broadcast_in_dim3A_3 {add = true} : memref<10240xf32, #tpu.memory_space<vmem>>[vector<16xi32>], vector<16xf32>,
      %get3A_284 = arith.constant 5 : i32
      %get3A_285 = arith.index_cast %rem3A_30 : i32 to index
      %get3A_286 = arith.index_cast %get3A_284 : i32 to index
      %get3A_287 = arith.constant 112 : index
      %get3A_288 = tpu.vector_load %arg5[%get3A_285, %get3A_286, %get3A_287] {strides = array<i32>} : memref<2x16x128xi32, #tpu.memory_space<vmem>>, vector<16xi32>,
      tpu.vector_store_idx %arg6[%get3A_288], %broadcast_in_dim3A_3 {add = true} : memref<10240xf32, #tpu.memory_space<vmem>>[vector<16xi32>], vector<16xf32>,
      %get3A_289 = arith.constant 6 : i32
      %get3A_290 = arith.index_cast %rem3A_30 : i32 to index
      %get3A_291 = arith.index_cast %get3A_289 : i32 to index
      %get3A_292 = arith.constant 0 : index
      %get3A_293 = tpu.vector_load %arg5[%get3A_290, %get3A_291, %get3A_292] {strides = array<i32>} : memref<2x16x128xi32, #tpu.memory_space<vmem>>, vector<16xi32>,
      tpu.vector_store_idx %arg6[%get3A_293], %broadcast_in_dim3A_3 {add = true} : memref<10240xf32, #tpu.memory_space<vmem>>[vector<16xi32>], vector<16xf32>,
      %get3A_294 = arith.constant 6 : i32
      %get3A_295 = arith.index_cast %rem3A_30 : i32 to index
      %get3A_296 = arith.index_cast %get3A_294 : i32 to index
      %get3A_297 = arith.constant 16 : index
      %get3A_298 = tpu.vector_load %arg5[%get3A_295, %get3A_296, %get3A_297] {strides = array<i32>} : memref<2x16x128xi32, #tpu.memory_space<vmem>>, vector<16xi32>,
      tpu.vector_store_idx %arg6[%get3A_298], %broadcast_in_dim3A_3 {add = true} : memref<10240xf32, #tpu.memory_space<vmem>>[vector<16xi32>], vector<16xf32>,
      %get3A_299 = arith.constant 6 : i32
      %get3A_300 = arith.index_cast %rem3A_30 : i32 to index
      %get3A_301 = arith.index_cast %get3A_299 : i32 to index
      %get3A_302 = arith.constant 32 : index
      %get3A_303 = tpu.vector_load %arg5[%get3A_300, %get3A_301, %get3A_302] {strides = array<i32>} : memref<2x16x128xi32, #tpu.memory_space<vmem>>, vector<16xi32>,
      tpu.vector_store_idx %arg6[%get3A_303], %broadcast_in_dim3A_3 {add = true} : memref<10240xf32, #tpu.memory_space<vmem>>[vector<16xi32>], vector<16xf32>,
      %get3A_304 = arith.constant 6 : i32
      %get3A_305 = arith.index_cast %rem3A_30 : i32 to index
      %get3A_306 = arith.index_cast %get3A_304 : i32 to index
      %get3A_307 = arith.constant 48 : index
      %get3A_308 = tpu.vector_load %arg5[%get3A_305, %get3A_306, %get3A_307] {strides = array<i32>} : memref<2x16x128xi32, #tpu.memory_space<vmem>>, vector<16xi32>,
      tpu.vector_store_idx %arg6[%get3A_308], %broadcast_in_dim3A_3 {add = true} : memref<10240xf32, #tpu.memory_space<vmem>>[vector<16xi32>], vector<16xf32>,
      %get3A_309 = arith.constant 6 : i32
      %get3A_310 = arith.index_cast %rem3A_30 : i32 to index
      %get3A_311 = arith.index_cast %get3A_309 : i32 to index
      %get3A_312 = arith.constant 64 : index
      %get3A_313 = tpu.vector_load %arg5[%get3A_310, %get3A_311, %get3A_312] {strides = array<i32>} : memref<2x16x128xi32, #tpu.memory_space<vmem>>, vector<16xi32>,
      tpu.vector_store_idx %arg6[%get3A_313], %broadcast_in_dim3A_3 {add = true} : memref<10240xf32, #tpu.memory_space<vmem>>[vector<16xi32>], vector<16xf32>,
      %get3A_314 = arith.constant 6 : i32
      %get3A_315 = arith.index_cast %rem3A_30 : i32 to index
      %get3A_316 = arith.index_cast %get3A_314 : i32 to index
      %get3A_317 = arith.constant 80 : index
      %get3A_318 = tpu.vector_load %arg5[%get3A_315, %get3A_316, %get3A_317] {strides = array<i32>} : memref<2x16x128xi32, #tpu.memory_space<vmem>>, vector<16xi32>,
      tpu.vector_store_idx %arg6[%get3A_318], %broadcast_in_dim3A_3 {add = true} : memref<10240xf32, #tpu.memory_space<vmem>>[vector<16xi32>], vector<16xf32>,
      %get3A_319 = arith.constant 6 : i32
      %get3A_320 = arith.index_cast %rem3A_30 : i32 to index
      %get3A_321 = arith.index_cast %get3A_319 : i32 to index
      %get3A_322 = arith.constant 96 : index
      %get3A_323 = tpu.vector_load %arg5[%get3A_320, %get3A_321, %get3A_322] {strides = array<i32>} : memref<2x16x128xi32, #tpu.memory_space<vmem>>, vector<16xi32>,
      tpu.vector_store_idx %arg6[%get3A_323], %broadcast_in_dim3A_3 {add = true} : memref<10240xf32, #tpu.memory_space<vmem>>[vector<16xi32>], vector<16xf32>,
      %get3A_324 = arith.constant 6 : i32
      %get3A_325 = arith.index_cast %rem3A_30 : i32 to index
      %get3A_326 = arith.index_cast %get3A_324 : i32 to index
      %get3A_327 = arith.constant 112 : index
      %get3A_328 = tpu.vector_load %arg5[%get3A_325, %get3A_326, %get3A_327] {strides = array<i32>} : memref<2x16x128xi32, #tpu.memory_space<vmem>>, vector<16xi32>,
      tpu.vector_store_idx %arg6[%get3A_328], %broadcast_in_dim3A_3 {add = true} : memref<10240xf32, #tpu.memory_space<vmem>>[vector<16xi32>], vector<16xf32>,
      %get3A_329 = arith.constant 7 : i32
      %get3A_330 = arith.index_cast %rem3A_30 : i32 to index
      %get3A_331 = arith.index_cast %get3A_329 : i32 to index
      %get3A_332 = arith.constant 0 : index
      %get3A_333 = tpu.vector_load %arg5[%get3A_330, %get3A_331, %get3A_332] {strides = array<i32>} : memref<2x16x128xi32, #tpu.memory_space<vmem>>, vector<16xi32>,
      tpu.vector_store_idx %arg6[%get3A_333], %broadcast_in_dim3A_3 {add = true} : memref<10240xf32, #tpu.memory_space<vmem>>[vector<16xi32>], vector<16xf32>,
      %get3A_334 = arith.constant 7 : i32
      %get3A_335 = arith.index_cast %rem3A_30 : i32 to index
      %get3A_336 = arith.index_cast %get3A_334 : i32 to index
      %get3A_337 = arith.constant 16 : index
      %get3A_338 = tpu.vector_load %arg5[%get3A_335, %get3A_336, %get3A_337] {strides = array<i32>} : memref<2x16x128xi32, #tpu.memory_space<vmem>>, vector<16xi32>,
      tpu.vector_store_idx %arg6[%get3A_338], %broadcast_in_dim3A_3 {add = true} : memref<10240xf32, #tpu.memory_space<vmem>>[vector<16xi32>], vector<16xf32>,
      %get3A_339 = arith.constant 7 : i32
      %get3A_340 = arith.index_cast %rem3A_30 : i32 to index
      %get3A_341 = arith.index_cast %get3A_339 : i32 to index
      %get3A_342 = arith.constant 32 : index
      %get3A_343 = tpu.vector_load %arg5[%get3A_340, %get3A_341, %get3A_342] {strides = array<i32>} : memref<2x16x128xi32, #tpu.memory_space<vmem>>, vector<16xi32>,
      tpu.vector_store_idx %arg6[%get3A_343], %broadcast_in_dim3A_3 {add = true} : memref<10240xf32, #tpu.memory_space<vmem>>[vector<16xi32>], vector<16xf32>,
      %get3A_344 = arith.constant 7 : i32
      %get3A_345 = arith.index_cast %rem3A_30 : i32 to index
      %get3A_346 = arith.index_cast %get3A_344 : i32 to index
      %get3A_347 = arith.constant 48 : index
      %get3A_348 = tpu.vector_load %arg5[%get3A_345, %get3A_346, %get3A_347] {strides = array<i32>} : memref<2x16x128xi32, #tpu.memory_space<vmem>>, vector<16xi32>,
      tpu.vector_store_idx %arg6[%get3A_348], %broadcast_in_dim3A_3 {add = true} : memref<10240xf32, #tpu.memory_space<vmem>>[vector<16xi32>], vector<16xf32>,
      %get3A_349 = arith.constant 7 : i32
      %get3A_350 = arith.index_cast %rem3A_30 : i32 to index
      %get3A_351 = arith.index_cast %get3A_349 : i32 to index
      %get3A_352 = arith.constant 64 : index
      %get3A_353 = tpu.vector_load %arg5[%get3A_350, %get3A_351, %get3A_352] {strides = array<i32>} : memref<2x16x128xi32, #tpu.memory_space<vmem>>, vector<16xi32>,
      tpu.vector_store_idx %arg6[%get3A_353], %broadcast_in_dim3A_3 {add = true} : memref<10240xf32, #tpu.memory_space<vmem>>[vector<16xi32>], vector<16xf32>,
      %get3A_354 = arith.constant 7 : i32
      %get3A_355 = arith.index_cast %rem3A_30 : i32 to index
      %get3A_356 = arith.index_cast %get3A_354 : i32 to index
      %get3A_357 = arith.constant 80 : index
      %get3A_358 = tpu.vector_load %arg5[%get3A_355, %get3A_356, %get3A_357] {strides = array<i32>} : memref<2x16x128xi32, #tpu.memory_space<vmem>>, vector<16xi32>,
      tpu.vector_store_idx %arg6[%get3A_358], %broadcast_in_dim3A_3 {add = true} : memref<10240xf32, #tpu.memory_space<vmem>>[vector<16xi32>], vector<16xf32>,
      %get3A_359 = arith.constant 7 : i32
      %get3A_360 = arith.index_cast %rem3A_30 : i32 to index
      %get3A_361 = arith.index_cast %get3A_359 : i32 to index
      %get3A_362 = arith.constant 96 : index
      %get3A_363 = tpu.vector_load %arg5[%get3A_360, %get3A_361, %get3A_362] {strides = array<i32>} : memref<2x16x128xi32, #tpu.memory_space<vmem>>, vector<16xi32>,
      tpu.vector_store_idx %arg6[%get3A_363], %broadcast_in_dim3A_3 {add = true} : memref<10240xf32, #tpu.memory_space<vmem>>[vector<16xi32>], vector<16xf32>,
      %get3A_364 = arith.constant 7 : i32
      %get3A_365 = arith.index_cast %rem3A_30 : i32 to index
      %get3A_366 = arith.index_cast %get3A_364 : i32 to index
      %get3A_367 = arith.constant 112 : index
      %get3A_368 = tpu.vector_load %arg5[%get3A_365, %get3A_366, %get3A_367] {strides = array<i32>} : memref<2x16x128xi32, #tpu.memory_space<vmem>>, vector<16xi32>,
      tpu.vector_store_idx %arg6[%get3A_368], %broadcast_in_dim3A_3 {add = true} : memref<10240xf32, #tpu.memory_space<vmem>>[vector<16xi32>], vector<16xf32>,
      %get3A_369 = arith.constant 8 : i32
      %get3A_370 = arith.index_cast %rem3A_30 : i32 to index
      %get3A_371 = arith.index_cast %get3A_369 : i32 to index
      %get3A_372 = arith.constant 0 : index
      %get3A_373 = tpu.vector_load %arg5[%get3A_370, %get3A_371, %get3A_372] {strides = array<i32>} : memref<2x16x128xi32, #tpu.memory_space<vmem>>, vector<16xi32>,
      tpu.vector_store_idx %arg6[%get3A_373], %broadcast_in_dim3A_3 {add = true} : memref<10240xf32, #tpu.memory_space<vmem>>[vector<16xi32>], vector<16xf32>,
      %get3A_374 = arith.constant 8 : i32
      %get3A_375 = arith.index_cast %rem3A_30 : i32 to index
      %get3A_376 = arith.index_cast %get3A_374 : i32 to index
      %get3A_377 = arith.constant 16 : index
      %get3A_378 = tpu.vector_load %arg5[%get3A_375, %get3A_376, %get3A_377] {strides = array<i32>} : memref<2x16x128xi32, #tpu.memory_space<vmem>>, vector<16xi32>,
      tpu.vector_store_idx %arg6[%get3A_378], %broadcast_in_dim3A_3 {add = true} : memref<10240xf32, #tpu.memory_space<vmem>>[vector<16xi32>], vector<16xf32>,
      %get3A_379 = arith.constant 8 : i32
      %get3A_380 = arith.index_cast %rem3A_30 : i32 to index
      %get3A_381 = arith.index_cast %get3A_379 : i32 to index
      %get3A_382 = arith.constant 32 : index
      %get3A_383 = tpu.vector_load %arg5[%get3A_380, %get3A_381, %get3A_382] {strides = array<i32>} : memref<2x16x128xi32, #tpu.memory_space<vmem>>, vector<16xi32>,
      tpu.vector_store_idx %arg6[%get3A_383], %broadcast_in_dim3A_3 {add = true} : memref<10240xf32, #tpu.memory_space<vmem>>[vector<16xi32>], vector<16xf32>,
      %get3A_384 = arith.constant 8 : i32
      %get3A_385 = arith.index_cast %rem3A_30 : i32 to index
      %get3A_386 = arith.index_cast %get3A_384 : i32 to index
      %get3A_387 = arith.constant 48 : index
      %get3A_388 = tpu.vector_load %arg5[%get3A_385, %get3A_386, %get3A_387] {strides = array<i32>} : memref<2x16x128xi32, #tpu.memory_space<vmem>>, vector<16xi32>,
      tpu.vector_store_idx %arg6[%get3A_388], %broadcast_in_dim3A_3 {add = true} : memref<10240xf32, #tpu.memory_space<vmem>>[vector<16xi32>], vector<16xf32>,
      %get3A_389 = arith.constant 8 : i32
      %get3A_390 = arith.index_cast %rem3A_30 : i32 to index
      %get3A_391 = arith.index_cast %get3A_389 : i32 to index
      %get3A_392 = arith.constant 64 : index
      %get3A_393 = tpu.vector_load %arg5[%get3A_390, %get3A_391, %get3A_392] {strides = array<i32>} : memref<2x16x128xi32, #tpu.memory_space<vmem>>, vector<16xi32>,
      tpu.vector_store_idx %arg6[%get3A_393], %broadcast_in_dim3A_3 {add = true} : memref<10240xf32, #tpu.memory_space<vmem>>[vector<16xi32>], vector<16xf32>,
      %get3A_394 = arith.constant 8 : i32
      %get3A_395 = arith.index_cast %rem3A_30 : i32 to index
      %get3A_396 = arith.index_cast %get3A_394 : i32 to index
      %get3A_397 = arith.constant 80 : index
      %get3A_398 = tpu.vector_load %arg5[%get3A_395, %get3A_396, %get3A_397] {strides = array<i32>} : memref<2x16x128xi32, #tpu.memory_space<vmem>>, vector<16xi32>,
      tpu.vector_store_idx %arg6[%get3A_398], %broadcast_in_dim3A_3 {add = true} : memref<10240xf32, #tpu.memory_space<vmem>>[vector<16xi32>], vector<16xf32>,
      %get3A_399 = arith.constant 8 : i32
      %get3A_400 = arith.index_cast %rem3A_30 : i32 to index
      %get3A_401 = arith.index_cast %get3A_399 : i32 to index
      %get3A_402 = arith.constant 96 : index
      %get3A_403 = tpu.vector_load %arg5[%get3A_400, %get3A_401, %get3A_402] {strides = array<i32>} : memref<2x16x128xi32, #tpu.memory_space<vmem>>, vector<16xi32>,
      tpu.vector_store_idx %arg6[%get3A_403], %broadcast_in_dim3A_3 {add = true} : memref<10240xf32, #tpu.memory_space<vmem>>[vector<16xi32>], vector<16xf32>,
      %get3A_404 = arith.constant 8 : i32
      %get3A_405 = arith.index_cast %rem3A_30 : i32 to index
      %get3A_406 = arith.index_cast %get3A_404 : i32 to index
      %get3A_407 = arith.constant 112 : index
      %get3A_408 = tpu.vector_load %arg5[%get3A_405, %get3A_406, %get3A_407] {strides = array<i32>} : memref<2x16x128xi32, #tpu.memory_space<vmem>>, vector<16xi32>,
      tpu.vector_store_idx %arg6[%get3A_408], %broadcast_in_dim3A_3 {add = true} : memref<10240xf32, #tpu.memory_space<vmem>>[vector<16xi32>], vector<16xf32>,
      %get3A_409 = arith.constant 9 : i32
      %get3A_410 = arith.index_cast %rem3A_30 : i32 to index
      %get3A_411 = arith.index_cast %get3A_409 : i32 to index
      %get3A_412 = arith.constant 0 : index
      %get3A_413 = tpu.vector_load %arg5[%get3A_410, %get3A_411, %get3A_412] {strides = array<i32>} : memref<2x16x128xi32, #tpu.memory_space<vmem>>, vector<16xi32>,
      tpu.vector_store_idx %arg6[%get3A_413], %broadcast_in_dim3A_3 {add = true} : memref<10240xf32, #tpu.memory_space<vmem>>[vector<16xi32>], vector<16xf32>,
      %get3A_414 = arith.constant 9 : i32
      %get3A_415 = arith.index_cast %rem3A_30 : i32 to index
      %get3A_416 = arith.index_cast %get3A_414 : i32 to index
      %get3A_417 = arith.constant 16 : index
      %get3A_418 = tpu.vector_load %arg5[%get3A_415, %get3A_416, %get3A_417] {strides = array<i32>} : memref<2x16x128xi32, #tpu.memory_space<vmem>>, vector<16xi32>,
      tpu.vector_store_idx %arg6[%get3A_418], %broadcast_in_dim3A_3 {add = true} : memref<10240xf32, #tpu.memory_space<vmem>>[vector<16xi32>], vector<16xf32>,
      %get3A_419 = arith.constant 9 : i32
      %get3A_420 = arith.index_cast %rem3A_30 : i32 to index
      %get3A_421 = arith.index_cast %get3A_419 : i32 to index
      %get3A_422 = arith.constant 32 : index
      %get3A_423 = tpu.vector_load %arg5[%get3A_420, %get3A_421, %get3A_422] {strides = array<i32>} : memref<2x16x128xi32, #tpu.memory_space<vmem>>, vector<16xi32>,
      tpu.vector_store_idx %arg6[%get3A_423], %broadcast_in_dim3A_3 {add = true} : memref<10240xf32, #tpu.memory_space<vmem>>[vector<16xi32>], vector<16xf32>,
      %get3A_424 = arith.constant 9 : i32
      %get3A_425 = arith.index_cast %rem3A_30 : i32 to index
      %get3A_426 = arith.index_cast %get3A_424 : i32 to index
      %get3A_427 = arith.constant 48 : index
      %get3A_428 = tpu.vector_load %arg5[%get3A_425, %get3A_426, %get3A_427] {strides = array<i32>} : memref<2x16x128xi32, #tpu.memory_space<vmem>>, vector<16xi32>,
      tpu.vector_store_idx %arg6[%get3A_428], %broadcast_in_dim3A_3 {add = true} : memref<10240xf32, #tpu.memory_space<vmem>>[vector<16xi32>], vector<16xf32>,
      %get3A_429 = arith.constant 9 : i32
      %get3A_430 = arith.index_cast %rem3A_30 : i32 to index
      %get3A_431 = arith.index_cast %get3A_429 : i32 to index
      %get3A_432 = arith.constant 64 : index
      %get3A_433 = tpu.vector_load %arg5[%get3A_430, %get3A_431, %get3A_432] {strides = array<i32>} : memref<2x16x128xi32, #tpu.memory_space<vmem>>, vector<16xi32>,
      tpu.vector_store_idx %arg6[%get3A_433], %broadcast_in_dim3A_3 {add = true} : memref<10240xf32, #tpu.memory_space<vmem>>[vector<16xi32>], vector<16xf32>,
      %get3A_434 = arith.constant 9 : i32
      %get3A_435 = arith.index_cast %rem3A_30 : i32 to index
      %get3A_436 = arith.index_cast %get3A_434 : i32 to index
      %get3A_437 = arith.constant 80 : index
      %get3A_438 = tpu.vector_load %arg5[%get3A_435, %get3A_436, %get3A_437] {strides = array<i32>} : memref<2x16x128xi32, #tpu.memory_space<vmem>>, vector<16xi32>,
      tpu.vector_store_idx %arg6[%get3A_438], %broadcast_in_dim3A_3 {add = true} : memref<10240xf32, #tpu.memory_space<vmem>>[vector<16xi32>], vector<16xf32>,
      %get3A_439 = arith.constant 9 : i32
      %get3A_440 = arith.index_cast %rem3A_30 : i32 to index
      %get3A_441 = arith.index_cast %get3A_439 : i32 to index
      %get3A_442 = arith.constant 96 : index
      %get3A_443 = tpu.vector_load %arg5[%get3A_440, %get3A_441, %get3A_442] {strides = array<i32>} : memref<2x16x128xi32, #tpu.memory_space<vmem>>, vector<16xi32>,
      tpu.vector_store_idx %arg6[%get3A_443], %broadcast_in_dim3A_3 {add = true} : memref<10240xf32, #tpu.memory_space<vmem>>[vector<16xi32>], vector<16xf32>,
      %get3A_444 = arith.constant 9 : i32
      %get3A_445 = arith.index_cast %rem3A_30 : i32 to index
      %get3A_446 = arith.index_cast %get3A_444 : i32 to index
      %get3A_447 = arith.constant 112 : index
      %get3A_448 = tpu.vector_load %arg5[%get3A_445, %get3A_446, %get3A_447] {strides = array<i32>} : memref<2x16x128xi32, #tpu.memory_space<vmem>>, vector<16xi32>,
      tpu.vector_store_idx %arg6[%get3A_448], %broadcast_in_dim3A_3 {add = true} : memref<10240xf32, #tpu.memory_space<vmem>>[vector<16xi32>], vector<16xf32>,
      %get3A_449 = arith.constant 10 : i32
      %get3A_450 = arith.index_cast %rem3A_30 : i32 to index
      %get3A_451 = arith.index_cast %get3A_449 : i32 to index
      %get3A_452 = arith.constant 0 : index
      %get3A_453 = tpu.vector_load %arg5[%get3A_450, %get3A_451, %get3A_452] {strides = array<i32>} : memref<2x16x128xi32, #tpu.memory_space<vmem>>, vector<16xi32>,
      tpu.vector_store_idx %arg6[%get3A_453], %broadcast_in_dim3A_3 {add = true} : memref<10240xf32, #tpu.memory_space<vmem>>[vector<16xi32>], vector<16xf32>,
      %get3A_454 = arith.constant 10 : i32
      %get3A_455 = arith.index_cast %rem3A_30 : i32 to index
      %get3A_456 = arith.index_cast %get3A_454 : i32 to index
      %get3A_457 = arith.constant 16 : index
      %get3A_458 = tpu.vector_load %arg5[%get3A_455, %get3A_456, %get3A_457] {strides = array<i32>} : memref<2x16x128xi32, #tpu.memory_space<vmem>>, vector<16xi32>,
      tpu.vector_store_idx %arg6[%get3A_458], %broadcast_in_dim3A_3 {add = true} : memref<10240xf32, #tpu.memory_space<vmem>>[vector<16xi32>], vector<16xf32>,
      %get3A_459 = arith.constant 10 : i32
      %get3A_460 = arith.index_cast %rem3A_30 : i32 to index
      %get3A_461 = arith.index_cast %get3A_459 : i32 to index
      %get3A_462 = arith.constant 32 : index
      %get3A_463 = tpu.vector_load %arg5[%get3A_460, %get3A_461, %get3A_462] {strides = array<i32>} : memref<2x16x128xi32, #tpu.memory_space<vmem>>, vector<16xi32>,
      tpu.vector_store_idx %arg6[%get3A_463], %broadcast_in_dim3A_3 {add = true} : memref<10240xf32, #tpu.memory_space<vmem>>[vector<16xi32>], vector<16xf32>,
      %get3A_464 = arith.constant 10 : i32
      %get3A_465 = arith.index_cast %rem3A_30 : i32 to index
      %get3A_466 = arith.index_cast %get3A_464 : i32 to index
      %get3A_467 = arith.constant 48 : index
      %get3A_468 = tpu.vector_load %arg5[%get3A_465, %get3A_466, %get3A_467] {strides = array<i32>} : memref<2x16x128xi32, #tpu.memory_space<vmem>>, vector<16xi32>,
      tpu.vector_store_idx %arg6[%get3A_468], %broadcast_in_dim3A_3 {add = true} : memref<10240xf32, #tpu.memory_space<vmem>>[vector<16xi32>], vector<16xf32>,
      %get3A_469 = arith.constant 10 : i32
      %get3A_470 = arith.index_cast %rem3A_30 : i32 to index
      %get3A_471 = arith.index_cast %get3A_469 : i32 to index
      %get3A_472 = arith.constant 64 : index
      %get3A_473 = tpu.vector_load %arg5[%get3A_470, %get3A_471, %get3A_472] {strides = array<i32>} : memref<2x16x128xi32, #tpu.memory_space<vmem>>, vector<16xi32>,
      tpu.vector_store_idx %arg6[%get3A_473], %broadcast_in_dim3A_3 {add = true} : memref<10240xf32, #tpu.memory_space<vmem>>[vector<16xi32>], vector<16xf32>,
      %get3A_474 = arith.constant 10 : i32
      %get3A_475 = arith.index_cast %rem3A_30 : i32 to index
      %get3A_476 = arith.index_cast %get3A_474 : i32 to index
      %get3A_477 = arith.constant 80 : index
      %get3A_478 = tpu.vector_load %arg5[%get3A_475, %get3A_476, %get3A_477] {strides = array<i32>} : memref<2x16x128xi32, #tpu.memory_space<vmem>>, vector<16xi32>,
      tpu.vector_store_idx %arg6[%get3A_478], %broadcast_in_dim3A_3 {add = true} : memref<10240xf32, #tpu.memory_space<vmem>>[vector<16xi32>], vector<16xf32>,
      %get3A_479 = arith.constant 10 : i32
      %get3A_480 = arith.index_cast %rem3A_30 : i32 to index
      %get3A_481 = arith.index_cast %get3A_479 : i32 to index
      %get3A_482 = arith.constant 96 : index
      %get3A_483 = tpu.vector_load %arg5[%get3A_480, %get3A_481, %get3A_482] {strides = array<i32>} : memref<2x16x128xi32, #tpu.memory_space<vmem>>, vector<16xi32>,
      tpu.vector_store_idx %arg6[%get3A_483], %broadcast_in_dim3A_3 {add = true} : memref<10240xf32, #tpu.memory_space<vmem>>[vector<16xi32>], vector<16xf32>,
      %get3A_484 = arith.constant 10 : i32
      %get3A_485 = arith.index_cast %rem3A_30 : i32 to index
      %get3A_486 = arith.index_cast %get3A_484 : i32 to index
      %get3A_487 = arith.constant 112 : index
      %get3A_488 = tpu.vector_load %arg5[%get3A_485, %get3A_486, %get3A_487] {strides = array<i32>} : memref<2x16x128xi32, #tpu.memory_space<vmem>>, vector<16xi32>,
      tpu.vector_store_idx %arg6[%get3A_488], %broadcast_in_dim3A_3 {add = true} : memref<10240xf32, #tpu.memory_space<vmem>>[vector<16xi32>], vector<16xf32>,
      %get3A_489 = arith.constant 11 : i32
      %get3A_490 = arith.index_cast %rem3A_30 : i32 to index
      %get3A_491 = arith.index_cast %get3A_489 : i32 to index
      %get3A_492 = arith.constant 0 : index
      %get3A_493 = tpu.vector_load %arg5[%get3A_490, %get3A_491, %get3A_492] {strides = array<i32>} : memref<2x16x128xi32, #tpu.memory_space<vmem>>, vector<16xi32>,
      tpu.vector_store_idx %arg6[%get3A_493], %broadcast_in_dim3A_3 {add = true} : memref<10240xf32, #tpu.memory_space<vmem>>[vector<16xi32>], vector<16xf32>,
      %get3A_494 = arith.constant 11 : i32
      %get3A_495 = arith.index_cast %rem3A_30 : i32 to index
      %get3A_496 = arith.index_cast %get3A_494 : i32 to index
      %get3A_497 = arith.constant 16 : index
      %get3A_498 = tpu.vector_load %arg5[%get3A_495, %get3A_496, %get3A_497] {strides = array<i32>} : memref<2x16x128xi32, #tpu.memory_space<vmem>>, vector<16xi32>,
      tpu.vector_store_idx %arg6[%get3A_498], %broadcast_in_dim3A_3 {add = true} : memref<10240xf32, #tpu.memory_space<vmem>>[vector<16xi32>], vector<16xf32>,
      %get3A_499 = arith.constant 11 : i32
      %get3A_500 = arith.index_cast %rem3A_30 : i32 to index
      %get3A_501 = arith.index_cast %get3A_499 : i32 to index
      %get3A_502 = arith.constant 32 : index
      %get3A_503 = tpu.vector_load %arg5[%get3A_500, %get3A_501, %get3A_502] {strides = array<i32>} : memref<2x16x128xi32, #tpu.memory_space<vmem>>, vector<16xi32>,
      tpu.vector_store_idx %arg6[%get3A_503], %broadcast_in_dim3A_3 {add = true} : memref<10240xf32, #tpu.memory_space<vmem>>[vector<16xi32>], vector<16xf32>,
      %get3A_504 = arith.constant 11 : i32
      %get3A_505 = arith.index_cast %rem3A_30 : i32 to index
      %get3A_506 = arith.index_cast %get3A_504 : i32 to index
      %get3A_507 = arith.constant 48 : index
      %get3A_508 = tpu.vector_load %arg5[%get3A_505, %get3A_506, %get3A_507] {strides = array<i32>} : memref<2x16x128xi32, #tpu.memory_space<vmem>>, vector<16xi32>,
      tpu.vector_store_idx %arg6[%get3A_508], %broadcast_in_dim3A_3 {add = true} : memref<10240xf32, #tpu.memory_space<vmem>>[vector<16xi32>], vector<16xf32>,
      %get3A_509 = arith.constant 11 : i32
      %get3A_510 = arith.index_cast %rem3A_30 : i32 to index
      %get3A_511 = arith.index_cast %get3A_509 : i32 to index
      %get3A_512 = arith.constant 64 : index
      %get3A_513 = tpu.vector_load %arg5[%get3A_510, %get3A_511, %get3A_512] {strides = array<i32>} : memref<2x16x128xi32, #tpu.memory_space<vmem>>, vector<16xi32>,
      tpu.vector_store_idx %arg6[%get3A_513], %broadcast_in_dim3A_3 {add = true} : memref<10240xf32, #tpu.memory_space<vmem>>[vector<16xi32>], vector<16xf32>,
      %get3A_514 = arith.constant 11 : i32
      %get3A_515 = arith.index_cast %rem3A_30 : i32 to index
      %get3A_516 = arith.index_cast %get3A_514 : i32 to index
      %get3A_517 = arith.constant 80 : index
      %get3A_518 = tpu.vector_load %arg5[%get3A_515, %get3A_516, %get3A_517] {strides = array<i32>} : memref<2x16x128xi32, #tpu.memory_space<vmem>>, vector<16xi32>,
      tpu.vector_store_idx %arg6[%get3A_518], %broadcast_in_dim3A_3 {add = true} : memref<10240xf32, #tpu.memory_space<vmem>>[vector<16xi32>], vector<16xf32>,
      %get3A_519 = arith.constant 11 : i32
      %get3A_520 = arith.index_cast %rem3A_30 : i32 to index
      %get3A_521 = arith.index_cast %get3A_519 : i32 to index
      %get3A_522 = arith.constant 96 : index
      %get3A_523 = tpu.vector_load %arg5[%get3A_520, %get3A_521, %get3A_522] {strides = array<i32>} : memref<2x16x128xi32, #tpu.memory_space<vmem>>, vector<16xi32>,
      tpu.vector_store_idx %arg6[%get3A_523], %broadcast_in_dim3A_3 {add = true} : memref<10240xf32, #tpu.memory_space<vmem>>[vector<16xi32>], vector<16xf32>,
      %get3A_524 = arith.constant 11 : i32
      %get3A_525 = arith.index_cast %rem3A_30 : i32 to index
      %get3A_526 = arith.index_cast %get3A_524 : i32 to index
      %get3A_527 = arith.constant 112 : index
      %get3A_528 = tpu.vector_load %arg5[%get3A_525, %get3A_526, %get3A_527] {strides = array<i32>} : memref<2x16x128xi32, #tpu.memory_space<vmem>>, vector<16xi32>,
      tpu.vector_store_idx %arg6[%get3A_528], %broadcast_in_dim3A_3 {add = true} : memref<10240xf32, #tpu.memory_space<vmem>>[vector<16xi32>], vector<16xf32>,
      %get3A_529 = arith.constant 12 : i32
      %get3A_530 = arith.index_cast %rem3A_30 : i32 to index
      %get3A_531 = arith.index_cast %get3A_529 : i32 to index
      %get3A_532 = arith.constant 0 : index
      %get3A_533 = tpu.vector_load %arg5[%get3A_530, %get3A_531, %get3A_532] {strides = array<i32>} : memref<2x16x128xi32, #tpu.memory_space<vmem>>, vector<16xi32>,
      tpu.vector_store_idx %arg6[%get3A_533], %broadcast_in_dim3A_3 {add = true} : memref<10240xf32, #tpu.memory_space<vmem>>[vector<16xi32>], vector<16xf32>,
      %get3A_534 = arith.constant 12 : i32
      %get3A_535 = arith.index_cast %rem3A_30 : i32 to index
      %get3A_536 = arith.index_cast %get3A_534 : i32 to index
      %get3A_537 = arith.constant 16 : index
      %get3A_538 = tpu.vector_load %arg5[%get3A_535, %get3A_536, %get3A_537] {strides = array<i32>} : memref<2x16x128xi32, #tpu.memory_space<vmem>>, vector<16xi32>,
      tpu.vector_store_idx %arg6[%get3A_538], %broadcast_in_dim3A_3 {add = true} : memref<10240xf32, #tpu.memory_space<vmem>>[vector<16xi32>], vector<16xf32>,
      %get3A_539 = arith.constant 12 : i32
      %get3A_540 = arith.index_cast %rem3A_30 : i32 to index
      %get3A_541 = arith.index_cast %get3A_539 : i32 to index
      %get3A_542 = arith.constant 32 : index
      %get3A_543 = tpu.vector_load %arg5[%get3A_540, %get3A_541, %get3A_542] {strides = array<i32>} : memref<2x16x128xi32, #tpu.memory_space<vmem>>, vector<16xi32>,
      tpu.vector_store_idx %arg6[%get3A_543], %broadcast_in_dim3A_3 {add = true} : memref<10240xf32, #tpu.memory_space<vmem>>[vector<16xi32>], vector<16xf32>,
      %get3A_544 = arith.constant 12 : i32
      %get3A_545 = arith.index_cast %rem3A_30 : i32 to index
      %get3A_546 = arith.index_cast %get3A_544 : i32 to index
      %get3A_547 = arith.constant 48 : index
      %get3A_548 = tpu.vector_load %arg5[%get3A_545, %get3A_546, %get3A_547] {strides = array<i32>} : memref<2x16x128xi32, #tpu.memory_space<vmem>>, vector<16xi32>,
      tpu.vector_store_idx %arg6[%get3A_548], %broadcast_in_dim3A_3 {add = true} : memref<10240xf32, #tpu.memory_space<vmem>>[vector<16xi32>], vector<16xf32>,
      %get3A_549 = arith.constant 12 : i32
      %get3A_550 = arith.index_cast %rem3A_30 : i32 to index
      %get3A_551 = arith.index_cast %get3A_549 : i32 to index
      %get3A_552 = arith.constant 64 : index
      %get3A_553 = tpu.vector_load %arg5[%get3A_550, %get3A_551, %get3A_552] {strides = array<i32>} : memref<2x16x128xi32, #tpu.memory_space<vmem>>, vector<16xi32>,
      tpu.vector_store_idx %arg6[%get3A_553], %broadcast_in_dim3A_3 {add = true} : memref<10240xf32, #tpu.memory_space<vmem>>[vector<16xi32>], vector<16xf32>,
      %get3A_554 = arith.constant 12 : i32
      %get3A_555 = arith.index_cast %rem3A_30 : i32 to index
      %get3A_556 = arith.index_cast %get3A_554 : i32 to index
      %get3A_557 = arith.constant 80 : index
      %get3A_558 = tpu.vector_load %arg5[%get3A_555, %get3A_556, %get3A_557] {strides = array<i32>} : memref<2x16x128xi32, #tpu.memory_space<vmem>>, vector<16xi32>,
      tpu.vector_store_idx %arg6[%get3A_558], %broadcast_in_dim3A_3 {add = true} : memref<10240xf32, #tpu.memory_space<vmem>>[vector<16xi32>], vector<16xf32>,
      %get3A_559 = arith.constant 12 : i32
      %get3A_560 = arith.index_cast %rem3A_30 : i32 to index
      %get3A_561 = arith.index_cast %get3A_559 : i32 to index
      %get3A_562 = arith.constant 96 : index
      %get3A_563 = tpu.vector_load %arg5[%get3A_560, %get3A_561, %get3A_562] {strides = array<i32>} : memref<2x16x128xi32, #tpu.memory_space<vmem>>, vector<16xi32>,
      tpu.vector_store_idx %arg6[%get3A_563], %broadcast_in_dim3A_3 {add = true} : memref<10240xf32, #tpu.memory_space<vmem>>[vector<16xi32>], vector<16xf32>,
      %get3A_564 = arith.constant 12 : i32
      %get3A_565 = arith.index_cast %rem3A_30 : i32 to index
      %get3A_566 = arith.index_cast %get3A_564 : i32 to index
      %get3A_567 = arith.constant 112 : index
      %get3A_568 = tpu.vector_load %arg5[%get3A_565, %get3A_566, %get3A_567] {strides = array<i32>} : memref<2x16x128xi32, #tpu.memory_space<vmem>>, vector<16xi32>,
      tpu.vector_store_idx %arg6[%get3A_568], %broadcast_in_dim3A_3 {add = true} : memref<10240xf32, #tpu.memory_space<vmem>>[vector<16xi32>], vector<16xf32>,
      %get3A_569 = arith.constant 13 : i32
      %get3A_570 = arith.index_cast %rem3A_30 : i32 to index
      %get3A_571 = arith.index_cast %get3A_569 : i32 to index
      %get3A_572 = arith.constant 0 : index
      %get3A_573 = tpu.vector_load %arg5[%get3A_570, %get3A_571, %get3A_572] {strides = array<i32>} : memref<2x16x128xi32, #tpu.memory_space<vmem>>, vector<16xi32>,
      tpu.vector_store_idx %arg6[%get3A_573], %broadcast_in_dim3A_3 {add = true} : memref<10240xf32, #tpu.memory_space<vmem>>[vector<16xi32>], vector<16xf32>,
      %get3A_574 = arith.constant 13 : i32
      %get3A_575 = arith.index_cast %rem3A_30 : i32 to index
      %get3A_576 = arith.index_cast %get3A_574 : i32 to index
      %get3A_577 = arith.constant 16 : index
      %get3A_578 = tpu.vector_load %arg5[%get3A_575, %get3A_576, %get3A_577] {strides = array<i32>} : memref<2x16x128xi32, #tpu.memory_space<vmem>>, vector<16xi32>,
      tpu.vector_store_idx %arg6[%get3A_578], %broadcast_in_dim3A_3 {add = true} : memref<10240xf32, #tpu.memory_space<vmem>>[vector<16xi32>], vector<16xf32>,
      %get3A_579 = arith.constant 13 : i32
      %get3A_580 = arith.index_cast %rem3A_30 : i32 to index
      %get3A_581 = arith.index_cast %get3A_579 : i32 to index
      %get3A_582 = arith.constant 32 : index
      %get3A_583 = tpu.vector_load %arg5[%get3A_580, %get3A_581, %get3A_582] {strides = array<i32>} : memref<2x16x128xi32, #tpu.memory_space<vmem>>, vector<16xi32>,
      tpu.vector_store_idx %arg6[%get3A_583], %broadcast_in_dim3A_3 {add = true} : memref<10240xf32, #tpu.memory_space<vmem>>[vector<16xi32>], vector<16xf32>,
      %get3A_584 = arith.constant 13 : i32
      %get3A_585 = arith.index_cast %rem3A_30 : i32 to index
      %get3A_586 = arith.index_cast %get3A_584 : i32 to index
      %get3A_587 = arith.constant 48 : index
      %get3A_588 = tpu.vector_load %arg5[%get3A_585, %get3A_586, %get3A_587] {strides = array<i32>} : memref<2x16x128xi32, #tpu.memory_space<vmem>>, vector<16xi32>,
      tpu.vector_store_idx %arg6[%get3A_588], %broadcast_in_dim3A_3 {add = true} : memref<10240xf32, #tpu.memory_space<vmem>>[vector<16xi32>], vector<16xf32>,
      %get3A_589 = arith.constant 13 : i32
      %get3A_590 = arith.index_cast %rem3A_30 : i32 to index
      %get3A_591 = arith.index_cast %get3A_589 : i32 to index
      %get3A_592 = arith.constant 64 : index
      %get3A_593 = tpu.vector_load %arg5[%get3A_590, %get3A_591, %get3A_592] {strides = array<i32>} : memref<2x16x128xi32, #tpu.memory_space<vmem>>, vector<16xi32>,
      tpu.vector_store_idx %arg6[%get3A_593], %broadcast_in_dim3A_3 {add = true} : memref<10240xf32, #tpu.memory_space<vmem>>[vector<16xi32>], vector<16xf32>,
      %get3A_594 = arith.constant 13 : i32
      %get3A_595 = arith.index_cast %rem3A_30 : i32 to index
      %get3A_596 = arith.index_cast %get3A_594 : i32 to index
      %get3A_597 = arith.constant 80 : index
      %get3A_598 = tpu.vector_load %arg5[%get3A_595, %get3A_596, %get3A_597] {strides = array<i32>} : memref<2x16x128xi32, #tpu.memory_space<vmem>>, vector<16xi32>,
      tpu.vector_store_idx %arg6[%get3A_598], %broadcast_in_dim3A_3 {add = true} : memref<10240xf32, #tpu.memory_space<vmem>>[vector<16xi32>], vector<16xf32>,
      %get3A_599 = arith.constant 13 : i32
      %get3A_600 = arith.index_cast %rem3A_30 : i32 to index
      %get3A_601 = arith.index_cast %get3A_599 : i32 to index
      %get3A_602 = arith.constant 96 : index
      %get3A_603 = tpu.vector_load %arg5[%get3A_600, %get3A_601, %get3A_602] {strides = array<i32>} : memref<2x16x128xi32, #tpu.memory_space<vmem>>, vector<16xi32>,
      tpu.vector_store_idx %arg6[%get3A_603], %broadcast_in_dim3A_3 {add = true} : memref<10240xf32, #tpu.memory_space<vmem>>[vector<16xi32>], vector<16xf32>,
      %get3A_604 = arith.constant 13 : i32
      %get3A_605 = arith.index_cast %rem3A_30 : i32 to index
      %get3A_606 = arith.index_cast %get3A_604 : i32 to index
      %get3A_607 = arith.constant 112 : index
      %get3A_608 = tpu.vector_load %arg5[%get3A_605, %get3A_606, %get3A_607] {strides = array<i32>} : memref<2x16x128xi32, #tpu.memory_space<vmem>>, vector<16xi32>,
      tpu.vector_store_idx %arg6[%get3A_608], %broadcast_in_dim3A_3 {add = true} : memref<10240xf32, #tpu.memory_space<vmem>>[vector<16xi32>], vector<16xf32>,
      %get3A_609 = arith.constant 14 : i32
      %get3A_610 = arith.index_cast %rem3A_30 : i32 to index
      %get3A_611 = arith.index_cast %get3A_609 : i32 to index
      %get3A_612 = arith.constant 0 : index
      %get3A_613 = tpu.vector_load %arg5[%get3A_610, %get3A_611, %get3A_612] {strides = array<i32>} : memref<2x16x128xi32, #tpu.memory_space<vmem>>, vector<16xi32>,
      tpu.vector_store_idx %arg6[%get3A_613], %broadcast_in_dim3A_3 {add = true} : memref<10240xf32, #tpu.memory_space<vmem>>[vector<16xi32>], vector<16xf32>,
      %get3A_614 = arith.constant 14 : i32
      %get3A_615 = arith.index_cast %rem3A_30 : i32 to index
      %get3A_616 = arith.index_cast %get3A_614 : i32 to index
      %get3A_617 = arith.constant 16 : index
      %get3A_618 = tpu.vector_load %arg5[%get3A_615, %get3A_616, %get3A_617] {strides = array<i32>} : memref<2x16x128xi32, #tpu.memory_space<vmem>>, vector<16xi32>,
      tpu.vector_store_idx %arg6[%get3A_618], %broadcast_in_dim3A_3 {add = true} : memref<10240xf32, #tpu.memory_space<vmem>>[vector<16xi32>], vector<16xf32>,
      %get3A_619 = arith.constant 14 : i32
      %get3A_620 = arith.index_cast %rem3A_30 : i32 to index
      %get3A_621 = arith.index_cast %get3A_619 : i32 to index
      %get3A_622 = arith.constant 32 : index
      %get3A_623 = tpu.vector_load %arg5[%get3A_620, %get3A_621, %get3A_622] {strides = array<i32>} : memref<2x16x128xi32, #tpu.memory_space<vmem>>, vector<16xi32>,
      tpu.vector_store_idx %arg6[%get3A_623], %broadcast_in_dim3A_3 {add = true} : memref<10240xf32, #tpu.memory_space<vmem>>[vector<16xi32>], vector<16xf32>,
      %get3A_624 = arith.constant 14 : i32
      %get3A_625 = arith.index_cast %rem3A_30 : i32 to index
      %get3A_626 = arith.index_cast %get3A_624 : i32 to index
      %get3A_627 = arith.constant 48 : index
      %get3A_628 = tpu.vector_load %arg5[%get3A_625, %get3A_626, %get3A_627] {strides = array<i32>} : memref<2x16x128xi32, #tpu.memory_space<vmem>>, vector<16xi32>,
      tpu.vector_store_idx %arg6[%get3A_628], %broadcast_in_dim3A_3 {add = true} : memref<10240xf32, #tpu.memory_space<vmem>>[vector<16xi32>], vector<16xf32>,
      %get3A_629 = arith.constant 14 : i32
      %get3A_630 = arith.index_cast %rem3A_30 : i32 to index
      %get3A_631 = arith.index_cast %get3A_629 : i32 to index
      %get3A_632 = arith.constant 64 : index
      %get3A_633 = tpu.vector_load %arg5[%get3A_630, %get3A_631, %get3A_632] {strides = array<i32>} : memref<2x16x128xi32, #tpu.memory_space<vmem>>, vector<16xi32>,
      tpu.vector_store_idx %arg6[%get3A_633], %broadcast_in_dim3A_3 {add = true} : memref<10240xf32, #tpu.memory_space<vmem>>[vector<16xi32>], vector<16xf32>,
      %get3A_634 = arith.constant 14 : i32
      %get3A_635 = arith.index_cast %rem3A_30 : i32 to index
      %get3A_636 = arith.index_cast %get3A_634 : i32 to index
      %get3A_637 = arith.constant 80 : index
      %get3A_638 = tpu.vector_load %arg5[%get3A_635, %get3A_636, %get3A_637] {strides = array<i32>} : memref<2x16x128xi32, #tpu.memory_space<vmem>>, vector<16xi32>,
      tpu.vector_store_idx %arg6[%get3A_638], %broadcast_in_dim3A_3 {add = true} : memref<10240xf32, #tpu.memory_space<vmem>>[vector<16xi32>], vector<16xf32>,
      %get3A_639 = arith.constant 14 : i32
      %get3A_640 = arith.index_cast %rem3A_30 : i32 to index
      %get3A_641 = arith.index_cast %get3A_639 : i32 to index
      %get3A_642 = arith.constant 96 : index
      %get3A_643 = tpu.vector_load %arg5[%get3A_640, %get3A_641, %get3A_642] {strides = array<i32>} : memref<2x16x128xi32, #tpu.memory_space<vmem>>, vector<16xi32>,
      tpu.vector_store_idx %arg6[%get3A_643], %broadcast_in_dim3A_3 {add = true} : memref<10240xf32, #tpu.memory_space<vmem>>[vector<16xi32>], vector<16xf32>,
      %get3A_644 = arith.constant 14 : i32
      %get3A_645 = arith.index_cast %rem3A_30 : i32 to index
      %get3A_646 = arith.index_cast %get3A_644 : i32 to index
      %get3A_647 = arith.constant 112 : index
      %get3A_648 = tpu.vector_load %arg5[%get3A_645, %get3A_646, %get3A_647] {strides = array<i32>} : memref<2x16x128xi32, #tpu.memory_space<vmem>>, vector<16xi32>,
      tpu.vector_store_idx %arg6[%get3A_648], %broadcast_in_dim3A_3 {add = true} : memref<10240xf32, #tpu.memory_space<vmem>>[vector<16xi32>], vector<16xf32>,
      %get3A_649 = arith.constant 15 : i32
      %get3A_650 = arith.index_cast %rem3A_30 : i32 to index
      %get3A_651 = arith.index_cast %get3A_649 : i32 to index
      %get3A_652 = arith.constant 0 : index
      %get3A_653 = tpu.vector_load %arg5[%get3A_650, %get3A_651, %get3A_652] {strides = array<i32>} : memref<2x16x128xi32, #tpu.memory_space<vmem>>, vector<16xi32>,
      tpu.vector_store_idx %arg6[%get3A_653], %broadcast_in_dim3A_3 {add = true} : memref<10240xf32, #tpu.memory_space<vmem>>[vector<16xi32>], vector<16xf32>,
      %get3A_654 = arith.constant 15 : i32
      %get3A_655 = arith.index_cast %rem3A_30 : i32 to index
      %get3A_656 = arith.index_cast %get3A_654 : i32 to index
      %get3A_657 = arith.constant 16 : index
      %get3A_658 = tpu.vector_load %arg5[%get3A_655, %get3A_656, %get3A_657] {strides = array<i32>} : memref<2x16x128xi32, #tpu.memory_space<vmem>>, vector<16xi32>,
      tpu.vector_store_idx %arg6[%get3A_658], %broadcast_in_dim3A_3 {add = true} : memref<10240xf32, #tpu.memory_space<vmem>>[vector<16xi32>], vector<16xf32>,
      %get3A_659 = arith.constant 15 : i32
      %get3A_660 = arith.index_cast %rem3A_30 : i32 to index
      %get3A_661 = arith.index_cast %get3A_659 : i32 to index
      %get3A_662 = arith.constant 32 : index
      %get3A_663 = tpu.vector_load %arg5[%get3A_660, %get3A_661, %get3A_662] {strides = array<i32>} : memref<2x16x128xi32, #tpu.memory_space<vmem>>, vector<16xi32>,
      tpu.vector_store_idx %arg6[%get3A_663], %broadcast_in_dim3A_3 {add = true} : memref<10240xf32, #tpu.memory_space<vmem>>[vector<16xi32>], vector<16xf32>,
      %get3A_664 = arith.constant 15 : i32
      %get3A_665 = arith.index_cast %rem3A_30 : i32 to index
      %get3A_666 = arith.index_cast %get3A_664 : i32 to index
      %get3A_667 = arith.constant 48 : index
      %get3A_668 = tpu.vector_load %arg5[%get3A_665, %get3A_666, %get3A_667] {strides = array<i32>} : memref<2x16x128xi32, #tpu.memory_space<vmem>>, vector<16xi32>,
      tpu.vector_store_idx %arg6[%get3A_668], %broadcast_in_dim3A_3 {add = true} : memref<10240xf32, #tpu.memory_space<vmem>>[vector<16xi32>], vector<16xf32>,
      %get3A_669 = arith.constant 15 : i32
      %get3A_670 = arith.index_cast %rem3A_30 : i32 to index
      %get3A_671 = arith.index_cast %get3A_669 : i32 to index
      %get3A_672 = arith.constant 64 : index
      %get3A_673 = tpu.vector_load %arg5[%get3A_670, %get3A_671, %get3A_672] {strides = array<i32>} : memref<2x16x128xi32, #tpu.memory_space<vmem>>, vector<16xi32>,
      tpu.vector_store_idx %arg6[%get3A_673], %broadcast_in_dim3A_3 {add = true} : memref<10240xf32, #tpu.memory_space<vmem>>[vector<16xi32>], vector<16xf32>,
      %get3A_674 = arith.constant 15 : i32
      %get3A_675 = arith.index_cast %rem3A_30 : i32 to index
      %get3A_676 = arith.index_cast %get3A_674 : i32 to index
      %get3A_677 = arith.constant 80 : index
      %get3A_678 = tpu.vector_load %arg5[%get3A_675, %get3A_676, %get3A_677] {strides = array<i32>} : memref<2x16x128xi32, #tpu.memory_space<vmem>>, vector<16xi32>,
      tpu.vector_store_idx %arg6[%get3A_678], %broadcast_in_dim3A_3 {add = true} : memref<10240xf32, #tpu.memory_space<vmem>>[vector<16xi32>], vector<16xf32>,
      %get3A_679 = arith.constant 15 : i32
      %get3A_680 = arith.index_cast %rem3A_30 : i32 to index
      %get3A_681 = arith.index_cast %get3A_679 : i32 to index
      %get3A_682 = arith.constant 96 : index
      %get3A_683 = tpu.vector_load %arg5[%get3A_680, %get3A_681, %get3A_682] {strides = array<i32>} : memref<2x16x128xi32, #tpu.memory_space<vmem>>, vector<16xi32>,
      tpu.vector_store_idx %arg6[%get3A_683], %broadcast_in_dim3A_3 {add = true} : memref<10240xf32, #tpu.memory_space<vmem>>[vector<16xi32>], vector<16xf32>,
      %get3A_684 = arith.constant 15 : i32
      %get3A_685 = arith.index_cast %rem3A_30 : i32 to index
      %get3A_686 = arith.index_cast %get3A_684 : i32 to index
      %get3A_687 = arith.constant 112 : index
      %get3A_688 = tpu.vector_load %arg5[%get3A_685, %get3A_686, %get3A_687] {strides = array<i32>} : memref<2x16x128xi32, #tpu.memory_space<vmem>>, vector<16xi32>,
      tpu.vector_store_idx %arg6[%get3A_688], %broadcast_in_dim3A_3 {add = true} : memref<10240xf32, #tpu.memory_space<vmem>>[vector<16xi32>], vector<16xf32>,
      %dma_wait3A = arith.constant 0 : i32
      %dma_wait3A_689 = arith.constant 0 : i32
      %dma_wait3A_690 = tpu.memref_slice %arg5[%sub3A_36, %dma_wait3A, %dma_wait3A_689] : memref<2x16x128xi32, #tpu.memory_space<vmem>> -> memref<1x16x128xi32, #tpu.memory_space<vmem>>
      %dma_wait3A_691 = tpu.memref_squeeze %dma_wait3A_690 : memref<1x16x128xi32, #tpu.memory_space<vmem>> -> memref<16x128xi32, #tpu.memory_space<vmem>>
      %dma_wait3A_692 = arith.constant 0 : i32
      %dma_wait3A_693 = tpu.memref_slice %arg2[%add3A, %mul3A_35, %dma_wait3A_692] : memref<32x80x128xi32, #tpu.memory_space<hbm>> -> memref<1x16x128xi32, #tpu.memory_space<hbm>>
      %dma_wait3A_694 = tpu.memref_squeeze %dma_wait3A_693 : memref<1x16x128xi32, #tpu.memory_space<hbm>> -> memref<16x128xi32, #tpu.memory_space<hbm>>
      %dma_wait3A_695 = arith.constant 0 : i32
      %dma_wait3A_696 = arith.constant 0 : i32
      %dma_wait3A_697 = tpu.memref_slice %arg5[%sub3A_36, %dma_wait3A_695, %dma_wait3A_696] : memref<2x16x128xi32, #tpu.memory_space<vmem>> -> memref<1x16x128xi32, #tpu.memory_space<vmem>>
      %dma_wait3A_698 = tpu.memref_squeeze %dma_wait3A_697 : memref<1x16x128xi32, #tpu.memory_space<vmem>> -> memref<16x128xi32, #tpu.memory_space<vmem>>
      %dma_wait3A_699 = arith.constant 0 : i32
      %dma_wait3A_700 = tpu.memref_slice %arg2[%add3A, %mul3A_35, %dma_wait3A_699] : memref<32x80x128xi32, #tpu.memory_space<hbm>> -> memref<1x16x128xi32, #tpu.memory_space<hbm>>
      %dma_wait3A_701 = tpu.memref_squeeze %dma_wait3A_700 : memref<1x16x128xi32, #tpu.memory_space<hbm>> -> memref<16x128xi32, #tpu.memory_space<hbm>>
      tpu.wait_dma2 semaphore(%arg9 : memref<!tpu.dma_semaphore, #tpu.memory_space<semaphore_mem>>) src(%dma_wait3A_701 : memref<16x128xi32, #tpu.memory_space<hbm>>) dst(%dma_wait3A_698 : memref<16x128xi32, #tpu.memory_space<vmem>>)
    }
    %scan3A_14 = arith.constant 5 : i32
    "tpu.region"() ({
      %run_scoped3A_29 = tpu.sem_alloc : memref<!tpu.dma_semaphore, #tpu.memory_space<semaphore_mem>>
      %dma_start3A = arith.constant 0 : i32
      %dma_start3A_30 = tpu.memref_slice %arg4[%arg1, %dma_start3A] : memref<16x10240xf32, #tpu.memory_space<vmem_shared>> -> memref<1x10240xf32, #tpu.memory_space<vmem_shared>>
      %dma_start3A_31 = tpu.memref_squeeze %dma_start3A_30 : memref<1x10240xf32, #tpu.memory_space<vmem_shared>> -> memref<10240xf32, #tpu.memory_space<vmem_shared>>
      %dma_start3A_32 = arith.constant 0 : i32
      %dma_start3A_33 = tpu.memref_slice %arg4[%arg1, %dma_start3A_32] : memref<16x10240xf32, #tpu.memory_space<vmem_shared>> -> memref<1x10240xf32, #tpu.memory_space<vmem_shared>>
      %dma_start3A_34 = tpu.memref_squeeze %dma_start3A_33 : memref<1x10240xf32, #tpu.memory_space<vmem_shared>> -> memref<10240xf32, #tpu.memory_space<vmem_shared>>
      tpu.enqueue_dma source(%arg6 : memref<10240xf32, #tpu.memory_space<vmem>>) target(%dma_start3A_34 : memref<10240xf32, #tpu.memory_space<vmem_shared>>) target_semaphore(%run_scoped3A_29 : memref<!tpu.dma_semaphore, #tpu.memory_space<semaphore_mem>>)
      %dma_wait3A = arith.constant 0 : i32
      %dma_wait3A_35 = tpu.memref_slice %arg4[%arg1, %dma_wait3A] : memref<16x10240xf32, #tpu.memory_space<vmem_shared>> -> memref<1x10240xf32, #tpu.memory_space<vmem_shared>>
      %dma_wait3A_36 = tpu.memref_squeeze %dma_wait3A_35 : memref<1x10240xf32, #tpu.memory_space<vmem_shared>> -> memref<10240xf32, #tpu.memory_space<vmem_shared>>
      %dma_wait3A_37 = arith.constant 0 : i32
      %dma_wait3A_38 = tpu.memref_slice %arg4[%arg1, %dma_wait3A_37] : memref<16x10240xf32, #tpu.memory_space<vmem_shared>> -> memref<1x10240xf32, #tpu.memory_space<vmem_shared>>
      %dma_wait3A_39 = tpu.memref_squeeze %dma_wait3A_38 : memref<1x10240xf32, #tpu.memory_space<vmem_shared>> -> memref<10240xf32, #tpu.memory_space<vmem_shared>>
      tpu.wait_dma2 semaphore(%run_scoped3A_29 : memref<!tpu.dma_semaphore, #tpu.memory_space<semaphore_mem>>) src(%arg6 : memref<10240xf32, #tpu.memory_space<vmem>>) dst(%dma_wait3A_39 : memref<10240xf32, #tpu.memory_space<vmem_shared>>)
      tpu.yield
    }) : () -> ()
    %barrier3A = arith.constant 0 : index
    tpu.barrier barrier_id(%barrier3A)
    %mul3A_15 = arith.constant 640 : i32
    %mul3A_16 = arith.muli %arg1, %mul3A_15 : i32
    %scan3A_17 = arith.constant 0 : i32
    %scan3A_18 = arith.constant 0 : i32
    %scan3A_19 = arith.constant 40 : i32
    %scan3A_20 = arith.addi %scan3A_18, %scan3A_19 : i32
    %scan3A_21 = arith.constant 1 : i32
    scf.for %scan3A_29 = %scan3A_18 to %scan3A_20 step %scan3A_21  : i32 {
      %mul3A_30 = arith.constant 16 : i32
      %mul3A_31 = arith.muli %scan3A_29, %mul3A_30 : i32
      %swap3A = arith.index_cast %mul3A_31 : i32 to index
      %swap3A_32 = tpu.vector_load %arg8[%swap3A] {strides = array<i32>} : memref<640xf32, #tpu.memory_space<vmem>>, vector<16xf32>,
      tpu.vector_store %arg8[%swap3A], %broadcast_in_dim3A_1 {strides = array<i32>} : memref<640xf32, #tpu.memory_space<vmem>>, vector<16xf32>,
    }
    %scan3A_22 = arith.constant 40 : i32
    %scan3A_23 = arith.constant 0 : i32
    %scan3A_24 = arith.constant 0 : i32
    %scan3A_25 = arith.constant 16 : i32
    %scan3A_26 = arith.addi %scan3A_24, %scan3A_25 : i32
    %scan3A_27 = arith.constant 1 : i32
    scf.for %scan3A_29 = %scan3A_24 to %scan3A_26 step %scan3A_27  : i32 {
      "tpu.region"() ({
        %run_scoped3A_36 = tpu.sem_alloc : memref<!tpu.dma_semaphore, #tpu.memory_space<semaphore_mem>>
        %dma_start3A = tpu.memref_slice %arg4[%scan3A_29, %mul3A_16] : memref<16x10240xf32, #tpu.memory_space<vmem_shared>> -> memref<1x640xf32, #tpu.memory_space<vmem_shared>>
        %dma_start3A_37 = tpu.memref_squeeze %dma_start3A : memref<1x640xf32, #tpu.memory_space<vmem_shared>> -> memref<640xf32, #tpu.memory_space<vmem_shared>>
        %dma_start3A_38 = tpu.memref_slice %arg4[%scan3A_29, %mul3A_16] : memref<16x10240xf32, #tpu.memory_space<vmem_shared>> -> memref<1x640xf32, #tpu.memory_space<vmem_shared>>
        %dma_start3A_39 = tpu.memref_squeeze %dma_start3A_38 : memref<1x640xf32, #tpu.memory_space<vmem_shared>> -> memref<640xf32, #tpu.memory_space<vmem_shared>>
        tpu.enqueue_dma source(%dma_start3A_39 : memref<640xf32, #tpu.memory_space<vmem_shared>>) target(%arg7 : memref<640xf32, #tpu.memory_space<vmem>>) target_semaphore(%run_scoped3A_36 : memref<!tpu.dma_semaphore, #tpu.memory_space<semaphore_mem>>)
        %dma_wait3A = tpu.memref_slice %arg4[%scan3A_29, %mul3A_16] : memref<16x10240xf32, #tpu.memory_space<vmem_shared>> -> memref<1x640xf32, #tpu.memory_space<vmem_shared>>
        %dma_wait3A_40 = tpu.memref_squeeze %dma_wait3A : memref<1x640xf32, #tpu.memory_space<vmem_shared>> -> memref<640xf32, #tpu.memory_space<vmem_shared>>
        %dma_wait3A_41 = tpu.memref_slice %arg4[%scan3A_29, %mul3A_16] : memref<16x10240xf32, #tpu.memory_space<vmem_shared>> -> memref<1x640xf32, #tpu.memory_space<vmem_shared>>
        %dma_wait3A_42 = tpu.memref_squeeze %dma_wait3A_41 : memref<1x640xf32, #tpu.memory_space<vmem_shared>> -> memref<640xf32, #tpu.memory_space<vmem_shared>>
        tpu.wait_dma2 semaphore(%run_scoped3A_36 : memref<!tpu.dma_semaphore, #tpu.memory_space<semaphore_mem>>) src(%dma_wait3A_42 : memref<640xf32, #tpu.memory_space<vmem_shared>>) dst(%arg7 : memref<640xf32, #tpu.memory_space<vmem>>)
        tpu.yield
      }) : () -> ()
      %scan3A_30 = arith.constant 0 : i32
      %scan3A_31 = arith.constant 0 : i32
      %scan3A_32 = arith.constant 40 : i32
      %scan3A_33 = arith.addi %scan3A_31, %scan3A_32 : i32
      %scan3A_34 = arith.constant 1 : i32
      scf.for %scan3A_36 = %scan3A_31 to %scan3A_33 step %scan3A_34  : i32 {
        %mul3A_37 = arith.constant 16 : i32
        %mul3A_38 = arith.muli %scan3A_36, %mul3A_37 : i32
        %get3A = arith.index_cast %mul3A_38 : i32 to index
        %get3A_39 = tpu.vector_load %arg8[%get3A] {strides = array<i32>} : memref<640xf32, #tpu.memory_space<vmem>>, vector<16xf32>,
        %mul3A_40 = arith.constant 16 : i32
        %mul3A_41 = arith.muli %scan3A_36, %mul3A_40 : i32
        %get3A_42 = arith.index_cast %mul3A_41 : i32 to index
        %get3A_43 = tpu.vector_load %arg7[%get3A_42] {strides = array<i32>} : memref<640xf32, #tpu.memory_space<vmem>>, vector<16xf32>,
        %add3A_44 = arith.addf %get3A_39, %get3A_43 : vector<16xf32>
        %mul3A_45 = arith.constant 16 : i32
        %mul3A_46 = arith.muli %scan3A_36, %mul3A_45 : i32
        %swap3A = arith.index_cast %mul3A_46 : i32 to index
        %swap3A_47 = tpu.vector_load %arg8[%swap3A] {strides = array<i32>} : memref<640xf32, #tpu.memory_space<vmem>>, vector<16xf32>,
        tpu.vector_store %arg8[%swap3A], %add3A_44 {strides = array<i32>} : memref<640xf32, #tpu.memory_space<vmem>>, vector<16xf32>,
      }
      %scan3A_35 = arith.constant 40 : i32
    }
    %scan3A_28 = arith.constant 16 : i32
    "tpu.region"() ({
      %run_scoped3A_29 = tpu.sem_alloc : memref<!tpu.dma_semaphore, #tpu.memory_space<semaphore_mem>>
      %dma_start3A = tpu.memref_slice %arg3[%arg0, %mul3A_16] : memref<2x10240xf32, #tpu.memory_space<hbm>> -> memref<1x640xf32, #tpu.memory_space<hbm>>
      %dma_start3A_30 = tpu.memref_squeeze %dma_start3A : memref<1x640xf32, #tpu.memory_space<hbm>> -> memref<640xf32, #tpu.memory_space<hbm>>
      %dma_start3A_31 = tpu.memref_slice %arg3[%arg0, %mul3A_16] : memref<2x10240xf32, #tpu.memory_space<hbm>> -> memref<1x640xf32, #tpu.memory_space<hbm>>
      %dma_start3A_32 = tpu.memref_squeeze %dma_start3A_31 : memref<1x640xf32, #tpu.memory_space<hbm>> -> memref<640xf32, #tpu.memory_space<hbm>>
      tpu.enqueue_dma source(%arg8 : memref<640xf32, #tpu.memory_space<vmem>>) target(%dma_start3A_32 : memref<640xf32, #tpu.memory_space<hbm>>) target_semaphore(%run_scoped3A_29 : memref<!tpu.dma_semaphore, #tpu.memory_space<semaphore_mem>>)
      %dma_wait3A = tpu.memref_slice %arg3[%arg0, %mul3A_16] : memref<2x10240xf32, #tpu.memory_space<hbm>> -> memref<1x640xf32, #tpu.memory_space<hbm>>
      %dma_wait3A_33 = tpu.memref_squeeze %dma_wait3A : memref<1x640xf32, #tpu.memory_space<hbm>> -> memref<640xf32, #tpu.memory_space<hbm>>
      %dma_wait3A_34 = tpu.memref_slice %arg3[%arg0, %mul3A_16] : memref<2x10240xf32, #tpu.memory_space<hbm>> -> memref<1x640xf32, #tpu.memory_space<hbm>>
      %dma_wait3A_35 = tpu.memref_squeeze %dma_wait3A_34 : memref<1x640xf32, #tpu.memory_space<hbm>> -> memref<640xf32, #tpu.memory_space<hbm>>
      tpu.wait_dma2 semaphore(%run_scoped3A_29 : memref<!tpu.dma_semaphore, #tpu.memory_space<semaphore_mem>>) src(%arg8 : memref<640xf32, #tpu.memory_space<vmem>>) dst(%dma_wait3A_35 : memref<640xf32, #tpu.memory_space<hbm>>)
      tpu.yield
    }) : () -> ()
    return
  }
}

#map = affine_map<(d0, d1) -> (0, 0)>
#map1 = affine_map<(d0, d1) -> (0, 0, 0)>
module attributes {stable_mosaic.version = 14 : i64} {
  func.func @body(%arg0: i32, %arg1: i32, %arg2: memref<10240x128xf32, #tpu.memory_space<hbm>>, %arg3: memref<32x80x128xi32, #tpu.memory_space<hbm>>, %arg4: memref<32x80x128xi32, #tpu.memory_space<hbm>>, %arg5: memref<2x10240x128xf32, #tpu.memory_space<hbm>>, %arg6: memref<10240x128xf32, #tpu.memory_space<vmem_shared>>, %arg7: memref<2x16x128xi32, #tpu.memory_space<vmem>>, %arg8: memref<2x16x128xi32, #tpu.memory_space<vmem>>, %arg9: memref<128x128xf32, #tpu.memory_space<vmem>>, %arg10: memref<128x128xf32, #tpu.memory_space<vmem>>, %arg11: memref<!tpu.dma_semaphore, #tpu.memory_space<semaphore_mem>>, %arg12: memref<!tpu.dma_semaphore, #tpu.memory_space<semaphore_mem>>, %arg13: memref<!tpu.dma_semaphore, #tpu.memory_space<semaphore_mem>>, %arg14: memref<!tpu.dma_semaphore, #tpu.memory_space<semaphore_mem>>, %arg15: memref<!tpu.dma_semaphore, #tpu.memory_space<semaphore_mem>>) attributes {dimension_semantics = [#tpu.dimension_semantics<core_parallel>, #tpu.dimension_semantics<subcore_parallel>], iteration_bounds = array<i64: 2, 16>, scalar_prefetch = 0 : i64, scratch_operands = 10 : i64, tpu.core_type = #tpu.core_type<sc_vector_subcore>, window_params = [{transform_indices = #map}, {transform_indices = #map1}, {transform_indices = #map1}, {transform_indices = #map1}]} {
    %mul3A = arith.constant 16 : i32
    %mul3A_0 = arith.muli %arg0, %mul3A : i32
    %add3A = arith.addi %mul3A_0, %arg1 : i32
    %mul3A_1 = arith.constant 640 : i32
    %mul3A_2 = arith.muli %arg1, %mul3A_1 : i32
    %broadcast_in_dim3A = arith.constant 0.000000e+00 : f32
    %broadcast_in_dim3A_3 = vector.broadcast %broadcast_in_dim3A : f32 to vector<16xf32>
    %scan3A = arith.constant 0 : i32
    %scan3A_4 = arith.constant 0 : i32
    %scan3A_5 = arith.constant 128 : i32
    %scan3A_6 = arith.addi %scan3A_4, %scan3A_5 : i32
    %scan3A_7 = arith.constant 1 : i32
    scf.for %scan3A_37 = %scan3A_4 to %scan3A_6 step %scan3A_7  : i32 {
      %swap3A = arith.index_cast %scan3A_37 : i32 to index
      %swap3A_38 = arith.constant 0 : index
      %swap3A_39 = tpu.vector_load %arg9[%swap3A, %swap3A_38] {strides = array<i32>} : memref<128x128xf32, #tpu.memory_space<vmem>>, vector<1x16xf32>,
      %swap3A_40 = vector.shape_cast %swap3A_39 : vector<1x16xf32> to vector<16xf32>
      %swap3A_41 = vector.shape_cast %broadcast_in_dim3A_3 : vector<16xf32> to vector<1x16xf32>
      tpu.vector_store %arg9[%swap3A, %swap3A_38], %swap3A_41 {strides = array<i32>} : memref<128x128xf32, #tpu.memory_space<vmem>>, vector<1x16xf32>,
      %swap3A_42 = arith.index_cast %scan3A_37 : i32 to index
      %swap3A_43 = arith.constant 16 : index
      %swap3A_44 = tpu.vector_load %arg9[%swap3A_42, %swap3A_43] {strides = array<i32>} : memref<128x128xf32, #tpu.memory_space<vmem>>, vector<1x16xf32>,
      %swap3A_45 = vector.shape_cast %swap3A_44 : vector<1x16xf32> to vector<16xf32>
      %swap3A_46 = vector.shape_cast %broadcast_in_dim3A_3 : vector<16xf32> to vector<1x16xf32>
      tpu.vector_store %arg9[%swap3A_42, %swap3A_43], %swap3A_46 {strides = array<i32>} : memref<128x128xf32, #tpu.memory_space<vmem>>, vector<1x16xf32>,
      %swap3A_47 = arith.index_cast %scan3A_37 : i32 to index
      %swap3A_48 = arith.constant 32 : index
      %swap3A_49 = tpu.vector_load %arg9[%swap3A_47, %swap3A_48] {strides = array<i32>} : memref<128x128xf32, #tpu.memory_space<vmem>>, vector<1x16xf32>,
      %swap3A_50 = vector.shape_cast %swap3A_49 : vector<1x16xf32> to vector<16xf32>
      %swap3A_51 = vector.shape_cast %broadcast_in_dim3A_3 : vector<16xf32> to vector<1x16xf32>
      tpu.vector_store %arg9[%swap3A_47, %swap3A_48], %swap3A_51 {strides = array<i32>} : memref<128x128xf32, #tpu.memory_space<vmem>>, vector<1x16xf32>,
      %swap3A_52 = arith.index_cast %scan3A_37 : i32 to index
      %swap3A_53 = arith.constant 48 : index
      %swap3A_54 = tpu.vector_load %arg9[%swap3A_52, %swap3A_53] {strides = array<i32>} : memref<128x128xf32, #tpu.memory_space<vmem>>, vector<1x16xf32>,
      %swap3A_55 = vector.shape_cast %swap3A_54 : vector<1x16xf32> to vector<16xf32>
      %swap3A_56 = vector.shape_cast %broadcast_in_dim3A_3 : vector<16xf32> to vector<1x16xf32>
      tpu.vector_store %arg9[%swap3A_52, %swap3A_53], %swap3A_56 {strides = array<i32>} : memref<128x128xf32, #tpu.memory_space<vmem>>, vector<1x16xf32>,
      %swap3A_57 = arith.index_cast %scan3A_37 : i32 to index
      %swap3A_58 = arith.constant 64 : index
      %swap3A_59 = tpu.vector_load %arg9[%swap3A_57, %swap3A_58] {strides = array<i32>} : memref<128x128xf32, #tpu.memory_space<vmem>>, vector<1x16xf32>,
      %swap3A_60 = vector.shape_cast %swap3A_59 : vector<1x16xf32> to vector<16xf32>
      %swap3A_61 = vector.shape_cast %broadcast_in_dim3A_3 : vector<16xf32> to vector<1x16xf32>
      tpu.vector_store %arg9[%swap3A_57, %swap3A_58], %swap3A_61 {strides = array<i32>} : memref<128x128xf32, #tpu.memory_space<vmem>>, vector<1x16xf32>,
      %swap3A_62 = arith.index_cast %scan3A_37 : i32 to index
      %swap3A_63 = arith.constant 80 : index
      %swap3A_64 = tpu.vector_load %arg9[%swap3A_62, %swap3A_63] {strides = array<i32>} : memref<128x128xf32, #tpu.memory_space<vmem>>, vector<1x16xf32>,
      %swap3A_65 = vector.shape_cast %swap3A_64 : vector<1x16xf32> to vector<16xf32>
      %swap3A_66 = vector.shape_cast %broadcast_in_dim3A_3 : vector<16xf32> to vector<1x16xf32>
      tpu.vector_store %arg9[%swap3A_62, %swap3A_63], %swap3A_66 {strides = array<i32>} : memref<128x128xf32, #tpu.memory_space<vmem>>, vector<1x16xf32>,
      %swap3A_67 = arith.index_cast %scan3A_37 : i32 to index
      %swap3A_68 = arith.constant 96 : index
      %swap3A_69 = tpu.vector_load %arg9[%swap3A_67, %swap3A_68] {strides = array<i32>} : memref<128x128xf32, #tpu.memory_space<vmem>>, vector<1x16xf32>,
      %swap3A_70 = vector.shape_cast %swap3A_69 : vector<1x16xf32> to vector<16xf32>
      %swap3A_71 = vector.shape_cast %broadcast_in_dim3A_3 : vector<16xf32> to vector<1x16xf32>
      tpu.vector_store %arg9[%swap3A_67, %swap3A_68], %swap3A_71 {strides = array<i32>} : memref<128x128xf32, #tpu.memory_space<vmem>>, vector<1x16xf32>,
      %swap3A_72 = arith.index_cast %scan3A_37 : i32 to index
      %swap3A_73 = arith.constant 112 : index
      %swap3A_74 = tpu.vector_load %arg9[%swap3A_72, %swap3A_73] {strides = array<i32>} : memref<128x128xf32, #tpu.memory_space<vmem>>, vector<1x16xf32>,
      %swap3A_75 = vector.shape_cast %swap3A_74 : vector<1x16xf32> to vector<16xf32>
      %swap3A_76 = vector.shape_cast %broadcast_in_dim3A_3 : vector<16xf32> to vector<1x16xf32>
      tpu.vector_store %arg9[%swap3A_72, %swap3A_73], %swap3A_76 {strides = array<i32>} : memref<128x128xf32, #tpu.memory_space<vmem>>, vector<1x16xf32>,
    }
    %scan3A_8 = arith.constant 128 : i32
    %add3A_9 = arith.constant 0 : i32
    %add3A_10 = arith.addi %mul3A_2, %add3A_9 : i32
    "tpu.region"() ({
      %run_scoped3A_37 = tpu.sem_alloc : memref<!tpu.dma_semaphore, #tpu.memory_space<semaphore_mem>>
      %dma_start3A = arith.constant 0 : i32
      %dma_start3A_38 = tpu.memref_slice %arg6[%add3A_10, %dma_start3A] : memref<10240x128xf32, #tpu.memory_space<vmem_shared>> -> memref<128x128xf32, #tpu.memory_space<vmem_shared>>
      %dma_start3A_39 = arith.constant 0 : i32
      %dma_start3A_40 = tpu.memref_slice %arg6[%add3A_10, %dma_start3A_39] : memref<10240x128xf32, #tpu.memory_space<vmem_shared>> -> memref<128x128xf32, #tpu.memory_space<vmem_shared>>
      tpu.enqueue_dma source(%arg9 : memref<128x128xf32, #tpu.memory_space<vmem>>) target(%dma_start3A_40 : memref<128x128xf32, #tpu.memory_space<vmem_shared>>) target_semaphore(%run_scoped3A_37 : memref<!tpu.dma_semaphore, #tpu.memory_space<semaphore_mem>>)
      %dma_wait3A = arith.constant 0 : i32
      %dma_wait3A_41 = tpu.memref_slice %arg6[%add3A_10, %dma_wait3A] : memref<10240x128xf32, #tpu.memory_space<vmem_shared>> -> memref<128x128xf32, #tpu.memory_space<vmem_shared>>
      %dma_wait3A_42 = arith.constant 0 : i32
      %dma_wait3A_43 = tpu.memref_slice %arg6[%add3A_10, %dma_wait3A_42] : memref<10240x128xf32, #tpu.memory_space<vmem_shared>> -> memref<128x128xf32, #tpu.memory_space<vmem_shared>>
      tpu.wait_dma2 semaphore(%run_scoped3A_37 : memref<!tpu.dma_semaphore, #tpu.memory_space<semaphore_mem>>) src(%arg9 : memref<128x128xf32, #tpu.memory_space<vmem>>) dst(%dma_wait3A_43 : memref<128x128xf32, #tpu.memory_space<vmem_shared>>)
      tpu.yield
    }) : () -> ()
    %add3A_11 = arith.constant 128 : i32
    %add3A_12 = arith.addi %mul3A_2, %add3A_11 : i32
    "tpu.region"() ({
      %run_scoped3A_37 = tpu.sem_alloc : memref<!tpu.dma_semaphore, #tpu.memory_space<semaphore_mem>>
      %dma_start3A = arith.constant 0 : i32
      %dma_start3A_38 = tpu.memref_slice %arg6[%add3A_12, %dma_start3A] : memref<10240x128xf32, #tpu.memory_space<vmem_shared>> -> memref<128x128xf32, #tpu.memory_space<vmem_shared>>
      %dma_start3A_39 = arith.constant 0 : i32
      %dma_start3A_40 = tpu.memref_slice %arg6[%add3A_12, %dma_start3A_39] : memref<10240x128xf32, #tpu.memory_space<vmem_shared>> -> memref<128x128xf32, #tpu.memory_space<vmem_shared>>
      tpu.enqueue_dma source(%arg9 : memref<128x128xf32, #tpu.memory_space<vmem>>) target(%dma_start3A_40 : memref<128x128xf32, #tpu.memory_space<vmem_shared>>) target_semaphore(%run_scoped3A_37 : memref<!tpu.dma_semaphore, #tpu.memory_space<semaphore_mem>>)
      %dma_wait3A = arith.constant 0 : i32
      %dma_wait3A_41 = tpu.memref_slice %arg6[%add3A_12, %dma_wait3A] : memref<10240x128xf32, #tpu.memory_space<vmem_shared>> -> memref<128x128xf32, #tpu.memory_space<vmem_shared>>
      %dma_wait3A_42 = arith.constant 0 : i32
      %dma_wait3A_43 = tpu.memref_slice %arg6[%add3A_12, %dma_wait3A_42] : memref<10240x128xf32, #tpu.memory_space<vmem_shared>> -> memref<128x128xf32, #tpu.memory_space<vmem_shared>>
      tpu.wait_dma2 semaphore(%run_scoped3A_37 : memref<!tpu.dma_semaphore, #tpu.memory_space<semaphore_mem>>) src(%arg9 : memref<128x128xf32, #tpu.memory_space<vmem>>) dst(%dma_wait3A_43 : memref<128x128xf32, #tpu.memory_space<vmem_shared>>)
      tpu.yield
    }) : () -> ()
    %add3A_13 = arith.constant 256 : i32
    %add3A_14 = arith.addi %mul3A_2, %add3A_13 : i32
    "tpu.region"() ({
      %run_scoped3A_37 = tpu.sem_alloc : memref<!tpu.dma_semaphore, #tpu.memory_space<semaphore_mem>>
      %dma_start3A = arith.constant 0 : i32
      %dma_start3A_38 = tpu.memref_slice %arg6[%add3A_14, %dma_start3A] : memref<10240x128xf32, #tpu.memory_space<vmem_shared>> -> memref<128x128xf32, #tpu.memory_space<vmem_shared>>
      %dma_start3A_39 = arith.constant 0 : i32
      %dma_start3A_40 = tpu.memref_slice %arg6[%add3A_14, %dma_start3A_39] : memref<10240x128xf32, #tpu.memory_space<vmem_shared>> -> memref<128x128xf32, #tpu.memory_space<vmem_shared>>
      tpu.enqueue_dma source(%arg9 : memref<128x128xf32, #tpu.memory_space<vmem>>) target(%dma_start3A_40 : memref<128x128xf32, #tpu.memory_space<vmem_shared>>) target_semaphore(%run_scoped3A_37 : memref<!tpu.dma_semaphore, #tpu.memory_space<semaphore_mem>>)
      %dma_wait3A = arith.constant 0 : i32
      %dma_wait3A_41 = tpu.memref_slice %arg6[%add3A_14, %dma_wait3A] : memref<10240x128xf32, #tpu.memory_space<vmem_shared>> -> memref<128x128xf32, #tpu.memory_space<vmem_shared>>
      %dma_wait3A_42 = arith.constant 0 : i32
      %dma_wait3A_43 = tpu.memref_slice %arg6[%add3A_14, %dma_wait3A_42] : memref<10240x128xf32, #tpu.memory_space<vmem_shared>> -> memref<128x128xf32, #tpu.memory_space<vmem_shared>>
      tpu.wait_dma2 semaphore(%run_scoped3A_37 : memref<!tpu.dma_semaphore, #tpu.memory_space<semaphore_mem>>) src(%arg9 : memref<128x128xf32, #tpu.memory_space<vmem>>) dst(%dma_wait3A_43 : memref<128x128xf32, #tpu.memory_space<vmem_shared>>)
      tpu.yield
    }) : () -> ()
    %add3A_15 = arith.constant 384 : i32
    %add3A_16 = arith.addi %mul3A_2, %add3A_15 : i32
    "tpu.region"() ({
      %run_scoped3A_37 = tpu.sem_alloc : memref<!tpu.dma_semaphore, #tpu.memory_space<semaphore_mem>>
      %dma_start3A = arith.constant 0 : i32
      %dma_start3A_38 = tpu.memref_slice %arg6[%add3A_16, %dma_start3A] : memref<10240x128xf32, #tpu.memory_space<vmem_shared>> -> memref<128x128xf32, #tpu.memory_space<vmem_shared>>
      %dma_start3A_39 = arith.constant 0 : i32
      %dma_start3A_40 = tpu.memref_slice %arg6[%add3A_16, %dma_start3A_39] : memref<10240x128xf32, #tpu.memory_space<vmem_shared>> -> memref<128x128xf32, #tpu.memory_space<vmem_shared>>
      tpu.enqueue_dma source(%arg9 : memref<128x128xf32, #tpu.memory_space<vmem>>) target(%dma_start3A_40 : memref<128x128xf32, #tpu.memory_space<vmem_shared>>) target_semaphore(%run_scoped3A_37 : memref<!tpu.dma_semaphore, #tpu.memory_space<semaphore_mem>>)
      %dma_wait3A = arith.constant 0 : i32
      %dma_wait3A_41 = tpu.memref_slice %arg6[%add3A_16, %dma_wait3A] : memref<10240x128xf32, #tpu.memory_space<vmem_shared>> -> memref<128x128xf32, #tpu.memory_space<vmem_shared>>
      %dma_wait3A_42 = arith.constant 0 : i32
      %dma_wait3A_43 = tpu.memref_slice %arg6[%add3A_16, %dma_wait3A_42] : memref<10240x128xf32, #tpu.memory_space<vmem_shared>> -> memref<128x128xf32, #tpu.memory_space<vmem_shared>>
      tpu.wait_dma2 semaphore(%run_scoped3A_37 : memref<!tpu.dma_semaphore, #tpu.memory_space<semaphore_mem>>) src(%arg9 : memref<128x128xf32, #tpu.memory_space<vmem>>) dst(%dma_wait3A_43 : memref<128x128xf32, #tpu.memory_space<vmem_shared>>)
      tpu.yield
    }) : () -> ()
    %add3A_17 = arith.constant 512 : i32
    %add3A_18 = arith.addi %mul3A_2, %add3A_17 : i32
    "tpu.region"() ({
      %run_scoped3A_37 = tpu.sem_alloc : memref<!tpu.dma_semaphore, #tpu.memory_space<semaphore_mem>>
      %dma_start3A = arith.constant 0 : i32
      %dma_start3A_38 = tpu.memref_slice %arg6[%add3A_18, %dma_start3A] : memref<10240x128xf32, #tpu.memory_space<vmem_shared>> -> memref<128x128xf32, #tpu.memory_space<vmem_shared>>
      %dma_start3A_39 = arith.constant 0 : i32
      %dma_start3A_40 = tpu.memref_slice %arg6[%add3A_18, %dma_start3A_39] : memref<10240x128xf32, #tpu.memory_space<vmem_shared>> -> memref<128x128xf32, #tpu.memory_space<vmem_shared>>
      tpu.enqueue_dma source(%arg9 : memref<128x128xf32, #tpu.memory_space<vmem>>) target(%dma_start3A_40 : memref<128x128xf32, #tpu.memory_space<vmem_shared>>) target_semaphore(%run_scoped3A_37 : memref<!tpu.dma_semaphore, #tpu.memory_space<semaphore_mem>>)
      %dma_wait3A = arith.constant 0 : i32
      %dma_wait3A_41 = tpu.memref_slice %arg6[%add3A_18, %dma_wait3A] : memref<10240x128xf32, #tpu.memory_space<vmem_shared>> -> memref<128x128xf32, #tpu.memory_space<vmem_shared>>
      %dma_wait3A_42 = arith.constant 0 : i32
      %dma_wait3A_43 = tpu.memref_slice %arg6[%add3A_18, %dma_wait3A_42] : memref<10240x128xf32, #tpu.memory_space<vmem_shared>> -> memref<128x128xf32, #tpu.memory_space<vmem_shared>>
      tpu.wait_dma2 semaphore(%run_scoped3A_37 : memref<!tpu.dma_semaphore, #tpu.memory_space<semaphore_mem>>) src(%arg9 : memref<128x128xf32, #tpu.memory_space<vmem>>) dst(%dma_wait3A_43 : memref<128x128xf32, #tpu.memory_space<vmem_shared>>)
      tpu.yield
    }) : () -> ()
    %barrier3A = arith.constant 0 : index
    tpu.barrier barrier_id(%barrier3A)
    %run_scoped3A = arith.constant 0 : i32
    "tpu.region"() ({
      %run_scoped3A_37 = tpu.sem_alloc : memref<!tpu.dma_semaphore, #tpu.memory_space<semaphore_mem>>
      %dma_start3A = arith.constant 0 : i32
      %dma_start3A_38 = arith.constant 0 : i32
      %dma_start3A_39 = tpu.memref_slice %arg7[%run_scoped3A, %dma_start3A, %dma_start3A_38] : memref<2x16x128xi32, #tpu.memory_space<vmem>> -> memref<1x16x128xi32, #tpu.memory_space<vmem>>
      %dma_start3A_40 = tpu.memref_squeeze %dma_start3A_39 : memref<1x16x128xi32, #tpu.memory_space<vmem>> -> memref<16x128xi32, #tpu.memory_space<vmem>>
      %dma_start3A_41 = arith.constant 0 : i32
      %dma_start3A_42 = arith.constant 0 : i32
      %dma_start3A_43 = tpu.memref_slice %arg3[%add3A, %dma_start3A_41, %dma_start3A_42] : memref<32x80x128xi32, #tpu.memory_space<hbm>> -> memref<1x16x128xi32, #tpu.memory_space<hbm>>
      %dma_start3A_44 = tpu.memref_squeeze %dma_start3A_43 : memref<1x16x128xi32, #tpu.memory_space<hbm>> -> memref<16x128xi32, #tpu.memory_space<hbm>>
      %dma_start3A_45 = arith.constant 0 : i32
      %dma_start3A_46 = arith.constant 0 : i32
      %dma_start3A_47 = tpu.memref_slice %arg7[%run_scoped3A, %dma_start3A_45, %dma_start3A_46] : memref<2x16x128xi32, #tpu.memory_space<vmem>> -> memref<1x16x128xi32, #tpu.memory_space<vmem>>
      %dma_start3A_48 = tpu.memref_squeeze %dma_start3A_47 : memref<1x16x128xi32, #tpu.memory_space<vmem>> -> memref<16x128xi32, #tpu.memory_space<vmem>>
      %dma_start3A_49 = arith.constant 0 : i32
      %dma_start3A_50 = arith.constant 0 : i32
      %dma_start3A_51 = tpu.memref_slice %arg3[%add3A, %dma_start3A_49, %dma_start3A_50] : memref<32x80x128xi32, #tpu.memory_space<hbm>> -> memref<1x16x128xi32, #tpu.memory_space<hbm>>
      %dma_start3A_52 = tpu.memref_squeeze %dma_start3A_51 : memref<1x16x128xi32, #tpu.memory_space<hbm>> -> memref<16x128xi32, #tpu.memory_space<hbm>>
      tpu.enqueue_dma source(%dma_start3A_52 : memref<16x128xi32, #tpu.memory_space<hbm>>) target(%dma_start3A_48 : memref<16x128xi32, #tpu.memory_space<vmem>>) target_semaphore(%run_scoped3A_37 : memref<!tpu.dma_semaphore, #tpu.memory_space<semaphore_mem>>)
      %dma_wait3A = arith.constant 0 : i32
      %dma_wait3A_53 = arith.constant 0 : i32
      %dma_wait3A_54 = tpu.memref_slice %arg7[%run_scoped3A, %dma_wait3A, %dma_wait3A_53] : memref<2x16x128xi32, #tpu.memory_space<vmem>> -> memref<1x16x128xi32, #tpu.memory_space<vmem>>
      %dma_wait3A_55 = tpu.memref_squeeze %dma_wait3A_54 : memref<1x16x128xi32, #tpu.memory_space<vmem>> -> memref<16x128xi32, #tpu.memory_space<vmem>>
      %dma_wait3A_56 = arith.constant 0 : i32
      %dma_wait3A_57 = arith.constant 0 : i32
      %dma_wait3A_58 = tpu.memref_slice %arg3[%add3A, %dma_wait3A_56, %dma_wait3A_57] : memref<32x80x128xi32, #tpu.memory_space<hbm>> -> memref<1x16x128xi32, #tpu.memory_space<hbm>>
      %dma_wait3A_59 = tpu.memref_squeeze %dma_wait3A_58 : memref<1x16x128xi32, #tpu.memory_space<hbm>> -> memref<16x128xi32, #tpu.memory_space<hbm>>
      %dma_wait3A_60 = arith.constant 0 : i32
      %dma_wait3A_61 = arith.constant 0 : i32
      %dma_wait3A_62 = tpu.memref_slice %arg7[%run_scoped3A, %dma_wait3A_60, %dma_wait3A_61] : memref<2x16x128xi32, #tpu.memory_space<vmem>> -> memref<1x16x128xi32, #tpu.memory_space<vmem>>
      %dma_wait3A_63 = tpu.memref_squeeze %dma_wait3A_62 : memref<1x16x128xi32, #tpu.memory_space<vmem>> -> memref<16x128xi32, #tpu.memory_space<vmem>>
      %dma_wait3A_64 = arith.constant 0 : i32
      %dma_wait3A_65 = arith.constant 0 : i32
      %dma_wait3A_66 = tpu.memref_slice %arg3[%add3A, %dma_wait3A_64, %dma_wait3A_65] : memref<32x80x128xi32, #tpu.memory_space<hbm>> -> memref<1x16x128xi32, #tpu.memory_space<hbm>>
      %dma_wait3A_67 = tpu.memref_squeeze %dma_wait3A_66 : memref<1x16x128xi32, #tpu.memory_space<hbm>> -> memref<16x128xi32, #tpu.memory_space<hbm>>
      tpu.wait_dma2 semaphore(%run_scoped3A_37 : memref<!tpu.dma_semaphore, #tpu.memory_space<semaphore_mem>>) src(%dma_wait3A_67 : memref<16x128xi32, #tpu.memory_space<hbm>>) dst(%dma_wait3A_63 : memref<16x128xi32, #tpu.memory_space<vmem>>)
      tpu.yield
    }) : () -> ()
    %run_scoped3A_19 = arith.constant 0 : i32
    "tpu.region"() ({
      %run_scoped3A_37 = tpu.sem_alloc : memref<!tpu.dma_semaphore, #tpu.memory_space<semaphore_mem>>
      %dma_start3A = arith.constant 0 : i32
      %dma_start3A_38 = arith.constant 0 : i32
      %dma_start3A_39 = tpu.memref_slice %arg8[%run_scoped3A_19, %dma_start3A, %dma_start3A_38] : memref<2x16x128xi32, #tpu.memory_space<vmem>> -> memref<1x16x128xi32, #tpu.memory_space<vmem>>
      %dma_start3A_40 = tpu.memref_squeeze %dma_start3A_39 : memref<1x16x128xi32, #tpu.memory_space<vmem>> -> memref<16x128xi32, #tpu.memory_space<vmem>>
      %dma_start3A_41 = arith.constant 0 : i32
      %dma_start3A_42 = arith.constant 0 : i32
      %dma_start3A_43 = tpu.memref_slice %arg4[%add3A, %dma_start3A_41, %dma_start3A_42] : memref<32x80x128xi32, #tpu.memory_space<hbm>> -> memref<1x16x128xi32, #tpu.memory_space<hbm>>
      %dma_start3A_44 = tpu.memref_squeeze %dma_start3A_43 : memref<1x16x128xi32, #tpu.memory_space<hbm>> -> memref<16x128xi32, #tpu.memory_space<hbm>>
      %dma_start3A_45 = arith.constant 0 : i32
      %dma_start3A_46 = arith.constant 0 : i32
      %dma_start3A_47 = tpu.memref_slice %arg8[%run_scoped3A_19, %dma_start3A_45, %dma_start3A_46] : memref<2x16x128xi32, #tpu.memory_space<vmem>> -> memref<1x16x128xi32, #tpu.memory_space<vmem>>
      %dma_start3A_48 = tpu.memref_squeeze %dma_start3A_47 : memref<1x16x128xi32, #tpu.memory_space<vmem>> -> memref<16x128xi32, #tpu.memory_space<vmem>>
      %dma_start3A_49 = arith.constant 0 : i32
      %dma_start3A_50 = arith.constant 0 : i32
      %dma_start3A_51 = tpu.memref_slice %arg4[%add3A, %dma_start3A_49, %dma_start3A_50] : memref<32x80x128xi32, #tpu.memory_space<hbm>> -> memref<1x16x128xi32, #tpu.memory_space<hbm>>
      %dma_start3A_52 = tpu.memref_squeeze %dma_start3A_51 : memref<1x16x128xi32, #tpu.memory_space<hbm>> -> memref<16x128xi32, #tpu.memory_space<hbm>>
      tpu.enqueue_dma source(%dma_start3A_52 : memref<16x128xi32, #tpu.memory_space<hbm>>) target(%dma_start3A_48 : memref<16x128xi32, #tpu.memory_space<vmem>>) target_semaphore(%run_scoped3A_37 : memref<!tpu.dma_semaphore, #tpu.memory_space<semaphore_mem>>)
      %dma_wait3A = arith.constant 0 : i32
      %dma_wait3A_53 = arith.constant 0 : i32
      %dma_wait3A_54 = tpu.memref_slice %arg8[%run_scoped3A_19, %dma_wait3A, %dma_wait3A_53] : memref<2x16x128xi32, #tpu.memory_space<vmem>> -> memref<1x16x128xi32, #tpu.memory_space<vmem>>
      %dma_wait3A_55 = tpu.memref_squeeze %dma_wait3A_54 : memref<1x16x128xi32, #tpu.memory_space<vmem>> -> memref<16x128xi32, #tpu.memory_space<vmem>>
      %dma_wait3A_56 = arith.constant 0 : i32
      %dma_wait3A_57 = arith.constant 0 : i32
      %dma_wait3A_58 = tpu.memref_slice %arg4[%add3A, %dma_wait3A_56, %dma_wait3A_57] : memref<32x80x128xi32, #tpu.memory_space<hbm>> -> memref<1x16x128xi32, #tpu.memory_space<hbm>>
      %dma_wait3A_59 = tpu.memref_squeeze %dma_wait3A_58 : memref<1x16x128xi32, #tpu.memory_space<hbm>> -> memref<16x128xi32, #tpu.memory_space<hbm>>
      %dma_wait3A_60 = arith.constant 0 : i32
      %dma_wait3A_61 = arith.constant 0 : i32
      %dma_wait3A_62 = tpu.memref_slice %arg8[%run_scoped3A_19, %dma_wait3A_60, %dma_wait3A_61] : memref<2x16x128xi32, #tpu.memory_space<vmem>> -> memref<1x16x128xi32, #tpu.memory_space<vmem>>
      %dma_wait3A_63 = tpu.memref_squeeze %dma_wait3A_62 : memref<1x16x128xi32, #tpu.memory_space<vmem>> -> memref<16x128xi32, #tpu.memory_space<vmem>>
      %dma_wait3A_64 = arith.constant 0 : i32
      %dma_wait3A_65 = arith.constant 0 : i32
      %dma_wait3A_66 = tpu.memref_slice %arg4[%add3A, %dma_wait3A_64, %dma_wait3A_65] : memref<32x80x128xi32, #tpu.memory_space<hbm>> -> memref<1x16x128xi32, #tpu.memory_space<hbm>>
      %dma_wait3A_67 = tpu.memref_squeeze %dma_wait3A_66 : memref<1x16x128xi32, #tpu.memory_space<hbm>> -> memref<16x128xi32, #tpu.memory_space<hbm>>
      tpu.wait_dma2 semaphore(%run_scoped3A_37 : memref<!tpu.dma_semaphore, #tpu.memory_space<semaphore_mem>>) src(%dma_wait3A_67 : memref<16x128xi32, #tpu.memory_space<hbm>>) dst(%dma_wait3A_63 : memref<16x128xi32, #tpu.memory_space<vmem>>)
      tpu.yield
    }) : () -> ()
    %scan3A_20 = arith.constant 0 : i32
    %scan3A_21 = arith.constant 0 : i32
    %scan3A_22 = arith.constant 5 : i32
    %scan3A_23 = arith.addi %scan3A_21, %scan3A_22 : i32
    %scan3A_24 = arith.constant 1 : i32
    scf.for %scan3A_37 = %scan3A_21 to %scan3A_23 step %scan3A_24  : i32 {
      %rem3A = arith.constant 2 : i32
      %rem3A_38 = arith.remsi %scan3A_37, %rem3A : i32
      %add3A_39 = arith.constant 1 : i32
      %add3A_40 = arith.addi %scan3A_37, %add3A_39 : i32
      %min3A = arith.constant 4 : i32
      %min3A_41 = arith.minsi %add3A_40, %min3A : i32
      %mul3A_42 = arith.constant 16 : i32
      %mul3A_43 = arith.muli %min3A_41, %mul3A_42 : i32
      %sub3A = arith.constant 1 : i32
      %sub3A_44 = arith.subi %sub3A, %rem3A_38 : i32
      %dma_start3A = arith.constant 0 : i32
      %dma_start3A_45 = arith.constant 0 : i32
      %dma_start3A_46 = tpu.memref_slice %arg7[%sub3A_44, %dma_start3A, %dma_start3A_45] : memref<2x16x128xi32, #tpu.memory_space<vmem>> -> memref<1x16x128xi32, #tpu.memory_space<vmem>>
      %dma_start3A_47 = tpu.memref_squeeze %dma_start3A_46 : memref<1x16x128xi32, #tpu.memory_space<vmem>> -> memref<16x128xi32, #tpu.memory_space<vmem>>
      %dma_start3A_48 = arith.constant 0 : i32
      %dma_start3A_49 = tpu.memref_slice %arg3[%add3A, %mul3A_43, %dma_start3A_48] : memref<32x80x128xi32, #tpu.memory_space<hbm>> -> memref<1x16x128xi32, #tpu.memory_space<hbm>>
      %dma_start3A_50 = tpu.memref_squeeze %dma_start3A_49 : memref<1x16x128xi32, #tpu.memory_space<hbm>> -> memref<16x128xi32, #tpu.memory_space<hbm>>
      %dma_start3A_51 = arith.constant 0 : i32
      %dma_start3A_52 = arith.constant 0 : i32
      %dma_start3A_53 = tpu.memref_slice %arg7[%sub3A_44, %dma_start3A_51, %dma_start3A_52] : memref<2x16x128xi32, #tpu.memory_space<vmem>> -> memref<1x16x128xi32, #tpu.memory_space<vmem>>
      %dma_start3A_54 = tpu.memref_squeeze %dma_start3A_53 : memref<1x16x128xi32, #tpu.memory_space<vmem>> -> memref<16x128xi32, #tpu.memory_space<vmem>>
      %dma_start3A_55 = arith.constant 0 : i32
      %dma_start3A_56 = tpu.memref_slice %arg3[%add3A, %mul3A_43, %dma_start3A_55] : memref<32x80x128xi32, #tpu.memory_space<hbm>> -> memref<1x16x128xi32, #tpu.memory_space<hbm>>
      %dma_start3A_57 = tpu.memref_squeeze %dma_start3A_56 : memref<1x16x128xi32, #tpu.memory_space<hbm>> -> memref<16x128xi32, #tpu.memory_space<hbm>>
      tpu.enqueue_dma source(%dma_start3A_57 : memref<16x128xi32, #tpu.memory_space<hbm>>) target(%dma_start3A_54 : memref<16x128xi32, #tpu.memory_space<vmem>>) target_semaphore(%arg15 : memref<!tpu.dma_semaphore, #tpu.memory_space<semaphore_mem>>)
      %sub3A_58 = arith.constant 1 : i32
      %sub3A_59 = arith.subi %sub3A_58, %rem3A_38 : i32
      %dma_start3A_60 = arith.constant 0 : i32
      %dma_start3A_61 = arith.constant 0 : i32
      %dma_start3A_62 = tpu.memref_slice %arg8[%sub3A_59, %dma_start3A_60, %dma_start3A_61] : memref<2x16x128xi32, #tpu.memory_space<vmem>> -> memref<1x16x128xi32, #tpu.memory_space<vmem>>
      %dma_start3A_63 = tpu.memref_squeeze %dma_start3A_62 : memref<1x16x128xi32, #tpu.memory_space<vmem>> -> memref<16x128xi32, #tpu.memory_space<vmem>>
      %dma_start3A_64 = arith.constant 0 : i32
      %dma_start3A_65 = tpu.memref_slice %arg4[%add3A, %mul3A_43, %dma_start3A_64] : memref<32x80x128xi32, #tpu.memory_space<hbm>> -> memref<1x16x128xi32, #tpu.memory_space<hbm>>
      %dma_start3A_66 = tpu.memref_squeeze %dma_start3A_65 : memref<1x16x128xi32, #tpu.memory_space<hbm>> -> memref<16x128xi32, #tpu.memory_space<hbm>>
      %dma_start3A_67 = arith.constant 0 : i32
      %dma_start3A_68 = arith.constant 0 : i32
      %dma_start3A_69 = tpu.memref_slice %arg8[%sub3A_59, %dma_start3A_67, %dma_start3A_68] : memref<2x16x128xi32, #tpu.memory_space<vmem>> -> memref<1x16x128xi32, #tpu.memory_space<vmem>>
      %dma_start3A_70 = tpu.memref_squeeze %dma_start3A_69 : memref<1x16x128xi32, #tpu.memory_space<vmem>> -> memref<16x128xi32, #tpu.memory_space<vmem>>
      %dma_start3A_71 = arith.constant 0 : i32
      %dma_start3A_72 = tpu.memref_slice %arg4[%add3A, %mul3A_43, %dma_start3A_71] : memref<32x80x128xi32, #tpu.memory_space<hbm>> -> memref<1x16x128xi32, #tpu.memory_space<hbm>>
      %dma_start3A_73 = tpu.memref_squeeze %dma_start3A_72 : memref<1x16x128xi32, #tpu.memory_space<hbm>> -> memref<16x128xi32, #tpu.memory_space<hbm>>
      tpu.enqueue_dma source(%dma_start3A_73 : memref<16x128xi32, #tpu.memory_space<hbm>>) target(%dma_start3A_70 : memref<16x128xi32, #tpu.memory_space<vmem>>) target_semaphore(%arg15 : memref<!tpu.dma_semaphore, #tpu.memory_space<semaphore_mem>>)
      %dma_start3A_74 = arith.constant 0 : i32
      %dma_start3A_75 = arith.constant 0 : i32
      %dma_start3A_76 = tpu.memref_slice %arg7[%rem3A_38, %dma_start3A_74, %dma_start3A_75] : memref<2x16x128xi32, #tpu.memory_space<vmem>> -> memref<1x1x128xi32, #tpu.memory_space<vmem>>
      %dma_start3A_77 = tpu.memref_squeeze %dma_start3A_76 : memref<1x1x128xi32, #tpu.memory_space<vmem>> -> memref<128xi32, #tpu.memory_space<vmem>>
      %dma_start3A_78 = arith.constant 0 : i32
      %dma_start3A_79 = arith.constant 0 : i32
      %dma_start3A_80 = tpu.memref_slice %arg2[%dma_start3A_78, %dma_start3A_79] : memref<10240x128xf32, #tpu.memory_space<hbm>> -> memref<10240x128xf32, #tpu.memory_space<hbm>>
      tpu.enqueue_indirect_dma source(%dma_start3A_80 : memref<10240x128xf32, #tpu.memory_space<hbm>>) target(%arg9 : memref<128x128xf32, #tpu.memory_space<vmem>>) offsets(%dma_start3A_77 : memref<128xi32, #tpu.memory_space<vmem>>) semaphore(%arg11 : memref<!tpu.dma_semaphore, #tpu.memory_space<semaphore_mem>>)
      %dma_start3A_81 = arith.constant 1 : i32
      %dma_start3A_82 = arith.constant 0 : i32
      %dma_start3A_83 = tpu.memref_slice %arg7[%rem3A_38, %dma_start3A_81, %dma_start3A_82] : memref<2x16x128xi32, #tpu.memory_space<vmem>> -> memref<1x1x128xi32, #tpu.memory_space<vmem>>
      %dma_start3A_84 = tpu.memref_squeeze %dma_start3A_83 : memref<1x1x128xi32, #tpu.memory_space<vmem>> -> memref<128xi32, #tpu.memory_space<vmem>>
      %dma_start3A_85 = arith.constant 0 : i32
      %dma_start3A_86 = arith.constant 0 : i32
      %dma_start3A_87 = tpu.memref_slice %arg2[%dma_start3A_85, %dma_start3A_86] : memref<10240x128xf32, #tpu.memory_space<hbm>> -> memref<10240x128xf32, #tpu.memory_space<hbm>>
      tpu.enqueue_indirect_dma source(%dma_start3A_87 : memref<10240x128xf32, #tpu.memory_space<hbm>>) target(%arg10 : memref<128x128xf32, #tpu.memory_space<vmem>>) offsets(%dma_start3A_84 : memref<128xi32, #tpu.memory_space<vmem>>) semaphore(%arg12 : memref<!tpu.dma_semaphore, #tpu.memory_space<semaphore_mem>>)
      %dma_wait3A = arith.constant 0 : i32
      %dma_wait3A_88 = arith.constant 0 : i32
      %dma_wait3A_89 = tpu.memref_slice %arg7[%rem3A_38, %dma_wait3A, %dma_wait3A_88] : memref<2x16x128xi32, #tpu.memory_space<vmem>> -> memref<1x1x128xi32, #tpu.memory_space<vmem>>
      %dma_wait3A_90 = tpu.memref_squeeze %dma_wait3A_89 : memref<1x1x128xi32, #tpu.memory_space<vmem>> -> memref<128xi32, #tpu.memory_space<vmem>>
      %dma_wait3A_91 = arith.constant 0 : i32
      %dma_wait3A_92 = arith.constant 0 : i32
      %dma_wait3A_93 = tpu.memref_slice %arg2[%dma_wait3A_91, %dma_wait3A_92] : memref<10240x128xf32, #tpu.memory_space<hbm>> -> memref<10240x128xf32, #tpu.memory_space<hbm>>
      tpu.wait_indirect_dma semaphore(%arg11 : memref<!tpu.dma_semaphore, #tpu.memory_space<semaphore_mem>>) src(%dma_wait3A_93 : memref<10240x128xf32, #tpu.memory_space<hbm>>) dst(%arg9 : memref<128x128xf32, #tpu.memory_space<vmem>>)
      %dma_start3A_94 = arith.constant 0 : i32
      %dma_start3A_95 = arith.constant 0 : i32
      %dma_start3A_96 = tpu.memref_slice %arg8[%rem3A_38, %dma_start3A_94, %dma_start3A_95] : memref<2x16x128xi32, #tpu.memory_space<vmem>> -> memref<1x1x128xi32, #tpu.memory_space<vmem>>
      %dma_start3A_97 = tpu.memref_squeeze %dma_start3A_96 : memref<1x1x128xi32, #tpu.memory_space<vmem>> -> memref<128xi32, #tpu.memory_space<vmem>>
      %dma_start3A_98 = arith.constant 0 : i32
      %dma_start3A_99 = arith.constant 0 : i32
      %dma_start3A_100 = tpu.memref_slice %arg6[%dma_start3A_98, %dma_start3A_99] : memref<10240x128xf32, #tpu.memory_space<vmem_shared>> -> memref<10240x128xf32, #tpu.memory_space<vmem_shared>>
      tpu.enqueue_indirect_dma source(%arg9 : memref<128x128xf32, #tpu.memory_space<vmem>>) target(%dma_start3A_100 : memref<10240x128xf32, #tpu.memory_space<vmem_shared>>) offsets(%dma_start3A_97 : memref<128xi32, #tpu.memory_space<vmem>>) semaphore(%arg13 : memref<!tpu.dma_semaphore, #tpu.memory_space<semaphore_mem>>) {add = true}
      %dma_wait3A_101 = arith.constant 0 : i32
      %dma_wait3A_102 = arith.constant 0 : i32
      %dma_wait3A_103 = tpu.memref_slice %arg8[%rem3A_38, %dma_wait3A_101, %dma_wait3A_102] : memref<2x16x128xi32, #tpu.memory_space<vmem>> -> memref<1x1x128xi32, #tpu.memory_space<vmem>>
      %dma_wait3A_104 = tpu.memref_squeeze %dma_wait3A_103 : memref<1x1x128xi32, #tpu.memory_space<vmem>> -> memref<128xi32, #tpu.memory_space<vmem>>
      %dma_wait3A_105 = arith.constant 0 : i32
      %dma_wait3A_106 = arith.constant 0 : i32
      %dma_wait3A_107 = tpu.memref_slice %arg6[%dma_wait3A_105, %dma_wait3A_106] : memref<10240x128xf32, #tpu.memory_space<vmem_shared>> -> memref<10240x128xf32, #tpu.memory_space<vmem_shared>>
      tpu.wait_indirect_dma semaphore(%arg13 : memref<!tpu.dma_semaphore, #tpu.memory_space<semaphore_mem>>) src(%arg9 : memref<128x128xf32, #tpu.memory_space<vmem>>) dst(%dma_wait3A_107 : memref<10240x128xf32, #tpu.memory_space<vmem_shared>>)
      %dma_start3A_108 = arith.constant 2 : i32
      %dma_start3A_109 = arith.constant 0 : i32
      %dma_start3A_110 = tpu.memref_slice %arg7[%rem3A_38, %dma_start3A_108, %dma_start3A_109] : memref<2x16x128xi32, #tpu.memory_space<vmem>> -> memref<1x1x128xi32, #tpu.memory_space<vmem>>
      %dma_start3A_111 = tpu.memref_squeeze %dma_start3A_110 : memref<1x1x128xi32, #tpu.memory_space<vmem>> -> memref<128xi32, #tpu.memory_space<vmem>>
      %dma_start3A_112 = arith.constant 0 : i32
      %dma_start3A_113 = arith.constant 0 : i32
      %dma_start3A_114 = tpu.memref_slice %arg2[%dma_start3A_112, %dma_start3A_113] : memref<10240x128xf32, #tpu.memory_space<hbm>> -> memref<10240x128xf32, #tpu.memory_space<hbm>>
      tpu.enqueue_indirect_dma source(%dma_start3A_114 : memref<10240x128xf32, #tpu.memory_space<hbm>>) target(%arg9 : memref<128x128xf32, #tpu.memory_space<vmem>>) offsets(%dma_start3A_111 : memref<128xi32, #tpu.memory_space<vmem>>) semaphore(%arg11 : memref<!tpu.dma_semaphore, #tpu.memory_space<semaphore_mem>>)
      %dma_wait3A_115 = arith.constant 1 : i32
      %dma_wait3A_116 = arith.constant 0 : i32
      %dma_wait3A_117 = tpu.memref_slice %arg7[%rem3A_38, %dma_wait3A_115, %dma_wait3A_116] : memref<2x16x128xi32, #tpu.memory_space<vmem>> -> memref<1x1x128xi32, #tpu.memory_space<vmem>>
      %dma_wait3A_118 = tpu.memref_squeeze %dma_wait3A_117 : memref<1x1x128xi32, #tpu.memory_space<vmem>> -> memref<128xi32, #tpu.memory_space<vmem>>
      %dma_wait3A_119 = arith.constant 0 : i32
      %dma_wait3A_120 = arith.constant 0 : i32
      %dma_wait3A_121 = tpu.memref_slice %arg2[%dma_wait3A_119, %dma_wait3A_120] : memref<10240x128xf32, #tpu.memory_space<hbm>> -> memref<10240x128xf32, #tpu.memory_space<hbm>>
      tpu.wait_indirect_dma semaphore(%arg12 : memref<!tpu.dma_semaphore, #tpu.memory_space<semaphore_mem>>) src(%dma_wait3A_121 : memref<10240x128xf32, #tpu.memory_space<hbm>>) dst(%arg10 : memref<128x128xf32, #tpu.memory_space<vmem>>)
      %dma_start3A_122 = arith.constant 1 : i32
      %dma_start3A_123 = arith.constant 0 : i32
      %dma_start3A_124 = tpu.memref_slice %arg8[%rem3A_38, %dma_start3A_122, %dma_start3A_123] : memref<2x16x128xi32, #tpu.memory_space<vmem>> -> memref<1x1x128xi32, #tpu.memory_space<vmem>>
      %dma_start3A_125 = tpu.memref_squeeze %dma_start3A_124 : memref<1x1x128xi32, #tpu.memory_space<vmem>> -> memref<128xi32, #tpu.memory_space<vmem>>
      %dma_start3A_126 = arith.constant 0 : i32
      %dma_start3A_127 = arith.constant 0 : i32
      %dma_start3A_128 = tpu.memref_slice %arg6[%dma_start3A_126, %dma_start3A_127] : memref<10240x128xf32, #tpu.memory_space<vmem_shared>> -> memref<10240x128xf32, #tpu.memory_space<vmem_shared>>
      tpu.enqueue_indirect_dma source(%arg10 : memref<128x128xf32, #tpu.memory_space<vmem>>) target(%dma_start3A_128 : memref<10240x128xf32, #tpu.memory_space<vmem_shared>>) offsets(%dma_start3A_125 : memref<128xi32, #tpu.memory_space<vmem>>) semaphore(%arg14 : memref<!tpu.dma_semaphore, #tpu.memory_space<semaphore_mem>>) {add = true}
      %dma_wait3A_129 = arith.constant 1 : i32
      %dma_wait3A_130 = arith.constant 0 : i32
      %dma_wait3A_131 = tpu.memref_slice %arg8[%rem3A_38, %dma_wait3A_129, %dma_wait3A_130] : memref<2x16x128xi32, #tpu.memory_space<vmem>> -> memref<1x1x128xi32, #tpu.memory_space<vmem>>
      %dma_wait3A_132 = tpu.memref_squeeze %dma_wait3A_131 : memref<1x1x128xi32, #tpu.memory_space<vmem>> -> memref<128xi32, #tpu.memory_space<vmem>>
      %dma_wait3A_133 = arith.constant 0 : i32
      %dma_wait3A_134 = arith.constant 0 : i32
      %dma_wait3A_135 = tpu.memref_slice %arg6[%dma_wait3A_133, %dma_wait3A_134] : memref<10240x128xf32, #tpu.memory_space<vmem_shared>> -> memref<10240x128xf32, #tpu.memory_space<vmem_shared>>
      tpu.wait_indirect_dma semaphore(%arg14 : memref<!tpu.dma_semaphore, #tpu.memory_space<semaphore_mem>>) src(%arg10 : memref<128x128xf32, #tpu.memory_space<vmem>>) dst(%dma_wait3A_135 : memref<10240x128xf32, #tpu.memory_space<vmem_shared>>)
      %dma_start3A_136 = arith.constant 3 : i32
      %dma_start3A_137 = arith.constant 0 : i32
      %dma_start3A_138 = tpu.memref_slice %arg7[%rem3A_38, %dma_start3A_136, %dma_start3A_137] : memref<2x16x128xi32, #tpu.memory_space<vmem>> -> memref<1x1x128xi32, #tpu.memory_space<vmem>>
      %dma_start3A_139 = tpu.memref_squeeze %dma_start3A_138 : memref<1x1x128xi32, #tpu.memory_space<vmem>> -> memref<128xi32, #tpu.memory_space<vmem>>
      %dma_start3A_140 = arith.constant 0 : i32
      %dma_start3A_141 = arith.constant 0 : i32
      %dma_start3A_142 = tpu.memref_slice %arg2[%dma_start3A_140, %dma_start3A_141] : memref<10240x128xf32, #tpu.memory_space<hbm>> -> memref<10240x128xf32, #tpu.memory_space<hbm>>
      tpu.enqueue_indirect_dma source(%dma_start3A_142 : memref<10240x128xf32, #tpu.memory_space<hbm>>) target(%arg10 : memref<128x128xf32, #tpu.memory_space<vmem>>) offsets(%dma_start3A_139 : memref<128xi32, #tpu.memory_space<vmem>>) semaphore(%arg12 : memref<!tpu.dma_semaphore, #tpu.memory_space<semaphore_mem>>)
      %dma_wait3A_143 = arith.constant 2 : i32
      %dma_wait3A_144 = arith.constant 0 : i32
      %dma_wait3A_145 = tpu.memref_slice %arg7[%rem3A_38, %dma_wait3A_143, %dma_wait3A_144] : memref<2x16x128xi32, #tpu.memory_space<vmem>> -> memref<1x1x128xi32, #tpu.memory_space<vmem>>
      %dma_wait3A_146 = tpu.memref_squeeze %dma_wait3A_145 : memref<1x1x128xi32, #tpu.memory_space<vmem>> -> memref<128xi32, #tpu.memory_space<vmem>>
      %dma_wait3A_147 = arith.constant 0 : i32
      %dma_wait3A_148 = arith.constant 0 : i32
      %dma_wait3A_149 = tpu.memref_slice %arg2[%dma_wait3A_147, %dma_wait3A_148] : memref<10240x128xf32, #tpu.memory_space<hbm>> -> memref<10240x128xf32, #tpu.memory_space<hbm>>
      tpu.wait_indirect_dma semaphore(%arg11 : memref<!tpu.dma_semaphore, #tpu.memory_space<semaphore_mem>>) src(%dma_wait3A_149 : memref<10240x128xf32, #tpu.memory_space<hbm>>) dst(%arg9 : memref<128x128xf32, #tpu.memory_space<vmem>>)
      %dma_start3A_150 = arith.constant 2 : i32
      %dma_start3A_151 = arith.constant 0 : i32
      %dma_start3A_152 = tpu.memref_slice %arg8[%rem3A_38, %dma_start3A_150, %dma_start3A_151] : memref<2x16x128xi32, #tpu.memory_space<vmem>> -> memref<1x1x128xi32, #tpu.memory_space<vmem>>
      %dma_start3A_153 = tpu.memref_squeeze %dma_start3A_152 : memref<1x1x128xi32, #tpu.memory_space<vmem>> -> memref<128xi32, #tpu.memory_space<vmem>>
      %dma_start3A_154 = arith.constant 0 : i32
      %dma_start3A_155 = arith.constant 0 : i32
      %dma_start3A_156 = tpu.memref_slice %arg6[%dma_start3A_154, %dma_start3A_155] : memref<10240x128xf32, #tpu.memory_space<vmem_shared>> -> memref<10240x128xf32, #tpu.memory_space<vmem_shared>>
      tpu.enqueue_indirect_dma source(%arg9 : memref<128x128xf32, #tpu.memory_space<vmem>>) target(%dma_start3A_156 : memref<10240x128xf32, #tpu.memory_space<vmem_shared>>) offsets(%dma_start3A_153 : memref<128xi32, #tpu.memory_space<vmem>>) semaphore(%arg13 : memref<!tpu.dma_semaphore, #tpu.memory_space<semaphore_mem>>) {add = true}
      %dma_wait3A_157 = arith.constant 2 : i32
      %dma_wait3A_158 = arith.constant 0 : i32
      %dma_wait3A_159 = tpu.memref_slice %arg8[%rem3A_38, %dma_wait3A_157, %dma_wait3A_158] : memref<2x16x128xi32, #tpu.memory_space<vmem>> -> memref<1x1x128xi32, #tpu.memory_space<vmem>>
      %dma_wait3A_160 = tpu.memref_squeeze %dma_wait3A_159 : memref<1x1x128xi32, #tpu.memory_space<vmem>> -> memref<128xi32, #tpu.memory_space<vmem>>
      %dma_wait3A_161 = arith.constant 0 : i32
      %dma_wait3A_162 = arith.constant 0 : i32
      %dma_wait3A_163 = tpu.memref_slice %arg6[%dma_wait3A_161, %dma_wait3A_162] : memref<10240x128xf32, #tpu.memory_space<vmem_shared>> -> memref<10240x128xf32, #tpu.memory_space<vmem_shared>>
      tpu.wait_indirect_dma semaphore(%arg13 : memref<!tpu.dma_semaphore, #tpu.memory_space<semaphore_mem>>) src(%arg9 : memref<128x128xf32, #tpu.memory_space<vmem>>) dst(%dma_wait3A_163 : memref<10240x128xf32, #tpu.memory_space<vmem_shared>>)
      %dma_start3A_164 = arith.constant 4 : i32
      %dma_start3A_165 = arith.constant 0 : i32
      %dma_start3A_166 = tpu.memref_slice %arg7[%rem3A_38, %dma_start3A_164, %dma_start3A_165] : memref<2x16x128xi32, #tpu.memory_space<vmem>> -> memref<1x1x128xi32, #tpu.memory_space<vmem>>
      %dma_start3A_167 = tpu.memref_squeeze %dma_start3A_166 : memref<1x1x128xi32, #tpu.memory_space<vmem>> -> memref<128xi32, #tpu.memory_space<vmem>>
      %dma_start3A_168 = arith.constant 0 : i32
      %dma_start3A_169 = arith.constant 0 : i32
      %dma_start3A_170 = tpu.memref_slice %arg2[%dma_start3A_168, %dma_start3A_169] : memref<10240x128xf32, #tpu.memory_space<hbm>> -> memref<10240x128xf32, #tpu.memory_space<hbm>>
      tpu.enqueue_indirect_dma source(%dma_start3A_170 : memref<10240x128xf32, #tpu.memory_space<hbm>>) target(%arg9 : memref<128x128xf32, #tpu.memory_space<vmem>>) offsets(%dma_start3A_167 : memref<128xi32, #tpu.memory_space<vmem>>) semaphore(%arg11 : memref<!tpu.dma_semaphore, #tpu.memory_space<semaphore_mem>>)
      %dma_wait3A_171 = arith.constant 3 : i32
      %dma_wait3A_172 = arith.constant 0 : i32
      %dma_wait3A_173 = tpu.memref_slice %arg7[%rem3A_38, %dma_wait3A_171, %dma_wait3A_172] : memref<2x16x128xi32, #tpu.memory_space<vmem>> -> memref<1x1x128xi32, #tpu.memory_space<vmem>>
      %dma_wait3A_174 = tpu.memref_squeeze %dma_wait3A_173 : memref<1x1x128xi32, #tpu.memory_space<vmem>> -> memref<128xi32, #tpu.memory_space<vmem>>
      %dma_wait3A_175 = arith.constant 0 : i32
      %dma_wait3A_176 = arith.constant 0 : i32
      %dma_wait3A_177 = tpu.memref_slice %arg2[%dma_wait3A_175, %dma_wait3A_176] : memref<10240x128xf32, #tpu.memory_space<hbm>> -> memref<10240x128xf32, #tpu.memory_space<hbm>>
      tpu.wait_indirect_dma semaphore(%arg12 : memref<!tpu.dma_semaphore, #tpu.memory_space<semaphore_mem>>) src(%dma_wait3A_177 : memref<10240x128xf32, #tpu.memory_space<hbm>>) dst(%arg10 : memref<128x128xf32, #tpu.memory_space<vmem>>)
      %dma_start3A_178 = arith.constant 3 : i32
      %dma_start3A_179 = arith.constant 0 : i32
      %dma_start3A_180 = tpu.memref_slice %arg8[%rem3A_38, %dma_start3A_178, %dma_start3A_179] : memref<2x16x128xi32, #tpu.memory_space<vmem>> -> memref<1x1x128xi32, #tpu.memory_space<vmem>>
      %dma_start3A_181 = tpu.memref_squeeze %dma_start3A_180 : memref<1x1x128xi32, #tpu.memory_space<vmem>> -> memref<128xi32, #tpu.memory_space<vmem>>
      %dma_start3A_182 = arith.constant 0 : i32
      %dma_start3A_183 = arith.constant 0 : i32
      %dma_start3A_184 = tpu.memref_slice %arg6[%dma_start3A_182, %dma_start3A_183] : memref<10240x128xf32, #tpu.memory_space<vmem_shared>> -> memref<10240x128xf32, #tpu.memory_space<vmem_shared>>
      tpu.enqueue_indirect_dma source(%arg10 : memref<128x128xf32, #tpu.memory_space<vmem>>) target(%dma_start3A_184 : memref<10240x128xf32, #tpu.memory_space<vmem_shared>>) offsets(%dma_start3A_181 : memref<128xi32, #tpu.memory_space<vmem>>) semaphore(%arg14 : memref<!tpu.dma_semaphore, #tpu.memory_space<semaphore_mem>>) {add = true}
      %dma_wait3A_185 = arith.constant 3 : i32
      %dma_wait3A_186 = arith.constant 0 : i32
      %dma_wait3A_187 = tpu.memref_slice %arg8[%rem3A_38, %dma_wait3A_185, %dma_wait3A_186] : memref<2x16x128xi32, #tpu.memory_space<vmem>> -> memref<1x1x128xi32, #tpu.memory_space<vmem>>
      %dma_wait3A_188 = tpu.memref_squeeze %dma_wait3A_187 : memref<1x1x128xi32, #tpu.memory_space<vmem>> -> memref<128xi32, #tpu.memory_space<vmem>>
      %dma_wait3A_189 = arith.constant 0 : i32
      %dma_wait3A_190 = arith.constant 0 : i32
      %dma_wait3A_191 = tpu.memref_slice %arg6[%dma_wait3A_189, %dma_wait3A_190] : memref<10240x128xf32, #tpu.memory_space<vmem_shared>> -> memref<10240x128xf32, #tpu.memory_space<vmem_shared>>
      tpu.wait_indirect_dma semaphore(%arg14 : memref<!tpu.dma_semaphore, #tpu.memory_space<semaphore_mem>>) src(%arg10 : memref<128x128xf32, #tpu.memory_space<vmem>>) dst(%dma_wait3A_191 : memref<10240x128xf32, #tpu.memory_space<vmem_shared>>)
      %dma_start3A_192 = arith.constant 5 : i32
      %dma_start3A_193 = arith.constant 0 : i32
      %dma_start3A_194 = tpu.memref_slice %arg7[%rem3A_38, %dma_start3A_192, %dma_start3A_193] : memref<2x16x128xi32, #tpu.memory_space<vmem>> -> memref<1x1x128xi32, #tpu.memory_space<vmem>>
      %dma_start3A_195 = tpu.memref_squeeze %dma_start3A_194 : memref<1x1x128xi32, #tpu.memory_space<vmem>> -> memref<128xi32, #tpu.memory_space<vmem>>
      %dma_start3A_196 = arith.constant 0 : i32
      %dma_start3A_197 = arith.constant 0 : i32
      %dma_start3A_198 = tpu.memref_slice %arg2[%dma_start3A_196, %dma_start3A_197] : memref<10240x128xf32, #tpu.memory_space<hbm>> -> memref<10240x128xf32, #tpu.memory_space<hbm>>
      tpu.enqueue_indirect_dma source(%dma_start3A_198 : memref<10240x128xf32, #tpu.memory_space<hbm>>) target(%arg10 : memref<128x128xf32, #tpu.memory_space<vmem>>) offsets(%dma_start3A_195 : memref<128xi32, #tpu.memory_space<vmem>>) semaphore(%arg12 : memref<!tpu.dma_semaphore, #tpu.memory_space<semaphore_mem>>)
      %dma_wait3A_199 = arith.constant 4 : i32
      %dma_wait3A_200 = arith.constant 0 : i32
      %dma_wait3A_201 = tpu.memref_slice %arg7[%rem3A_38, %dma_wait3A_199, %dma_wait3A_200] : memref<2x16x128xi32, #tpu.memory_space<vmem>> -> memref<1x1x128xi32, #tpu.memory_space<vmem>>
      %dma_wait3A_202 = tpu.memref_squeeze %dma_wait3A_201 : memref<1x1x128xi32, #tpu.memory_space<vmem>> -> memref<128xi32, #tpu.memory_space<vmem>>
      %dma_wait3A_203 = arith.constant 0 : i32
      %dma_wait3A_204 = arith.constant 0 : i32
      %dma_wait3A_205 = tpu.memref_slice %arg2[%dma_wait3A_203, %dma_wait3A_204] : memref<10240x128xf32, #tpu.memory_space<hbm>> -> memref<10240x128xf32, #tpu.memory_space<hbm>>
      tpu.wait_indirect_dma semaphore(%arg11 : memref<!tpu.dma_semaphore, #tpu.memory_space<semaphore_mem>>) src(%dma_wait3A_205 : memref<10240x128xf32, #tpu.memory_space<hbm>>) dst(%arg9 : memref<128x128xf32, #tpu.memory_space<vmem>>)
      %dma_start3A_206 = arith.constant 4 : i32
      %dma_start3A_207 = arith.constant 0 : i32
      %dma_start3A_208 = tpu.memref_slice %arg8[%rem3A_38, %dma_start3A_206, %dma_start3A_207] : memref<2x16x128xi32, #tpu.memory_space<vmem>> -> memref<1x1x128xi32, #tpu.memory_space<vmem>>
      %dma_start3A_209 = tpu.memref_squeeze %dma_start3A_208 : memref<1x1x128xi32, #tpu.memory_space<vmem>> -> memref<128xi32, #tpu.memory_space<vmem>>
      %dma_start3A_210 = arith.constant 0 : i32
      %dma_start3A_211 = arith.constant 0 : i32
      %dma_start3A_212 = tpu.memref_slice %arg6[%dma_start3A_210, %dma_start3A_211] : memref<10240x128xf32, #tpu.memory_space<vmem_shared>> -> memref<10240x128xf32, #tpu.memory_space<vmem_shared>>
      tpu.enqueue_indirect_dma source(%arg9 : memref<128x128xf32, #tpu.memory_space<vmem>>) target(%dma_start3A_212 : memref<10240x128xf32, #tpu.memory_space<vmem_shared>>) offsets(%dma_start3A_209 : memref<128xi32, #tpu.memory_space<vmem>>) semaphore(%arg13 : memref<!tpu.dma_semaphore, #tpu.memory_space<semaphore_mem>>) {add = true}
      %dma_wait3A_213 = arith.constant 4 : i32
      %dma_wait3A_214 = arith.constant 0 : i32
      %dma_wait3A_215 = tpu.memref_slice %arg8[%rem3A_38, %dma_wait3A_213, %dma_wait3A_214] : memref<2x16x128xi32, #tpu.memory_space<vmem>> -> memref<1x1x128xi32, #tpu.memory_space<vmem>>
      %dma_wait3A_216 = tpu.memref_squeeze %dma_wait3A_215 : memref<1x1x128xi32, #tpu.memory_space<vmem>> -> memref<128xi32, #tpu.memory_space<vmem>>
      %dma_wait3A_217 = arith.constant 0 : i32
      %dma_wait3A_218 = arith.constant 0 : i32
      %dma_wait3A_219 = tpu.memref_slice %arg6[%dma_wait3A_217, %dma_wait3A_218] : memref<10240x128xf32, #tpu.memory_space<vmem_shared>> -> memref<10240x128xf32, #tpu.memory_space<vmem_shared>>
      tpu.wait_indirect_dma semaphore(%arg13 : memref<!tpu.dma_semaphore, #tpu.memory_space<semaphore_mem>>) src(%arg9 : memref<128x128xf32, #tpu.memory_space<vmem>>) dst(%dma_wait3A_219 : memref<10240x128xf32, #tpu.memory_space<vmem_shared>>)
      %dma_start3A_220 = arith.constant 6 : i32
      %dma_start3A_221 = arith.constant 0 : i32
      %dma_start3A_222 = tpu.memref_slice %arg7[%rem3A_38, %dma_start3A_220, %dma_start3A_221] : memref<2x16x128xi32, #tpu.memory_space<vmem>> -> memref<1x1x128xi32, #tpu.memory_space<vmem>>
      %dma_start3A_223 = tpu.memref_squeeze %dma_start3A_222 : memref<1x1x128xi32, #tpu.memory_space<vmem>> -> memref<128xi32, #tpu.memory_space<vmem>>
      %dma_start3A_224 = arith.constant 0 : i32
      %dma_start3A_225 = arith.constant 0 : i32
      %dma_start3A_226 = tpu.memref_slice %arg2[%dma_start3A_224, %dma_start3A_225] : memref<10240x128xf32, #tpu.memory_space<hbm>> -> memref<10240x128xf32, #tpu.memory_space<hbm>>
      tpu.enqueue_indirect_dma source(%dma_start3A_226 : memref<10240x128xf32, #tpu.memory_space<hbm>>) target(%arg9 : memref<128x128xf32, #tpu.memory_space<vmem>>) offsets(%dma_start3A_223 : memref<128xi32, #tpu.memory_space<vmem>>) semaphore(%arg11 : memref<!tpu.dma_semaphore, #tpu.memory_space<semaphore_mem>>)
      %dma_wait3A_227 = arith.constant 5 : i32
      %dma_wait3A_228 = arith.constant 0 : i32
      %dma_wait3A_229 = tpu.memref_slice %arg7[%rem3A_38, %dma_wait3A_227, %dma_wait3A_228] : memref<2x16x128xi32, #tpu.memory_space<vmem>> -> memref<1x1x128xi32, #tpu.memory_space<vmem>>
      %dma_wait3A_230 = tpu.memref_squeeze %dma_wait3A_229 : memref<1x1x128xi32, #tpu.memory_space<vmem>> -> memref<128xi32, #tpu.memory_space<vmem>>
      %dma_wait3A_231 = arith.constant 0 : i32
      %dma_wait3A_232 = arith.constant 0 : i32
      %dma_wait3A_233 = tpu.memref_slice %arg2[%dma_wait3A_231, %dma_wait3A_232] : memref<10240x128xf32, #tpu.memory_space<hbm>> -> memref<10240x128xf32, #tpu.memory_space<hbm>>
      tpu.wait_indirect_dma semaphore(%arg12 : memref<!tpu.dma_semaphore, #tpu.memory_space<semaphore_mem>>) src(%dma_wait3A_233 : memref<10240x128xf32, #tpu.memory_space<hbm>>) dst(%arg10 : memref<128x128xf32, #tpu.memory_space<vmem>>)
      %dma_start3A_234 = arith.constant 5 : i32
      %dma_start3A_235 = arith.constant 0 : i32
      %dma_start3A_236 = tpu.memref_slice %arg8[%rem3A_38, %dma_start3A_234, %dma_start3A_235] : memref<2x16x128xi32, #tpu.memory_space<vmem>> -> memref<1x1x128xi32, #tpu.memory_space<vmem>>
      %dma_start3A_237 = tpu.memref_squeeze %dma_start3A_236 : memref<1x1x128xi32, #tpu.memory_space<vmem>> -> memref<128xi32, #tpu.memory_space<vmem>>
      %dma_start3A_238 = arith.constant 0 : i32
      %dma_start3A_239 = arith.constant 0 : i32
      %dma_start3A_240 = tpu.memref_slice %arg6[%dma_start3A_238, %dma_start3A_239] : memref<10240x128xf32, #tpu.memory_space<vmem_shared>> -> memref<10240x128xf32, #tpu.memory_space<vmem_shared>>
      tpu.enqueue_indirect_dma source(%arg10 : memref<128x128xf32, #tpu.memory_space<vmem>>) target(%dma_start3A_240 : memref<10240x128xf32, #tpu.memory_space<vmem_shared>>) offsets(%dma_start3A_237 : memref<128xi32, #tpu.memory_space<vmem>>) semaphore(%arg14 : memref<!tpu.dma_semaphore, #tpu.memory_space<semaphore_mem>>) {add = true}
      %dma_wait3A_241 = arith.constant 5 : i32
      %dma_wait3A_242 = arith.constant 0 : i32
      %dma_wait3A_243 = tpu.memref_slice %arg8[%rem3A_38, %dma_wait3A_241, %dma_wait3A_242] : memref<2x16x128xi32, #tpu.memory_space<vmem>> -> memref<1x1x128xi32, #tpu.memory_space<vmem>>
      %dma_wait3A_244 = tpu.memref_squeeze %dma_wait3A_243 : memref<1x1x128xi32, #tpu.memory_space<vmem>> -> memref<128xi32, #tpu.memory_space<vmem>>
      %dma_wait3A_245 = arith.constant 0 : i32
      %dma_wait3A_246 = arith.constant 0 : i32
      %dma_wait3A_247 = tpu.memref_slice %arg6[%dma_wait3A_245, %dma_wait3A_246] : memref<10240x128xf32, #tpu.memory_space<vmem_shared>> -> memref<10240x128xf32, #tpu.memory_space<vmem_shared>>
      tpu.wait_indirect_dma semaphore(%arg14 : memref<!tpu.dma_semaphore, #tpu.memory_space<semaphore_mem>>) src(%arg10 : memref<128x128xf32, #tpu.memory_space<vmem>>) dst(%dma_wait3A_247 : memref<10240x128xf32, #tpu.memory_space<vmem_shared>>)
      %dma_start3A_248 = arith.constant 7 : i32
      %dma_start3A_249 = arith.constant 0 : i32
      %dma_start3A_250 = tpu.memref_slice %arg7[%rem3A_38, %dma_start3A_248, %dma_start3A_249] : memref<2x16x128xi32, #tpu.memory_space<vmem>> -> memref<1x1x128xi32, #tpu.memory_space<vmem>>
      %dma_start3A_251 = tpu.memref_squeeze %dma_start3A_250 : memref<1x1x128xi32, #tpu.memory_space<vmem>> -> memref<128xi32, #tpu.memory_space<vmem>>
      %dma_start3A_252 = arith.constant 0 : i32
      %dma_start3A_253 = arith.constant 0 : i32
      %dma_start3A_254 = tpu.memref_slice %arg2[%dma_start3A_252, %dma_start3A_253] : memref<10240x128xf32, #tpu.memory_space<hbm>> -> memref<10240x128xf32, #tpu.memory_space<hbm>>
      tpu.enqueue_indirect_dma source(%dma_start3A_254 : memref<10240x128xf32, #tpu.memory_space<hbm>>) target(%arg10 : memref<128x128xf32, #tpu.memory_space<vmem>>) offsets(%dma_start3A_251 : memref<128xi32, #tpu.memory_space<vmem>>) semaphore(%arg12 : memref<!tpu.dma_semaphore, #tpu.memory_space<semaphore_mem>>)
      %dma_wait3A_255 = arith.constant 6 : i32
      %dma_wait3A_256 = arith.constant 0 : i32
      %dma_wait3A_257 = tpu.memref_slice %arg7[%rem3A_38, %dma_wait3A_255, %dma_wait3A_256] : memref<2x16x128xi32, #tpu.memory_space<vmem>> -> memref<1x1x128xi32, #tpu.memory_space<vmem>>
      %dma_wait3A_258 = tpu.memref_squeeze %dma_wait3A_257 : memref<1x1x128xi32, #tpu.memory_space<vmem>> -> memref<128xi32, #tpu.memory_space<vmem>>
      %dma_wait3A_259 = arith.constant 0 : i32
      %dma_wait3A_260 = arith.constant 0 : i32
      %dma_wait3A_261 = tpu.memref_slice %arg2[%dma_wait3A_259, %dma_wait3A_260] : memref<10240x128xf32, #tpu.memory_space<hbm>> -> memref<10240x128xf32, #tpu.memory_space<hbm>>
      tpu.wait_indirect_dma semaphore(%arg11 : memref<!tpu.dma_semaphore, #tpu.memory_space<semaphore_mem>>) src(%dma_wait3A_261 : memref<10240x128xf32, #tpu.memory_space<hbm>>) dst(%arg9 : memref<128x128xf32, #tpu.memory_space<vmem>>)
      %dma_start3A_262 = arith.constant 6 : i32
      %dma_start3A_263 = arith.constant 0 : i32
      %dma_start3A_264 = tpu.memref_slice %arg8[%rem3A_38, %dma_start3A_262, %dma_start3A_263] : memref<2x16x128xi32, #tpu.memory_space<vmem>> -> memref<1x1x128xi32, #tpu.memory_space<vmem>>
      %dma_start3A_265 = tpu.memref_squeeze %dma_start3A_264 : memref<1x1x128xi32, #tpu.memory_space<vmem>> -> memref<128xi32, #tpu.memory_space<vmem>>
      %dma_start3A_266 = arith.constant 0 : i32
      %dma_start3A_267 = arith.constant 0 : i32
      %dma_start3A_268 = tpu.memref_slice %arg6[%dma_start3A_266, %dma_start3A_267] : memref<10240x128xf32, #tpu.memory_space<vmem_shared>> -> memref<10240x128xf32, #tpu.memory_space<vmem_shared>>
      tpu.enqueue_indirect_dma source(%arg9 : memref<128x128xf32, #tpu.memory_space<vmem>>) target(%dma_start3A_268 : memref<10240x128xf32, #tpu.memory_space<vmem_shared>>) offsets(%dma_start3A_265 : memref<128xi32, #tpu.memory_space<vmem>>) semaphore(%arg13 : memref<!tpu.dma_semaphore, #tpu.memory_space<semaphore_mem>>) {add = true}
      %dma_wait3A_269 = arith.constant 6 : i32
      %dma_wait3A_270 = arith.constant 0 : i32
      %dma_wait3A_271 = tpu.memref_slice %arg8[%rem3A_38, %dma_wait3A_269, %dma_wait3A_270] : memref<2x16x128xi32, #tpu.memory_space<vmem>> -> memref<1x1x128xi32, #tpu.memory_space<vmem>>
      %dma_wait3A_272 = tpu.memref_squeeze %dma_wait3A_271 : memref<1x1x128xi32, #tpu.memory_space<vmem>> -> memref<128xi32, #tpu.memory_space<vmem>>
      %dma_wait3A_273 = arith.constant 0 : i32
      %dma_wait3A_274 = arith.constant 0 : i32
      %dma_wait3A_275 = tpu.memref_slice %arg6[%dma_wait3A_273, %dma_wait3A_274] : memref<10240x128xf32, #tpu.memory_space<vmem_shared>> -> memref<10240x128xf32, #tpu.memory_space<vmem_shared>>
      tpu.wait_indirect_dma semaphore(%arg13 : memref<!tpu.dma_semaphore, #tpu.memory_space<semaphore_mem>>) src(%arg9 : memref<128x128xf32, #tpu.memory_space<vmem>>) dst(%dma_wait3A_275 : memref<10240x128xf32, #tpu.memory_space<vmem_shared>>)
      %dma_start3A_276 = arith.constant 8 : i32
      %dma_start3A_277 = arith.constant 0 : i32
      %dma_start3A_278 = tpu.memref_slice %arg7[%rem3A_38, %dma_start3A_276, %dma_start3A_277] : memref<2x16x128xi32, #tpu.memory_space<vmem>> -> memref<1x1x128xi32, #tpu.memory_space<vmem>>
      %dma_start3A_279 = tpu.memref_squeeze %dma_start3A_278 : memref<1x1x128xi32, #tpu.memory_space<vmem>> -> memref<128xi32, #tpu.memory_space<vmem>>
      %dma_start3A_280 = arith.constant 0 : i32
      %dma_start3A_281 = arith.constant 0 : i32
      %dma_start3A_282 = tpu.memref_slice %arg2[%dma_start3A_280, %dma_start3A_281] : memref<10240x128xf32, #tpu.memory_space<hbm>> -> memref<10240x128xf32, #tpu.memory_space<hbm>>
      tpu.enqueue_indirect_dma source(%dma_start3A_282 : memref<10240x128xf32, #tpu.memory_space<hbm>>) target(%arg9 : memref<128x128xf32, #tpu.memory_space<vmem>>) offsets(%dma_start3A_279 : memref<128xi32, #tpu.memory_space<vmem>>) semaphore(%arg11 : memref<!tpu.dma_semaphore, #tpu.memory_space<semaphore_mem>>)
      %dma_wait3A_283 = arith.constant 7 : i32
      %dma_wait3A_284 = arith.constant 0 : i32
      %dma_wait3A_285 = tpu.memref_slice %arg7[%rem3A_38, %dma_wait3A_283, %dma_wait3A_284] : memref<2x16x128xi32, #tpu.memory_space<vmem>> -> memref<1x1x128xi32, #tpu.memory_space<vmem>>
      %dma_wait3A_286 = tpu.memref_squeeze %dma_wait3A_285 : memref<1x1x128xi32, #tpu.memory_space<vmem>> -> memref<128xi32, #tpu.memory_space<vmem>>
      %dma_wait3A_287 = arith.constant 0 : i32
      %dma_wait3A_288 = arith.constant 0 : i32
      %dma_wait3A_289 = tpu.memref_slice %arg2[%dma_wait3A_287, %dma_wait3A_288] : memref<10240x128xf32, #tpu.memory_space<hbm>> -> memref<10240x128xf32, #tpu.memory_space<hbm>>
      tpu.wait_indirect_dma semaphore(%arg12 : memref<!tpu.dma_semaphore, #tpu.memory_space<semaphore_mem>>) src(%dma_wait3A_289 : memref<10240x128xf32, #tpu.memory_space<hbm>>) dst(%arg10 : memref<128x128xf32, #tpu.memory_space<vmem>>)
      %dma_start3A_290 = arith.constant 7 : i32
      %dma_start3A_291 = arith.constant 0 : i32
      %dma_start3A_292 = tpu.memref_slice %arg8[%rem3A_38, %dma_start3A_290, %dma_start3A_291] : memref<2x16x128xi32, #tpu.memory_space<vmem>> -> memref<1x1x128xi32, #tpu.memory_space<vmem>>
      %dma_start3A_293 = tpu.memref_squeeze %dma_start3A_292 : memref<1x1x128xi32, #tpu.memory_space<vmem>> -> memref<128xi32, #tpu.memory_space<vmem>>
      %dma_start3A_294 = arith.constant 0 : i32
      %dma_start3A_295 = arith.constant 0 : i32
      %dma_start3A_296 = tpu.memref_slice %arg6[%dma_start3A_294, %dma_start3A_295] : memref<10240x128xf32, #tpu.memory_space<vmem_shared>> -> memref<10240x128xf32, #tpu.memory_space<vmem_shared>>
      tpu.enqueue_indirect_dma source(%arg10 : memref<128x128xf32, #tpu.memory_space<vmem>>) target(%dma_start3A_296 : memref<10240x128xf32, #tpu.memory_space<vmem_shared>>) offsets(%dma_start3A_293 : memref<128xi32, #tpu.memory_space<vmem>>) semaphore(%arg14 : memref<!tpu.dma_semaphore, #tpu.memory_space<semaphore_mem>>) {add = true}
      %dma_wait3A_297 = arith.constant 7 : i32
      %dma_wait3A_298 = arith.constant 0 : i32
      %dma_wait3A_299 = tpu.memref_slice %arg8[%rem3A_38, %dma_wait3A_297, %dma_wait3A_298] : memref<2x16x128xi32, #tpu.memory_space<vmem>> -> memref<1x1x128xi32, #tpu.memory_space<vmem>>
      %dma_wait3A_300 = tpu.memref_squeeze %dma_wait3A_299 : memref<1x1x128xi32, #tpu.memory_space<vmem>> -> memref<128xi32, #tpu.memory_space<vmem>>
      %dma_wait3A_301 = arith.constant 0 : i32
      %dma_wait3A_302 = arith.constant 0 : i32
      %dma_wait3A_303 = tpu.memref_slice %arg6[%dma_wait3A_301, %dma_wait3A_302] : memref<10240x128xf32, #tpu.memory_space<vmem_shared>> -> memref<10240x128xf32, #tpu.memory_space<vmem_shared>>
      tpu.wait_indirect_dma semaphore(%arg14 : memref<!tpu.dma_semaphore, #tpu.memory_space<semaphore_mem>>) src(%arg10 : memref<128x128xf32, #tpu.memory_space<vmem>>) dst(%dma_wait3A_303 : memref<10240x128xf32, #tpu.memory_space<vmem_shared>>)
      %dma_start3A_304 = arith.constant 9 : i32
      %dma_start3A_305 = arith.constant 0 : i32
      %dma_start3A_306 = tpu.memref_slice %arg7[%rem3A_38, %dma_start3A_304, %dma_start3A_305] : memref<2x16x128xi32, #tpu.memory_space<vmem>> -> memref<1x1x128xi32, #tpu.memory_space<vmem>>
      %dma_start3A_307 = tpu.memref_squeeze %dma_start3A_306 : memref<1x1x128xi32, #tpu.memory_space<vmem>> -> memref<128xi32, #tpu.memory_space<vmem>>
      %dma_start3A_308 = arith.constant 0 : i32
      %dma_start3A_309 = arith.constant 0 : i32
      %dma_start3A_310 = tpu.memref_slice %arg2[%dma_start3A_308, %dma_start3A_309] : memref<10240x128xf32, #tpu.memory_space<hbm>> -> memref<10240x128xf32, #tpu.memory_space<hbm>>
      tpu.enqueue_indirect_dma source(%dma_start3A_310 : memref<10240x128xf32, #tpu.memory_space<hbm>>) target(%arg10 : memref<128x128xf32, #tpu.memory_space<vmem>>) offsets(%dma_start3A_307 : memref<128xi32, #tpu.memory_space<vmem>>) semaphore(%arg12 : memref<!tpu.dma_semaphore, #tpu.memory_space<semaphore_mem>>)
      %dma_wait3A_311 = arith.constant 8 : i32
      %dma_wait3A_312 = arith.constant 0 : i32
      %dma_wait3A_313 = tpu.memref_slice %arg7[%rem3A_38, %dma_wait3A_311, %dma_wait3A_312] : memref<2x16x128xi32, #tpu.memory_space<vmem>> -> memref<1x1x128xi32, #tpu.memory_space<vmem>>
      %dma_wait3A_314 = tpu.memref_squeeze %dma_wait3A_313 : memref<1x1x128xi32, #tpu.memory_space<vmem>> -> memref<128xi32, #tpu.memory_space<vmem>>
      %dma_wait3A_315 = arith.constant 0 : i32
      %dma_wait3A_316 = arith.constant 0 : i32
      %dma_wait3A_317 = tpu.memref_slice %arg2[%dma_wait3A_315, %dma_wait3A_316] : memref<10240x128xf32, #tpu.memory_space<hbm>> -> memref<10240x128xf32, #tpu.memory_space<hbm>>
      tpu.wait_indirect_dma semaphore(%arg11 : memref<!tpu.dma_semaphore, #tpu.memory_space<semaphore_mem>>) src(%dma_wait3A_317 : memref<10240x128xf32, #tpu.memory_space<hbm>>) dst(%arg9 : memref<128x128xf32, #tpu.memory_space<vmem>>)
      %dma_start3A_318 = arith.constant 8 : i32
      %dma_start3A_319 = arith.constant 0 : i32
      %dma_start3A_320 = tpu.memref_slice %arg8[%rem3A_38, %dma_start3A_318, %dma_start3A_319] : memref<2x16x128xi32, #tpu.memory_space<vmem>> -> memref<1x1x128xi32, #tpu.memory_space<vmem>>
      %dma_start3A_321 = tpu.memref_squeeze %dma_start3A_320 : memref<1x1x128xi32, #tpu.memory_space<vmem>> -> memref<128xi32, #tpu.memory_space<vmem>>
      %dma_start3A_322 = arith.constant 0 : i32
      %dma_start3A_323 = arith.constant 0 : i32
      %dma_start3A_324 = tpu.memref_slice %arg6[%dma_start3A_322, %dma_start3A_323] : memref<10240x128xf32, #tpu.memory_space<vmem_shared>> -> memref<10240x128xf32, #tpu.memory_space<vmem_shared>>
      tpu.enqueue_indirect_dma source(%arg9 : memref<128x128xf32, #tpu.memory_space<vmem>>) target(%dma_start3A_324 : memref<10240x128xf32, #tpu.memory_space<vmem_shared>>) offsets(%dma_start3A_321 : memref<128xi32, #tpu.memory_space<vmem>>) semaphore(%arg13 : memref<!tpu.dma_semaphore, #tpu.memory_space<semaphore_mem>>) {add = true}
      %dma_wait3A_325 = arith.constant 8 : i32
      %dma_wait3A_326 = arith.constant 0 : i32
      %dma_wait3A_327 = tpu.memref_slice %arg8[%rem3A_38, %dma_wait3A_325, %dma_wait3A_326] : memref<2x16x128xi32, #tpu.memory_space<vmem>> -> memref<1x1x128xi32, #tpu.memory_space<vmem>>
      %dma_wait3A_328 = tpu.memref_squeeze %dma_wait3A_327 : memref<1x1x128xi32, #tpu.memory_space<vmem>> -> memref<128xi32, #tpu.memory_space<vmem>>
      %dma_wait3A_329 = arith.constant 0 : i32
      %dma_wait3A_330 = arith.constant 0 : i32
      %dma_wait3A_331 = tpu.memref_slice %arg6[%dma_wait3A_329, %dma_wait3A_330] : memref<10240x128xf32, #tpu.memory_space<vmem_shared>> -> memref<10240x128xf32, #tpu.memory_space<vmem_shared>>
      tpu.wait_indirect_dma semaphore(%arg13 : memref<!tpu.dma_semaphore, #tpu.memory_space<semaphore_mem>>) src(%arg9 : memref<128x128xf32, #tpu.memory_space<vmem>>) dst(%dma_wait3A_331 : memref<10240x128xf32, #tpu.memory_space<vmem_shared>>)
      %dma_start3A_332 = arith.constant 10 : i32
      %dma_start3A_333 = arith.constant 0 : i32
      %dma_start3A_334 = tpu.memref_slice %arg7[%rem3A_38, %dma_start3A_332, %dma_start3A_333] : memref<2x16x128xi32, #tpu.memory_space<vmem>> -> memref<1x1x128xi32, #tpu.memory_space<vmem>>
      %dma_start3A_335 = tpu.memref_squeeze %dma_start3A_334 : memref<1x1x128xi32, #tpu.memory_space<vmem>> -> memref<128xi32, #tpu.memory_space<vmem>>
      %dma_start3A_336 = arith.constant 0 : i32
      %dma_start3A_337 = arith.constant 0 : i32
      %dma_start3A_338 = tpu.memref_slice %arg2[%dma_start3A_336, %dma_start3A_337] : memref<10240x128xf32, #tpu.memory_space<hbm>> -> memref<10240x128xf32, #tpu.memory_space<hbm>>
      tpu.enqueue_indirect_dma source(%dma_start3A_338 : memref<10240x128xf32, #tpu.memory_space<hbm>>) target(%arg9 : memref<128x128xf32, #tpu.memory_space<vmem>>) offsets(%dma_start3A_335 : memref<128xi32, #tpu.memory_space<vmem>>) semaphore(%arg11 : memref<!tpu.dma_semaphore, #tpu.memory_space<semaphore_mem>>)
      %dma_wait3A_339 = arith.constant 9 : i32
      %dma_wait3A_340 = arith.constant 0 : i32
      %dma_wait3A_341 = tpu.memref_slice %arg7[%rem3A_38, %dma_wait3A_339, %dma_wait3A_340] : memref<2x16x128xi32, #tpu.memory_space<vmem>> -> memref<1x1x128xi32, #tpu.memory_space<vmem>>
      %dma_wait3A_342 = tpu.memref_squeeze %dma_wait3A_341 : memref<1x1x128xi32, #tpu.memory_space<vmem>> -> memref<128xi32, #tpu.memory_space<vmem>>
      %dma_wait3A_343 = arith.constant 0 : i32
      %dma_wait3A_344 = arith.constant 0 : i32
      %dma_wait3A_345 = tpu.memref_slice %arg2[%dma_wait3A_343, %dma_wait3A_344] : memref<10240x128xf32, #tpu.memory_space<hbm>> -> memref<10240x128xf32, #tpu.memory_space<hbm>>
      tpu.wait_indirect_dma semaphore(%arg12 : memref<!tpu.dma_semaphore, #tpu.memory_space<semaphore_mem>>) src(%dma_wait3A_345 : memref<10240x128xf32, #tpu.memory_space<hbm>>) dst(%arg10 : memref<128x128xf32, #tpu.memory_space<vmem>>)
      %dma_start3A_346 = arith.constant 9 : i32
      %dma_start3A_347 = arith.constant 0 : i32
      %dma_start3A_348 = tpu.memref_slice %arg8[%rem3A_38, %dma_start3A_346, %dma_start3A_347] : memref<2x16x128xi32, #tpu.memory_space<vmem>> -> memref<1x1x128xi32, #tpu.memory_space<vmem>>
      %dma_start3A_349 = tpu.memref_squeeze %dma_start3A_348 : memref<1x1x128xi32, #tpu.memory_space<vmem>> -> memref<128xi32, #tpu.memory_space<vmem>>
      %dma_start3A_350 = arith.constant 0 : i32
      %dma_start3A_351 = arith.constant 0 : i32
      %dma_start3A_352 = tpu.memref_slice %arg6[%dma_start3A_350, %dma_start3A_351] : memref<10240x128xf32, #tpu.memory_space<vmem_shared>> -> memref<10240x128xf32, #tpu.memory_space<vmem_shared>>
      tpu.enqueue_indirect_dma source(%arg10 : memref<128x128xf32, #tpu.memory_space<vmem>>) target(%dma_start3A_352 : memref<10240x128xf32, #tpu.memory_space<vmem_shared>>) offsets(%dma_start3A_349 : memref<128xi32, #tpu.memory_space<vmem>>) semaphore(%arg14 : memref<!tpu.dma_semaphore, #tpu.memory_space<semaphore_mem>>) {add = true}
      %dma_wait3A_353 = arith.constant 9 : i32
      %dma_wait3A_354 = arith.constant 0 : i32
      %dma_wait3A_355 = tpu.memref_slice %arg8[%rem3A_38, %dma_wait3A_353, %dma_wait3A_354] : memref<2x16x128xi32, #tpu.memory_space<vmem>> -> memref<1x1x128xi32, #tpu.memory_space<vmem>>
      %dma_wait3A_356 = tpu.memref_squeeze %dma_wait3A_355 : memref<1x1x128xi32, #tpu.memory_space<vmem>> -> memref<128xi32, #tpu.memory_space<vmem>>
      %dma_wait3A_357 = arith.constant 0 : i32
      %dma_wait3A_358 = arith.constant 0 : i32
      %dma_wait3A_359 = tpu.memref_slice %arg6[%dma_wait3A_357, %dma_wait3A_358] : memref<10240x128xf32, #tpu.memory_space<vmem_shared>> -> memref<10240x128xf32, #tpu.memory_space<vmem_shared>>
      tpu.wait_indirect_dma semaphore(%arg14 : memref<!tpu.dma_semaphore, #tpu.memory_space<semaphore_mem>>) src(%arg10 : memref<128x128xf32, #tpu.memory_space<vmem>>) dst(%dma_wait3A_359 : memref<10240x128xf32, #tpu.memory_space<vmem_shared>>)
      %dma_start3A_360 = arith.constant 11 : i32
      %dma_start3A_361 = arith.constant 0 : i32
      %dma_start3A_362 = tpu.memref_slice %arg7[%rem3A_38, %dma_start3A_360, %dma_start3A_361] : memref<2x16x128xi32, #tpu.memory_space<vmem>> -> memref<1x1x128xi32, #tpu.memory_space<vmem>>
      %dma_start3A_363 = tpu.memref_squeeze %dma_start3A_362 : memref<1x1x128xi32, #tpu.memory_space<vmem>> -> memref<128xi32, #tpu.memory_space<vmem>>
      %dma_start3A_364 = arith.constant 0 : i32
      %dma_start3A_365 = arith.constant 0 : i32
      %dma_start3A_366 = tpu.memref_slice %arg2[%dma_start3A_364, %dma_start3A_365] : memref<10240x128xf32, #tpu.memory_space<hbm>> -> memref<10240x128xf32, #tpu.memory_space<hbm>>
      tpu.enqueue_indirect_dma source(%dma_start3A_366 : memref<10240x128xf32, #tpu.memory_space<hbm>>) target(%arg10 : memref<128x128xf32, #tpu.memory_space<vmem>>) offsets(%dma_start3A_363 : memref<128xi32, #tpu.memory_space<vmem>>) semaphore(%arg12 : memref<!tpu.dma_semaphore, #tpu.memory_space<semaphore_mem>>)
      %dma_wait3A_367 = arith.constant 10 : i32
      %dma_wait3A_368 = arith.constant 0 : i32
      %dma_wait3A_369 = tpu.memref_slice %arg7[%rem3A_38, %dma_wait3A_367, %dma_wait3A_368] : memref<2x16x128xi32, #tpu.memory_space<vmem>> -> memref<1x1x128xi32, #tpu.memory_space<vmem>>
      %dma_wait3A_370 = tpu.memref_squeeze %dma_wait3A_369 : memref<1x1x128xi32, #tpu.memory_space<vmem>> -> memref<128xi32, #tpu.memory_space<vmem>>
      %dma_wait3A_371 = arith.constant 0 : i32
      %dma_wait3A_372 = arith.constant 0 : i32
      %dma_wait3A_373 = tpu.memref_slice %arg2[%dma_wait3A_371, %dma_wait3A_372] : memref<10240x128xf32, #tpu.memory_space<hbm>> -> memref<10240x128xf32, #tpu.memory_space<hbm>>
      tpu.wait_indirect_dma semaphore(%arg11 : memref<!tpu.dma_semaphore, #tpu.memory_space<semaphore_mem>>) src(%dma_wait3A_373 : memref<10240x128xf32, #tpu.memory_space<hbm>>) dst(%arg9 : memref<128x128xf32, #tpu.memory_space<vmem>>)
      %dma_start3A_374 = arith.constant 10 : i32
      %dma_start3A_375 = arith.constant 0 : i32
      %dma_start3A_376 = tpu.memref_slice %arg8[%rem3A_38, %dma_start3A_374, %dma_start3A_375] : memref<2x16x128xi32, #tpu.memory_space<vmem>> -> memref<1x1x128xi32, #tpu.memory_space<vmem>>
      %dma_start3A_377 = tpu.memref_squeeze %dma_start3A_376 : memref<1x1x128xi32, #tpu.memory_space<vmem>> -> memref<128xi32, #tpu.memory_space<vmem>>
      %dma_start3A_378 = arith.constant 0 : i32
      %dma_start3A_379 = arith.constant 0 : i32
      %dma_start3A_380 = tpu.memref_slice %arg6[%dma_start3A_378, %dma_start3A_379] : memref<10240x128xf32, #tpu.memory_space<vmem_shared>> -> memref<10240x128xf32, #tpu.memory_space<vmem_shared>>
      tpu.enqueue_indirect_dma source(%arg9 : memref<128x128xf32, #tpu.memory_space<vmem>>) target(%dma_start3A_380 : memref<10240x128xf32, #tpu.memory_space<vmem_shared>>) offsets(%dma_start3A_377 : memref<128xi32, #tpu.memory_space<vmem>>) semaphore(%arg13 : memref<!tpu.dma_semaphore, #tpu.memory_space<semaphore_mem>>) {add = true}
      %dma_wait3A_381 = arith.constant 10 : i32
      %dma_wait3A_382 = arith.constant 0 : i32
      %dma_wait3A_383 = tpu.memref_slice %arg8[%rem3A_38, %dma_wait3A_381, %dma_wait3A_382] : memref<2x16x128xi32, #tpu.memory_space<vmem>> -> memref<1x1x128xi32, #tpu.memory_space<vmem>>
      %dma_wait3A_384 = tpu.memref_squeeze %dma_wait3A_383 : memref<1x1x128xi32, #tpu.memory_space<vmem>> -> memref<128xi32, #tpu.memory_space<vmem>>
      %dma_wait3A_385 = arith.constant 0 : i32
      %dma_wait3A_386 = arith.constant 0 : i32
      %dma_wait3A_387 = tpu.memref_slice %arg6[%dma_wait3A_385, %dma_wait3A_386] : memref<10240x128xf32, #tpu.memory_space<vmem_shared>> -> memref<10240x128xf32, #tpu.memory_space<vmem_shared>>
      tpu.wait_indirect_dma semaphore(%arg13 : memref<!tpu.dma_semaphore, #tpu.memory_space<semaphore_mem>>) src(%arg9 : memref<128x128xf32, #tpu.memory_space<vmem>>) dst(%dma_wait3A_387 : memref<10240x128xf32, #tpu.memory_space<vmem_shared>>)
      %dma_start3A_388 = arith.constant 12 : i32
      %dma_start3A_389 = arith.constant 0 : i32
      %dma_start3A_390 = tpu.memref_slice %arg7[%rem3A_38, %dma_start3A_388, %dma_start3A_389] : memref<2x16x128xi32, #tpu.memory_space<vmem>> -> memref<1x1x128xi32, #tpu.memory_space<vmem>>
      %dma_start3A_391 = tpu.memref_squeeze %dma_start3A_390 : memref<1x1x128xi32, #tpu.memory_space<vmem>> -> memref<128xi32, #tpu.memory_space<vmem>>
      %dma_start3A_392 = arith.constant 0 : i32
      %dma_start3A_393 = arith.constant 0 : i32
      %dma_start3A_394 = tpu.memref_slice %arg2[%dma_start3A_392, %dma_start3A_393] : memref<10240x128xf32, #tpu.memory_space<hbm>> -> memref<10240x128xf32, #tpu.memory_space<hbm>>
      tpu.enqueue_indirect_dma source(%dma_start3A_394 : memref<10240x128xf32, #tpu.memory_space<hbm>>) target(%arg9 : memref<128x128xf32, #tpu.memory_space<vmem>>) offsets(%dma_start3A_391 : memref<128xi32, #tpu.memory_space<vmem>>) semaphore(%arg11 : memref<!tpu.dma_semaphore, #tpu.memory_space<semaphore_mem>>)
      %dma_wait3A_395 = arith.constant 11 : i32
      %dma_wait3A_396 = arith.constant 0 : i32
      %dma_wait3A_397 = tpu.memref_slice %arg7[%rem3A_38, %dma_wait3A_395, %dma_wait3A_396] : memref<2x16x128xi32, #tpu.memory_space<vmem>> -> memref<1x1x128xi32, #tpu.memory_space<vmem>>
      %dma_wait3A_398 = tpu.memref_squeeze %dma_wait3A_397 : memref<1x1x128xi32, #tpu.memory_space<vmem>> -> memref<128xi32, #tpu.memory_space<vmem>>
      %dma_wait3A_399 = arith.constant 0 : i32
      %dma_wait3A_400 = arith.constant 0 : i32
      %dma_wait3A_401 = tpu.memref_slice %arg2[%dma_wait3A_399, %dma_wait3A_400] : memref<10240x128xf32, #tpu.memory_space<hbm>> -> memref<10240x128xf32, #tpu.memory_space<hbm>>
      tpu.wait_indirect_dma semaphore(%arg12 : memref<!tpu.dma_semaphore, #tpu.memory_space<semaphore_mem>>) src(%dma_wait3A_401 : memref<10240x128xf32, #tpu.memory_space<hbm>>) dst(%arg10 : memref<128x128xf32, #tpu.memory_space<vmem>>)
      %dma_start3A_402 = arith.constant 11 : i32
      %dma_start3A_403 = arith.constant 0 : i32
      %dma_start3A_404 = tpu.memref_slice %arg8[%rem3A_38, %dma_start3A_402, %dma_start3A_403] : memref<2x16x128xi32, #tpu.memory_space<vmem>> -> memref<1x1x128xi32, #tpu.memory_space<vmem>>
      %dma_start3A_405 = tpu.memref_squeeze %dma_start3A_404 : memref<1x1x128xi32, #tpu.memory_space<vmem>> -> memref<128xi32, #tpu.memory_space<vmem>>
      %dma_start3A_406 = arith.constant 0 : i32
      %dma_start3A_407 = arith.constant 0 : i32
      %dma_start3A_408 = tpu.memref_slice %arg6[%dma_start3A_406, %dma_start3A_407] : memref<10240x128xf32, #tpu.memory_space<vmem_shared>> -> memref<10240x128xf32, #tpu.memory_space<vmem_shared>>
      tpu.enqueue_indirect_dma source(%arg10 : memref<128x128xf32, #tpu.memory_space<vmem>>) target(%dma_start3A_408 : memref<10240x128xf32, #tpu.memory_space<vmem_shared>>) offsets(%dma_start3A_405 : memref<128xi32, #tpu.memory_space<vmem>>) semaphore(%arg14 : memref<!tpu.dma_semaphore, #tpu.memory_space<semaphore_mem>>) {add = true}
      %dma_wait3A_409 = arith.constant 11 : i32
      %dma_wait3A_410 = arith.constant 0 : i32
      %dma_wait3A_411 = tpu.memref_slice %arg8[%rem3A_38, %dma_wait3A_409, %dma_wait3A_410] : memref<2x16x128xi32, #tpu.memory_space<vmem>> -> memref<1x1x128xi32, #tpu.memory_space<vmem>>
      %dma_wait3A_412 = tpu.memref_squeeze %dma_wait3A_411 : memref<1x1x128xi32, #tpu.memory_space<vmem>> -> memref<128xi32, #tpu.memory_space<vmem>>
      %dma_wait3A_413 = arith.constant 0 : i32
      %dma_wait3A_414 = arith.constant 0 : i32
      %dma_wait3A_415 = tpu.memref_slice %arg6[%dma_wait3A_413, %dma_wait3A_414] : memref<10240x128xf32, #tpu.memory_space<vmem_shared>> -> memref<10240x128xf32, #tpu.memory_space<vmem_shared>>
      tpu.wait_indirect_dma semaphore(%arg14 : memref<!tpu.dma_semaphore, #tpu.memory_space<semaphore_mem>>) src(%arg10 : memref<128x128xf32, #tpu.memory_space<vmem>>) dst(%dma_wait3A_415 : memref<10240x128xf32, #tpu.memory_space<vmem_shared>>)
      %dma_start3A_416 = arith.constant 13 : i32
      %dma_start3A_417 = arith.constant 0 : i32
      %dma_start3A_418 = tpu.memref_slice %arg7[%rem3A_38, %dma_start3A_416, %dma_start3A_417] : memref<2x16x128xi32, #tpu.memory_space<vmem>> -> memref<1x1x128xi32, #tpu.memory_space<vmem>>
      %dma_start3A_419 = tpu.memref_squeeze %dma_start3A_418 : memref<1x1x128xi32, #tpu.memory_space<vmem>> -> memref<128xi32, #tpu.memory_space<vmem>>
      %dma_start3A_420 = arith.constant 0 : i32
      %dma_start3A_421 = arith.constant 0 : i32
      %dma_start3A_422 = tpu.memref_slice %arg2[%dma_start3A_420, %dma_start3A_421] : memref<10240x128xf32, #tpu.memory_space<hbm>> -> memref<10240x128xf32, #tpu.memory_space<hbm>>
      tpu.enqueue_indirect_dma source(%dma_start3A_422 : memref<10240x128xf32, #tpu.memory_space<hbm>>) target(%arg10 : memref<128x128xf32, #tpu.memory_space<vmem>>) offsets(%dma_start3A_419 : memref<128xi32, #tpu.memory_space<vmem>>) semaphore(%arg12 : memref<!tpu.dma_semaphore, #tpu.memory_space<semaphore_mem>>)
      %dma_wait3A_423 = arith.constant 12 : i32
      %dma_wait3A_424 = arith.constant 0 : i32
      %dma_wait3A_425 = tpu.memref_slice %arg7[%rem3A_38, %dma_wait3A_423, %dma_wait3A_424] : memref<2x16x128xi32, #tpu.memory_space<vmem>> -> memref<1x1x128xi32, #tpu.memory_space<vmem>>
      %dma_wait3A_426 = tpu.memref_squeeze %dma_wait3A_425 : memref<1x1x128xi32, #tpu.memory_space<vmem>> -> memref<128xi32, #tpu.memory_space<vmem>>
      %dma_wait3A_427 = arith.constant 0 : i32
      %dma_wait3A_428 = arith.constant 0 : i32
      %dma_wait3A_429 = tpu.memref_slice %arg2[%dma_wait3A_427, %dma_wait3A_428] : memref<10240x128xf32, #tpu.memory_space<hbm>> -> memref<10240x128xf32, #tpu.memory_space<hbm>>
      tpu.wait_indirect_dma semaphore(%arg11 : memref<!tpu.dma_semaphore, #tpu.memory_space<semaphore_mem>>) src(%dma_wait3A_429 : memref<10240x128xf32, #tpu.memory_space<hbm>>) dst(%arg9 : memref<128x128xf32, #tpu.memory_space<vmem>>)
      %dma_start3A_430 = arith.constant 12 : i32
      %dma_start3A_431 = arith.constant 0 : i32
      %dma_start3A_432 = tpu.memref_slice %arg8[%rem3A_38, %dma_start3A_430, %dma_start3A_431] : memref<2x16x128xi32, #tpu.memory_space<vmem>> -> memref<1x1x128xi32, #tpu.memory_space<vmem>>
      %dma_start3A_433 = tpu.memref_squeeze %dma_start3A_432 : memref<1x1x128xi32, #tpu.memory_space<vmem>> -> memref<128xi32, #tpu.memory_space<vmem>>
      %dma_start3A_434 = arith.constant 0 : i32
      %dma_start3A_435 = arith.constant 0 : i32
      %dma_start3A_436 = tpu.memref_slice %arg6[%dma_start3A_434, %dma_start3A_435] : memref<10240x128xf32, #tpu.memory_space<vmem_shared>> -> memref<10240x128xf32, #tpu.memory_space<vmem_shared>>
      tpu.enqueue_indirect_dma source(%arg9 : memref<128x128xf32, #tpu.memory_space<vmem>>) target(%dma_start3A_436 : memref<10240x128xf32, #tpu.memory_space<vmem_shared>>) offsets(%dma_start3A_433 : memref<128xi32, #tpu.memory_space<vmem>>) semaphore(%arg13 : memref<!tpu.dma_semaphore, #tpu.memory_space<semaphore_mem>>) {add = true}
      %dma_wait3A_437 = arith.constant 12 : i32
      %dma_wait3A_438 = arith.constant 0 : i32
      %dma_wait3A_439 = tpu.memref_slice %arg8[%rem3A_38, %dma_wait3A_437, %dma_wait3A_438] : memref<2x16x128xi32, #tpu.memory_space<vmem>> -> memref<1x1x128xi32, #tpu.memory_space<vmem>>
      %dma_wait3A_440 = tpu.memref_squeeze %dma_wait3A_439 : memref<1x1x128xi32, #tpu.memory_space<vmem>> -> memref<128xi32, #tpu.memory_space<vmem>>
      %dma_wait3A_441 = arith.constant 0 : i32
      %dma_wait3A_442 = arith.constant 0 : i32
      %dma_wait3A_443 = tpu.memref_slice %arg6[%dma_wait3A_441, %dma_wait3A_442] : memref<10240x128xf32, #tpu.memory_space<vmem_shared>> -> memref<10240x128xf32, #tpu.memory_space<vmem_shared>>
      tpu.wait_indirect_dma semaphore(%arg13 : memref<!tpu.dma_semaphore, #tpu.memory_space<semaphore_mem>>) src(%arg9 : memref<128x128xf32, #tpu.memory_space<vmem>>) dst(%dma_wait3A_443 : memref<10240x128xf32, #tpu.memory_space<vmem_shared>>)
      %dma_start3A_444 = arith.constant 14 : i32
      %dma_start3A_445 = arith.constant 0 : i32
      %dma_start3A_446 = tpu.memref_slice %arg7[%rem3A_38, %dma_start3A_444, %dma_start3A_445] : memref<2x16x128xi32, #tpu.memory_space<vmem>> -> memref<1x1x128xi32, #tpu.memory_space<vmem>>
      %dma_start3A_447 = tpu.memref_squeeze %dma_start3A_446 : memref<1x1x128xi32, #tpu.memory_space<vmem>> -> memref<128xi32, #tpu.memory_space<vmem>>
      %dma_start3A_448 = arith.constant 0 : i32
      %dma_start3A_449 = arith.constant 0 : i32
      %dma_start3A_450 = tpu.memref_slice %arg2[%dma_start3A_448, %dma_start3A_449] : memref<10240x128xf32, #tpu.memory_space<hbm>> -> memref<10240x128xf32, #tpu.memory_space<hbm>>
      tpu.enqueue_indirect_dma source(%dma_start3A_450 : memref<10240x128xf32, #tpu.memory_space<hbm>>) target(%arg9 : memref<128x128xf32, #tpu.memory_space<vmem>>) offsets(%dma_start3A_447 : memref<128xi32, #tpu.memory_space<vmem>>) semaphore(%arg11 : memref<!tpu.dma_semaphore, #tpu.memory_space<semaphore_mem>>)
      %dma_wait3A_451 = arith.constant 13 : i32
      %dma_wait3A_452 = arith.constant 0 : i32
      %dma_wait3A_453 = tpu.memref_slice %arg7[%rem3A_38, %dma_wait3A_451, %dma_wait3A_452] : memref<2x16x128xi32, #tpu.memory_space<vmem>> -> memref<1x1x128xi32, #tpu.memory_space<vmem>>
      %dma_wait3A_454 = tpu.memref_squeeze %dma_wait3A_453 : memref<1x1x128xi32, #tpu.memory_space<vmem>> -> memref<128xi32, #tpu.memory_space<vmem>>
      %dma_wait3A_455 = arith.constant 0 : i32
      %dma_wait3A_456 = arith.constant 0 : i32
      %dma_wait3A_457 = tpu.memref_slice %arg2[%dma_wait3A_455, %dma_wait3A_456] : memref<10240x128xf32, #tpu.memory_space<hbm>> -> memref<10240x128xf32, #tpu.memory_space<hbm>>
      tpu.wait_indirect_dma semaphore(%arg12 : memref<!tpu.dma_semaphore, #tpu.memory_space<semaphore_mem>>) src(%dma_wait3A_457 : memref<10240x128xf32, #tpu.memory_space<hbm>>) dst(%arg10 : memref<128x128xf32, #tpu.memory_space<vmem>>)
      %dma_start3A_458 = arith.constant 13 : i32
      %dma_start3A_459 = arith.constant 0 : i32
      %dma_start3A_460 = tpu.memref_slice %arg8[%rem3A_38, %dma_start3A_458, %dma_start3A_459] : memref<2x16x128xi32, #tpu.memory_space<vmem>> -> memref<1x1x128xi32, #tpu.memory_space<vmem>>
      %dma_start3A_461 = tpu.memref_squeeze %dma_start3A_460 : memref<1x1x128xi32, #tpu.memory_space<vmem>> -> memref<128xi32, #tpu.memory_space<vmem>>
      %dma_start3A_462 = arith.constant 0 : i32
      %dma_start3A_463 = arith.constant 0 : i32
      %dma_start3A_464 = tpu.memref_slice %arg6[%dma_start3A_462, %dma_start3A_463] : memref<10240x128xf32, #tpu.memory_space<vmem_shared>> -> memref<10240x128xf32, #tpu.memory_space<vmem_shared>>
      tpu.enqueue_indirect_dma source(%arg10 : memref<128x128xf32, #tpu.memory_space<vmem>>) target(%dma_start3A_464 : memref<10240x128xf32, #tpu.memory_space<vmem_shared>>) offsets(%dma_start3A_461 : memref<128xi32, #tpu.memory_space<vmem>>) semaphore(%arg14 : memref<!tpu.dma_semaphore, #tpu.memory_space<semaphore_mem>>) {add = true}
      %dma_wait3A_465 = arith.constant 13 : i32
      %dma_wait3A_466 = arith.constant 0 : i32
      %dma_wait3A_467 = tpu.memref_slice %arg8[%rem3A_38, %dma_wait3A_465, %dma_wait3A_466] : memref<2x16x128xi32, #tpu.memory_space<vmem>> -> memref<1x1x128xi32, #tpu.memory_space<vmem>>
      %dma_wait3A_468 = tpu.memref_squeeze %dma_wait3A_467 : memref<1x1x128xi32, #tpu.memory_space<vmem>> -> memref<128xi32, #tpu.memory_space<vmem>>
      %dma_wait3A_469 = arith.constant 0 : i32
      %dma_wait3A_470 = arith.constant 0 : i32
      %dma_wait3A_471 = tpu.memref_slice %arg6[%dma_wait3A_469, %dma_wait3A_470] : memref<10240x128xf32, #tpu.memory_space<vmem_shared>> -> memref<10240x128xf32, #tpu.memory_space<vmem_shared>>
      tpu.wait_indirect_dma semaphore(%arg14 : memref<!tpu.dma_semaphore, #tpu.memory_space<semaphore_mem>>) src(%arg10 : memref<128x128xf32, #tpu.memory_space<vmem>>) dst(%dma_wait3A_471 : memref<10240x128xf32, #tpu.memory_space<vmem_shared>>)
      %dma_start3A_472 = arith.constant 15 : i32
      %dma_start3A_473 = arith.constant 0 : i32
      %dma_start3A_474 = tpu.memref_slice %arg7[%rem3A_38, %dma_start3A_472, %dma_start3A_473] : memref<2x16x128xi32, #tpu.memory_space<vmem>> -> memref<1x1x128xi32, #tpu.memory_space<vmem>>
      %dma_start3A_475 = tpu.memref_squeeze %dma_start3A_474 : memref<1x1x128xi32, #tpu.memory_space<vmem>> -> memref<128xi32, #tpu.memory_space<vmem>>
      %dma_start3A_476 = arith.constant 0 : i32
      %dma_start3A_477 = arith.constant 0 : i32
      %dma_start3A_478 = tpu.memref_slice %arg2[%dma_start3A_476, %dma_start3A_477] : memref<10240x128xf32, #tpu.memory_space<hbm>> -> memref<10240x128xf32, #tpu.memory_space<hbm>>
      tpu.enqueue_indirect_dma source(%dma_start3A_478 : memref<10240x128xf32, #tpu.memory_space<hbm>>) target(%arg10 : memref<128x128xf32, #tpu.memory_space<vmem>>) offsets(%dma_start3A_475 : memref<128xi32, #tpu.memory_space<vmem>>) semaphore(%arg12 : memref<!tpu.dma_semaphore, #tpu.memory_space<semaphore_mem>>)
      %dma_wait3A_479 = arith.constant 14 : i32
      %dma_wait3A_480 = arith.constant 0 : i32
      %dma_wait3A_481 = tpu.memref_slice %arg7[%rem3A_38, %dma_wait3A_479, %dma_wait3A_480] : memref<2x16x128xi32, #tpu.memory_space<vmem>> -> memref<1x1x128xi32, #tpu.memory_space<vmem>>
      %dma_wait3A_482 = tpu.memref_squeeze %dma_wait3A_481 : memref<1x1x128xi32, #tpu.memory_space<vmem>> -> memref<128xi32, #tpu.memory_space<vmem>>
      %dma_wait3A_483 = arith.constant 0 : i32
      %dma_wait3A_484 = arith.constant 0 : i32
      %dma_wait3A_485 = tpu.memref_slice %arg2[%dma_wait3A_483, %dma_wait3A_484] : memref<10240x128xf32, #tpu.memory_space<hbm>> -> memref<10240x128xf32, #tpu.memory_space<hbm>>
      tpu.wait_indirect_dma semaphore(%arg11 : memref<!tpu.dma_semaphore, #tpu.memory_space<semaphore_mem>>) src(%dma_wait3A_485 : memref<10240x128xf32, #tpu.memory_space<hbm>>) dst(%arg9 : memref<128x128xf32, #tpu.memory_space<vmem>>)
      %dma_start3A_486 = arith.constant 14 : i32
      %dma_start3A_487 = arith.constant 0 : i32
      %dma_start3A_488 = tpu.memref_slice %arg8[%rem3A_38, %dma_start3A_486, %dma_start3A_487] : memref<2x16x128xi32, #tpu.memory_space<vmem>> -> memref<1x1x128xi32, #tpu.memory_space<vmem>>
      %dma_start3A_489 = tpu.memref_squeeze %dma_start3A_488 : memref<1x1x128xi32, #tpu.memory_space<vmem>> -> memref<128xi32, #tpu.memory_space<vmem>>
      %dma_start3A_490 = arith.constant 0 : i32
      %dma_start3A_491 = arith.constant 0 : i32
      %dma_start3A_492 = tpu.memref_slice %arg6[%dma_start3A_490, %dma_start3A_491] : memref<10240x128xf32, #tpu.memory_space<vmem_shared>> -> memref<10240x128xf32, #tpu.memory_space<vmem_shared>>
      tpu.enqueue_indirect_dma source(%arg9 : memref<128x128xf32, #tpu.memory_space<vmem>>) target(%dma_start3A_492 : memref<10240x128xf32, #tpu.memory_space<vmem_shared>>) offsets(%dma_start3A_489 : memref<128xi32, #tpu.memory_space<vmem>>) semaphore(%arg13 : memref<!tpu.dma_semaphore, #tpu.memory_space<semaphore_mem>>) {add = true}
      %dma_wait3A_493 = arith.constant 15 : i32
      %dma_wait3A_494 = arith.constant 0 : i32
      %dma_wait3A_495 = tpu.memref_slice %arg7[%rem3A_38, %dma_wait3A_493, %dma_wait3A_494] : memref<2x16x128xi32, #tpu.memory_space<vmem>> -> memref<1x1x128xi32, #tpu.memory_space<vmem>>
      %dma_wait3A_496 = tpu.memref_squeeze %dma_wait3A_495 : memref<1x1x128xi32, #tpu.memory_space<vmem>> -> memref<128xi32, #tpu.memory_space<vmem>>
      %dma_wait3A_497 = arith.constant 0 : i32
      %dma_wait3A_498 = arith.constant 0 : i32
      %dma_wait3A_499 = tpu.memref_slice %arg2[%dma_wait3A_497, %dma_wait3A_498] : memref<10240x128xf32, #tpu.memory_space<hbm>> -> memref<10240x128xf32, #tpu.memory_space<hbm>>
      tpu.wait_indirect_dma semaphore(%arg12 : memref<!tpu.dma_semaphore, #tpu.memory_space<semaphore_mem>>) src(%dma_wait3A_499 : memref<10240x128xf32, #tpu.memory_space<hbm>>) dst(%arg10 : memref<128x128xf32, #tpu.memory_space<vmem>>)
      %dma_start3A_500 = arith.constant 15 : i32
      %dma_start3A_501 = arith.constant 0 : i32
      %dma_start3A_502 = tpu.memref_slice %arg8[%rem3A_38, %dma_start3A_500, %dma_start3A_501] : memref<2x16x128xi32, #tpu.memory_space<vmem>> -> memref<1x1x128xi32, #tpu.memory_space<vmem>>
      %dma_start3A_503 = tpu.memref_squeeze %dma_start3A_502 : memref<1x1x128xi32, #tpu.memory_space<vmem>> -> memref<128xi32, #tpu.memory_space<vmem>>
      %dma_start3A_504 = arith.constant 0 : i32
      %dma_start3A_505 = arith.constant 0 : i32
      %dma_start3A_506 = tpu.memref_slice %arg6[%dma_start3A_504, %dma_start3A_505] : memref<10240x128xf32, #tpu.memory_space<vmem_shared>> -> memref<10240x128xf32, #tpu.memory_space<vmem_shared>>
      tpu.enqueue_indirect_dma source(%arg10 : memref<128x128xf32, #tpu.memory_space<vmem>>) target(%dma_start3A_506 : memref<10240x128xf32, #tpu.memory_space<vmem_shared>>) offsets(%dma_start3A_503 : memref<128xi32, #tpu.memory_space<vmem>>) semaphore(%arg14 : memref<!tpu.dma_semaphore, #tpu.memory_space<semaphore_mem>>) {add = true}
      %dma_wait3A_507 = arith.constant 14 : i32
      %dma_wait3A_508 = arith.constant 0 : i32
      %dma_wait3A_509 = tpu.memref_slice %arg8[%rem3A_38, %dma_wait3A_507, %dma_wait3A_508] : memref<2x16x128xi32, #tpu.memory_space<vmem>> -> memref<1x1x128xi32, #tpu.memory_space<vmem>>
      %dma_wait3A_510 = tpu.memref_squeeze %dma_wait3A_509 : memref<1x1x128xi32, #tpu.memory_space<vmem>> -> memref<128xi32, #tpu.memory_space<vmem>>
      %dma_wait3A_511 = arith.constant 0 : i32
      %dma_wait3A_512 = arith.constant 0 : i32
      %dma_wait3A_513 = tpu.memref_slice %arg6[%dma_wait3A_511, %dma_wait3A_512] : memref<10240x128xf32, #tpu.memory_space<vmem_shared>> -> memref<10240x128xf32, #tpu.memory_space<vmem_shared>>
      tpu.wait_indirect_dma semaphore(%arg13 : memref<!tpu.dma_semaphore, #tpu.memory_space<semaphore_mem>>) src(%arg9 : memref<128x128xf32, #tpu.memory_space<vmem>>) dst(%dma_wait3A_513 : memref<10240x128xf32, #tpu.memory_space<vmem_shared>>)
      %dma_wait3A_514 = arith.constant 15 : i32
      %dma_wait3A_515 = arith.constant 0 : i32
      %dma_wait3A_516 = tpu.memref_slice %arg8[%rem3A_38, %dma_wait3A_514, %dma_wait3A_515] : memref<2x16x128xi32, #tpu.memory_space<vmem>> -> memref<1x1x128xi32, #tpu.memory_space<vmem>>
      %dma_wait3A_517 = tpu.memref_squeeze %dma_wait3A_516 : memref<1x1x128xi32, #tpu.memory_space<vmem>> -> memref<128xi32, #tpu.memory_space<vmem>>
      %dma_wait3A_518 = arith.constant 0 : i32
      %dma_wait3A_519 = arith.constant 0 : i32
      %dma_wait3A_520 = tpu.memref_slice %arg6[%dma_wait3A_518, %dma_wait3A_519] : memref<10240x128xf32, #tpu.memory_space<vmem_shared>> -> memref<10240x128xf32, #tpu.memory_space<vmem_shared>>
      tpu.wait_indirect_dma semaphore(%arg14 : memref<!tpu.dma_semaphore, #tpu.memory_space<semaphore_mem>>) src(%arg10 : memref<128x128xf32, #tpu.memory_space<vmem>>) dst(%dma_wait3A_520 : memref<10240x128xf32, #tpu.memory_space<vmem_shared>>)
      %dma_wait3A_521 = arith.constant 0 : i32
      %dma_wait3A_522 = arith.constant 0 : i32
      %dma_wait3A_523 = tpu.memref_slice %arg7[%sub3A_44, %dma_wait3A_521, %dma_wait3A_522] : memref<2x16x128xi32, #tpu.memory_space<vmem>> -> memref<1x16x128xi32, #tpu.memory_space<vmem>>
      %dma_wait3A_524 = tpu.memref_squeeze %dma_wait3A_523 : memref<1x16x128xi32, #tpu.memory_space<vmem>> -> memref<16x128xi32, #tpu.memory_space<vmem>>
      %dma_wait3A_525 = arith.constant 0 : i32
      %dma_wait3A_526 = tpu.memref_slice %arg3[%add3A, %mul3A_43, %dma_wait3A_525] : memref<32x80x128xi32, #tpu.memory_space<hbm>> -> memref<1x16x128xi32, #tpu.memory_space<hbm>>
      %dma_wait3A_527 = tpu.memref_squeeze %dma_wait3A_526 : memref<1x16x128xi32, #tpu.memory_space<hbm>> -> memref<16x128xi32, #tpu.memory_space<hbm>>
      %dma_wait3A_528 = arith.constant 0 : i32
      %dma_wait3A_529 = arith.constant 0 : i32
      %dma_wait3A_530 = tpu.memref_slice %arg7[%sub3A_44, %dma_wait3A_528, %dma_wait3A_529] : memref<2x16x128xi32, #tpu.memory_space<vmem>> -> memref<1x16x128xi32, #tpu.memory_space<vmem>>
      %dma_wait3A_531 = tpu.memref_squeeze %dma_wait3A_530 : memref<1x16x128xi32, #tpu.memory_space<vmem>> -> memref<16x128xi32, #tpu.memory_space<vmem>>
      %dma_wait3A_532 = arith.constant 0 : i32
      %dma_wait3A_533 = tpu.memref_slice %arg3[%add3A, %mul3A_43, %dma_wait3A_532] : memref<32x80x128xi32, #tpu.memory_space<hbm>> -> memref<1x16x128xi32, #tpu.memory_space<hbm>>
      %dma_wait3A_534 = tpu.memref_squeeze %dma_wait3A_533 : memref<1x16x128xi32, #tpu.memory_space<hbm>> -> memref<16x128xi32, #tpu.memory_space<hbm>>
      tpu.wait_dma2 semaphore(%arg15 : memref<!tpu.dma_semaphore, #tpu.memory_space<semaphore_mem>>) src(%dma_wait3A_534 : memref<16x128xi32, #tpu.memory_space<hbm>>) dst(%dma_wait3A_531 : memref<16x128xi32, #tpu.memory_space<vmem>>)
      %dma_wait3A_535 = arith.constant 0 : i32
      %dma_wait3A_536 = arith.constant 0 : i32
      %dma_wait3A_537 = tpu.memref_slice %arg8[%sub3A_59, %dma_wait3A_535, %dma_wait3A_536] : memref<2x16x128xi32, #tpu.memory_space<vmem>> -> memref<1x16x128xi32, #tpu.memory_space<vmem>>
      %dma_wait3A_538 = tpu.memref_squeeze %dma_wait3A_537 : memref<1x16x128xi32, #tpu.memory_space<vmem>> -> memref<16x128xi32, #tpu.memory_space<vmem>>
      %dma_wait3A_539 = arith.constant 0 : i32
      %dma_wait3A_540 = tpu.memref_slice %arg4[%add3A, %mul3A_43, %dma_wait3A_539] : memref<32x80x128xi32, #tpu.memory_space<hbm>> -> memref<1x16x128xi32, #tpu.memory_space<hbm>>
      %dma_wait3A_541 = tpu.memref_squeeze %dma_wait3A_540 : memref<1x16x128xi32, #tpu.memory_space<hbm>> -> memref<16x128xi32, #tpu.memory_space<hbm>>
      %dma_wait3A_542 = arith.constant 0 : i32
      %dma_wait3A_543 = arith.constant 0 : i32
      %dma_wait3A_544 = tpu.memref_slice %arg8[%sub3A_59, %dma_wait3A_542, %dma_wait3A_543] : memref<2x16x128xi32, #tpu.memory_space<vmem>> -> memref<1x16x128xi32, #tpu.memory_space<vmem>>
      %dma_wait3A_545 = tpu.memref_squeeze %dma_wait3A_544 : memref<1x16x128xi32, #tpu.memory_space<vmem>> -> memref<16x128xi32, #tpu.memory_space<vmem>>
      %dma_wait3A_546 = arith.constant 0 : i32
      %dma_wait3A_547 = tpu.memref_slice %arg4[%add3A, %mul3A_43, %dma_wait3A_546] : memref<32x80x128xi32, #tpu.memory_space<hbm>> -> memref<1x16x128xi32, #tpu.memory_space<hbm>>
      %dma_wait3A_548 = tpu.memref_squeeze %dma_wait3A_547 : memref<1x16x128xi32, #tpu.memory_space<hbm>> -> memref<16x128xi32, #tpu.memory_space<hbm>>
      tpu.wait_dma2 semaphore(%arg15 : memref<!tpu.dma_semaphore, #tpu.memory_space<semaphore_mem>>) src(%dma_wait3A_548 : memref<16x128xi32, #tpu.memory_space<hbm>>) dst(%dma_wait3A_545 : memref<16x128xi32, #tpu.memory_space<vmem>>)
    }
    %scan3A_25 = arith.constant 5 : i32
    %barrier3A_26 = arith.constant 0 : index
    tpu.barrier barrier_id(%barrier3A_26)
    %add3A_27 = arith.constant 0 : i32
    %add3A_28 = arith.addi %mul3A_2, %add3A_27 : i32
    "tpu.region"() ({
      %run_scoped3A_37 = tpu.sem_alloc : memref<!tpu.dma_semaphore, #tpu.memory_space<semaphore_mem>>
      %dma_start3A = arith.constant 0 : i32
      %dma_start3A_38 = tpu.memref_slice %arg6[%add3A_28, %dma_start3A] : memref<10240x128xf32, #tpu.memory_space<vmem_shared>> -> memref<128x128xf32, #tpu.memory_space<vmem_shared>>
      %dma_start3A_39 = arith.constant 0 : i32
      %dma_start3A_40 = tpu.memref_slice %arg6[%add3A_28, %dma_start3A_39] : memref<10240x128xf32, #tpu.memory_space<vmem_shared>> -> memref<128x128xf32, #tpu.memory_space<vmem_shared>>
      tpu.enqueue_dma source(%dma_start3A_40 : memref<128x128xf32, #tpu.memory_space<vmem_shared>>) target(%arg9 : memref<128x128xf32, #tpu.memory_space<vmem>>) target_semaphore(%run_scoped3A_37 : memref<!tpu.dma_semaphore, #tpu.memory_space<semaphore_mem>>)
      %dma_wait3A = arith.constant 0 : i32
      %dma_wait3A_41 = tpu.memref_slice %arg6[%add3A_28, %dma_wait3A] : memref<10240x128xf32, #tpu.memory_space<vmem_shared>> -> memref<128x128xf32, #tpu.memory_space<vmem_shared>>
      %dma_wait3A_42 = arith.constant 0 : i32
      %dma_wait3A_43 = tpu.memref_slice %arg6[%add3A_28, %dma_wait3A_42] : memref<10240x128xf32, #tpu.memory_space<vmem_shared>> -> memref<128x128xf32, #tpu.memory_space<vmem_shared>>
      tpu.wait_dma2 semaphore(%run_scoped3A_37 : memref<!tpu.dma_semaphore, #tpu.memory_space<semaphore_mem>>) src(%dma_wait3A_43 : memref<128x128xf32, #tpu.memory_space<vmem_shared>>) dst(%arg9 : memref<128x128xf32, #tpu.memory_space<vmem>>)
      tpu.yield
    }) : () -> ()
    "tpu.region"() ({
      %run_scoped3A_37 = tpu.sem_alloc : memref<!tpu.dma_semaphore, #tpu.memory_space<semaphore_mem>>
      %dma_start3A = arith.constant 0 : i32
      %dma_start3A_38 = tpu.memref_slice %arg5[%arg0, %add3A_28, %dma_start3A] : memref<2x10240x128xf32, #tpu.memory_space<hbm>> -> memref<1x128x128xf32, #tpu.memory_space<hbm>>
      %dma_start3A_39 = tpu.memref_squeeze %dma_start3A_38 : memref<1x128x128xf32, #tpu.memory_space<hbm>> -> memref<128x128xf32, #tpu.memory_space<hbm>>
      %dma_start3A_40 = arith.constant 0 : i32
      %dma_start3A_41 = tpu.memref_slice %arg5[%arg0, %add3A_28, %dma_start3A_40] : memref<2x10240x128xf32, #tpu.memory_space<hbm>> -> memref<1x128x128xf32, #tpu.memory_space<hbm>>
      %dma_start3A_42 = tpu.memref_squeeze %dma_start3A_41 : memref<1x128x128xf32, #tpu.memory_space<hbm>> -> memref<128x128xf32, #tpu.memory_space<hbm>>
      tpu.enqueue_dma source(%arg9 : memref<128x128xf32, #tpu.memory_space<vmem>>) target(%dma_start3A_42 : memref<128x128xf32, #tpu.memory_space<hbm>>) target_semaphore(%run_scoped3A_37 : memref<!tpu.dma_semaphore, #tpu.memory_space<semaphore_mem>>)
      %dma_wait3A = arith.constant 0 : i32
      %dma_wait3A_43 = tpu.memref_slice %arg5[%arg0, %add3A_28, %dma_wait3A] : memref<2x10240x128xf32, #tpu.memory_space<hbm>> -> memref<1x128x128xf32, #tpu.memory_space<hbm>>
      %dma_wait3A_44 = tpu.memref_squeeze %dma_wait3A_43 : memref<1x128x128xf32, #tpu.memory_space<hbm>> -> memref<128x128xf32, #tpu.memory_space<hbm>>
      %dma_wait3A_45 = arith.constant 0 : i32
      %dma_wait3A_46 = tpu.memref_slice %arg5[%arg0, %add3A_28, %dma_wait3A_45] : memref<2x10240x128xf32, #tpu.memory_space<hbm>> -> memref<1x128x128xf32, #tpu.memory_space<hbm>>
      %dma_wait3A_47 = tpu.memref_squeeze %dma_wait3A_46 : memref<1x128x128xf32, #tpu.memory_space<hbm>> -> memref<128x128xf32, #tpu.memory_space<hbm>>
      tpu.wait_dma2 semaphore(%run_scoped3A_37 : memref<!tpu.dma_semaphore, #tpu.memory_space<semaphore_mem>>) src(%arg9 : memref<128x128xf32, #tpu.memory_space<vmem>>) dst(%dma_wait3A_47 : memref<128x128xf32, #tpu.memory_space<hbm>>)
      tpu.yield
    }) : () -> ()
    %add3A_29 = arith.constant 128 : i32
    %add3A_30 = arith.addi %mul3A_2, %add3A_29 : i32
    "tpu.region"() ({
      %run_scoped3A_37 = tpu.sem_alloc : memref<!tpu.dma_semaphore, #tpu.memory_space<semaphore_mem>>
      %dma_start3A = arith.constant 0 : i32
      %dma_start3A_38 = tpu.memref_slice %arg6[%add3A_30, %dma_start3A] : memref<10240x128xf32, #tpu.memory_space<vmem_shared>> -> memref<128x128xf32, #tpu.memory_space<vmem_shared>>
      %dma_start3A_39 = arith.constant 0 : i32
      %dma_start3A_40 = tpu.memref_slice %arg6[%add3A_30, %dma_start3A_39] : memref<10240x128xf32, #tpu.memory_space<vmem_shared>> -> memref<128x128xf32, #tpu.memory_space<vmem_shared>>
      tpu.enqueue_dma source(%dma_start3A_40 : memref<128x128xf32, #tpu.memory_space<vmem_shared>>) target(%arg9 : memref<128x128xf32, #tpu.memory_space<vmem>>) target_semaphore(%run_scoped3A_37 : memref<!tpu.dma_semaphore, #tpu.memory_space<semaphore_mem>>)
      %dma_wait3A = arith.constant 0 : i32
      %dma_wait3A_41 = tpu.memref_slice %arg6[%add3A_30, %dma_wait3A] : memref<10240x128xf32, #tpu.memory_space<vmem_shared>> -> memref<128x128xf32, #tpu.memory_space<vmem_shared>>
      %dma_wait3A_42 = arith.constant 0 : i32
      %dma_wait3A_43 = tpu.memref_slice %arg6[%add3A_30, %dma_wait3A_42] : memref<10240x128xf32, #tpu.memory_space<vmem_shared>> -> memref<128x128xf32, #tpu.memory_space<vmem_shared>>
      tpu.wait_dma2 semaphore(%run_scoped3A_37 : memref<!tpu.dma_semaphore, #tpu.memory_space<semaphore_mem>>) src(%dma_wait3A_43 : memref<128x128xf32, #tpu.memory_space<vmem_shared>>) dst(%arg9 : memref<128x128xf32, #tpu.memory_space<vmem>>)
      tpu.yield
    }) : () -> ()
    "tpu.region"() ({
      %run_scoped3A_37 = tpu.sem_alloc : memref<!tpu.dma_semaphore, #tpu.memory_space<semaphore_mem>>
      %dma_start3A = arith.constant 0 : i32
      %dma_start3A_38 = tpu.memref_slice %arg5[%arg0, %add3A_30, %dma_start3A] : memref<2x10240x128xf32, #tpu.memory_space<hbm>> -> memref<1x128x128xf32, #tpu.memory_space<hbm>>
      %dma_start3A_39 = tpu.memref_squeeze %dma_start3A_38 : memref<1x128x128xf32, #tpu.memory_space<hbm>> -> memref<128x128xf32, #tpu.memory_space<hbm>>
      %dma_start3A_40 = arith.constant 0 : i32
      %dma_start3A_41 = tpu.memref_slice %arg5[%arg0, %add3A_30, %dma_start3A_40] : memref<2x10240x128xf32, #tpu.memory_space<hbm>> -> memref<1x128x128xf32, #tpu.memory_space<hbm>>
      %dma_start3A_42 = tpu.memref_squeeze %dma_start3A_41 : memref<1x128x128xf32, #tpu.memory_space<hbm>> -> memref<128x128xf32, #tpu.memory_space<hbm>>
      tpu.enqueue_dma source(%arg9 : memref<128x128xf32, #tpu.memory_space<vmem>>) target(%dma_start3A_42 : memref<128x128xf32, #tpu.memory_space<hbm>>) target_semaphore(%run_scoped3A_37 : memref<!tpu.dma_semaphore, #tpu.memory_space<semaphore_mem>>)
      %dma_wait3A = arith.constant 0 : i32
      %dma_wait3A_43 = tpu.memref_slice %arg5[%arg0, %add3A_30, %dma_wait3A] : memref<2x10240x128xf32, #tpu.memory_space<hbm>> -> memref<1x128x128xf32, #tpu.memory_space<hbm>>
      %dma_wait3A_44 = tpu.memref_squeeze %dma_wait3A_43 : memref<1x128x128xf32, #tpu.memory_space<hbm>> -> memref<128x128xf32, #tpu.memory_space<hbm>>
      %dma_wait3A_45 = arith.constant 0 : i32
      %dma_wait3A_46 = tpu.memref_slice %arg5[%arg0, %add3A_30, %dma_wait3A_45] : memref<2x10240x128xf32, #tpu.memory_space<hbm>> -> memref<1x128x128xf32, #tpu.memory_space<hbm>>
      %dma_wait3A_47 = tpu.memref_squeeze %dma_wait3A_46 : memref<1x128x128xf32, #tpu.memory_space<hbm>> -> memref<128x128xf32, #tpu.memory_space<hbm>>
      tpu.wait_dma2 semaphore(%run_scoped3A_37 : memref<!tpu.dma_semaphore, #tpu.memory_space<semaphore_mem>>) src(%arg9 : memref<128x128xf32, #tpu.memory_space<vmem>>) dst(%dma_wait3A_47 : memref<128x128xf32, #tpu.memory_space<hbm>>)
      tpu.yield
    }) : () -> ()
    %add3A_31 = arith.constant 256 : i32
    %add3A_32 = arith.addi %mul3A_2, %add3A_31 : i32
    "tpu.region"() ({
      %run_scoped3A_37 = tpu.sem_alloc : memref<!tpu.dma_semaphore, #tpu.memory_space<semaphore_mem>>
      %dma_start3A = arith.constant 0 : i32
      %dma_start3A_38 = tpu.memref_slice %arg6[%add3A_32, %dma_start3A] : memref<10240x128xf32, #tpu.memory_space<vmem_shared>> -> memref<128x128xf32, #tpu.memory_space<vmem_shared>>
      %dma_start3A_39 = arith.constant 0 : i32
      %dma_start3A_40 = tpu.memref_slice %arg6[%add3A_32, %dma_start3A_39] : memref<10240x128xf32, #tpu.memory_space<vmem_shared>> -> memref<128x128xf32, #tpu.memory_space<vmem_shared>>
      tpu.enqueue_dma source(%dma_start3A_40 : memref<128x128xf32, #tpu.memory_space<vmem_shared>>) target(%arg9 : memref<128x128xf32, #tpu.memory_space<vmem>>) target_semaphore(%run_scoped3A_37 : memref<!tpu.dma_semaphore, #tpu.memory_space<semaphore_mem>>)
      %dma_wait3A = arith.constant 0 : i32
      %dma_wait3A_41 = tpu.memref_slice %arg6[%add3A_32, %dma_wait3A] : memref<10240x128xf32, #tpu.memory_space<vmem_shared>> -> memref<128x128xf32, #tpu.memory_space<vmem_shared>>
      %dma_wait3A_42 = arith.constant 0 : i32
      %dma_wait3A_43 = tpu.memref_slice %arg6[%add3A_32, %dma_wait3A_42] : memref<10240x128xf32, #tpu.memory_space<vmem_shared>> -> memref<128x128xf32, #tpu.memory_space<vmem_shared>>
      tpu.wait_dma2 semaphore(%run_scoped3A_37 : memref<!tpu.dma_semaphore, #tpu.memory_space<semaphore_mem>>) src(%dma_wait3A_43 : memref<128x128xf32, #tpu.memory_space<vmem_shared>>) dst(%arg9 : memref<128x128xf32, #tpu.memory_space<vmem>>)
      tpu.yield
    }) : () -> ()
    "tpu.region"() ({
      %run_scoped3A_37 = tpu.sem_alloc : memref<!tpu.dma_semaphore, #tpu.memory_space<semaphore_mem>>
      %dma_start3A = arith.constant 0 : i32
      %dma_start3A_38 = tpu.memref_slice %arg5[%arg0, %add3A_32, %dma_start3A] : memref<2x10240x128xf32, #tpu.memory_space<hbm>> -> memref<1x128x128xf32, #tpu.memory_space<hbm>>
      %dma_start3A_39 = tpu.memref_squeeze %dma_start3A_38 : memref<1x128x128xf32, #tpu.memory_space<hbm>> -> memref<128x128xf32, #tpu.memory_space<hbm>>
      %dma_start3A_40 = arith.constant 0 : i32
      %dma_start3A_41 = tpu.memref_slice %arg5[%arg0, %add3A_32, %dma_start3A_40] : memref<2x10240x128xf32, #tpu.memory_space<hbm>> -> memref<1x128x128xf32, #tpu.memory_space<hbm>>
      %dma_start3A_42 = tpu.memref_squeeze %dma_start3A_41 : memref<1x128x128xf32, #tpu.memory_space<hbm>> -> memref<128x128xf32, #tpu.memory_space<hbm>>
      tpu.enqueue_dma source(%arg9 : memref<128x128xf32, #tpu.memory_space<vmem>>) target(%dma_start3A_42 : memref<128x128xf32, #tpu.memory_space<hbm>>) target_semaphore(%run_scoped3A_37 : memref<!tpu.dma_semaphore, #tpu.memory_space<semaphore_mem>>)
      %dma_wait3A = arith.constant 0 : i32
      %dma_wait3A_43 = tpu.memref_slice %arg5[%arg0, %add3A_32, %dma_wait3A] : memref<2x10240x128xf32, #tpu.memory_space<hbm>> -> memref<1x128x128xf32, #tpu.memory_space<hbm>>
      %dma_wait3A_44 = tpu.memref_squeeze %dma_wait3A_43 : memref<1x128x128xf32, #tpu.memory_space<hbm>> -> memref<128x128xf32, #tpu.memory_space<hbm>>
      %dma_wait3A_45 = arith.constant 0 : i32
      %dma_wait3A_46 = tpu.memref_slice %arg5[%arg0, %add3A_32, %dma_wait3A_45] : memref<2x10240x128xf32, #tpu.memory_space<hbm>> -> memref<1x128x128xf32, #tpu.memory_space<hbm>>
      %dma_wait3A_47 = tpu.memref_squeeze %dma_wait3A_46 : memref<1x128x128xf32, #tpu.memory_space<hbm>> -> memref<128x128xf32, #tpu.memory_space<hbm>>
      tpu.wait_dma2 semaphore(%run_scoped3A_37 : memref<!tpu.dma_semaphore, #tpu.memory_space<semaphore_mem>>) src(%arg9 : memref<128x128xf32, #tpu.memory_space<vmem>>) dst(%dma_wait3A_47 : memref<128x128xf32, #tpu.memory_space<hbm>>)
      tpu.yield
    }) : () -> ()
    %add3A_33 = arith.constant 384 : i32
    %add3A_34 = arith.addi %mul3A_2, %add3A_33 : i32
    "tpu.region"() ({
      %run_scoped3A_37 = tpu.sem_alloc : memref<!tpu.dma_semaphore, #tpu.memory_space<semaphore_mem>>
      %dma_start3A = arith.constant 0 : i32
      %dma_start3A_38 = tpu.memref_slice %arg6[%add3A_34, %dma_start3A] : memref<10240x128xf32, #tpu.memory_space<vmem_shared>> -> memref<128x128xf32, #tpu.memory_space<vmem_shared>>
      %dma_start3A_39 = arith.constant 0 : i32
      %dma_start3A_40 = tpu.memref_slice %arg6[%add3A_34, %dma_start3A_39] : memref<10240x128xf32, #tpu.memory_space<vmem_shared>> -> memref<128x128xf32, #tpu.memory_space<vmem_shared>>
      tpu.enqueue_dma source(%dma_start3A_40 : memref<128x128xf32, #tpu.memory_space<vmem_shared>>) target(%arg9 : memref<128x128xf32, #tpu.memory_space<vmem>>) target_semaphore(%run_scoped3A_37 : memref<!tpu.dma_semaphore, #tpu.memory_space<semaphore_mem>>)
      %dma_wait3A = arith.constant 0 : i32
      %dma_wait3A_41 = tpu.memref_slice %arg6[%add3A_34, %dma_wait3A] : memref<10240x128xf32, #tpu.memory_space<vmem_shared>> -> memref<128x128xf32, #tpu.memory_space<vmem_shared>>
      %dma_wait3A_42 = arith.constant 0 : i32
      %dma_wait3A_43 = tpu.memref_slice %arg6[%add3A_34, %dma_wait3A_42] : memref<10240x128xf32, #tpu.memory_space<vmem_shared>> -> memref<128x128xf32, #tpu.memory_space<vmem_shared>>
      tpu.wait_dma2 semaphore(%run_scoped3A_37 : memref<!tpu.dma_semaphore, #tpu.memory_space<semaphore_mem>>) src(%dma_wait3A_43 : memref<128x128xf32, #tpu.memory_space<vmem_shared>>) dst(%arg9 : memref<128x128xf32, #tpu.memory_space<vmem>>)
      tpu.yield
    }) : () -> ()
    "tpu.region"() ({
      %run_scoped3A_37 = tpu.sem_alloc : memref<!tpu.dma_semaphore, #tpu.memory_space<semaphore_mem>>
      %dma_start3A = arith.constant 0 : i32
      %dma_start3A_38 = tpu.memref_slice %arg5[%arg0, %add3A_34, %dma_start3A] : memref<2x10240x128xf32, #tpu.memory_space<hbm>> -> memref<1x128x128xf32, #tpu.memory_space<hbm>>
      %dma_start3A_39 = tpu.memref_squeeze %dma_start3A_38 : memref<1x128x128xf32, #tpu.memory_space<hbm>> -> memref<128x128xf32, #tpu.memory_space<hbm>>
      %dma_start3A_40 = arith.constant 0 : i32
      %dma_start3A_41 = tpu.memref_slice %arg5[%arg0, %add3A_34, %dma_start3A_40] : memref<2x10240x128xf32, #tpu.memory_space<hbm>> -> memref<1x128x128xf32, #tpu.memory_space<hbm>>
      %dma_start3A_42 = tpu.memref_squeeze %dma_start3A_41 : memref<1x128x128xf32, #tpu.memory_space<hbm>> -> memref<128x128xf32, #tpu.memory_space<hbm>>
      tpu.enqueue_dma source(%arg9 : memref<128x128xf32, #tpu.memory_space<vmem>>) target(%dma_start3A_42 : memref<128x128xf32, #tpu.memory_space<hbm>>) target_semaphore(%run_scoped3A_37 : memref<!tpu.dma_semaphore, #tpu.memory_space<semaphore_mem>>)
      %dma_wait3A = arith.constant 0 : i32
      %dma_wait3A_43 = tpu.memref_slice %arg5[%arg0, %add3A_34, %dma_wait3A] : memref<2x10240x128xf32, #tpu.memory_space<hbm>> -> memref<1x128x128xf32, #tpu.memory_space<hbm>>
      %dma_wait3A_44 = tpu.memref_squeeze %dma_wait3A_43 : memref<1x128x128xf32, #tpu.memory_space<hbm>> -> memref<128x128xf32, #tpu.memory_space<hbm>>
      %dma_wait3A_45 = arith.constant 0 : i32
      %dma_wait3A_46 = tpu.memref_slice %arg5[%arg0, %add3A_34, %dma_wait3A_45] : memref<2x10240x128xf32, #tpu.memory_space<hbm>> -> memref<1x128x128xf32, #tpu.memory_space<hbm>>
      %dma_wait3A_47 = tpu.memref_squeeze %dma_wait3A_46 : memref<1x128x128xf32, #tpu.memory_space<hbm>> -> memref<128x128xf32, #tpu.memory_space<hbm>>
      tpu.wait_dma2 semaphore(%run_scoped3A_37 : memref<!tpu.dma_semaphore, #tpu.memory_space<semaphore_mem>>) src(%arg9 : memref<128x128xf32, #tpu.memory_space<vmem>>) dst(%dma_wait3A_47 : memref<128x128xf32, #tpu.memory_space<hbm>>)
      tpu.yield
    }) : () -> ()
    %add3A_35 = arith.constant 512 : i32
    %add3A_36 = arith.addi %mul3A_2, %add3A_35 : i32
    "tpu.region"() ({
      %run_scoped3A_37 = tpu.sem_alloc : memref<!tpu.dma_semaphore, #tpu.memory_space<semaphore_mem>>
      %dma_start3A = arith.constant 0 : i32
      %dma_start3A_38 = tpu.memref_slice %arg6[%add3A_36, %dma_start3A] : memref<10240x128xf32, #tpu.memory_space<vmem_shared>> -> memref<128x128xf32, #tpu.memory_space<vmem_shared>>
      %dma_start3A_39 = arith.constant 0 : i32
      %dma_start3A_40 = tpu.memref_slice %arg6[%add3A_36, %dma_start3A_39] : memref<10240x128xf32, #tpu.memory_space<vmem_shared>> -> memref<128x128xf32, #tpu.memory_space<vmem_shared>>
      tpu.enqueue_dma source(%dma_start3A_40 : memref<128x128xf32, #tpu.memory_space<vmem_shared>>) target(%arg9 : memref<128x128xf32, #tpu.memory_space<vmem>>) target_semaphore(%run_scoped3A_37 : memref<!tpu.dma_semaphore, #tpu.memory_space<semaphore_mem>>)
      %dma_wait3A = arith.constant 0 : i32
      %dma_wait3A_41 = tpu.memref_slice %arg6[%add3A_36, %dma_wait3A] : memref<10240x128xf32, #tpu.memory_space<vmem_shared>> -> memref<128x128xf32, #tpu.memory_space<vmem_shared>>
      %dma_wait3A_42 = arith.constant 0 : i32
      %dma_wait3A_43 = tpu.memref_slice %arg6[%add3A_36, %dma_wait3A_42] : memref<10240x128xf32, #tpu.memory_space<vmem_shared>> -> memref<128x128xf32, #tpu.memory_space<vmem_shared>>
      tpu.wait_dma2 semaphore(%run_scoped3A_37 : memref<!tpu.dma_semaphore, #tpu.memory_space<semaphore_mem>>) src(%dma_wait3A_43 : memref<128x128xf32, #tpu.memory_space<vmem_shared>>) dst(%arg9 : memref<128x128xf32, #tpu.memory_space<vmem>>)
      tpu.yield
    }) : () -> ()
    "tpu.region"() ({
      %run_scoped3A_37 = tpu.sem_alloc : memref<!tpu.dma_semaphore, #tpu.memory_space<semaphore_mem>>
      %dma_start3A = arith.constant 0 : i32
      %dma_start3A_38 = tpu.memref_slice %arg5[%arg0, %add3A_36, %dma_start3A] : memref<2x10240x128xf32, #tpu.memory_space<hbm>> -> memref<1x128x128xf32, #tpu.memory_space<hbm>>
      %dma_start3A_39 = tpu.memref_squeeze %dma_start3A_38 : memref<1x128x128xf32, #tpu.memory_space<hbm>> -> memref<128x128xf32, #tpu.memory_space<hbm>>
      %dma_start3A_40 = arith.constant 0 : i32
      %dma_start3A_41 = tpu.memref_slice %arg5[%arg0, %add3A_36, %dma_start3A_40] : memref<2x10240x128xf32, #tpu.memory_space<hbm>> -> memref<1x128x128xf32, #tpu.memory_space<hbm>>
      %dma_start3A_42 = tpu.memref_squeeze %dma_start3A_41 : memref<1x128x128xf32, #tpu.memory_space<hbm>> -> memref<128x128xf32, #tpu.memory_space<hbm>>
      tpu.enqueue_dma source(%arg9 : memref<128x128xf32, #tpu.memory_space<vmem>>) target(%dma_start3A_42 : memref<128x128xf32, #tpu.memory_space<hbm>>) target_semaphore(%run_scoped3A_37 : memref<!tpu.dma_semaphore, #tpu.memory_space<semaphore_mem>>)
      %dma_wait3A = arith.constant 0 : i32
      %dma_wait3A_43 = tpu.memref_slice %arg5[%arg0, %add3A_36, %dma_wait3A] : memref<2x10240x128xf32, #tpu.memory_space<hbm>> -> memref<1x128x128xf32, #tpu.memory_space<hbm>>
      %dma_wait3A_44 = tpu.memref_squeeze %dma_wait3A_43 : memref<1x128x128xf32, #tpu.memory_space<hbm>> -> memref<128x128xf32, #tpu.memory_space<hbm>>
      %dma_wait3A_45 = arith.constant 0 : i32
      %dma_wait3A_46 = tpu.memref_slice %arg5[%arg0, %add3A_36, %dma_wait3A_45] : memref<2x10240x128xf32, #tpu.memory_space<hbm>> -> memref<1x128x128xf32, #tpu.memory_space<hbm>>
      %dma_wait3A_47 = tpu.memref_squeeze %dma_wait3A_46 : memref<1x128x128xf32, #tpu.memory_space<hbm>> -> memref<128x128xf32, #tpu.memory_space<hbm>>
      tpu.wait_dma2 semaphore(%run_scoped3A_37 : memref<!tpu.dma_semaphore, #tpu.memory_space<semaphore_mem>>) src(%arg9 : memref<128x128xf32, #tpu.memory_space<vmem>>) dst(%dma_wait3A_47 : memref<128x128xf32, #tpu.memory_space<hbm>>)
      tpu.yield
    }) : () -> ()
    return
  }
}

module attributes {stable_mosaic.version = 14 : i64} {
  func.func @body(%arg0: i32, %arg1: memref<2048x128xf32, #tpu.memory_space<vmem>>, %arg2: memref<128x128xf32, #tpu.memory_space<vmem>>, %arg3: memref<1x128xf32, #tpu.memory_space<vmem>>, %arg4: memref<2048x128xf32, #tpu.memory_space<vmem>>) attributes {dimension_semantics = [#tpu.dimension_semantics<arbitrary>], iteration_bounds = array<i64: 5>, scalar_prefetch = 0 : i64, scratch_operands = 0 : i64, tpu.core_type = #tpu.core_type<tc>, window_params = [{transform_indices = @transform_0, window_bounds = array<i64: 2048, 128>}, {pipeline_mode = #tpu.pipeline_mode<synchronous>, transform_indices = @transform_1, window_bounds = array<i64: 128, 128>}, {pipeline_mode = #tpu.pipeline_mode<synchronous>, transform_indices = @transform_2, window_bounds = array<i64: 1, 128>}, {transform_indices = @transform_3, window_bounds = array<i64: 2048, 128>}]} {
    %get3A = arith.constant 0 : index
    %get3A_0 = arith.constant 0 : index
    %get3A_1 = vector.load %arg1[%get3A, %get3A_0] : memref<2048x128xf32, #tpu.memory_space<vmem>>, vector<2048x128xf32>
    %get3A_2 = arith.constant 0 : index
    %get3A_3 = arith.constant 0 : index
    %get3A_4 = vector.load %arg2[%get3A_2, %get3A_3] : memref<128x128xf32, #tpu.memory_space<vmem>>, vector<128x128xf32>
    %dot_general3A = arith.constant dense<0.000000e+00> : vector<2048x128xf32>
    %dot_general3A_5 = tpu.matmul %get3A_1, %get3A_4, %dot_general3A {dimension_numbers = #tpu.dot_dimension_numbers<[1], [0], [0], [1], [0, 0, 1, 1], [], []>, precision = #tpu.contract_precision<fp32>, transpose_lhs_hint = false} : vector<2048x128xf32>, vector<128x128xf32>, vector<2048x128xf32> -> vector<2048x128xf32>
    %get3A_6 = arith.constant 0 : index
    %get3A_7 = arith.constant 0 : index
    %get3A_8 = vector.load %arg3[%get3A_6, %get3A_7] : memref<1x128xf32, #tpu.memory_space<vmem>>, vector<1x128xf32>
    %add3A = vector.broadcast %get3A_8 : vector<1x128xf32> to vector<2048x128xf32>
    %add3A_9 = arith.addf %dot_general3A_5, %add3A : vector<2048x128xf32>
    %swap3A = arith.constant 0 : index
    %swap3A_10 = arith.constant 0 : index
    %swap3A_11 = vector.load %arg4[%swap3A, %swap3A_10] : memref<2048x128xf32, #tpu.memory_space<vmem>>, vector<2048x128xf32>
    tpu.vector_store %arg4[%swap3A, %swap3A_10], %add3A_9 {strides = array<i32>} : memref<2048x128xf32, #tpu.memory_space<vmem>>, vector<2048x128xf32>,
    return
  }
  func.func @transform_0(%arg0: i32) -> (i32, i32) {
    %c0_i32 = arith.constant 0 : i32
    %c0_i32_0 = arith.constant 0 : i32
    return %arg0, %c0_i32 : i32, i32
  }
  func.func @transform_1(%arg0: i32) -> (i32, i32) {
    %c0_i32 = arith.constant 0 : i32
    %c0_i32_0 = arith.constant 0 : i32
    %c0_i32_1 = arith.constant 0 : i32
    return %c0_i32, %c0_i32_0 : i32, i32
  }
  func.func @transform_2(%arg0: i32) -> (i32, i32) {
    %c0_i32 = arith.constant 0 : i32
    %c0_i32_0 = arith.constant 0 : i32
    %c0_i32_1 = arith.constant 0 : i32
    return %c0_i32, %c0_i32_0 : i32, i32
  }
  func.func @transform_3(%arg0: i32) -> (i32, i32) {
    %c0_i32 = arith.constant 0 : i32
    %c0_i32_0 = arith.constant 0 : i32
    return %arg0, %c0_i32 : i32, i32
  }
}

module attributes {stable_mosaic.version = 14 : i64} {
  func.func @body(%arg0: i32, %arg1: memref<2x2048x128xf32, #tpu.memory_space<vmem>>, %arg2: memref<2x2048x16xf32, #tpu.memory_space<vmem>>, %arg3: memref<2048x128xf32, #tpu.memory_space<vmem>>, %arg4: memref<128x128xf32, #tpu.memory_space<vmem>>, %arg5: memref<2048x128xf32, #tpu.memory_space<vmem>>, %arg6: memref<2048x16xf32, #tpu.memory_space<vmem>>) attributes {dimension_semantics = [#tpu.dimension_semantics<arbitrary>], iteration_bounds = array<i64: 5>, scalar_prefetch = 0 : i64, scratch_operands = 0 : i64, tpu.core_type = #tpu.core_type<tc>, window_params = [{transform_indices = @transform_0, window_bounds = array<i64: 2, 2048, 128>}, {transform_indices = @transform_1, window_bounds = array<i64: 2, 2048, 16>}, {transform_indices = @transform_2, window_bounds = array<i64: 2048, 128>}, {pipeline_mode = #tpu.pipeline_mode<synchronous>, transform_indices = @transform_3, window_bounds = array<i64: 128, 128>}, {transform_indices = @transform_4, window_bounds = array<i64: 2048, 128>}, {transform_indices = @transform_5, window_bounds = array<i64: 2048, 16>}]} {
    %get3A = arith.constant 0 : index
    %get3A_0 = arith.constant 0 : index
    %get3A_1 = arith.constant 0 : index
    %get3A_2 = vector.load %arg1[%get3A, %get3A_0, %get3A_1] : memref<2x2048x128xf32, #tpu.memory_space<vmem>>, vector<1x2048x128xf32>
    %get3A_3 = vector.shape_cast %get3A_2 : vector<1x2048x128xf32> to vector<2048x128xf32>
    %get3A_4 = arith.constant 1 : index
    %get3A_5 = arith.constant 0 : index
    %get3A_6 = arith.constant 0 : index
    %get3A_7 = vector.load %arg1[%get3A_4, %get3A_5, %get3A_6] : memref<2x2048x128xf32, #tpu.memory_space<vmem>>, vector<1x2048x128xf32>
    %get3A_8 = vector.shape_cast %get3A_7 : vector<1x2048x128xf32> to vector<2048x128xf32>
    %add3A = arith.addf %get3A_3, %get3A_8 : vector<2048x128xf32>
    %get3A_9 = arith.constant 0 : index
    %get3A_10 = arith.constant 0 : index
    %get3A_11 = arith.constant 0 : index
    %get3A_12 = vector.load %arg2[%get3A_9, %get3A_10, %get3A_11] : memref<2x2048x16xf32, #tpu.memory_space<vmem>>, vector<1x2048x1xf32>
    %get3A_13 = vector.shape_cast %get3A_12 : vector<1x2048x1xf32> to vector<2048xf32>
    %get3A_14 = arith.constant 1 : index
    %get3A_15 = arith.constant 0 : index
    %get3A_16 = arith.constant 0 : index
    %get3A_17 = vector.load %arg2[%get3A_14, %get3A_15, %get3A_16] : memref<2x2048x16xf32, #tpu.memory_space<vmem>>, vector<1x2048x1xf32>
    %get3A_18 = vector.shape_cast %get3A_17 : vector<1x2048x1xf32> to vector<2048xf32>
    %add3A_19 = arith.addf %get3A_13, %get3A_18 : vector<2048xf32>
    %max3A = arith.constant 1.000000e+00 : f32
    %max3A_20 = vector.broadcast %max3A : f32 to vector<2048xf32>
    %max3A_21 = arith.maximumf %add3A_19, %max3A_20 : vector<2048xf32>
    %div3A = arith.constant 1.000000e+00 : f32
    %div3A_22 = vector.broadcast %div3A : f32 to vector<2048xf32>
    %div3A_23 = arith.divf %div3A_22, %max3A_21 : vector<2048xf32>
    %broadcast_in_dim3A = vector.shape_cast %div3A_23 : vector<2048xf32> to vector<2048x1xf32>
    %broadcast_in_dim3A_24 = vector.shape_cast %broadcast_in_dim3A : vector<2048x1xf32> to vector<2048x1xf32>
    %broadcast_in_dim3A_25 = vector.broadcast %broadcast_in_dim3A_24 : vector<2048x1xf32> to vector<2048x16xf32>
    %swap3A = arith.constant 0 : index
    %swap3A_26 = arith.constant 0 : index
    %swap3A_27 = vector.load %arg6[%swap3A, %swap3A_26] : memref<2048x16xf32, #tpu.memory_space<vmem>>, vector<2048x16xf32>
    tpu.vector_store %arg6[%swap3A, %swap3A_26], %broadcast_in_dim3A_25 {strides = array<i32>} : memref<2048x16xf32, #tpu.memory_space<vmem>>, vector<2048x16xf32>,
    %mul3A = vector.broadcast %broadcast_in_dim3A : vector<2048x1xf32> to vector<2048x128xf32>
    %mul3A_28 = arith.mulf %add3A, %mul3A : vector<2048x128xf32>
    %get3A_29 = arith.constant 0 : index
    %get3A_30 = arith.constant 0 : index
    %get3A_31 = vector.load %arg4[%get3A_29, %get3A_30] : memref<128x128xf32, #tpu.memory_space<vmem>>, vector<128x128xf32>
    %dot_general3A = arith.constant dense<0.000000e+00> : vector<2048x128xf32>
    %dot_general3A_32 = tpu.matmul %mul3A_28, %get3A_31, %dot_general3A {dimension_numbers = #tpu.dot_dimension_numbers<[1], [0], [0], [1], [0, 0, 1, 1], [], []>, precision = #tpu.contract_precision<fp32>, transpose_lhs_hint = false} : vector<2048x128xf32>, vector<128x128xf32>, vector<2048x128xf32> -> vector<2048x128xf32>
    %get3A_33 = arith.constant 0 : index
    %get3A_34 = arith.constant 0 : index
    %get3A_35 = vector.load %arg3[%get3A_33, %get3A_34] : memref<2048x128xf32, #tpu.memory_space<vmem>>, vector<2048x128xf32>
    %add3A_36 = arith.addf %dot_general3A_32, %get3A_35 : vector<2048x128xf32>
    %max3A_37 = arith.constant 0.000000e+00 : f32
    %max3A_38 = vector.broadcast %max3A_37 : f32 to vector<2048x128xf32>
    %max3A_39 = arith.maximumf %add3A_36, %max3A_38 : vector<2048x128xf32>
    %swap3A_40 = arith.constant 0 : index
    %swap3A_41 = arith.constant 0 : index
    %swap3A_42 = vector.load %arg5[%swap3A_40, %swap3A_41] : memref<2048x128xf32, #tpu.memory_space<vmem>>, vector<2048x128xf32>
    tpu.vector_store %arg5[%swap3A_40, %swap3A_41], %max3A_39 {strides = array<i32>} : memref<2048x128xf32, #tpu.memory_space<vmem>>, vector<2048x128xf32>,
    return
  }
  func.func @transform_0(%arg0: i32) -> (i32, i32, i32) {
    %c0_i32 = arith.constant 0 : i32
    %c0_i32_0 = arith.constant 0 : i32
    %c0_i32_1 = arith.constant 0 : i32
    return %c0_i32, %arg0, %c0_i32_0 : i32, i32, i32
  }
  func.func @transform_1(%arg0: i32) -> (i32, i32, i32) {
    %c0_i32 = arith.constant 0 : i32
    %c0_i32_0 = arith.constant 0 : i32
    %c0_i32_1 = arith.constant 0 : i32
    return %c0_i32, %arg0, %c0_i32_0 : i32, i32, i32
  }
  func.func @transform_2(%arg0: i32) -> (i32, i32) {
    %c0_i32 = arith.constant 0 : i32
    %c0_i32_0 = arith.constant 0 : i32
    return %arg0, %c0_i32 : i32, i32
  }
  func.func @transform_3(%arg0: i32) -> (i32, i32) {
    %c0_i32 = arith.constant 0 : i32
    %c0_i32_0 = arith.constant 0 : i32
    %c0_i32_1 = arith.constant 0 : i32
    return %c0_i32, %c0_i32_0 : i32, i32
  }
  func.func @transform_4(%arg0: i32) -> (i32, i32) {
    %c0_i32 = arith.constant 0 : i32
    %c0_i32_0 = arith.constant 0 : i32
    return %arg0, %c0_i32 : i32, i32
  }
  func.func @transform_5(%arg0: i32) -> (i32, i32) {
    %c0_i32 = arith.constant 0 : i32
    %c0_i32_0 = arith.constant 0 : i32
    return %arg0, %c0_i32 : i32, i32
  }
}

module attributes {stable_mosaic.version = 14 : i64} {
  func.func @body(%arg0: i32, %arg1: memref<2x2048x128xf32, #tpu.memory_space<vmem>>, %arg2: memref<2048x16xf32, #tpu.memory_space<vmem>>, %arg3: memref<2048x128xf32, #tpu.memory_space<vmem>>, %arg4: memref<128x128xf32, #tpu.memory_space<vmem>>, %arg5: memref<2048x128xf32, #tpu.memory_space<vmem>>) attributes {dimension_semantics = [#tpu.dimension_semantics<arbitrary>], iteration_bounds = array<i64: 5>, scalar_prefetch = 0 : i64, scratch_operands = 0 : i64, tpu.core_type = #tpu.core_type<tc>, window_params = [{transform_indices = @transform_0, window_bounds = array<i64: 2, 2048, 128>}, {transform_indices = @transform_1, window_bounds = array<i64: 2048, 16>}, {transform_indices = @transform_2, window_bounds = array<i64: 2048, 128>}, {pipeline_mode = #tpu.pipeline_mode<synchronous>, transform_indices = @transform_3, window_bounds = array<i64: 128, 128>}, {transform_indices = @transform_4, window_bounds = array<i64: 2048, 128>}]} {
    %get3A = arith.constant 0 : index
    %get3A_0 = arith.constant 0 : index
    %get3A_1 = arith.constant 0 : index
    %get3A_2 = vector.load %arg1[%get3A, %get3A_0, %get3A_1] : memref<2x2048x128xf32, #tpu.memory_space<vmem>>, vector<1x2048x128xf32>
    %get3A_3 = vector.shape_cast %get3A_2 : vector<1x2048x128xf32> to vector<2048x128xf32>
    %get3A_4 = arith.constant 1 : index
    %get3A_5 = arith.constant 0 : index
    %get3A_6 = arith.constant 0 : index
    %get3A_7 = vector.load %arg1[%get3A_4, %get3A_5, %get3A_6] : memref<2x2048x128xf32, #tpu.memory_space<vmem>>, vector<1x2048x128xf32>
    %get3A_8 = vector.shape_cast %get3A_7 : vector<1x2048x128xf32> to vector<2048x128xf32>
    %add3A = arith.addf %get3A_3, %get3A_8 : vector<2048x128xf32>
    %get3A_9 = arith.constant 0 : index
    %get3A_10 = arith.constant 0 : index
    %get3A_11 = vector.load %arg2[%get3A_9, %get3A_10] : memref<2048x16xf32, #tpu.memory_space<vmem>>, vector<2048x1xf32>
    %get3A_12 = vector.shape_cast %get3A_11 : vector<2048x1xf32> to vector<2048xf32>
    %broadcast_in_dim3A = vector.shape_cast %get3A_12 : vector<2048xf32> to vector<2048x1xf32>
    %mul3A = vector.broadcast %broadcast_in_dim3A : vector<2048x1xf32> to vector<2048x128xf32>
    %mul3A_13 = arith.mulf %add3A, %mul3A : vector<2048x128xf32>
    %get3A_14 = arith.constant 0 : index
    %get3A_15 = arith.constant 0 : index
    %get3A_16 = vector.load %arg4[%get3A_14, %get3A_15] : memref<128x128xf32, #tpu.memory_space<vmem>>, vector<128x128xf32>
    %dot_general3A = arith.constant dense<0.000000e+00> : vector<2048x128xf32>
    %dot_general3A_17 = tpu.matmul %mul3A_13, %get3A_16, %dot_general3A {dimension_numbers = #tpu.dot_dimension_numbers<[1], [0], [0], [1], [0, 0, 1, 1], [], []>, precision = #tpu.contract_precision<fp32>, transpose_lhs_hint = false} : vector<2048x128xf32>, vector<128x128xf32>, vector<2048x128xf32> -> vector<2048x128xf32>
    %get3A_18 = arith.constant 0 : index
    %get3A_19 = arith.constant 0 : index
    %get3A_20 = vector.load %arg3[%get3A_18, %get3A_19] : memref<2048x128xf32, #tpu.memory_space<vmem>>, vector<2048x128xf32>
    %add3A_21 = arith.addf %dot_general3A_17, %get3A_20 : vector<2048x128xf32>
    %logistic3A = arith.negf %add3A_21 : vector<2048x128xf32>
    %logistic3A_22 = math.exp %logistic3A : vector<2048x128xf32>
    %logistic3A_23 = arith.constant 1.000000e+00 : f32
    %logistic3A_24 = vector.broadcast %logistic3A_23 : f32 to vector<2048x128xf32>
    %logistic3A_25 = arith.addf %logistic3A_24, %logistic3A_22 : vector<2048x128xf32>
    %logistic3A_26 = arith.divf %logistic3A_24, %logistic3A_25 : vector<2048x128xf32>
    %swap3A = arith.constant 0 : index
    %swap3A_27 = arith.constant 0 : index
    %swap3A_28 = vector.load %arg5[%swap3A, %swap3A_27] : memref<2048x128xf32, #tpu.memory_space<vmem>>, vector<2048x128xf32>
    tpu.vector_store %arg5[%swap3A, %swap3A_27], %logistic3A_26 {strides = array<i32>} : memref<2048x128xf32, #tpu.memory_space<vmem>>, vector<2048x128xf32>,
    return
  }
  func.func @transform_0(%arg0: i32) -> (i32, i32, i32) {
    %c0_i32 = arith.constant 0 : i32
    %c0_i32_0 = arith.constant 0 : i32
    %c0_i32_1 = arith.constant 0 : i32
    return %c0_i32, %arg0, %c0_i32_0 : i32, i32, i32
  }
  func.func @transform_1(%arg0: i32) -> (i32, i32) {
    %c0_i32 = arith.constant 0 : i32
    %c0_i32_0 = arith.constant 0 : i32
    return %arg0, %c0_i32 : i32, i32
  }
  func.func @transform_2(%arg0: i32) -> (i32, i32) {
    %c0_i32 = arith.constant 0 : i32
    %c0_i32_0 = arith.constant 0 : i32
    return %arg0, %c0_i32 : i32, i32
  }
  func.func @transform_3(%arg0: i32) -> (i32, i32) {
    %c0_i32 = arith.constant 0 : i32
    %c0_i32_0 = arith.constant 0 : i32
    %c0_i32_1 = arith.constant 0 : i32
    return %c0_i32, %c0_i32_0 : i32, i32
  }
  func.func @transform_4(%arg0: i32) -> (i32, i32) {
    %c0_i32 = arith.constant 0 : i32
    %c0_i32_0 = arith.constant 0 : i32
    return %arg0, %c0_i32 : i32, i32
  }
}

</mosaic_0001>

<sc_bundles>
// kernel: kernel.12.cloned.1.call-start
scs
__scs_entry_jumppad:
0x0: {  	(pc) =	sbr.rel $0x88, $3  }
0x1: {  	(tag) =	ssettag $0x0;
	lr =	simm.s32 $0x1  }
0x2: {  	[smem:$0x3F99] =	sst lr;
	_ =	strace $0xD0000000  }
0x3: {  	_ = 	snop  }
0x4: {  	_ = 	snop  }
0x5: {  	_ = 	snop  }
0x6: {  	_ = 	snop  }
0x7: {  	_ = 	snop  }
__scs_overlays_trampoline_lowered:
0x8: {  	[smem:$0x3FA8] =	sst s0  }
0x9: {  	[smem:$0x3FA9] =	sst s1  }
0xa: {  	[smem:$0x3FAA] =	sst s2  }
0xb: {  	[smem:$0x3FAB] =	sst s3  }
0xc: {  	[smem:$0x3FAC] =	sst s4  }
0xd: {  	[smem:$0x3FAD] =	sst s5  }
0xe: {  	[smem:$0x3FAE] =	sst s6  }
0xf: {  	[smem:$0x3FAF] =	sst s7  }
0x10: {  	[smem:$0x3FB0] =	sst s8  }
0x11: {  	[smem:$0x3FB1] =	sst s9;
	s0 =	simm.s32 @!p0 $0x0  }
0x12: {  	s1 =	sld [smem:$0x3F97];
	s0 =	simm.s32 @p0 $0x1  }
0x13: {  	[smem:$0x3FB2] =	sst s0;
	s0 =	simm.s32 @!p1 $0x0  }
0x14: {  	s2 =	sld [smem:$0x3F96];
	s0 =	simm.s32 @p1 $0x1  }
0x15: {  	[smem:$0x3FB3] =	sst s0;
	s0 =	simm.s32 @!p2 $0x0  }
0x16: {  	s3 =	sld [smem:$0x3FDB];
	s0 =	simm.s32 @p2 $0x1  }
0x17: {  	s4 =	simm.s32 $0x1BF5;
	[smem:$0x3FB5] =	sst s0  }
0x18: {  	s0 =	sld [smem:$0x3F98];
	_ =	swait.ge [sflag:s4], $0x0  }
0x19: {  	s7 =	sld [smem:$0x3F99]  }
0x1a: {  	s8 =	sadd.s32 $0xFFFFE003, lr  }
0x1b: {  	s9 =	sadd.s32 $0xFFFFFEF7, lr;
	s5 =	simm.s32 $0xFFFFFFFF;
	p2 =	slt.u32 s8, $0xFFFFF086  }
0x1c: {  	p1 =	slt.u32 s9, $0xF7A;
	s5 =	simm.s32 @!p2 $0x0  }
0x1d: {  	s5 =	simm.s32 @p1 $0x1;
	p0 =	seq.s32 s7, s2  }
0x1e: {  	s7 =	smul.u32 @!p0 $0xF7A, s2;
	p2 =	seq.s32 @!p0 s5, $0x0  }
0x1f: {  	s9 =	smul.u32 $0xF7A, s1;
	s8 =	simm.s32 @!p0 $0x1BF5;
	p2 =	por !p2, p0  }
0x20: {  	[sflag:s8] =	ssyncset.s32 @!p0 $0xFFFFF086;
	s6 =	sadd.s32 @!p0 s3, s7;
	s7 =	simm.s32 @!p0 $0x108  }
0x21: {  	s3 =	sadd.s32 s3, s9;
	s6 =	sadd.s32 @!p0 $0x88, s6;
	s7 =	simm.s32 @p2 $0x1082  }
0x22: {  	[simem:s7], [sflag:s8] =	dma.local @!p0 [hbm:s6], $0xF7A  }
0x23: {  	s9 =	sor.u32 $0xD0000000, s2;
	s6 =	simm.s32 $0x108;
	_ =	swait.ge @!p0 [sflag:s8], $0x0  }
0x24: {  	s3 =	sadd.s32 $0x88, s3;
	s6 =	simm.s32 @!p1 $0x1082;
	[sflag:s4] =	ssyncset.s32 $0xFFFFF086  }
0x25: {  	[simem:s6], [sflag:s4] =	dma.local [hbm:s3], $0xF7A  }
0x26: {  	[smem:$0x3F99] =	sst s1;
	(tag) =	ssettag s2;
	_ =	strace s9  }
0x27: {  	s1 =	sld [smem:$0x3FA9]  }
0x28: {  	s2 =	sld [smem:$0x3FAA]  }
0x29: {  	s4 =	sld [smem:$0x3FAC]  }
0x2a: {  	p0 =	seq.s32 s5, $0x0;
	s5 =	sld [smem:$0x3FAD]  }
0x2b: {  	s6 =	sld [smem:$0x3FAE]  }
0x2c: {  	s7 =	sld [smem:$0x3FAF]  }
0x2d: {  	s3 =	simm.s32 $0x108;
	s8 =	sld [smem:$0x3FB0]  }
0x2e: {  	s3 =	simm.s32 @!p0 $0x1082;
	s9 =	sld [smem:$0x3FB1]  }
0x2f: {  	lr =	sadd.s32 s0, s3;
	s0 =	sld [smem:$0x3FA8]  }
0x30: {  	s3 =	sld [smem:$0x3FAB]  }
0x31: {  	[smem:$0x3FB4] =	sst s10  }
0x32: {  	s10 =	sld [smem:$0x3FB2];
	_ =	sdelay $0x3  }
0x33: {  	p0 =	seq.s32 s10, $0x1;
	s10 =	sld [smem:$0x3FB4];
	_ =	sdelay $0x3  }
0x34: {  	[smem:$0x3FB4] =	sst s10  }
0x35: {  	s10 =	sld [smem:$0x3FB3];
	_ =	sdelay $0x3  }
0x36: {  	p1 =	seq.s32 s10, $0x1;
	s10 =	sld [smem:$0x3FB4];
	_ =	sdelay $0x3  }
0x37: {  	[smem:$0x3FB4] =	sst s10  }
0x38: {  	s10 =	sld [smem:$0x3FB5]  }
0x39: {  	_ = 	snop;
	(pc) =	sbr.ind lr, $3  }
0x3a: {  	_ = 	snop  }
0x3b: {  	_ = 	snop  }
0x3c: {  	p2 =	seq.s32 s10, $0x1;
	s10 =	sld [smem:$0x3FB4]  }
0x3d: {  	_ =	shalt  }
0x3e: {  	_ =	shalt  }
0x3f: {  	_ =	shalt  }
0x40: {  	_ =	shalt  }
0x41: {  	_ =	shalt  }
0x42: {  	_ =	shalt  }
0x43: {  	_ =	shalt  }
0x44: {  	_ =	shalt  }
0x45: {  	_ =	shalt  }
0x46: {  	_ =	shalt  }
0x47: {  	_ =	shalt  }
0x48: {  	_ =	shalt  }
0x49: {  	_ =	shalt  }
0x4a: {  	_ =	shalt  }
0x4b: {  	_ =	shalt  }
0x4c: {  	_ =	shalt  }
0x4d: {  	_ =	shalt  }
0x4e: {  	_ =	shalt  }
0x4f: {  	_ =	shalt  }
0x50: {  	_ =	shalt  }
0x51: {  	_ =	shalt  }
0x52: {  	_ =	shalt  }
0x53: {  	_ =	shalt  }
0x54: {  	_ =	shalt  }
0x55: {  	_ =	shalt  }
0x56: {  	_ =	shalt  }
0x57: {  	_ =	shalt  }
0x58: {  	_ =	shalt  }
0x59: {  	_ =	shalt  }
0x5a: {  	_ =	shalt  }
0x5b: {  	_ =	shalt  }
0x5c: {  	_ =	shalt  }
0x5d: {  	_ =	shalt  }
0x5e: {  	_ =	shalt  }
0x5f: {  	_ =	shalt  }
0x60: {  	_ =	shalt  }
0x61: {  	_ =	shalt  }
0x62: {  	_ =	shalt  }
0x63: {  	_ =	shalt  }
0x64: {  	_ =	shalt  }
0x65: {  	_ =	shalt  }
0x66: {  	_ =	shalt  }
0x67: {  	_ =	shalt  }
0x68: {  	_ =	shalt  }
0x69: {  	_ =	shalt  }
0x6a: {  	_ =	shalt  }
0x6b: {  	_ =	shalt  }
0x6c: {  	_ =	shalt  }
0x6d: {  	_ =	shalt  }
0x6e: {  	_ =	shalt  }
0x6f: {  	_ =	shalt  }
0x70: {  	_ =	shalt  }
0x71: {  	_ =	shalt  }
0x72: {  	_ =	shalt  }
0x73: {  	_ =	shalt  }
0x74: {  	_ =	shalt  }
0x75: {  	_ =	shalt  }
0x76: {  	_ =	shalt  }
0x77: {  	_ =	shalt  }
0x78: {  	_ =	shalt  }
0x79: {  	_ =	shalt  }
0x7a: {  	_ =	shalt  }
0x7b: {  	_ =	shalt  }
0x7c: {  	_ =	shalt  }
0x7d: {  	_ =	shalt  }
0x7e: {  	_ =	shalt  }
0x7f: {  	_ =	shalt  }
0x80: {  	_ =	shalt  }
0x81: {  	_ =	shalt  }
0x82: {  	_ =	shalt  }
0x83: {  	_ =	shalt  }
0x84: {  	_ =	shalt  }
0x85: {  	_ =	shalt  }
0x86: {  	_ =	shalt  }
0x87: {  	_ =	shalt  }
.Lfunc_end0:
.L_simem_size_0:
called_computation.1_lowered:
.L_overlay_start_0:
0x88: {  	s2 =	sld [smem:$0x3FD9]  }
0x89: {  	s3 =	sld [smem:$0x3FFE];
	_ =	sdelay $0x1  }
0x8a: {  	s1 =	srdreg.scid  }
0x8b: {  	s0 =	sand.u32 $0x1, s1  }
0x8c: {  	s17 =	sshll.u32 s0, $0xA;
	s2 =	sadd.s32 s3, s2  }
0x8d: {  	s2 =	sadd.s32 s2, s17  }
0x8e: {  	[smem:$0x3FC0] =	sst s2  }
0x8f: {  	_ = 	snop  }
0x90: {  	s18 =	sld [smem:$0x3FD0];
	(tm) =	ssettm $0x1  }
0x91: {  	s19 =	sld [smem:$0x3FFB];
	_ =	sdelay $0x3  }
0x92: {  	_ =	strace s19  }
0x93: {  	s2 =	sld [smem:$0x3FFC];
	_ =	sdelay $0x3  }
0x94: {  	_ =	strace s2  }
0x95: {  	s2 =	sld [smem:$0x3FFD];
	_ =	sdelay $0x3  }
0x96: {  	_ =	strace s2  }
0x97: {  	_ =	strace $0x8FFFFFFF  }
0x98: {  	s20 =	sld [smem:$0x3FDB];
	_ =	sdelay $0x1  }
0x99: {  	s4 =	simm.s32 $_scs_section_size  }
0x9a: {  	s5 =	simm.s32 $_size__tile_overlayer_lowered;
	s6 =	simm.s32 $_tile_overlayer_lowered  }
0x9b: {  	s7 =	simm.s32 $0x1BFF;
	s21 =	sshll.u32 s6, $0x1;
	s4 =	sadd.s32 s4, s20  }
0x9c: {  	s22 =	simm.s32 $0x0;
	s5 =	sshll.u32 s5, $0x1;
	s6 =	sadd.s32 s21, s4  }
0x9d: {  	[timem:s22], [sflag:s7] =	dma.local [hbm:s6], s5  }
0x9e: {  	_ =	swait.ge [sflag:s7], s5  }
0x9f: {  	s5 =	ssub.s32 $0x0, s5;
	[sflag:s7] =	ssyncset.done $0x0  }
0xa0: {  	[sflag:s7] =	ssyncadd.s32 s5;
	_ =	sdelay $0x1  }
0xa1: {  	s23 =	simm.s32 $0x1B8B  }
0xa2: {  	_ =	swait.ge [sflag:s23], $0x1  }
0xa3: {  	[sflag:s23] =	ssyncset.done $0x0  }
0xa4: {  	[sflag:s23] =	ssyncadd.s32 $0xFFFFFFFF  }
0xa5: {  	s5 =	sld [smem:$0x0]  }
0xa6: {  	s6 =	sand.u32 $0xFFFFFFFE, s1  }
0xa7: {  	p0 =	sne.s32 s1, s6  }
0xa8: {  	s6 =	sshll.u32 @p0 s6, $0xE  }
0xa9: {  	s6 =	sadd.s32 @p0 $0x11B8D, s6;
	s7 =	sshll.u32 @p0 s5, $0x11  }
0xaa: {  	s6 =	sor.u32 @p0 s7, s6  }
0xab: {  	[sflag:s6] =	ssyncadd.remote.s32 @p0 $0x1;
	_ =	sdelay $0x1  }
0xac: {  	s6 =	simm.s32 @p0 $0x1B8D  }
0xad: {  	_ =	swait.eq @p0 [sflag:s6], $0x1  }
0xae: {  	[sflag:s6] =	ssyncadd.s32 @p0 $0xFFFFFFFF  }
0xaf: {  	s7 =	sshll.u32 @!p0 s1, $0xE  }
0xb0: {  	s7 =	sor.u32 @!p0 $0x4000, s7;
	s6 =	simm.s32 @!p0 $0x1B8D  }
0xb1: {  	s5 =	sshll.u32 @!p0 s5, $0x11;
	s7 =	sadd.s32 @!p0 $0x11B8D, s7;
	_ =	swait.eq @!p0 [sflag:s6], $0x1  }
0xb2: {  	s5 =	sor.u32 @!p0 s5, s7;
	[sflag:s6] =	ssyncadd.s32 @!p0 $0xFFFFFFFF  }
0xb3: {  	s25 =	simm.s32 $0x1B8E;
	s24 =	sld [smem:$0x3FFE];
	[sflag:s5] =	ssyncadd.remote.s32 @!p0 $0x1  }
0xb4: {  	s26 =	simm.s32 $execute0_lowered;
	[smem:$0x3FD2] =	sst s25  }
0xb5: {  	s6 =	sshll.u32 s26, $0x1;
	_ =	strace $0x80000049;
	[dreg:$0x1] =	wrdreg $0xFFFFFFFF  }
0xb6: {  	s28 =	simm.s32 $_size_execute0_lowered;
	s4 =	sadd.s32 s4, s6;
	[dreg:$0x0] =	wrdreg $0x0  }
0xb7: {  	s6 =	sshll.u32 s28, $0x1;
	[dreg:$0x2] =	wrdreg s4  }
0xb8: {  	[dreg:$0x3] =	wrdreg s6  }
0xb9: {  	[dreg:$0x4] =	wrdreg $0xC0  }
0xba: {  	_ =	task [dreg:s22], $0x5FFFF  }
0xbb: {  	[dreg:$0x1] =	wrdreg $0xFFFFFFFF  }
0xbc: {  	[dreg:$0x0] =	wrdreg $0x60  }
0xbd: {  	[dreg:$0x2] =	wrdreg s24  }
0xbe: {  	[dreg:$0x3] =	wrdreg s18  }
0xbf: {  	[dreg:$0x4] =	wrdreg $0x0  }
0xc0: {  	[dreg:$0x5] =	wrdreg $0xA  }
0xc1: {  	_ =	task.clear_ibuf [dreg:s22], $0x6FFFF;
	_ =	strace $0x90000049  }
0xc2: {  	s29 =	simm.s32 $0xA;
	_ =	strace $0x8000004B  }
0xc3: {  	_ =	swait.ge [sflag:s29], $0x1  }
0xc4: {  	[sflag:s29] =	ssyncadd.s32 $0xFFFFFFFF  }
0xc5: {  	_ =	strace $0x9000004B  }
0xc6: {  	_ =	sfence  }
0xc7: {  	s30 =	sld [smem:$0x0];
	_ =	sdelay $0x2  }
0xc8: {  	s31 =	sshll.u32 s1, $0xD;
	s1 =	sshrl.u32 s1, $0x2  }
0xc9: {  	s4 =	sand.u32 $0x4000, s31;
	s1 =	sadd.s32 s1, s30  }
0xca: {  	s0 =	sor.u32 s4, s0;
	s1 =	sshll.u32 s1, $0x11  }
0xcb: {  	s0 =	sor.u32 s1, s0  }
0xcc: {  	s0 =	sadd.s32 $0x8F2B, s0  }
0xcd: {  	[sflag:s0] =	ssyncadd.remote.s32 $0x1  }
0xce: {  	_ =	sfence.sel $0xFFFF  }
0xcf: {  	[dreg:$0x0] =	wrdreg $0xFFFFFFFF;
	(pc) =	sbr.abs _section_cstart, $3  }
0xd0: {  	[dreg:$0x1] =	wrdreg $0xFFFFFFFF  }
0xd1: {  	_ =	task.clear_ibuf [dreg:s22], $0x2FFFF;
	_ =	strace $0x9FFFFFFF  }
0xd2: {  	(tm) =	ssettm $0x7FFFFFFF  }
0xd3: {  	_ =	shalt  }
tec
execute0_lowered:
.L_overlay_start_1:
0x0: {  	(tag) =	ssettag $0x1  }
0x1: {  	s0 =	rddreg [dreg:$0x0]  }
0x2: {  	s1 =	rddreg [dreg:$0x1]  }
0x3: {  	s2 =	rddreg [dreg:$0x2];
	s3 =	simm.s32 $0x0;
	s4 =	srdreg.scid  }
0x4: {  	s11 =	stileid.u32;
	s21 =	simm.s32 $0x16000;
	s28 =	simm.s32 $0x1  }
0x5: {  	s29 =	simm.s32 $0x3;
	s30 =	simm.s32 $0x2;
	s31 =	simm.s32 $0x4  }
0x6: {  	[smem:$0x7FF] =	sst s3;
	s5 =	sadd.s32 $0xD200, s0;
	s6 =	sadd.s32 $0x2800, s0  }
0x7: {  	s4 =	sand.u32 $0x1, s4;
	s0 =	sadd.s32 $0x35200, s0;
	s8 =	smul.u32 $0x50000, s11  }
0x8: {  	s13 =	smul.u32 $0x14000, s11;
	_ =	strace $0x8000004A;
	s7 =	ssub.s32 $0x2, s4  }
0x9: {  	s10 =	sshll.u32 s4, $0x4;
	s4 =	smul.u32 $0x140000, s4;
	s9 =	sshrl.u32 s7, $0x1  }
0xa: {  	s10 =	sor.u32 s11, s10;
	s22 =	sshrl.u32 s8, $0x2;
	s15 =	sadd.s32 $0x4000, s13  }
0xb: {  	s16 =	sadd.s32 $0x8000, s13;
	s17 =	sadd.s32 $0xC000, s13;
	s18 =	sadd.s32 $0x10000, s13  }
0xc: {  	s14 =	ssub.s32 s7, s9;
	s7 =	sadd.s32 s22, s2;
	s8 =	sadd.s32 s15, s2  }
0xd: {  	s9 =	sadd.s32 s16, s2;
	s10 =	smul.u32 $0x2800, s10;
	s11 =	sadd.s32 s17, s2  }
0xe: {  	s12 =	sadd.s32 s18, s2;
	s13 =	sadd.s32 s13, s4;
	s15 =	sadd.s32 s4, s15  }
0xf: {  	s24 =	sadd.s32 s4, s16;
	s25 =	sadd.s32 s4, s17;
	s4 =	sadd.s32 s4, s18  }
0x10: {  	s22 =	simm.s32 $0x6;
	s13 =	sshrl.u32 s13, $0x3;
	s15 =	sshrl.u32 s15, $0x3  }
0x11: {  	s26 =	sshrl.u32 s25, $0x3;
	s4 =	sshrl.u32 s4, $0x3;
	s13 =	sadd.s32 s0, s13  }
0x12: {  	s19 =	sshrl.u32 s10, $0x3;
	s23 =	sadd.s32 s0, s15;
	[dreg:$0x6] =	wrdreg s13  }
0x13: {  	s25 =	simm.s32 $0x80;
	s20 =	sadd.s32 s1, s19;
	[dreg:$0x7] =	wrdreg s23  }
0x14: {  	s18 =	sadd.s32 s0, s26;
	s19 =	sadd.s32 s6, s19;
	[dreg:$0x4] =	wrdreg s20  }
0x15: {  	s26 =	simm.s32 $0x1A000;
	s13 =	sshrl.u32 s24, $0x3;
	[dreg:$0x5] =	wrdreg s19  }
0x16: {  	s13 =	sadd.s32 s0, s13;
	s19 =	sadd.s32 s0, s4;
	s20 =	smax.u32 s14, $0x1  }
0x17: {  	v0 =	vimm.f32 $0.0e+00;
	s0 =	simm.s32 $0x5;
	s4 =	simm.s32 $0x0;
	[dreg:$0x8] =	wrdreg s13  }
.LBB2_1:
0x18: {  	s13 =	simm.s32 $0x0;
	s14 =	simm.s32 $0x200  }
.LBB2_2:
0x19: {  	p0 =	sne.s32 s14, $0xFE00;
	[tilespmem:s13+$0x16070] =	vst v0  }
0x1a: {  	[tilespmem:s13+$0x16000] =	vst v0  }
0x1b: {  	[tilespmem:s13+$0x16010] =	vst v0  }
.Ltmp0:
0x1c: {  	[tilespmem:s13+$0x16020] =	vst v0;
	(pc) =	sbr.rel @p0 .LBB2_2-.Ltmp0, $4  }
0x1d: {  	[tilespmem:s13+$0x16030] =	vst v0  }
0x1e: {  	[tilespmem:s13+$0x16040] =	vst v0  }
0x1f: {  	[tilespmem:s13+$0x16050] =	vst v0  }
0x20: {  	[tilespmem:s13+$0x16060] =	vst v0;
	s13 =	sshra.s32 s14, $0x2;
	s14 =	sadd.s32 $0x200, s14  }
0x21: {  	[tilespmem:s13+$0x16070] =	vst v0  }
0x22: {  	[tilespmem:s13+$0x16000] =	vst v0  }
0x23: {  	[tilespmem:s13+$0x16010] =	vst v0  }
0x24: {  	[tilespmem:s13+$0x16020] =	vst v0  }
0x25: {  	[tilespmem:s13+$0x16030] =	vst v0  }
0x26: {  	[tilespmem:s13+$0x16040] =	vst v0  }
0x27: {  	[tilespmem:s13+$0x16050] =	vst v0  }
0x28: {  	[tilespmem:s13+$0x16060] =	vst v0  }
0x29: {  	[spmem:s7] =	stream.linear.scatter [tilespmem:s21], [sflag:$0x6], $0x4000, $0x38;
	[tilespmem:$0x1E000] =	vst v63  }
0x2a: {  	_ =	swait.ge [sflag:s22], $0x4000  }
0x2b: {  	[sflag:s22] =	ssyncset.done $0x0  }
0x2c: {  	[sflag:s22] =	ssyncadd.s32 $0xFFFFC000  }
0x2d: {  	[spmem:s8] =	stream.linear.scatter [tilespmem:s21], [sflag:$0x6], $0x4000, $0x38;
	[tilespmem:$0x1E000] =	vst v63  }
0x2e: {  	_ =	swait.ge [sflag:s22], $0x4000  }
0x2f: {  	[sflag:s22] =	ssyncset.done $0x0  }
0x30: {  	[sflag:s22] =	ssyncadd.s32 $0xFFFFC000  }
0x31: {  	[spmem:s9] =	stream.linear.scatter [tilespmem:s21], [sflag:$0x6], $0x4000, $0x38;
	[tilespmem:$0x1E000] =	vst v63  }
0x32: {  	_ =	swait.ge [sflag:s22], $0x4000  }
0x33: {  	[sflag:s22] =	ssyncset.done $0x0  }
0x34: {  	[sflag:s22] =	ssyncadd.s32 $0xFFFFC000  }
0x35: {  	[spmem:s11] =	stream.linear.scatter [tilespmem:s21], [sflag:$0x6], $0x4000, $0x38;
	[tilespmem:$0x1E000] =	vst v63  }
0x36: {  	_ =	swait.ge [sflag:s22], $0x4000  }
0x37: {  	[sflag:s22] =	ssyncset.done $0x0  }
0x38: {  	[sflag:s22] =	ssyncadd.s32 $0xFFFFC000  }
0x39: {  	[spmem:s12] =	stream.linear.scatter [tilespmem:s21], [sflag:$0x6], $0x4000, $0x38;
	[tilespmem:$0x1E000] =	vst v63  }
0x3a: {  	_ =	swait.ge [sflag:s22], $0x4000  }
0x3b: {  	[sflag:s22] =	ssyncset.done $0x0  }
0x3c: {  	[sflag:s22] =	ssyncadd.s32 $0xFFFFC000  }
0x3d: {  	[bflag:$0x0] =	sbarrier.arrive $0xFFFF  }
0x3e: {  	s24 =	simm.s32 $0x0;
	s15 =	simm.s32 $0x14000;
	s14 =	rddreg [dreg:$0x4]  }
0x3f: {  	[tilespmem:s15], [sflag:$0x6] =	stream.linear.gather [hbm4b:s14+s24], $0x800, $0x38;
	[tilespmem:$0x1E000] =	vst v63  }
0x40: {  	s23 =	simm.s32 $0x1;
	_ =	swait.ge [sflag:s22], $0x800  }
0x41: {  	s17 =	simm.s32 $0x15000;
	s14 =	smin.u32 s23, $0x4;
	[sflag:s22] =	ssyncset.done $0x0  }
0x42: {  	s14 =	sshll.u32 s14, $0xB;
	s16 =	rddreg [dreg:$0x5];
	[sflag:s22] =	ssyncadd.s32 $0xFFFFF800  }
0x43: {  	[tilespmem:s17], [sflag:$0x6] =	stream.linear.gather [hbm4b:s16+s24], $0x800, $0x38;
	[tilespmem:$0x1E000] =	vst v63  }
0x44: {  	s14 =	sadd.s32 s10, s14;
	_ =	swait.ge [sflag:s22], $0x800  }
0x45: {  	s13 =	sand.u32 $0x800, s24;
	s14 =	sshrl.u32 s14, $0x3;
	[sflag:s22] =	ssyncset.done $0x0  }
0x46: {  	s24 =	sxor.u32 $0x14800, s13;
	s16 =	sadd.s32 s1, s14;
	[sflag:s22] =	ssyncadd.s32 $0xFFFFF800  }
0x47: {  	[tilespmem:s24], [sflag:$0x5] =	stream.linear.gather [hbm4b:s16+s3], $0x800, $0x38;
	[tilespmem:$0x1E000] =	vst v63  }
0x48: {  	s14 =	sadd.s32 s6, s14;
	s16 =	sxor.u32 $0x15800, s13  }
0x49: {  	[tilespmem:s16], [sflag:$0x5] =	stream.linear.gather [hbm4b:s14+s3], $0x800, $0x38;
	[tilespmem:$0x1E000] =	vst v63  }
0x4a: {  	s17 =	sor.u32 $0x14000, s13  }
0x4b: {  	[tilespmem:s21], [sflag:$0x1] =	stream.indirect.gather [hbm4b:s5+s25], $0x80, s17, s25, $0xb8;
	[tilespmem:$0x1E000] =	vst v63  }
0x4c: {  	s23 =	sor.u32 $0x14080, s13  }
0x4d: {  	[tilespmem:s26], [sflag:$0x2] =	stream.indirect.gather [hbm4b:s5+s25], $0x80, s23, s25, $0xb8;
	[tilespmem:$0x1E000] =	vst v63  }
0x4e: {  	_ =	swait.ge [sflag:s28], $0x4000  }
0x4f: {  	[sflag:s28] =	ssyncset.done $0x0  }
0x50: {  	s24 =	sor.u32 $0x15000, s13;
	[sflag:s28] =	ssyncadd.s32 $0xFFFFC000  }
0x51: {  	[spmem:s2] =	stream.indirect.scatter.add.f32 [tilespmem:s21], [sflag:$0x3], $0x80, s24, s25, $0xb8;
	[tilespmem:$0x1E000] =	vst v63  }
0x52: {  	_ =	swait.ge [sflag:s29], $0x4000  }
0x53: {  	[sflag:s29] =	ssyncset.done $0x0  }
0x54: {  	s15 =	sor.u32 $0x14100, s13;
	[sflag:s29] =	ssyncadd.s32 $0xFFFFC000  }
0x55: {  	[tilespmem:s21], [sflag:$0x1] =	stream.indirect.gather [hbm4b:s5+s25], $0x80, s15, s25, $0xb8;
	[tilespmem:$0x1E000] =	vst v63  }
0x56: {  	_ =	swait.ge [sflag:s30], $0x4000  }
0x57: {  	[sflag:s30] =	ssyncset.done $0x0  }
0x58: {  	s16 =	sor.u32 $0x15080, s13;
	[sflag:s30] =	ssyncadd.s32 $0xFFFFC000  }
0x59: {  	[spmem:s2] =	stream.indirect.scatter.add.f32 [tilespmem:s26], [sflag:$0x4], $0x80, s16, s25, $0xb8;
	[tilespmem:$0x1E000] =	vst v63  }
0x5a: {  	_ =	swait.ge [sflag:s31], $0x4000  }
0x5b: {  	[sflag:s31] =	ssyncset.done $0x0  }
0x5c: {  	s17 =	sor.u32 $0x14180, s13;
	[sflag:s31] =	ssyncadd.s32 $0xFFFFC000  }
0x5d: {  	[tilespmem:s26], [sflag:$0x2] =	stream.indirect.gather [hbm4b:s5+s25], $0x80, s17, s25, $0xb8;
	[tilespmem:$0x1E000] =	vst v63  }
0x5e: {  	_ =	swait.ge [sflag:s28], $0x4000  }
0x5f: {  	[sflag:s28] =	ssyncset.done $0x0  }
0x60: {  	s23 =	sor.u32 $0x15100, s13;
	[sflag:s28] =	ssyncadd.s32 $0xFFFFC000  }
0x61: {  	[spmem:s2] =	stream.indirect.scatter.add.f32 [tilespmem:s21], [sflag:$0x3], $0x80, s23, s25, $0xb8;
	[tilespmem:$0x1E000] =	vst v63  }
0x62: {  	_ =	swait.ge [sflag:s29], $0x4000  }
0x63: {  	[sflag:s29] =	ssyncset.done $0x0  }
0x64: {  	s24 =	sor.u32 $0x14200, s13;
	[sflag:s29] =	ssyncadd.s32 $0xFFFFC000  }
0x65: {  	[tilespmem:s21], [sflag:$0x1] =	stream.indirect.gather [hbm4b:s5+s25], $0x80, s24, s25, $0xb8;
	[tilespmem:$0x1E000] =	vst v63  }
0x66: {  	_ =	swait.ge [sflag:s30], $0x4000  }
0x67: {  	[sflag:s30] =	ssyncset.done $0x0  }
0x68: {  	s15 =	sor.u32 $0x15180, s13;
	[sflag:s30] =	ssyncadd.s32 $0xFFFFC000  }
0x69: {  	[spmem:s2] =	stream.indirect.scatter.add.f32 [tilespmem:s26], [sflag:$0x4], $0x80, s15, s25, $0xb8;
	[tilespmem:$0x1E000] =	vst v63  }
0x6a: {  	_ =	swait.ge [sflag:s31], $0x4000  }
0x6b: {  	[sflag:s31] =	ssyncset.done $0x0  }
0x6c: {  	s16 =	sor.u32 $0x14280, s13;
	[sflag:s31] =	ssyncadd.s32 $0xFFFFC000  }
0x6d: {  	[tilespmem:s26], [sflag:$0x2] =	stream.indirect.gather [hbm4b:s5+s25], $0x80, s16, s25, $0xb8;
	[tilespmem:$0x1E000] =	vst v63  }
0x6e: {  	_ =	swait.ge [sflag:s28], $0x4000  }
0x6f: {  	[sflag:s28] =	ssyncset.done $0x0  }
0x70: {  	s17 =	sor.u32 $0x15200, s13;
	[sflag:s28] =	ssyncadd.s32 $0xFFFFC000  }
0x71: {  	[spmem:s2] =	stream.indirect.scatter.add.f32 [tilespmem:s21], [sflag:$0x3], $0x80, s17, s25, $0xb8;
	[tilespmem:$0x1E000] =	vst v63  }
0x72: {  	_ =	swait.ge [sflag:s29], $0x4000  }
0x73: {  	[sflag:s29] =	ssyncset.done $0x0  }
0x74: {  	s23 =	sor.u32 $0x14300, s13;
	[sflag:s29] =	ssyncadd.s32 $0xFFFFC000  }
0x75: {  	[tilespmem:s21], [sflag:$0x1] =	stream.indirect.gather [hbm4b:s5+s25], $0x80, s23, s25, $0xb8;
	[tilespmem:$0x1E000] =	vst v63  }
0x76: {  	_ =	swait.ge [sflag:s30], $0x4000  }
0x77: {  	[sflag:s30] =	ssyncset.done $0x0  }
0x78: {  	s24 =	sor.u32 $0x15280, s13;
	[sflag:s30] =	ssyncadd.s32 $0xFFFFC000  }
0x79: {  	[spmem:s2] =	stream.indirect.scatter.add.f32 [tilespmem:s26], [sflag:$0x4], $0x80, s24, s25, $0xb8;
	[tilespmem:$0x1E000] =	vst v63  }
0x7a: {  	_ =	swait.ge [sflag:s31], $0x4000  }
0x7b: {  	[sflag:s31] =	ssyncset.done $0x0  }
0x7c: {  	s15 =	sor.u32 $0x14380, s13;
	[sflag:s31] =	ssyncadd.s32 $0xFFFFC000  }
0x7d: {  	[tilespmem:s26], [sflag:$0x2] =	stream.indirect.gather [hbm4b:s5+s25], $0x80, s15, s25, $0xb8;
	[tilespmem:$0x1E000] =	vst v63  }
0x7e: {  	_ =	swait.ge [sflag:s28], $0x4000  }
0x7f: {  	[sflag:s28] =	ssyncset.done $0x0  }
0x80: {  	s16 =	sor.u32 $0x15300, s13;
	[sflag:s28] =	ssyncadd.s32 $0xFFFFC000  }
0x81: {  	[spmem:s2] =	stream.indirect.scatter.add.f32 [tilespmem:s21], [sflag:$0x3], $0x80, s16, s25, $0xb8;
	[tilespmem:$0x1E000] =	vst v63  }
0x82: {  	_ =	swait.ge [sflag:s29], $0x4000  }
0x83: {  	[sflag:s29] =	ssyncset.done $0x0  }
0x84: {  	s17 =	sor.u32 $0x14400, s13;
	[sflag:s29] =	ssyncadd.s32 $0xFFFFC000  }
0x85: {  	[tilespmem:s21], [sflag:$0x1] =	stream.indirect.gather [hbm4b:s5+s25], $0x80, s17, s25, $0xb8;
	[tilespmem:$0x1E000] =	vst v63  }
0x86: {  	_ =	swait.ge [sflag:s30], $0x4000  }
0x87: {  	[sflag:s30] =	ssyncset.done $0x0  }
0x88: {  	s23 =	sor.u32 $0x15380, s13;
	[sflag:s30] =	ssyncadd.s32 $0xFFFFC000  }
0x89: {  	[spmem:s2] =	stream.indirect.scatter.add.f32 [tilespmem:s26], [sflag:$0x4], $0x80, s23, s25, $0xb8;
	[tilespmem:$0x1E000] =	vst v63  }
0x8a: {  	_ =	swait.ge [sflag:s31], $0x4000  }
0x8b: {  	[sflag:s31] =	ssyncset.done $0x0  }
0x8c: {  	s24 =	sor.u32 $0x14480, s13;
	[sflag:s31] =	ssyncadd.s32 $0xFFFFC000  }
0x8d: {  	[tilespmem:s26], [sflag:$0x2] =	stream.indirect.gather [hbm4b:s5+s25], $0x80, s24, s25, $0xb8;
	[tilespmem:$0x1E000] =	vst v63  }
0x8e: {  	_ =	swait.ge [sflag:s28], $0x4000  }
0x8f: {  	[sflag:s28] =	ssyncset.done $0x0  }
0x90: {  	s15 =	sor.u32 $0x15400, s13;
	[sflag:s28] =	ssyncadd.s32 $0xFFFFC000  }
0x91: {  	[spmem:s2] =	stream.indirect.scatter.add.f32 [tilespmem:s21], [sflag:$0x3], $0x80, s15, s25, $0xb8;
	[tilespmem:$0x1E000] =	vst v63  }
0x92: {  	_ =	swait.ge [sflag:s29], $0x4000  }
0x93: {  	[sflag:s29] =	ssyncset.done $0x0  }
0x94: {  	s16 =	sor.u32 $0x14500, s13;
	[sflag:s29] =	ssyncadd.s32 $0xFFFFC000  }
0x95: {  	[tilespmem:s21], [sflag:$0x1] =	stream.indirect.gather [hbm4b:s5+s25], $0x80, s16, s25, $0xb8;
	[tilespmem:$0x1E000] =	vst v63  }
0x96: {  	_ =	swait.ge [sflag:s30], $0x4000  }
0x97: {  	[sflag:s30] =	ssyncset.done $0x0  }
0x98: {  	s17 =	sor.u32 $0x15480, s13;
	[sflag:s30] =	ssyncadd.s32 $0xFFFFC000  }
0x99: {  	[spmem:s2] =	stream.indirect.scatter.add.f32 [tilespmem:s26], [sflag:$0x4], $0x80, s17, s25, $0xb8;
	[tilespmem:$0x1E000] =	vst v63  }
0x9a: {  	_ =	swait.ge [sflag:s31], $0x4000  }
0x9b: {  	[sflag:s31] =	ssyncset.done $0x0  }
0x9c: {  	s23 =	sor.u32 $0x14580, s13;
	[sflag:s31] =	ssyncadd.s32 $0xFFFFC000  }
0x9d: {  	[tilespmem:s26], [sflag:$0x2] =	stream.indirect.gather [hbm4b:s5+s25], $0x80, s23, s25, $0xb8;
	[tilespmem:$0x1E000] =	vst v63  }
0x9e: {  	_ =	swait.ge [sflag:s28], $0x4000  }
0x9f: {  	[sflag:s28] =	ssyncset.done $0x0  }
0xa0: {  	s24 =	sor.u32 $0x15500, s13;
	[sflag:s28] =	ssyncadd.s32 $0xFFFFC000  }
0xa1: {  	[spmem:s2] =	stream.indirect.scatter.add.f32 [tilespmem:s21], [sflag:$0x3], $0x80, s24, s25, $0xb8;
	[tilespmem:$0x1E000] =	vst v63  }
0xa2: {  	_ =	swait.ge [sflag:s29], $0x4000  }
0xa3: {  	[sflag:s29] =	ssyncset.done $0x0  }
0xa4: {  	s15 =	sor.u32 $0x14600, s13;
	[sflag:s29] =	ssyncadd.s32 $0xFFFFC000  }
0xa5: {  	[tilespmem:s21], [sflag:$0x1] =	stream.indirect.gather [hbm4b:s5+s25], $0x80, s15, s25, $0xb8;
	[tilespmem:$0x1E000] =	vst v63  }
0xa6: {  	_ =	swait.ge [sflag:s30], $0x4000  }
0xa7: {  	[sflag:s30] =	ssyncset.done $0x0  }
0xa8: {  	s16 =	sor.u32 $0x15580, s13;
	[sflag:s30] =	ssyncadd.s32 $0xFFFFC000  }
0xa9: {  	[spmem:s2] =	stream.indirect.scatter.add.f32 [tilespmem:s26], [sflag:$0x4], $0x80, s16, s25, $0xb8;
	[tilespmem:$0x1E000] =	vst v63  }
0xaa: {  	_ =	swait.ge [sflag:s31], $0x4000  }
0xab: {  	[sflag:s31] =	ssyncset.done $0x0  }
0xac: {  	s17 =	sor.u32 $0x14680, s13;
	[sflag:s31] =	ssyncadd.s32 $0xFFFFC000  }
0xad: {  	[tilespmem:s26], [sflag:$0x2] =	stream.indirect.gather [hbm4b:s5+s25], $0x80, s17, s25, $0xb8;
	[tilespmem:$0x1E000] =	vst v63  }
0xae: {  	_ =	swait.ge [sflag:s28], $0x4000  }
0xaf: {  	[sflag:s28] =	ssyncset.done $0x0  }
0xb0: {  	s23 =	sor.u32 $0x15600, s13;
	[sflag:s28] =	ssyncadd.s32 $0xFFFFC000  }
0xb1: {  	[spmem:s2] =	stream.indirect.scatter.add.f32 [tilespmem:s21], [sflag:$0x3], $0x80, s23, s25, $0xb8;
	[tilespmem:$0x1E000] =	vst v63  }
0xb2: {  	_ =	swait.ge [sflag:s29], $0x4000  }
0xb3: {  	[sflag:s29] =	ssyncset.done $0x0  }
0xb4: {  	s24 =	sor.u32 $0x14700, s13;
	[sflag:s29] =	ssyncadd.s32 $0xFFFFC000  }
0xb5: {  	[tilespmem:s21], [sflag:$0x1] =	stream.indirect.gather [hbm4b:s5+s25], $0x80, s24, s25, $0xb8;
	[tilespmem:$0x1E000] =	vst v63  }
0xb6: {  	_ =	swait.ge [sflag:s30], $0x4000  }
0xb7: {  	[sflag:s30] =	ssyncset.done $0x0  }
0xb8: {  	s15 =	sor.u32 $0x15680, s13;
	[sflag:s30] =	ssyncadd.s32 $0xFFFFC000  }
0xb9: {  	[spmem:s2] =	stream.indirect.scatter.add.f32 [tilespmem:s26], [sflag:$0x4], $0x80, s15, s25, $0xb8;
	[tilespmem:$0x1E000] =	vst v63  }
0xba: {  	_ =	swait.ge [sflag:s31], $0x4000  }
0xbb: {  	[sflag:s31] =	ssyncset.done $0x0  }
0xbc: {  	s16 =	sor.u32 $0x14780, s13;
	[sflag:s31] =	ssyncadd.s32 $0xFFFFC000  }
0xbd: {  	[tilespmem:s26], [sflag:$0x2] =	stream.indirect.gather [hbm4b:s5+s25], $0x80, s16, s25, $0xb8;
	[tilespmem:$0x1E000] =	vst v63  }
0xbe: {  	_ =	swait.ge [sflag:s28], $0x4000  }
0xbf: {  	[sflag:s28] =	ssyncset.done $0x0  }
0xc0: {  	s17 =	sor.u32 $0x15700, s13;
	[sflag:s28] =	ssyncadd.s32 $0xFFFFC000  }
0xc1: {  	[spmem:s2] =	stream.indirect.scatter.add.f32 [tilespmem:s21], [sflag:$0x3], $0x80, s17, s25, $0xb8;
	[tilespmem:$0x1E000] =	vst v63  }
0xc2: {  	_ =	swait.ge [sflag:s30], $0x4000  }
0xc3: {  	[sflag:s30] =	ssyncset.done $0x0  }
0xc4: {  	s13 =	sor.u32 $0x15780, s13;
	[sflag:s30] =	ssyncadd.s32 $0xFFFFC000  }
0xc5: {  	[spmem:s2] =	stream.indirect.scatter.add.f32 [tilespmem:s26], [sflag:$0x4], $0x80, s13, s25, $0xb8;
	[tilespmem:$0x1E000] =	vst v63  }
0xc6: {  	_ =	swait.ge [sflag:s29], $0x4000  }
0xc7: {  	[sflag:s29] =	ssyncset.done $0x0  }
0xc8: {  	[sflag:s29] =	ssyncadd.s32 $0xFFFFC000  }
0xc9: {  	_ =	swait.ge [sflag:s31], $0x4000  }
0xca: {  	[sflag:s31] =	ssyncset.done $0x0  }
0xcb: {  	[sflag:s31] =	ssyncadd.s32 $0xFFFFC000  }
0xcc: {  	s23 =	simm.s32 $0x2;
	_ =	swait.ge [sflag:s0], $0x800  }
0xcd: {  	s24 =	smin.u32 s23, $0x4;
	[sflag:s0] =	ssyncset.done $0x0  }
0xce: {  	s14 =	sshll.u32 s24, $0xB;
	s24 =	simm.s32 $0x800;
	[sflag:s0] =	ssyncadd.s32 $0xFFFFF800  }
0xcf: {  	s14 =	sadd.s32 s10, s14;
	s23 =	sand.u32 $0x800, s24;
	_ =	swait.ge [sflag:s0], $0x800  }
0xd0: {  	s16 =	sshrl.u32 s14, $0x3;
	s13 =	simm.s32 $0x3;
	[sflag:s0] =	ssyncset.done $0x0  }
.LBB2_4:
0xd1: {  	s15 =	sxor.u32 $0x14800, s23  }
0xd2: {  	s17 =	sadd.s32 s1, s16;
	[sflag:s0] =	ssyncadd.s32 $0xFFFFF800;
	s14 =	smov.u32 s13  }
0xd3: {  	[tilespmem:s15], [sflag:$0x5] =	stream.linear.gather [hbm4b:s17+s3], $0x800, $0x38;
	[tilespmem:$0x1E000] =	vst v63  }
0xd4: {  	s16 =	sadd.s32 s6, s16;
	s15 =	sadd.s32 $0x1, s13;
	s17 =	sxor.u32 $0x15800, s23  }
0xd5: {  	[tilespmem:s17], [sflag:$0x5] =	stream.linear.gather [hbm4b:s16+s3], $0x800, $0x38;
	[tilespmem:$0x1E000] =	vst v63  }
0xd6: {  	p0 =	sne.s32 s13, $0x5;
	s13 =	sor.u32 $0x14000, s23  }
0xd7: {  	[tilespmem:s21], [sflag:$0x1] =	stream.indirect.gather [hbm4b:s5+s25], $0x80, s13, s25, $0xb8;
	[tilespmem:$0x1E000] =	vst v63  }
0xd8: {  	s13 =	sor.u32 $0x14080, s23  }
0xd9: {  	[tilespmem:s26], [sflag:$0x2] =	stream.indirect.gather [hbm4b:s5+s25], $0x80, s13, s25, $0xb8;
	[tilespmem:$0x1E000] =	vst v63  }
0xda: {  	_ =	swait.ge [sflag:s28], $0x4000  }
0xdb: {  	[sflag:s28] =	ssyncset.done $0x0  }
0xdc: {  	s13 =	sor.u32 $0x15000, s23;
	[sflag:s28] =	ssyncadd.s32 $0xFFFFC000  }
0xdd: {  	[spmem:s2] =	stream.indirect.scatter.add.f32 [tilespmem:s21], [sflag:$0x3], $0x80, s13, s25, $0xb8;
	[tilespmem:$0x1E000] =	vst v63  }
0xde: {  	_ =	swait.ge [sflag:s29], $0x4000  }
0xdf: {  	[sflag:s29] =	ssyncset.done $0x0  }
0xe0: {  	s13 =	sor.u32 $0x14100, s23;
	[sflag:s29] =	ssyncadd.s32 $0xFFFFC000  }
0xe1: {  	[tilespmem:s21], [sflag:$0x1] =	stream.indirect.gather [hbm4b:s5+s25], $0x80, s13, s25, $0xb8;
	[tilespmem:$0x1E000] =	vst v63  }
0xe2: {  	_ =	swait.ge [sflag:s30], $0x4000  }
0xe3: {  	[sflag:s30] =	ssyncset.done $0x0  }
0xe4: {  	s13 =	sor.u32 $0x15080, s23;
	[sflag:s30] =	ssyncadd.s32 $0xFFFFC000  }
0xe5: {  	[spmem:s2] =	stream.indirect.scatter.add.f32 [tilespmem:s26], [sflag:$0x4], $0x80, s13, s25, $0xb8;
	[tilespmem:$0x1E000] =	vst v63  }
0xe6: {  	_ =	swait.ge [sflag:s31], $0x4000  }
0xe7: {  	[sflag:s31] =	ssyncset.done $0x0  }
0xe8: {  	s13 =	sor.u32 $0x14180, s23;
	[sflag:s31] =	ssyncadd.s32 $0xFFFFC000  }
0xe9: {  	[tilespmem:s26], [sflag:$0x2] =	stream.indirect.gather [hbm4b:s5+s25], $0x80, s13, s25, $0xb8;
	[tilespmem:$0x1E000] =	vst v63  }
0xea: {  	_ =	swait.ge [sflag:s28], $0x4000  }
0xeb: {  	[sflag:s28] =	ssyncset.done $0x0  }
0xec: {  	s13 =	sor.u32 $0x15100, s23;
	[sflag:s28] =	ssyncadd.s32 $0xFFFFC000  }
0xed: {  	[spmem:s2] =	stream.indirect.scatter.add.f32 [tilespmem:s21], [sflag:$0x3], $0x80, s13, s25, $0xb8;
	[tilespmem:$0x1E000] =	vst v63  }
0xee: {  	_ =	swait.ge [sflag:s29], $0x4000  }
0xef: {  	[sflag:s29] =	ssyncset.done $0x0  }
0xf0: {  	s13 =	sor.u32 $0x14200, s23;
	[sflag:s29] =	ssyncadd.s32 $0xFFFFC000  }
0xf1: {  	[tilespmem:s21], [sflag:$0x1] =	stream.indirect.gather [hbm4b:s5+s25], $0x80, s13, s25, $0xb8;
	[tilespmem:$0x1E000] =	vst v63  }
0xf2: {  	_ =	swait.ge [sflag:s30], $0x4000  }
0xf3: {  	[sflag:s30] =	ssyncset.done $0x0  }
0xf4: {  	s13 =	sor.u32 $0x15180, s23;
	[sflag:s30] =	ssyncadd.s32 $0xFFFFC000  }
0xf5: {  	[spmem:s2] =	stream.indirect.scatter.add.f32 [tilespmem:s26], [sflag:$0x4], $0x80, s13, s25, $0xb8;
	[tilespmem:$0x1E000] =	vst v63  }
0xf6: {  	_ =	swait.ge [sflag:s31], $0x4000  }
0xf7: {  	[sflag:s31] =	ssyncset.done $0x0  }
0xf8: {  	s13 =	sor.u32 $0x14280, s23;
	[sflag:s31] =	ssyncadd.s32 $0xFFFFC000  }
0xf9: {  	[tilespmem:s26], [sflag:$0x2] =	stream.indirect.gather [hbm4b:s5+s25], $0x80, s13, s25, $0xb8;
	[tilespmem:$0x1E000] =	vst v63  }
0xfa: {  	_ =	swait.ge [sflag:s28], $0x4000  }
0xfb: {  	[sflag:s28] =	ssyncset.done $0x0  }
0xfc: {  	s13 =	sor.u32 $0x15200, s23;
	[sflag:s28] =	ssyncadd.s32 $0xFFFFC000  }
0xfd: {  	[spmem:s2] =	stream.indirect.scatter.add.f32 [tilespmem:s21], [sflag:$0x3], $0x80, s13, s25, $0xb8;
	[tilespmem:$0x1E000] =	vst v63  }
0xfe: {  	_ =	swait.ge [sflag:s29], $0x4000  }
0xff: {  	[sflag:s29] =	ssyncset.done $0x0  }
0x100: {  	s13 =	sor.u32 $0x14300, s23;
	[sflag:s29] =	ssyncadd.s32 $0xFFFFC000  }
0x101: {  	[tilespmem:s21], [sflag:$0x1] =	stream.indirect.gather [hbm4b:s5+s25], $0x80, s13, s25, $0xb8;
	[tilespmem:$0x1E000] =	vst v63  }
0x102: {  	_ =	swait.ge [sflag:s30], $0x4000  }
0x103: {  	[sflag:s30] =	ssyncset.done $0x0  }
0x104: {  	s13 =	sor.u32 $0x15280, s23;
	[sflag:s30] =	ssyncadd.s32 $0xFFFFC000  }
0x105: {  	[spmem:s2] =	stream.indirect.scatter.add.f32 [tilespmem:s26], [sflag:$0x4], $0x80, s13, s25, $0xb8;
	[tilespmem:$0x1E000] =	vst v63  }
0x106: {  	_ =	swait.ge [sflag:s31], $0x4000  }
0x107: {  	[sflag:s31] =	ssyncset.done $0x0  }
0x108: {  	s13 =	sor.u32 $0x14380, s23;
	[sflag:s31] =	ssyncadd.s32 $0xFFFFC000  }
0x109: {  	[tilespmem:s26], [sflag:$0x2] =	stream.indirect.gather [hbm4b:s5+s25], $0x80, s13, s25, $0xb8;
	[tilespmem:$0x1E000] =	vst v63  }
0x10a: {  	_ =	swait.ge [sflag:s28], $0x4000  }
0x10b: {  	[sflag:s28] =	ssyncset.done $0x0  }
0x10c: {  	s13 =	sor.u32 $0x15300, s23;
	[sflag:s28] =	ssyncadd.s32 $0xFFFFC000  }
0x10d: {  	[spmem:s2] =	stream.indirect.scatter.add.f32 [tilespmem:s21], [sflag:$0x3], $0x80, s13, s25, $0xb8;
	[tilespmem:$0x1E000] =	vst v63  }
0x10e: {  	_ =	swait.ge [sflag:s29], $0x4000  }
0x10f: {  	[sflag:s29] =	ssyncset.done $0x0  }
0x110: {  	s13 =	sor.u32 $0x14400, s23;
	[sflag:s29] =	ssyncadd.s32 $0xFFFFC000  }
0x111: {  	[tilespmem:s21], [sflag:$0x1] =	stream.indirect.gather [hbm4b:s5+s25], $0x80, s13, s25, $0xb8;
	[tilespmem:$0x1E000] =	vst v63  }
0x112: {  	_ =	swait.ge [sflag:s30], $0x4000  }
0x113: {  	[sflag:s30] =	ssyncset.done $0x0  }
0x114: {  	s13 =	sor.u32 $0x15380, s23;
	[sflag:s30] =	ssyncadd.s32 $0xFFFFC000  }
0x115: {  	[spmem:s2] =	stream.indirect.scatter.add.f32 [tilespmem:s26], [sflag:$0x4], $0x80, s13, s25, $0xb8;
	[tilespmem:$0x1E000] =	vst v63  }
0x116: {  	_ =	swait.ge [sflag:s31], $0x4000  }
0x117: {  	[sflag:s31] =	ssyncset.done $0x0  }
0x118: {  	s13 =	sor.u32 $0x14480, s23;
	[sflag:s31] =	ssyncadd.s32 $0xFFFFC000  }
0x119: {  	[tilespmem:s26], [sflag:$0x2] =	stream.indirect.gather [hbm4b:s5+s25], $0x80, s13, s25, $0xb8;
	[tilespmem:$0x1E000] =	vst v63  }
0x11a: {  	_ =	swait.ge [sflag:s28], $0x4000  }
0x11b: {  	[sflag:s28] =	ssyncset.done $0x0  }
0x11c: {  	s13 =	sor.u32 $0x15400, s23;
	[sflag:s28] =	ssyncadd.s32 $0xFFFFC000  }
0x11d: {  	[spmem:s2] =	stream.indirect.scatter.add.f32 [tilespmem:s21], [sflag:$0x3], $0x80, s13, s25, $0xb8;
	[tilespmem:$0x1E000] =	vst v63  }
0x11e: {  	_ =	swait.ge [sflag:s29], $0x4000  }
0x11f: {  	[sflag:s29] =	ssyncset.done $0x0  }
0x120: {  	s13 =	sor.u32 $0x14500, s23;
	[sflag:s29] =	ssyncadd.s32 $0xFFFFC000  }
0x121: {  	[tilespmem:s21], [sflag:$0x1] =	stream.indirect.gather [hbm4b:s5+s25], $0x80, s13, s25, $0xb8;
	[tilespmem:$0x1E000] =	vst v63  }
0x122: {  	_ =	swait.ge [sflag:s30], $0x4000  }
0x123: {  	[sflag:s30] =	ssyncset.done $0x0  }
0x124: {  	s13 =	sor.u32 $0x15480, s23;
	[sflag:s30] =	ssyncadd.s32 $0xFFFFC000  }
0x125: {  	[spmem:s2] =	stream.indirect.scatter.add.f32 [tilespmem:s26], [sflag:$0x4], $0x80, s13, s25, $0xb8;
	[tilespmem:$0x1E000] =	vst v63  }
0x126: {  	_ =	swait.ge [sflag:s31], $0x4000  }
0x127: {  	[sflag:s31] =	ssyncset.done $0x0  }
0x128: {  	s13 =	sor.u32 $0x14580, s23;
	[sflag:s31] =	ssyncadd.s32 $0xFFFFC000  }
0x129: {  	[tilespmem:s26], [sflag:$0x2] =	stream.indirect.gather [hbm4b:s5+s25], $0x80, s13, s25, $0xb8;
	[tilespmem:$0x1E000] =	vst v63  }
0x12a: {  	_ =	swait.ge [sflag:s28], $0x4000  }
0x12b: {  	[sflag:s28] =	ssyncset.done $0x0  }
0x12c: {  	s13 =	sor.u32 $0x15500, s23;
	[sflag:s28] =	ssyncadd.s32 $0xFFFFC000  }
0x12d: {  	[spmem:s2] =	stream.indirect.scatter.add.f32 [tilespmem:s21], [sflag:$0x3], $0x80, s13, s25, $0xb8;
	[tilespmem:$0x1E000] =	vst v63  }
0x12e: {  	_ =	swait.ge [sflag:s29], $0x4000  }
0x12f: {  	[sflag:s29] =	ssyncset.done $0x0  }
0x130: {  	s13 =	sor.u32 $0x14600, s23;
	[sflag:s29] =	ssyncadd.s32 $0xFFFFC000  }
0x131: {  	[tilespmem:s21], [sflag:$0x1] =	stream.indirect.gather [hbm4b:s5+s25], $0x80, s13, s25, $0xb8;
	[tilespmem:$0x1E000] =	vst v63  }
0x132: {  	_ =	swait.ge [sflag:s30], $0x4000  }
0x133: {  	[sflag:s30] =	ssyncset.done $0x0  }
0x134: {  	s13 =	sor.u32 $0x15580, s23;
	[sflag:s30] =	ssyncadd.s32 $0xFFFFC000  }
0x135: {  	[spmem:s2] =	stream.indirect.scatter.add.f32 [tilespmem:s26], [sflag:$0x4], $0x80, s13, s25, $0xb8;
	[tilespmem:$0x1E000] =	vst v63  }
0x136: {  	_ =	swait.ge [sflag:s31], $0x4000  }
0x137: {  	[sflag:s31] =	ssyncset.done $0x0  }
0x138: {  	s13 =	sor.u32 $0x14680, s23;
	[sflag:s31] =	ssyncadd.s32 $0xFFFFC000  }
0x139: {  	[tilespmem:s26], [sflag:$0x2] =	stream.indirect.gather [hbm4b:s5+s25], $0x80, s13, s25, $0xb8;
	[tilespmem:$0x1E000] =	vst v63  }
0x13a: {  	_ =	swait.ge [sflag:s28], $0x4000  }
0x13b: {  	[sflag:s28] =	ssyncset.done $0x0  }
0x13c: {  	s13 =	sor.u32 $0x15600, s23;
	[sflag:s28] =	ssyncadd.s32 $0xFFFFC000  }
0x13d: {  	[spmem:s2] =	stream.indirect.scatter.add.f32 [tilespmem:s21], [sflag:$0x3], $0x80, s13, s25, $0xb8;
	[tilespmem:$0x1E000] =	vst v63  }
0x13e: {  	_ =	swait.ge [sflag:s29], $0x4000  }
0x13f: {  	[sflag:s29] =	ssyncset.done $0x0  }
0x140: {  	s13 =	sor.u32 $0x14700, s23;
	[sflag:s29] =	ssyncadd.s32 $0xFFFFC000  }
0x141: {  	[tilespmem:s21], [sflag:$0x1] =	stream.indirect.gather [hbm4b:s5+s25], $0x80, s13, s25, $0xb8;
	[tilespmem:$0x1E000] =	vst v63  }
0x142: {  	_ =	swait.ge [sflag:s30], $0x4000  }
0x143: {  	[sflag:s30] =	ssyncset.done $0x0  }
0x144: {  	s13 =	sor.u32 $0x15680, s23;
	[sflag:s30] =	ssyncadd.s32 $0xFFFFC000  }
0x145: {  	[spmem:s2] =	stream.indirect.scatter.add.f32 [tilespmem:s26], [sflag:$0x4], $0x80, s13, s25, $0xb8;
	[tilespmem:$0x1E000] =	vst v63  }
0x146: {  	_ =	swait.ge [sflag:s31], $0x4000  }
0x147: {  	[sflag:s31] =	ssyncset.done $0x0  }
0x148: {  	s13 =	sor.u32 $0x14780, s23;
	[sflag:s31] =	ssyncadd.s32 $0xFFFFC000  }
0x149: {  	[tilespmem:s26], [sflag:$0x2] =	stream.indirect.gather [hbm4b:s5+s25], $0x80, s13, s25, $0xb8;
	[tilespmem:$0x1E000] =	vst v63  }
0x14a: {  	_ =	swait.ge [sflag:s28], $0x4000  }
0x14b: {  	[sflag:s28] =	ssyncset.done $0x0  }
0x14c: {  	s13 =	sor.u32 $0x15700, s23;
	[sflag:s28] =	ssyncadd.s32 $0xFFFFC000  }
0x14d: {  	[spmem:s2] =	stream.indirect.scatter.add.f32 [tilespmem:s21], [sflag:$0x3], $0x80, s13, s25, $0xb8;
	[tilespmem:$0x1E000] =	vst v63  }
0x14e: {  	_ =	swait.ge [sflag:s30], $0x4000  }
0x14f: {  	[sflag:s30] =	ssyncset.done $0x0  }
0x150: {  	s13 =	sor.u32 $0x15780, s23;
	[sflag:s30] =	ssyncadd.s32 $0xFFFFC000  }
0x151: {  	[spmem:s2] =	stream.indirect.scatter.add.f32 [tilespmem:s26], [sflag:$0x4], $0x80, s13, s25, $0xb8;
	[tilespmem:$0x1E000] =	vst v63  }
0x152: {  	_ =	swait.ge [sflag:s29], $0x4000  }
0x153: {  	[sflag:s29] =	ssyncset.done $0x0  }
0x154: {  	[sflag:s29] =	ssyncadd.s32 $0xFFFFC000  }
0x155: {  	_ =	swait.ge [sflag:s31], $0x4000  }
0x156: {  	[sflag:s31] =	ssyncset.done $0x0  }
0x157: {  	[sflag:s31] =	ssyncadd.s32 $0xFFFFC000  }
.Ltmp1:
0x158: {  	_ =	swait.ge [sflag:s0], $0x800;
	(pc) =	sbr.rel @p0 .LBB2_4-.Ltmp1, $4  }
0x159: {  	s13 =	smin.u32 s14, $0x4;
	[sflag:s0] =	ssyncset.done $0x0  }
0x15a: {  	s24 =	sadd.s32 $0x800, s24;
	s13 =	sshll.u32 s13, $0xB;
	[sflag:s0] =	ssyncadd.s32 $0xFFFFF800  }
0x15b: {  	s23 =	sand.u32 $0x800, s24;
	s13 =	sadd.s32 s10, s13;
	_ =	swait.ge [sflag:s0], $0x800  }
0x15c: {  	s16 =	sshrl.u32 s13, $0x3;
	s13 =	smov.u32 s15;
	[sflag:s0] =	ssyncset.done $0x0  }
0x15d: {  	s13 =	sxor.u32 $0x14800, s23;
	s14 =	sadd.s32 s1, s16;
	[sflag:s0] =	ssyncadd.s32 $0xFFFFF800  }
0x15e: {  	[tilespmem:s13], [sflag:$0x5] =	stream.linear.gather [hbm4b:s14+s3], $0x800, $0x38;
	[tilespmem:$0x1E000] =	vst v63  }
0x15f: {  	s17 =	sxor.u32 $0x15800, s23;
	s24 =	sadd.s32 s6, s16  }
0x160: {  	[tilespmem:s17], [sflag:$0x5] =	stream.linear.gather [hbm4b:s24+s3], $0x800, $0x38;
	[tilespmem:$0x1E000] =	vst v63  }
0x161: {  	s15 =	sor.u32 $0x14000, s23  }
0x162: {  	[tilespmem:s21], [sflag:$0x1] =	stream.indirect.gather [hbm4b:s5+s25], $0x80, s15, s25, $0xb8;
	[tilespmem:$0x1E000] =	vst v63  }
0x163: {  	s16 =	sor.u32 $0x14080, s23  }
0x164: {  	[tilespmem:s26], [sflag:$0x2] =	stream.indirect.gather [hbm4b:s5+s25], $0x80, s16, s25, $0xb8;
	[tilespmem:$0x1E000] =	vst v63  }
0x165: {  	_ =	swait.ge [sflag:s28], $0x4000  }
0x166: {  	[sflag:s28] =	ssyncset.done $0x0  }
0x167: {  	s17 =	sor.u32 $0x15000, s23;
	[sflag:s28] =	ssyncadd.s32 $0xFFFFC000  }
0x168: {  	[spmem:s2] =	stream.indirect.scatter.add.f32 [tilespmem:s21], [sflag:$0x3], $0x80, s17, s25, $0xb8;
	[tilespmem:$0x1E000] =	vst v63  }
0x169: {  	_ =	swait.ge [sflag:s29], $0x4000  }
0x16a: {  	[sflag:s29] =	ssyncset.done $0x0  }
0x16b: {  	s24 =	sor.u32 $0x14100, s23;
	[sflag:s29] =	ssyncadd.s32 $0xFFFFC000  }
0x16c: {  	[tilespmem:s21], [sflag:$0x1] =	stream.indirect.gather [hbm4b:s5+s25], $0x80, s24, s25, $0xb8;
	[tilespmem:$0x1E000] =	vst v63  }
0x16d: {  	_ =	swait.ge [sflag:s30], $0x4000  }
0x16e: {  	[sflag:s30] =	ssyncset.done $0x0  }
0x16f: {  	s14 =	sor.u32 $0x15080, s23;
	[sflag:s30] =	ssyncadd.s32 $0xFFFFC000  }
0x170: {  	[spmem:s2] =	stream.indirect.scatter.add.f32 [tilespmem:s26], [sflag:$0x4], $0x80, s14, s25, $0xb8;
	[tilespmem:$0x1E000] =	vst v63  }
0x171: {  	_ =	swait.ge [sflag:s31], $0x4000  }
0x172: {  	[sflag:s31] =	ssyncset.done $0x0  }
0x173: {  	s15 =	sor.u32 $0x14180, s23;
	[sflag:s31] =	ssyncadd.s32 $0xFFFFC000  }
0x174: {  	[tilespmem:s26], [sflag:$0x2] =	stream.indirect.gather [hbm4b:s5+s25], $0x80, s15, s25, $0xb8;
	[tilespmem:$0x1E000] =	vst v63  }
0x175: {  	_ =	swait.ge [sflag:s28], $0x4000  }
0x176: {  	[sflag:s28] =	ssyncset.done $0x0  }
0x177: {  	s16 =	sor.u32 $0x15100, s23;
	[sflag:s28] =	ssyncadd.s32 $0xFFFFC000  }
0x178: {  	[spmem:s2] =	stream.indirect.scatter.add.f32 [tilespmem:s21], [sflag:$0x3], $0x80, s16, s25, $0xb8;
	[tilespmem:$0x1E000] =	vst v63  }
0x179: {  	_ =	swait.ge [sflag:s29], $0x4000  }
0x17a: {  	[sflag:s29] =	ssyncset.done $0x0  }
0x17b: {  	s17 =	sor.u32 $0x14200, s23;
	[sflag:s29] =	ssyncadd.s32 $0xFFFFC000  }
0x17c: {  	[tilespmem:s21], [sflag:$0x1] =	stream.indirect.gather [hbm4b:s5+s25], $0x80, s17, s25, $0xb8;
	[tilespmem:$0x1E000] =	vst v63  }
0x17d: {  	_ =	swait.ge [sflag:s30], $0x4000  }
0x17e: {  	[sflag:s30] =	ssyncset.done $0x0  }
0x17f: {  	s24 =	sor.u32 $0x15180, s23;
	[sflag:s30] =	ssyncadd.s32 $0xFFFFC000  }
0x180: {  	[spmem:s2] =	stream.indirect.scatter.add.f32 [tilespmem:s26], [sflag:$0x4], $0x80, s24, s25, $0xb8;
	[tilespmem:$0x1E000] =	vst v63  }
0x181: {  	_ =	swait.ge [sflag:s31], $0x4000  }
0x182: {  	[sflag:s31] =	ssyncset.done $0x0  }
0x183: {  	s14 =	sor.u32 $0x14280, s23;
	[sflag:s31] =	ssyncadd.s32 $0xFFFFC000  }
0x184: {  	[tilespmem:s26], [sflag:$0x2] =	stream.indirect.gather [hbm4b:s5+s25], $0x80, s14, s25, $0xb8;
	[tilespmem:$0x1E000] =	vst v63  }
0x185: {  	_ =	swait.ge [sflag:s28], $0x4000  }
0x186: {  	[sflag:s28] =	ssyncset.done $0x0  }
0x187: {  	s15 =	sor.u32 $0x15200, s23;
	[sflag:s28] =	ssyncadd.s32 $0xFFFFC000  }
0x188: {  	[spmem:s2] =	stream.indirect.scatter.add.f32 [tilespmem:s21], [sflag:$0x3], $0x80, s15, s25, $0xb8;
	[tilespmem:$0x1E000] =	vst v63  }
0x189: {  	_ =	swait.ge [sflag:s29], $0x4000  }
0x18a: {  	[sflag:s29] =	ssyncset.done $0x0  }
0x18b: {  	s16 =	sor.u32 $0x14300, s23;
	[sflag:s29] =	ssyncadd.s32 $0xFFFFC000  }
0x18c: {  	[tilespmem:s21], [sflag:$0x1] =	stream.indirect.gather [hbm4b:s5+s25], $0x80, s16, s25, $0xb8;
	[tilespmem:$0x1E000] =	vst v63  }
0x18d: {  	_ =	swait.ge [sflag:s30], $0x4000  }
0x18e: {  	[sflag:s30] =	ssyncset.done $0x0  }
0x18f: {  	s17 =	sor.u32 $0x15280, s23;
	[sflag:s30] =	ssyncadd.s32 $0xFFFFC000  }
0x190: {  	[spmem:s2] =	stream.indirect.scatter.add.f32 [tilespmem:s26], [sflag:$0x4], $0x80, s17, s25, $0xb8;
	[tilespmem:$0x1E000] =	vst v63  }
0x191: {  	_ =	swait.ge [sflag:s31], $0x4000  }
0x192: {  	[sflag:s31] =	ssyncset.done $0x0  }
0x193: {  	s24 =	sor.u32 $0x14380, s23;
	[sflag:s31] =	ssyncadd.s32 $0xFFFFC000  }
0x194: {  	[tilespmem:s26], [sflag:$0x2] =	stream.indirect.gather [hbm4b:s5+s25], $0x80, s24, s25, $0xb8;
	[tilespmem:$0x1E000] =	vst v63  }
0x195: {  	_ =	swait.ge [sflag:s28], $0x4000  }
0x196: {  	[sflag:s28] =	ssyncset.done $0x0  }
0x197: {  	s14 =	sor.u32 $0x15300, s23;
	[sflag:s28] =	ssyncadd.s32 $0xFFFFC000  }
0x198: {  	[spmem:s2] =	stream.indirect.scatter.add.f32 [tilespmem:s21], [sflag:$0x3], $0x80, s14, s25, $0xb8;
	[tilespmem:$0x1E000] =	vst v63  }
0x199: {  	_ =	swait.ge [sflag:s29], $0x4000  }
0x19a: {  	[sflag:s29] =	ssyncset.done $0x0  }
0x19b: {  	s15 =	sor.u32 $0x14400, s23;
	[sflag:s29] =	ssyncadd.s32 $0xFFFFC000  }
0x19c: {  	[tilespmem:s21], [sflag:$0x1] =	stream.indirect.gather [hbm4b:s5+s25], $0x80, s15, s25, $0xb8;
	[tilespmem:$0x1E000] =	vst v63  }
0x19d: {  	_ =	swait.ge [sflag:s30], $0x4000  }
0x19e: {  	[sflag:s30] =	ssyncset.done $0x0  }
0x19f: {  	s16 =	sor.u32 $0x15380, s23;
	[sflag:s30] =	ssyncadd.s32 $0xFFFFC000  }
0x1a0: {  	[spmem:s2] =	stream.indirect.scatter.add.f32 [tilespmem:s26], [sflag:$0x4], $0x80, s16, s25, $0xb8;
	[tilespmem:$0x1E000] =	vst v63  }
0x1a1: {  	_ =	swait.ge [sflag:s31], $0x4000  }
0x1a2: {  	[sflag:s31] =	ssyncset.done $0x0  }
0x1a3: {  	s17 =	sor.u32 $0x14480, s23;
	[sflag:s31] =	ssyncadd.s32 $0xFFFFC000  }
0x1a4: {  	[tilespmem:s26], [sflag:$0x2] =	stream.indirect.gather [hbm4b:s5+s25], $0x80, s17, s25, $0xb8;
	[tilespmem:$0x1E000] =	vst v63  }
0x1a5: {  	_ =	swait.ge [sflag:s28], $0x4000  }
0x1a6: {  	[sflag:s28] =	ssyncset.done $0x0  }
0x1a7: {  	s24 =	sor.u32 $0x15400, s23;
	[sflag:s28] =	ssyncadd.s32 $0xFFFFC000  }
0x1a8: {  	[spmem:s2] =	stream.indirect.scatter.add.f32 [tilespmem:s21], [sflag:$0x3], $0x80, s24, s25, $0xb8;
	[tilespmem:$0x1E000] =	vst v63  }
0x1a9: {  	_ =	swait.ge [sflag:s29], $0x4000  }
0x1aa: {  	[sflag:s29] =	ssyncset.done $0x0  }
0x1ab: {  	s14 =	sor.u32 $0x14500, s23;
	[sflag:s29] =	ssyncadd.s32 $0xFFFFC000  }
0x1ac: {  	[tilespmem:s21], [sflag:$0x1] =	stream.indirect.gather [hbm4b:s5+s25], $0x80, s14, s25, $0xb8;
	[tilespmem:$0x1E000] =	vst v63  }
0x1ad: {  	_ =	swait.ge [sflag:s30], $0x4000  }
0x1ae: {  	[sflag:s30] =	ssyncset.done $0x0  }
0x1af: {  	s15 =	sor.u32 $0x15480, s23;
	[sflag:s30] =	ssyncadd.s32 $0xFFFFC000  }
0x1b0: {  	[spmem:s2] =	stream.indirect.scatter.add.f32 [tilespmem:s26], [sflag:$0x4], $0x80, s15, s25, $0xb8;
	[tilespmem:$0x1E000] =	vst v63  }
0x1b1: {  	_ =	swait.ge [sflag:s31], $0x4000  }
0x1b2: {  	[sflag:s31] =	ssyncset.done $0x0  }
0x1b3: {  	s16 =	sor.u32 $0x14580, s23;
	[sflag:s31] =	ssyncadd.s32 $0xFFFFC000  }
0x1b4: {  	[tilespmem:s26], [sflag:$0x2] =	stream.indirect.gather [hbm4b:s5+s25], $0x80, s16, s25, $0xb8;
	[tilespmem:$0x1E000] =	vst v63  }
0x1b5: {  	_ =	swait.ge [sflag:s28], $0x4000  }
0x1b6: {  	[sflag:s28] =	ssyncset.done $0x0  }
0x1b7: {  	s17 =	sor.u32 $0x15500, s23;
	[sflag:s28] =	ssyncadd.s32 $0xFFFFC000  }
0x1b8: {  	[spmem:s2] =	stream.indirect.scatter.add.f32 [tilespmem:s21], [sflag:$0x3], $0x80, s17, s25, $0xb8;
	[tilespmem:$0x1E000] =	vst v63  }
0x1b9: {  	_ =	swait.ge [sflag:s29], $0x4000  }
0x1ba: {  	[sflag:s29] =	ssyncset.done $0x0  }
0x1bb: {  	s24 =	sor.u32 $0x14600, s23;
	[sflag:s29] =	ssyncadd.s32 $0xFFFFC000  }
0x1bc: {  	[tilespmem:s21], [sflag:$0x1] =	stream.indirect.gather [hbm4b:s5+s25], $0x80, s24, s25, $0xb8;
	[tilespmem:$0x1E000] =	vst v63  }
0x1bd: {  	_ =	swait.ge [sflag:s30], $0x4000  }
0x1be: {  	[sflag:s30] =	ssyncset.done $0x0  }
0x1bf: {  	s14 =	sor.u32 $0x15580, s23;
	[sflag:s30] =	ssyncadd.s32 $0xFFFFC000  }
0x1c0: {  	[spmem:s2] =	stream.indirect.scatter.add.f32 [tilespmem:s26], [sflag:$0x4], $0x80, s14, s25, $0xb8;
	[tilespmem:$0x1E000] =	vst v63  }
0x1c1: {  	_ =	swait.ge [sflag:s31], $0x4000  }
0x1c2: {  	[sflag:s31] =	ssyncset.done $0x0  }
0x1c3: {  	s15 =	sor.u32 $0x14680, s23;
	[sflag:s31] =	ssyncadd.s32 $0xFFFFC000  }
0x1c4: {  	[tilespmem:s26], [sflag:$0x2] =	stream.indirect.gather [hbm4b:s5+s25], $0x80, s15, s25, $0xb8;
	[tilespmem:$0x1E000] =	vst v63  }
0x1c5: {  	_ =	swait.ge [sflag:s28], $0x4000  }
0x1c6: {  	[sflag:s28] =	ssyncset.done $0x0  }
0x1c7: {  	s16 =	sor.u32 $0x15600, s23;
	[sflag:s28] =	ssyncadd.s32 $0xFFFFC000  }
0x1c8: {  	[spmem:s2] =	stream.indirect.scatter.add.f32 [tilespmem:s21], [sflag:$0x3], $0x80, s16, s25, $0xb8;
	[tilespmem:$0x1E000] =	vst v63  }
0x1c9: {  	_ =	swait.ge [sflag:s29], $0x4000  }
0x1ca: {  	[sflag:s29] =	ssyncset.done $0x0  }
0x1cb: {  	s17 =	sor.u32 $0x14700, s23;
	[sflag:s29] =	ssyncadd.s32 $0xFFFFC000  }
0x1cc: {  	[tilespmem:s21], [sflag:$0x1] =	stream.indirect.gather [hbm4b:s5+s25], $0x80, s17, s25, $0xb8;
	[tilespmem:$0x1E000] =	vst v63  }
0x1cd: {  	_ =	swait.ge [sflag:s30], $0x4000  }
0x1ce: {  	[sflag:s30] =	ssyncset.done $0x0  }
0x1cf: {  	s24 =	sor.u32 $0x15680, s23;
	[sflag:s30] =	ssyncadd.s32 $0xFFFFC000  }
0x1d0: {  	[spmem:s2] =	stream.indirect.scatter.add.f32 [tilespmem:s26], [sflag:$0x4], $0x80, s24, s25, $0xb8;
	[tilespmem:$0x1E000] =	vst v63  }
0x1d1: {  	_ =	swait.ge [sflag:s31], $0x4000  }
0x1d2: {  	[sflag:s31] =	ssyncset.done $0x0  }
0x1d3: {  	s14 =	sor.u32 $0x14780, s23;
	[sflag:s31] =	ssyncadd.s32 $0xFFFFC000  }
0x1d4: {  	[tilespmem:s26], [sflag:$0x2] =	stream.indirect.gather [hbm4b:s5+s25], $0x80, s14, s25, $0xb8;
	[tilespmem:$0x1E000] =	vst v63  }
0x1d5: {  	_ =	swait.ge [sflag:s28], $0x4000  }
0x1d6: {  	[sflag:s28] =	ssyncset.done $0x0  }
0x1d7: {  	s15 =	sor.u32 $0x15700, s23;
	[sflag:s28] =	ssyncadd.s32 $0xFFFFC000  }
0x1d8: {  	[spmem:s2] =	stream.indirect.scatter.add.f32 [tilespmem:s21], [sflag:$0x3], $0x80, s15, s25, $0xb8;
	[tilespmem:$0x1E000] =	vst v63  }
0x1d9: {  	_ =	swait.ge [sflag:s30], $0x4000  }
0x1da: {  	[sflag:s30] =	ssyncset.done $0x0  }
0x1db: {  	s16 =	sor.u32 $0x15780, s23;
	[sflag:s30] =	ssyncadd.s32 $0xFFFFC000  }
0x1dc: {  	[spmem:s2] =	stream.indirect.scatter.add.f32 [tilespmem:s26], [sflag:$0x4], $0x80, s16, s25, $0xb8;
	[tilespmem:$0x1E000] =	vst v63  }
0x1dd: {  	_ =	swait.ge [sflag:s29], $0x4000  }
0x1de: {  	[sflag:s29] =	ssyncset.done $0x0  }
0x1df: {  	[sflag:s29] =	ssyncadd.s32 $0xFFFFC000  }
0x1e0: {  	_ =	swait.ge [sflag:s31], $0x4000  }
0x1e1: {  	[sflag:s31] =	ssyncset.done $0x0  }
0x1e2: {  	[sflag:s31] =	ssyncadd.s32 $0xFFFFC000  }
0x1e3: {  	_ =	swait.ge [sflag:s0], $0x800  }
0x1e4: {  	[sflag:s0] =	ssyncset.done $0x0  }
0x1e5: {  	[sflag:s0] =	ssyncadd.s32 $0xFFFFF800  }
0x1e6: {  	_ =	swait.ge [sflag:s0], $0x800  }
0x1e7: {  	[sflag:s0] =	ssyncset.done $0x0  }
0x1e8: {  	[sflag:s0] =	ssyncadd.s32 $0xFFFFF800  }
0x1e9: {  	[bflag:$0x0] =	sbarrier.arrive $0xFFFF  }
0x1ea: {  	[tilespmem:s21], [sflag:$0x6] =	stream.linear.gather [spmem:s7], $0x4000, $0x38;
	[tilespmem:$0x1E000] =	vst v63  }
0x1eb: {  	_ =	swait.ge [sflag:s22], $0x4000  }
0x1ec: {  	[sflag:s22] =	ssyncset.done $0x0  }
0x1ed: {  	s17 =	rddreg [dreg:$0x6];
	[sflag:s22] =	ssyncadd.s32 $0xFFFFC000  }
0x1ee: {  	[hbm4b:s17+s3] =	stream.linear.scatter [tilespmem:s21], [sflag:$0x6], $0x4000, $0x38;
	[tilespmem:$0x1E000] =	vst v63  }
0x1ef: {  	_ =	swait.ge [sflag:s22], $0x4000  }
0x1f0: {  	[sflag:s22] =	ssyncset.done $0x0  }
0x1f1: {  	[sflag:s22] =	ssyncadd.s32 $0xFFFFC000  }
0x1f2: {  	[tilespmem:s21], [sflag:$0x6] =	stream.linear.gather [spmem:s8], $0x4000, $0x38;
	[tilespmem:$0x1E000] =	vst v63  }
0x1f3: {  	_ =	swait.ge [sflag:s22], $0x4000  }
0x1f4: {  	[sflag:s22] =	ssyncset.done $0x0  }
0x1f5: {  	s23 =	rddreg [dreg:$0x7];
	[sflag:s22] =	ssyncadd.s32 $0xFFFFC000  }
0x1f6: {  	[hbm4b:s23+s3] =	stream.linear.scatter [tilespmem:s21], [sflag:$0x6], $0x4000, $0x38;
	[tilespmem:$0x1E000] =	vst v63  }
0x1f7: {  	_ =	swait.ge [sflag:s22], $0x4000  }
0x1f8: {  	[sflag:s22] =	ssyncset.done $0x0  }
0x1f9: {  	[sflag:s22] =	ssyncadd.s32 $0xFFFFC000  }
0x1fa: {  	[tilespmem:s21], [sflag:$0x6] =	stream.linear.gather [spmem:s9], $0x4000, $0x38;
	[tilespmem:$0x1E000] =	vst v63  }
0x1fb: {  	_ =	swait.ge [sflag:s22], $0x4000  }
0x1fc: {  	[sflag:s22] =	ssyncset.done $0x0  }
0x1fd: {  	s24 =	rddreg [dreg:$0x8];
	[sflag:s22] =	ssyncadd.s32 $0xFFFFC000  }
0x1fe: {  	[hbm4b:s24+s3] =	stream.linear.scatter [tilespmem:s21], [sflag:$0x6], $0x4000, $0x38;
	[tilespmem:$0x1E000] =	vst v63  }
0x1ff: {  	_ =	swait.ge [sflag:s22], $0x4000  }
0x200: {  	[sflag:s22] =	ssyncset.done $0x0  }
0x201: {  	[sflag:s22] =	ssyncadd.s32 $0xFFFFC000  }
0x202: {  	[tilespmem:s21], [sflag:$0x6] =	stream.linear.gather [spmem:s11], $0x4000, $0x38;
	[tilespmem:$0x1E000] =	vst v63  }
0x203: {  	_ =	swait.ge [sflag:s22], $0x4000  }
0x204: {  	[sflag:s22] =	ssyncset.done $0x0  }
0x205: {  	[sflag:s22] =	ssyncadd.s32 $0xFFFFC000  }
0x206: {  	[hbm4b:s18+s3] =	stream.linear.scatter [tilespmem:s21], [sflag:$0x6], $0x4000, $0x38;
	[tilespmem:$0x1E000] =	vst v63  }
0x207: {  	_ =	swait.ge [sflag:s22], $0x4000  }
0x208: {  	[sflag:s22] =	ssyncset.done $0x0  }
0x209: {  	[sflag:s22] =	ssyncadd.s32 $0xFFFFC000  }
0x20a: {  	[tilespmem:s21], [sflag:$0x6] =	stream.linear.gather [spmem:s12], $0x4000, $0x38;
	[tilespmem:$0x1E000] =	vst v63  }
0x20b: {  	s4 =	sadd.s32 $0x1, s4;
	_ =	swait.ge [sflag:s22], $0x4000  }
0x20c: {  	p0 =	sne.s32 s4, s20;
	[sflag:s22] =	ssyncset.done $0x0  }
.Ltmp2:
0x20d: {  	[sflag:s22] =	ssyncadd.s32 $0xFFFFC000;
	(pc) =	sbr.rel @p0 .LBB2_1-.Ltmp2, $4  }
0x20e: {  	[hbm4b:s19+s3] =	stream.linear.scatter [tilespmem:s21], [sflag:$0x6], $0x4000, $0x38;
	[tilespmem:$0x1E000] =	vst v63  }
0x20f: {  	_ =	swait.ge [sflag:s22], $0x4000  }
0x210: {  	[sflag:s22] =	ssyncset.done $0x0  }
0x211: {  	[sflag:s22] =	ssyncadd.s32 $0xFFFFC000  }
0x212: {  	_ =	sfence.sel $0x180000  }
0x213: {  	[bflag:$0x0] =	sbarrier.arrive $0xFFFF  }
0x214: {  	_ =	strace $0x9000004A  }
0x215: {  	s0 =	stileid.u32;
	[bflag:$0x2] =	sbarrier.arrive $0xFFFF  }
0x216: {  	p0 =	sne.s32 s0, $0x0;
	s0 =	rddreg [dreg:$0x3]  }
0x217: {  	s0 =	sadd.s32 @!p0 $0x100000, s0  }
0x218: {  	[sflag:s0] =	ssyncadd.tile.s32 @!p0 $0x1;
	_ =	shalt  }
.Lfunc_end2:
_tile_overlayer_lowered:
.L_overlay_start_2:
0x219: {  	(tag) =	ssettag $0x2  }
0x21a: {  	s0 =	rddreg [dreg:$0x0];
	s2 =	stileid.u32  }
0x21b: {  	s1 =	rddreg [dreg:$0x1];
	p0 =	sne.s32 s2, $0x0  }
0x21c: {  	s3 =	rddreg [dreg:$0x2];
	[bflag:$0x3] =	sbarrier.arrive $0xFFFF;
	s2 =	simm.s32 @!p0 $0x1C06  }
0x21d: {  	[timem:s3], [sflag:s2] =	dma.local @!p0 [hbm:s0], s1  }
0x21e: {  	s0 =	simm.s32 @!p0 $0x6  }
0x21f: {  	_ =	swait.ge @!p0 [sflag:s0], s1  }
0x220: {  	s1 =	ssub.s32 @!p0 $0x0, s1;
	[sflag:s0] =	ssyncset.done @!p0 $0x0  }
0x221: {  	[sflag:s0] =	ssyncadd.s32 @!p0 s1  }
0x222: {  	[bflag:$0x3] =	sbarrier.arrive $0xFFFF  }
0x223: {  	_ =	shalt  }

// kernel: kernel.15.cloned.1.call-start
scs
__scs_entry_jumppad:
0x0: {  	(pc) =	sbr.rel $0x88, $3  }
0x1: {  	(tag) =	ssettag $0x0;
	lr =	simm.s32 $0x1  }
0x2: {  	[smem:$0x3F99] =	sst lr;
	_ =	strace $0xD0000000  }
0x3: {  	_ = 	snop  }
0x4: {  	_ = 	snop  }
0x5: {  	_ = 	snop  }
0x6: {  	_ = 	snop  }
0x7: {  	_ = 	snop  }
__scs_overlays_trampoline_lowered:
0x8: {  	[smem:$0x3FA8] =	sst s0  }
0x9: {  	[smem:$0x3FA9] =	sst s1  }
0xa: {  	[smem:$0x3FAA] =	sst s2  }
0xb: {  	[smem:$0x3FAB] =	sst s3  }
0xc: {  	[smem:$0x3FAC] =	sst s4  }
0xd: {  	[smem:$0x3FAD] =	sst s5  }
0xe: {  	[smem:$0x3FAE] =	sst s6  }
0xf: {  	[smem:$0x3FAF] =	sst s7  }
0x10: {  	[smem:$0x3FB0] =	sst s8  }
0x11: {  	[smem:$0x3FB1] =	sst s9;
	s0 =	simm.s32 @!p0 $0x0  }
0x12: {  	s1 =	sld [smem:$0x3F97];
	s0 =	simm.s32 @p0 $0x1  }
0x13: {  	[smem:$0x3FB2] =	sst s0;
	s0 =	simm.s32 @!p1 $0x0  }
0x14: {  	s2 =	sld [smem:$0x3F96];
	s0 =	simm.s32 @p1 $0x1  }
0x15: {  	[smem:$0x3FB3] =	sst s0;
	s0 =	simm.s32 @!p2 $0x0  }
0x16: {  	s3 =	sld [smem:$0x3FDB];
	s0 =	simm.s32 @p2 $0x1  }
0x17: {  	s4 =	simm.s32 $0x1BF5;
	[smem:$0x3FB5] =	sst s0  }
0x18: {  	s0 =	sld [smem:$0x3F98];
	_ =	swait.ge [sflag:s4], $0x0  }
0x19: {  	s7 =	sld [smem:$0x3F99]  }
0x1a: {  	s8 =	sadd.s32 $0xFFFFE003, lr  }
0x1b: {  	s9 =	sadd.s32 $0xFFFFFEF7, lr;
	s5 =	simm.s32 $0xFFFFFFFF;
	p2 =	slt.u32 s8, $0xFFFFF086  }
0x1c: {  	p1 =	slt.u32 s9, $0xF7A;
	s5 =	simm.s32 @!p2 $0x0  }
0x1d: {  	s5 =	simm.s32 @p1 $0x1;
	p0 =	seq.s32 s7, s2  }
0x1e: {  	s7 =	smul.u32 @!p0 $0xF7A, s2;
	p2 =	seq.s32 @!p0 s5, $0x0  }
0x1f: {  	s9 =	smul.u32 $0xF7A, s1;
	s8 =	simm.s32 @!p0 $0x1BF5;
	p2 =	por !p2, p0  }
0x20: {  	[sflag:s8] =	ssyncset.s32 @!p0 $0xFFFFF086;
	s6 =	sadd.s32 @!p0 s3, s7;
	s7 =	simm.s32 @!p0 $0x108  }
0x21: {  	s3 =	sadd.s32 s3, s9;
	s6 =	sadd.s32 @!p0 $0x88, s6;
	s7 =	simm.s32 @p2 $0x1082  }
0x22: {  	[simem:s7], [sflag:s8] =	dma.local @!p0 [hbm:s6], $0xF7A  }
0x23: {  	s9 =	sor.u32 $0xD0000000, s2;
	s6 =	simm.s32 $0x108;
	_ =	swait.ge @!p0 [sflag:s8], $0x0  }
0x24: {  	s3 =	sadd.s32 $0x88, s3;
	s6 =	simm.s32 @!p1 $0x1082;
	[sflag:s4] =	ssyncset.s32 $0xFFFFF086  }
0x25: {  	[simem:s6], [sflag:s4] =	dma.local [hbm:s3], $0xF7A  }
0x26: {  	[smem:$0x3F99] =	sst s1;
	(tag) =	ssettag s2;
	_ =	strace s9  }
0x27: {  	s1 =	sld [smem:$0x3FA9]  }
0x28: {  	s2 =	sld [smem:$0x3FAA]  }
0x29: {  	s4 =	sld [smem:$0x3FAC]  }
0x2a: {  	p0 =	seq.s32 s5, $0x0;
	s5 =	sld [smem:$0x3FAD]  }
0x2b: {  	s6 =	sld [smem:$0x3FAE]  }
0x2c: {  	s7 =	sld [smem:$0x3FAF]  }
0x2d: {  	s3 =	simm.s32 $0x108;
	s8 =	sld [smem:$0x3FB0]  }
0x2e: {  	s3 =	simm.s32 @!p0 $0x1082;
	s9 =	sld [smem:$0x3FB1]  }
0x2f: {  	lr =	sadd.s32 s0, s3;
	s0 =	sld [smem:$0x3FA8]  }
0x30: {  	s3 =	sld [smem:$0x3FAB]  }
0x31: {  	[smem:$0x3FB4] =	sst s10  }
0x32: {  	s10 =	sld [smem:$0x3FB2];
	_ =	sdelay $0x3  }
0x33: {  	p0 =	seq.s32 s10, $0x1;
	s10 =	sld [smem:$0x3FB4];
	_ =	sdelay $0x3  }
0x34: {  	[smem:$0x3FB4] =	sst s10  }
0x35: {  	s10 =	sld [smem:$0x3FB3];
	_ =	sdelay $0x3  }
0x36: {  	p1 =	seq.s32 s10, $0x1;
	s10 =	sld [smem:$0x3FB4];
	_ =	sdelay $0x3  }
0x37: {  	[smem:$0x3FB4] =	sst s10  }
0x38: {  	s10 =	sld [smem:$0x3FB5]  }
0x39: {  	_ = 	snop;
	(pc) =	sbr.ind lr, $3  }
0x3a: {  	_ = 	snop  }
0x3b: {  	_ = 	snop  }
0x3c: {  	p2 =	seq.s32 s10, $0x1;
	s10 =	sld [smem:$0x3FB4]  }
0x3d: {  	_ =	shalt  }
0x3e: {  	_ =	shalt  }
0x3f: {  	_ =	shalt  }
0x40: {  	_ =	shalt  }
0x41: {  	_ =	shalt  }
0x42: {  	_ =	shalt  }
0x43: {  	_ =	shalt  }
0x44: {  	_ =	shalt  }
0x45: {  	_ =	shalt  }
0x46: {  	_ =	shalt  }
0x47: {  	_ =	shalt  }
0x48: {  	_ =	shalt  }
0x49: {  	_ =	shalt  }
0x4a: {  	_ =	shalt  }
0x4b: {  	_ =	shalt  }
0x4c: {  	_ =	shalt  }
0x4d: {  	_ =	shalt  }
0x4e: {  	_ =	shalt  }
0x4f: {  	_ =	shalt  }
0x50: {  	_ =	shalt  }
0x51: {  	_ =	shalt  }
0x52: {  	_ =	shalt  }
0x53: {  	_ =	shalt  }
0x54: {  	_ =	shalt  }
0x55: {  	_ =	shalt  }
0x56: {  	_ =	shalt  }
0x57: {  	_ =	shalt  }
0x58: {  	_ =	shalt  }
0x59: {  	_ =	shalt  }
0x5a: {  	_ =	shalt  }
0x5b: {  	_ =	shalt  }
0x5c: {  	_ =	shalt  }
0x5d: {  	_ =	shalt  }
0x5e: {  	_ =	shalt  }
0x5f: {  	_ =	shalt  }
0x60: {  	_ =	shalt  }
0x61: {  	_ =	shalt  }
0x62: {  	_ =	shalt  }
0x63: {  	_ =	shalt  }
0x64: {  	_ =	shalt  }
0x65: {  	_ =	shalt  }
0x66: {  	_ =	shalt  }
0x67: {  	_ =	shalt  }
0x68: {  	_ =	shalt  }
0x69: {  	_ =	shalt  }
0x6a: {  	_ =	shalt  }
0x6b: {  	_ =	shalt  }
0x6c: {  	_ =	shalt  }
0x6d: {  	_ =	shalt  }
0x6e: {  	_ =	shalt  }
0x6f: {  	_ =	shalt  }
0x70: {  	_ =	shalt  }
0x71: {  	_ =	shalt  }
0x72: {  	_ =	shalt  }
0x73: {  	_ =	shalt  }
0x74: {  	_ =	shalt  }
0x75: {  	_ =	shalt  }
0x76: {  	_ =	shalt  }
0x77: {  	_ =	shalt  }
0x78: {  	_ =	shalt  }
0x79: {  	_ =	shalt  }
0x7a: {  	_ =	shalt  }
0x7b: {  	_ =	shalt  }
0x7c: {  	_ =	shalt  }
0x7d: {  	_ =	shalt  }
0x7e: {  	_ =	shalt  }
0x7f: {  	_ =	shalt  }
0x80: {  	_ =	shalt  }
0x81: {  	_ =	shalt  }
0x82: {  	_ =	shalt  }
0x83: {  	_ =	shalt  }
0x84: {  	_ =	shalt  }
0x85: {  	_ =	shalt  }
0x86: {  	_ =	shalt  }
0x87: {  	_ =	shalt  }
.Lfunc_end0:
.L_simem_size_0:
called_computation.2_lowered:
.L_overlay_start_0:
0x88: {  	s2 =	sld [smem:$0x3FD9]  }
0x89: {  	s3 =	sld [smem:$0x3FFE];
	_ =	sdelay $0x1  }
0x8a: {  	s1 =	srdreg.scid  }
0x8b: {  	s0 =	sand.u32 $0x1, s1  }
0x8c: {  	s17 =	sshll.u32 s0, $0xA;
	s2 =	sadd.s32 s3, s2  }
0x8d: {  	s2 =	sadd.s32 s2, s17  }
0x8e: {  	[smem:$0x3FC0] =	sst s2  }
0x8f: {  	_ = 	snop  }
0x90: {  	s2 =	sld [smem:$0x3FD0];
	(tm) =	ssettm $0x1  }
0x91: {  	s18 =	sld [smem:$0x3FFB];
	_ =	sdelay $0x3  }
0x92: {  	_ =	strace s18  }
0x93: {  	s3 =	sld [smem:$0x3FFC];
	_ =	sdelay $0x3  }
0x94: {  	_ =	strace s3  }
0x95: {  	s3 =	sld [smem:$0x3FFD];
	_ =	sdelay $0x3  }
0x96: {  	_ =	strace s3  }
0x97: {  	_ =	strace $0x8FFFFFFF  }
0x98: {  	s19 =	sld [smem:$0x3FDB];
	_ =	sdelay $0x1  }
0x99: {  	s4 =	simm.s32 $_scs_section_size  }
0x9a: {  	s5 =	simm.s32 $_size__tile_overlayer_lowered;
	s6 =	simm.s32 $_tile_overlayer_lowered  }
0x9b: {  	s22 =	simm.s32 $0x1BFF;
	s21 =	sshll.u32 s6, $0x1;
	s3 =	sadd.s32 s4, s19  }
0x9c: {  	s7 =	simm.s32 $0x0;
	s20 =	sshll.u32 s5, $0x1;
	s5 =	sadd.s32 s21, s3  }
0x9d: {  	[timem:s7], [sflag:s22] =	dma.local [hbm:s5], s20  }
0x9e: {  	_ =	swait.ge [sflag:s22], s20  }
0x9f: {  	s4 =	ssub.s32 $0x0, s20;
	[sflag:s22] =	ssyncset.done $0x0  }
0xa0: {  	[sflag:s22] =	ssyncadd.s32 s4;
	_ =	sdelay $0x1  }
0xa1: {  	s23 =	simm.s32 $0x1B8B  }
0xa2: {  	_ =	swait.ge [sflag:s23], $0x1  }
0xa3: {  	[sflag:s23] =	ssyncset.done $0x0  }
0xa4: {  	s25 =	simm.s32 $0x1B8E;
	s24 =	sld [smem:$0x3FFE];
	[sflag:s23] =	ssyncadd.s32 $0xFFFFFFFF  }
0xa5: {  	s26 =	simm.s32 $execute0_lowered;
	[smem:$0x3FD2] =	sst s25  }
0xa6: {  	s5 =	sshll.u32 s26, $0x1;
	_ =	strace $0x8000004C;
	[dreg:$0x1] =	wrdreg $0xFFFFFFFF  }
0xa7: {  	s28 =	simm.s32 $_size_execute0_lowered;
	s3 =	sadd.s32 s3, s5;
	[dreg:$0x0] =	wrdreg $0x0  }
0xa8: {  	s5 =	sshll.u32 s28, $0x1;
	[dreg:$0x2] =	wrdreg s3  }
0xa9: {  	[dreg:$0x3] =	wrdreg s5  }
0xaa: {  	[dreg:$0x4] =	wrdreg $0xC0  }
0xab: {  	_ =	task [dreg:s7], $0x5FFFF  }
0xac: {  	[dreg:$0x1] =	wrdreg $0xFFFFFFFF  }
0xad: {  	[dreg:$0x0] =	wrdreg $0x60  }
0xae: {  	[dreg:$0x2] =	wrdreg s24  }
0xaf: {  	[dreg:$0x3] =	wrdreg s2  }
0xb0: {  	[dreg:$0x4] =	wrdreg $0x0  }
0xb1: {  	[dreg:$0x5] =	wrdreg $0x9  }
0xb2: {  	_ =	task.clear_ibuf [dreg:s7], $0x6FFFF;
	_ =	strace $0x9000004C  }
0xb3: {  	s29 =	simm.s32 $0x9;
	_ =	strace $0x8000004E  }
0xb4: {  	_ =	swait.ge [sflag:s29], $0x1  }
0xb5: {  	[sflag:s29] =	ssyncadd.s32 $0xFFFFFFFF  }
0xb6: {  	_ =	strace $0x9000004E  }
0xb7: {  	_ =	sfence  }
0xb8: {  	s30 =	sld [smem:$0x0];
	_ =	sdelay $0x2  }
0xb9: {  	s31 =	sshll.u32 s1, $0xD;
	s1 =	sshrl.u32 s1, $0x2  }
0xba: {  	s3 =	sand.u32 $0x4000, s31;
	s1 =	sadd.s32 s1, s30  }
0xbb: {  	s0 =	sor.u32 s3, s0;
	s1 =	sshll.u32 s1, $0x11  }
0xbc: {  	s0 =	sor.u32 s1, s0  }
0xbd: {  	s0 =	sadd.s32 $0x8F2B, s0  }
0xbe: {  	[sflag:s0] =	ssyncadd.remote.s32 $0x1  }
0xbf: {  	_ =	sfence.sel $0xFFFF  }
0xc0: {  	[dreg:$0x0] =	wrdreg $0xFFFFFFFF;
	(pc) =	sbr.abs _section_cstart, $3  }
0xc1: {  	[dreg:$0x1] =	wrdreg $0xFFFFFFFF  }
0xc2: {  	_ =	task.clear_ibuf [dreg:s7], $0x2FFFF;
	_ =	strace $0x9FFFFFFF  }
0xc3: {  	(tm) =	ssettm $0x7FFFFFFF  }
tec
execute0_lowered:
.L_overlay_start_1:
0x0: {  	(tag) =	ssettag $0x1  }
0x1: {  	s0 =	rddreg [dreg:$0x0]  }
0x2: {  	s1 =	rddreg [dreg:$0x1]  }
0x3: {  	s2 =	rddreg [dreg:$0x2];
	s3 =	simm.s32 $0x0;
	s4 =	srdreg.scid  }
0x4: {  	s11 =	stileid.u32;
	s21 =	simm.s32 $0x16000;
	s28 =	simm.s32 $0x1  }
0x5: {  	s29 =	simm.s32 $0x3;
	s30 =	simm.s32 $0x2;
	s31 =	simm.s32 $0x4  }
0x6: {  	[smem:$0x7FF] =	sst s3;
	s5 =	sadd.s32 $0xC800, s0;
	s6 =	sadd.s32 $0x2800, s0  }
0x7: {  	s4 =	sand.u32 $0x1, s4;
	s0 =	sadd.s32 $0x34800, s0;
	s8 =	smul.u32 $0x50000, s11  }
0x8: {  	s13 =	smul.u32 $0x14000, s11;
	_ =	strace $0x8000004D;
	s7 =	ssub.s32 $0x2, s4  }
0x9: {  	s10 =	sshll.u32 s4, $0x4;
	s4 =	smul.u32 $0x140000, s4;
	s9 =	sshrl.u32 s7, $0x1  }
0xa: {  	s10 =	sor.u32 s11, s10;
	s22 =	sshrl.u32 s8, $0x2;
	s15 =	sadd.s32 $0x4000, s13  }
0xb: {  	s16 =	sadd.s32 $0x8000, s13;
	s17 =	sadd.s32 $0xC000, s13;
	s18 =	sadd.s32 $0x10000, s13  }
0xc: {  	s14 =	ssub.s32 s7, s9;
	s7 =	sadd.s32 s22, s2;
	s8 =	sadd.s32 s15, s2  }
0xd: {  	s9 =	sadd.s32 s16, s2;
	s10 =	smul.u32 $0x2800, s10;
	s11 =	sadd.s32 s17, s2  }
0xe: {  	s12 =	sadd.s32 s18, s2;
	s13 =	sadd.s32 s13, s4;
	s15 =	sadd.s32 s4, s15  }
0xf: {  	s24 =	sadd.s32 s4, s16;
	s25 =	sadd.s32 s4, s17;
	s4 =	sadd.s32 s4, s18  }
0x10: {  	s22 =	simm.s32 $0x6;
	s13 =	sshrl.u32 s13, $0x3;
	s15 =	sshrl.u32 s15, $0x3  }
0x11: {  	s26 =	sshrl.u32 s25, $0x3;
	s4 =	sshrl.u32 s4, $0x3;
	s13 =	sadd.s32 s0, s13  }
0x12: {  	s19 =	sshrl.u32 s10, $0x3;
	s23 =	sadd.s32 s0, s15;
	[dreg:$0x6] =	wrdreg s13  }
0x13: {  	s25 =	simm.s32 $0x80;
	s20 =	sadd.s32 s1, s19;
	[dreg:$0x7] =	wrdreg s23  }
0x14: {  	s18 =	sadd.s32 s0, s26;
	s19 =	sadd.s32 s6, s19;
	[dreg:$0x4] =	wrdreg s20  }
0x15: {  	s26 =	simm.s32 $0x1A000;
	s13 =	sshrl.u32 s24, $0x3;
	[dreg:$0x5] =	wrdreg s19  }
0x16: {  	s13 =	sadd.s32 s0, s13;
	s19 =	sadd.s32 s0, s4;
	s20 =	smax.u32 s14, $0x1  }
0x17: {  	v0 =	vimm.f32 $0.0e+00;
	s0 =	simm.s32 $0x5;
	s4 =	simm.s32 $0x0;
	[dreg:$0x8] =	wrdreg s13  }
.LBB2_1:
0x18: {  	s13 =	simm.s32 $0x0;
	s14 =	simm.s32 $0x200  }
.LBB2_2:
0x19: {  	p0 =	sne.s32 s14, $0xFE00;
	[tilespmem:s13+$0x16070] =	vst v0  }
0x1a: {  	[tilespmem:s13+$0x16000] =	vst v0  }
0x1b: {  	[tilespmem:s13+$0x16010] =	vst v0  }
.Ltmp0:
0x1c: {  	[tilespmem:s13+$0x16020] =	vst v0;
	(pc) =	sbr.rel @p0 .LBB2_2-.Ltmp0, $4  }
0x1d: {  	[tilespmem:s13+$0x16030] =	vst v0  }
0x1e: {  	[tilespmem:s13+$0x16040] =	vst v0  }
0x1f: {  	[tilespmem:s13+$0x16050] =	vst v0  }
0x20: {  	[tilespmem:s13+$0x16060] =	vst v0;
	s13 =	sshra.s32 s14, $0x2;
	s14 =	sadd.s32 $0x200, s14  }
0x21: {  	[tilespmem:s13+$0x16070] =	vst v0  }
0x22: {  	[tilespmem:s13+$0x16000] =	vst v0  }
0x23: {  	[tilespmem:s13+$0x16010] =	vst v0  }
0x24: {  	[tilespmem:s13+$0x16020] =	vst v0  }
0x25: {  	[tilespmem:s13+$0x16030] =	vst v0  }
0x26: {  	[tilespmem:s13+$0x16040] =	vst v0  }
0x27: {  	[tilespmem:s13+$0x16050] =	vst v0  }
0x28: {  	[tilespmem:s13+$0x16060] =	vst v0  }
0x29: {  	[spmem:s7] =	stream.linear.scatter [tilespmem:s21], [sflag:$0x6], $0x4000, $0x38;
	[tilespmem:$0x1E000] =	vst v63  }
0x2a: {  	_ =	swait.ge [sflag:s22], $0x4000  }
0x2b: {  	[sflag:s22] =	ssyncset.done $0x0  }
0x2c: {  	[sflag:s22] =	ssyncadd.s32 $0xFFFFC000  }
0x2d: {  	[spmem:s8] =	stream.linear.scatter [tilespmem:s21], [sflag:$0x6], $0x4000, $0x38;
	[tilespmem:$0x1E000] =	vst v63  }
0x2e: {  	_ =	swait.ge [sflag:s22], $0x4000  }
0x2f: {  	[sflag:s22] =	ssyncset.done $0x0  }
0x30: {  	[sflag:s22] =	ssyncadd.s32 $0xFFFFC000  }
0x31: {  	[spmem:s9] =	stream.linear.scatter [tilespmem:s21], [sflag:$0x6], $0x4000, $0x38;
	[tilespmem:$0x1E000] =	vst v63  }
0x32: {  	_ =	swait.ge [sflag:s22], $0x4000  }
0x33: {  	[sflag:s22] =	ssyncset.done $0x0  }
0x34: {  	[sflag:s22] =	ssyncadd.s32 $0xFFFFC000  }
0x35: {  	[spmem:s11] =	stream.linear.scatter [tilespmem:s21], [sflag:$0x6], $0x4000, $0x38;
	[tilespmem:$0x1E000] =	vst v63  }
0x36: {  	_ =	swait.ge [sflag:s22], $0x4000  }
0x37: {  	[sflag:s22] =	ssyncset.done $0x0  }
0x38: {  	[sflag:s22] =	ssyncadd.s32 $0xFFFFC000  }
0x39: {  	[spmem:s12] =	stream.linear.scatter [tilespmem:s21], [sflag:$0x6], $0x4000, $0x38;
	[tilespmem:$0x1E000] =	vst v63  }
0x3a: {  	_ =	swait.ge [sflag:s22], $0x4000  }
0x3b: {  	[sflag:s22] =	ssyncset.done $0x0  }
0x3c: {  	[sflag:s22] =	ssyncadd.s32 $0xFFFFC000  }
0x3d: {  	[bflag:$0x0] =	sbarrier.arrive $0xFFFF  }
0x3e: {  	s24 =	simm.s32 $0x0;
	s15 =	simm.s32 $0x14000;
	s14 =	rddreg [dreg:$0x4]  }
0x3f: {  	[tilespmem:s15], [sflag:$0x6] =	stream.linear.gather [hbm4b:s14+s24], $0x800, $0x38;
	[tilespmem:$0x1E000] =	vst v63  }
0x40: {  	s23 =	simm.s32 $0x1;
	_ =	swait.ge [sflag:s22], $0x800  }
0x41: {  	s17 =	simm.s32 $0x15000;
	s14 =	smin.u32 s23, $0x4;
	[sflag:s22] =	ssyncset.done $0x0  }
0x42: {  	s14 =	sshll.u32 s14, $0xB;
	s16 =	rddreg [dreg:$0x5];
	[sflag:s22] =	ssyncadd.s32 $0xFFFFF800  }
0x43: {  	[tilespmem:s17], [sflag:$0x6] =	stream.linear.gather [hbm4b:s16+s24], $0x800, $0x38;
	[tilespmem:$0x1E000] =	vst v63  }
0x44: {  	s14 =	sadd.s32 s10, s14;
	_ =	swait.ge [sflag:s22], $0x800  }
0x45: {  	s13 =	sand.u32 $0x800, s24;
	s14 =	sshrl.u32 s14, $0x3;
	[sflag:s22] =	ssyncset.done $0x0  }
0x46: {  	s24 =	sxor.u32 $0x14800, s13;
	s16 =	sadd.s32 s1, s14;
	[sflag:s22] =	ssyncadd.s32 $0xFFFFF800  }
0x47: {  	[tilespmem:s24], [sflag:$0x5] =	stream.linear.gather [hbm4b:s16+s3], $0x800, $0x38;
	[tilespmem:$0x1E000] =	vst v63  }
0x48: {  	s14 =	sadd.s32 s6, s14;
	s16 =	sxor.u32 $0x15800, s13  }
0x49: {  	[tilespmem:s16], [sflag:$0x5] =	stream.linear.gather [hbm4b:s14+s3], $0x800, $0x38;
	[tilespmem:$0x1E000] =	vst v63  }
0x4a: {  	s17 =	sor.u32 $0x14000, s13  }
0x4b: {  	[tilespmem:s21], [sflag:$0x1] =	stream.indirect.gather [hbm4b:s5+s25], $0x80, s17, s25, $0xb8;
	[tilespmem:$0x1E000] =	vst v63  }
0x4c: {  	s23 =	sor.u32 $0x14080, s13  }
0x4d: {  	[tilespmem:s26], [sflag:$0x2] =	stream.indirect.gather [hbm4b:s5+s25], $0x80, s23, s25, $0xb8;
	[tilespmem:$0x1E000] =	vst v63  }
0x4e: {  	_ =	swait.ge [sflag:s28], $0x4000  }
0x4f: {  	[sflag:s28] =	ssyncset.done $0x0  }
0x50: {  	s24 =	sor.u32 $0x15000, s13;
	[sflag:s28] =	ssyncadd.s32 $0xFFFFC000  }
0x51: {  	[spmem:s2] =	stream.indirect.scatter.add.f32 [tilespmem:s21], [sflag:$0x3], $0x80, s24, s25, $0xb8;
	[tilespmem:$0x1E000] =	vst v63  }
0x52: {  	_ =	swait.ge [sflag:s29], $0x4000  }
0x53: {  	[sflag:s29] =	ssyncset.done $0x0  }
0x54: {  	s15 =	sor.u32 $0x14100, s13;
	[sflag:s29] =	ssyncadd.s32 $0xFFFFC000  }
0x55: {  	[tilespmem:s21], [sflag:$0x1] =	stream.indirect.gather [hbm4b:s5+s25], $0x80, s15, s25, $0xb8;
	[tilespmem:$0x1E000] =	vst v63  }
0x56: {  	_ =	swait.ge [sflag:s30], $0x4000  }
0x57: {  	[sflag:s30] =	ssyncset.done $0x0  }
0x58: {  	s16 =	sor.u32 $0x15080, s13;
	[sflag:s30] =	ssyncadd.s32 $0xFFFFC000  }
0x59: {  	[spmem:s2] =	stream.indirect.scatter.add.f32 [tilespmem:s26], [sflag:$0x4], $0x80, s16, s25, $0xb8;
	[tilespmem:$0x1E000] =	vst v63  }
0x5a: {  	_ =	swait.ge [sflag:s31], $0x4000  }
0x5b: {  	[sflag:s31] =	ssyncset.done $0x0  }
0x5c: {  	s17 =	sor.u32 $0x14180, s13;
	[sflag:s31] =	ssyncadd.s32 $0xFFFFC000  }
0x5d: {  	[tilespmem:s26], [sflag:$0x2] =	stream.indirect.gather [hbm4b:s5+s25], $0x80, s17, s25, $0xb8;
	[tilespmem:$0x1E000] =	vst v63  }
0x5e: {  	_ =	swait.ge [sflag:s28], $0x4000  }
0x5f: {  	[sflag:s28] =	ssyncset.done $0x0  }
0x60: {  	s23 =	sor.u32 $0x15100, s13;
	[sflag:s28] =	ssyncadd.s32 $0xFFFFC000  }
0x61: {  	[spmem:s2] =	stream.indirect.scatter.add.f32 [tilespmem:s21], [sflag:$0x3], $0x80, s23, s25, $0xb8;
	[tilespmem:$0x1E000] =	vst v63  }
0x62: {  	_ =	swait.ge [sflag:s29], $0x4000  }
0x63: {  	[sflag:s29] =	ssyncset.done $0x0  }
0x64: {  	s24 =	sor.u32 $0x14200, s13;
	[sflag:s29] =	ssyncadd.s32 $0xFFFFC000  }
0x65: {  	[tilespmem:s21], [sflag:$0x1] =	stream.indirect.gather [hbm4b:s5+s25], $0x80, s24, s25, $0xb8;
	[tilespmem:$0x1E000] =	vst v63  }
0x66: {  	_ =	swait.ge [sflag:s30], $0x4000  }
0x67: {  	[sflag:s30] =	ssyncset.done $0x0  }
0x68: {  	s15 =	sor.u32 $0x15180, s13;
	[sflag:s30] =	ssyncadd.s32 $0xFFFFC000  }
0x69: {  	[spmem:s2] =	stream.indirect.scatter.add.f32 [tilespmem:s26], [sflag:$0x4], $0x80, s15, s25, $0xb8;
	[tilespmem:$0x1E000] =	vst v63  }
0x6a: {  	_ =	swait.ge [sflag:s31], $0x4000  }
0x6b: {  	[sflag:s31] =	ssyncset.done $0x0  }
0x6c: {  	s16 =	sor.u32 $0x14280, s13;
	[sflag:s31] =	ssyncadd.s32 $0xFFFFC000  }
0x6d: {  	[tilespmem:s26], [sflag:$0x2] =	stream.indirect.gather [hbm4b:s5+s25], $0x80, s16, s25, $0xb8;
	[tilespmem:$0x1E000] =	vst v63  }
0x6e: {  	_ =	swait.ge [sflag:s28], $0x4000  }
0x6f: {  	[sflag:s28] =	ssyncset.done $0x0  }
0x70: {  	s17 =	sor.u32 $0x15200, s13;
	[sflag:s28] =	ssyncadd.s32 $0xFFFFC000  }
0x71: {  	[spmem:s2] =	stream.indirect.scatter.add.f32 [tilespmem:s21], [sflag:$0x3], $0x80, s17, s25, $0xb8;
	[tilespmem:$0x1E000] =	vst v63  }
0x72: {  	_ =	swait.ge [sflag:s29], $0x4000  }
0x73: {  	[sflag:s29] =	ssyncset.done $0x0  }
0x74: {  	s23 =	sor.u32 $0x14300, s13;
	[sflag:s29] =	ssyncadd.s32 $0xFFFFC000  }
0x75: {  	[tilespmem:s21], [sflag:$0x1] =	stream.indirect.gather [hbm4b:s5+s25], $0x80, s23, s25, $0xb8;
	[tilespmem:$0x1E000] =	vst v63  }
0x76: {  	_ =	swait.ge [sflag:s30], $0x4000  }
0x77: {  	[sflag:s30] =	ssyncset.done $0x0  }
0x78: {  	s24 =	sor.u32 $0x15280, s13;
	[sflag:s30] =	ssyncadd.s32 $0xFFFFC000  }
0x79: {  	[spmem:s2] =	stream.indirect.scatter.add.f32 [tilespmem:s26], [sflag:$0x4], $0x80, s24, s25, $0xb8;
	[tilespmem:$0x1E000] =	vst v63  }
0x7a: {  	_ =	swait.ge [sflag:s31], $0x4000  }
0x7b: {  	[sflag:s31] =	ssyncset.done $0x0  }
0x7c: {  	s15 =	sor.u32 $0x14380, s13;
	[sflag:s31] =	ssyncadd.s32 $0xFFFFC000  }
0x7d: {  	[tilespmem:s26], [sflag:$0x2] =	stream.indirect.gather [hbm4b:s5+s25], $0x80, s15, s25, $0xb8;
	[tilespmem:$0x1E000] =	vst v63  }
0x7e: {  	_ =	swait.ge [sflag:s28], $0x4000  }
0x7f: {  	[sflag:s28] =	ssyncset.done $0x0  }
0x80: {  	s16 =	sor.u32 $0x15300, s13;
	[sflag:s28] =	ssyncadd.s32 $0xFFFFC000  }
0x81: {  	[spmem:s2] =	stream.indirect.scatter.add.f32 [tilespmem:s21], [sflag:$0x3], $0x80, s16, s25, $0xb8;
	[tilespmem:$0x1E000] =	vst v63  }
0x82: {  	_ =	swait.ge [sflag:s29], $0x4000  }
0x83: {  	[sflag:s29] =	ssyncset.done $0x0  }
0x84: {  	s17 =	sor.u32 $0x14400, s13;
	[sflag:s29] =	ssyncadd.s32 $0xFFFFC000  }
0x85: {  	[tilespmem:s21], [sflag:$0x1] =	stream.indirect.gather [hbm4b:s5+s25], $0x80, s17, s25, $0xb8;
	[tilespmem:$0x1E000] =	vst v63  }
0x86: {  	_ =	swait.ge [sflag:s30], $0x4000  }
0x87: {  	[sflag:s30] =	ssyncset.done $0x0  }
0x88: {  	s23 =	sor.u32 $0x15380, s13;
	[sflag:s30] =	ssyncadd.s32 $0xFFFFC000  }
0x89: {  	[spmem:s2] =	stream.indirect.scatter.add.f32 [tilespmem:s26], [sflag:$0x4], $0x80, s23, s25, $0xb8;
	[tilespmem:$0x1E000] =	vst v63  }
0x8a: {  	_ =	swait.ge [sflag:s31], $0x4000  }
0x8b: {  	[sflag:s31] =	ssyncset.done $0x0  }
0x8c: {  	s24 =	sor.u32 $0x14480, s13;
	[sflag:s31] =	ssyncadd.s32 $0xFFFFC000  }
0x8d: {  	[tilespmem:s26], [sflag:$0x2] =	stream.indirect.gather [hbm4b:s5+s25], $0x80, s24, s25, $0xb8;
	[tilespmem:$0x1E000] =	vst v63  }
0x8e: {  	_ =	swait.ge [sflag:s28], $0x4000  }
0x8f: {  	[sflag:s28] =	ssyncset.done $0x0  }
0x90: {  	s15 =	sor.u32 $0x15400, s13;
	[sflag:s28] =	ssyncadd.s32 $0xFFFFC000  }
0x91: {  	[spmem:s2] =	stream.indirect.scatter.add.f32 [tilespmem:s21], [sflag:$0x3], $0x80, s15, s25, $0xb8;
	[tilespmem:$0x1E000] =	vst v63  }
0x92: {  	_ =	swait.ge [sflag:s29], $0x4000  }
0x93: {  	[sflag:s29] =	ssyncset.done $0x0  }
0x94: {  	s16 =	sor.u32 $0x14500, s13;
	[sflag:s29] =	ssyncadd.s32 $0xFFFFC000  }
0x95: {  	[tilespmem:s21], [sflag:$0x1] =	stream.indirect.gather [hbm4b:s5+s25], $0x80, s16, s25, $0xb8;
	[tilespmem:$0x1E000] =	vst v63  }
0x96: {  	_ =	swait.ge [sflag:s30], $0x4000  }
0x97: {  	[sflag:s30] =	ssyncset.done $0x0  }
0x98: {  	s17 =	sor.u32 $0x15480, s13;
	[sflag:s30] =	ssyncadd.s32 $0xFFFFC000  }
0x99: {  	[spmem:s2] =	stream.indirect.scatter.add.f32 [tilespmem:s26], [sflag:$0x4], $0x80, s17, s25, $0xb8;
	[tilespmem:$0x1E000] =	vst v63  }
0x9a: {  	_ =	swait.ge [sflag:s31], $0x4000  }
0x9b: {  	[sflag:s31] =	ssyncset.done $0x0  }
0x9c: {  	s23 =	sor.u32 $0x14580, s13;
	[sflag:s31] =	ssyncadd.s32 $0xFFFFC000  }
0x9d: {  	[tilespmem:s26], [sflag:$0x2] =	stream.indirect.gather [hbm4b:s5+s25], $0x80, s23, s25, $0xb8;
	[tilespmem:$0x1E000] =	vst v63  }
0x9e: {  	_ =	swait.ge [sflag:s28], $0x4000  }
0x9f: {  	[sflag:s28] =	ssyncset.done $0x0  }
0xa0: {  	s24 =	sor.u32 $0x15500, s13;
	[sflag:s28] =	ssyncadd.s32 $0xFFFFC000  }
0xa1: {  	[spmem:s2] =	stream.indirect.scatter.add.f32 [tilespmem:s21], [sflag:$0x3], $0x80, s24, s25, $0xb8;
	[tilespmem:$0x1E000] =	vst v63  }
0xa2: {  	_ =	swait.ge [sflag:s29], $0x4000  }
0xa3: {  	[sflag:s29] =	ssyncset.done $0x0  }
0xa4: {  	s15 =	sor.u32 $0x14600, s13;
	[sflag:s29] =	ssyncadd.s32 $0xFFFFC000  }
0xa5: {  	[tilespmem:s21], [sflag:$0x1] =	stream.indirect.gather [hbm4b:s5+s25], $0x80, s15, s25, $0xb8;
	[tilespmem:$0x1E000] =	vst v63  }
0xa6: {  	_ =	swait.ge [sflag:s30], $0x4000  }
0xa7: {  	[sflag:s30] =	ssyncset.done $0x0  }
0xa8: {  	s16 =	sor.u32 $0x15580, s13;
	[sflag:s30] =	ssyncadd.s32 $0xFFFFC000  }
0xa9: {  	[spmem:s2] =	stream.indirect.scatter.add.f32 [tilespmem:s26], [sflag:$0x4], $0x80, s16, s25, $0xb8;
	[tilespmem:$0x1E000] =	vst v63  }
0xaa: {  	_ =	swait.ge [sflag:s31], $0x4000  }
0xab: {  	[sflag:s31] =	ssyncset.done $0x0  }
0xac: {  	s17 =	sor.u32 $0x14680, s13;
	[sflag:s31] =	ssyncadd.s32 $0xFFFFC000  }
0xad: {  	[tilespmem:s26], [sflag:$0x2] =	stream.indirect.gather [hbm4b:s5+s25], $0x80, s17, s25, $0xb8;
	[tilespmem:$0x1E000] =	vst v63  }
0xae: {  	_ =	swait.ge [sflag:s28], $0x4000  }
0xaf: {  	[sflag:s28] =	ssyncset.done $0x0  }
0xb0: {  	s23 =	sor.u32 $0x15600, s13;
	[sflag:s28] =	ssyncadd.s32 $0xFFFFC000  }
0xb1: {  	[spmem:s2] =	stream.indirect.scatter.add.f32 [tilespmem:s21], [sflag:$0x3], $0x80, s23, s25, $0xb8;
	[tilespmem:$0x1E000] =	vst v63  }
0xb2: {  	_ =	swait.ge [sflag:s29], $0x4000  }
0xb3: {  	[sflag:s29] =	ssyncset.done $0x0  }
0xb4: {  	s24 =	sor.u32 $0x14700, s13;
	[sflag:s29] =	ssyncadd.s32 $0xFFFFC000  }
0xb5: {  	[tilespmem:s21], [sflag:$0x1] =	stream.indirect.gather [hbm4b:s5+s25], $0x80, s24, s25, $0xb8;
	[tilespmem:$0x1E000] =	vst v63  }
0xb6: {  	_ =	swait.ge [sflag:s30], $0x4000  }
0xb7: {  	[sflag:s30] =	ssyncset.done $0x0  }
0xb8: {  	s15 =	sor.u32 $0x15680, s13;
	[sflag:s30] =	ssyncadd.s32 $0xFFFFC000  }
0xb9: {  	[spmem:s2] =	stream.indirect.scatter.add.f32 [tilespmem:s26], [sflag:$0x4], $0x80, s15, s25, $0xb8;
	[tilespmem:$0x1E000] =	vst v63  }
0xba: {  	_ =	swait.ge [sflag:s31], $0x4000  }
0xbb: {  	[sflag:s31] =	ssyncset.done $0x0  }
0xbc: {  	s16 =	sor.u32 $0x14780, s13;
	[sflag:s31] =	ssyncadd.s32 $0xFFFFC000  }
0xbd: {  	[tilespmem:s26], [sflag:$0x2] =	stream.indirect.gather [hbm4b:s5+s25], $0x80, s16, s25, $0xb8;
	[tilespmem:$0x1E000] =	vst v63  }
0xbe: {  	_ =	swait.ge [sflag:s28], $0x4000  }
0xbf: {  	[sflag:s28] =	ssyncset.done $0x0  }
0xc0: {  	s17 =	sor.u32 $0x15700, s13;
	[sflag:s28] =	ssyncadd.s32 $0xFFFFC000  }
0xc1: {  	[spmem:s2] =	stream.indirect.scatter.add.f32 [tilespmem:s21], [sflag:$0x3], $0x80, s17, s25, $0xb8;
	[tilespmem:$0x1E000] =	vst v63  }
0xc2: {  	_ =	swait.ge [sflag:s30], $0x4000  }
0xc3: {  	[sflag:s30] =	ssyncset.done $0x0  }
0xc4: {  	s13 =	sor.u32 $0x15780, s13;
	[sflag:s30] =	ssyncadd.s32 $0xFFFFC000  }
0xc5: {  	[spmem:s2] =	stream.indirect.scatter.add.f32 [tilespmem:s26], [sflag:$0x4], $0x80, s13, s25, $0xb8;
	[tilespmem:$0x1E000] =	vst v63  }
0xc6: {  	_ =	swait.ge [sflag:s29], $0x4000  }
0xc7: {  	[sflag:s29] =	ssyncset.done $0x0  }
0xc8: {  	[sflag:s29] =	ssyncadd.s32 $0xFFFFC000  }
0xc9: {  	_ =	swait.ge [sflag:s31], $0x4000  }
0xca: {  	[sflag:s31] =	ssyncset.done $0x0  }
0xcb: {  	[sflag:s31] =	ssyncadd.s32 $0xFFFFC000  }
0xcc: {  	s23 =	simm.s32 $0x2;
	_ =	swait.ge [sflag:s0], $0x800  }
0xcd: {  	s24 =	smin.u32 s23, $0x4;
	[sflag:s0] =	ssyncset.done $0x0  }
0xce: {  	s14 =	sshll.u32 s24, $0xB;
	s24 =	simm.s32 $0x800;
	[sflag:s0] =	ssyncadd.s32 $0xFFFFF800  }
0xcf: {  	s14 =	sadd.s32 s10, s14;
	s23 =	sand.u32 $0x800, s24;
	_ =	swait.ge [sflag:s0], $0x800  }
0xd0: {  	s16 =	sshrl.u32 s14, $0x3;
	s13 =	simm.s32 $0x3;
	[sflag:s0] =	ssyncset.done $0x0  }
.LBB2_4:
0xd1: {  	s15 =	sxor.u32 $0x14800, s23  }
0xd2: {  	s17 =	sadd.s32 s1, s16;
	[sflag:s0] =	ssyncadd.s32 $0xFFFFF800;
	s14 =	smov.u32 s13  }
0xd3: {  	[tilespmem:s15], [sflag:$0x5] =	stream.linear.gather [hbm4b:s17+s3], $0x800, $0x38;
	[tilespmem:$0x1E000] =	vst v63  }
0xd4: {  	s16 =	sadd.s32 s6, s16;
	s15 =	sadd.s32 $0x1, s13;
	s17 =	sxor.u32 $0x15800, s23  }
0xd5: {  	[tilespmem:s17], [sflag:$0x5] =	stream.linear.gather [hbm4b:s16+s3], $0x800, $0x38;
	[tilespmem:$0x1E000] =	vst v63  }
0xd6: {  	p0 =	sne.s32 s13, $0x5;
	s13 =	sor.u32 $0x14000, s23  }
0xd7: {  	[tilespmem:s21], [sflag:$0x1] =	stream.indirect.gather [hbm4b:s5+s25], $0x80, s13, s25, $0xb8;
	[tilespmem:$0x1E000] =	vst v63  }
0xd8: {  	s13 =	sor.u32 $0x14080, s23  }
0xd9: {  	[tilespmem:s26], [sflag:$0x2] =	stream.indirect.gather [hbm4b:s5+s25], $0x80, s13, s25, $0xb8;
	[tilespmem:$0x1E000] =	vst v63  }
0xda: {  	_ =	swait.ge [sflag:s28], $0x4000  }
0xdb: {  	[sflag:s28] =	ssyncset.done $0x0  }
0xdc: {  	s13 =	sor.u32 $0x15000, s23;
	[sflag:s28] =	ssyncadd.s32 $0xFFFFC000  }
0xdd: {  	[spmem:s2] =	stream.indirect.scatter.add.f32 [tilespmem:s21], [sflag:$0x3], $0x80, s13, s25, $0xb8;
	[tilespmem:$0x1E000] =	vst v63  }
0xde: {  	_ =	swait.ge [sflag:s29], $0x4000  }
0xdf: {  	[sflag:s29] =	ssyncset.done $0x0  }
0xe0: {  	s13 =	sor.u32 $0x14100, s23;
	[sflag:s29] =	ssyncadd.s32 $0xFFFFC000  }
0xe1: {  	[tilespmem:s21], [sflag:$0x1] =	stream.indirect.gather [hbm4b:s5+s25], $0x80, s13, s25, $0xb8;
	[tilespmem:$0x1E000] =	vst v63  }
0xe2: {  	_ =	swait.ge [sflag:s30], $0x4000  }
0xe3: {  	[sflag:s30] =	ssyncset.done $0x0  }
0xe4: {  	s13 =	sor.u32 $0x15080, s23;
	[sflag:s30] =	ssyncadd.s32 $0xFFFFC000  }
0xe5: {  	[spmem:s2] =	stream.indirect.scatter.add.f32 [tilespmem:s26], [sflag:$0x4], $0x80, s13, s25, $0xb8;
	[tilespmem:$0x1E000] =	vst v63  }
0xe6: {  	_ =	swait.ge [sflag:s31], $0x4000  }
0xe7: {  	[sflag:s31] =	ssyncset.done $0x0  }
0xe8: {  	s13 =	sor.u32 $0x14180, s23;
	[sflag:s31] =	ssyncadd.s32 $0xFFFFC000  }
0xe9: {  	[tilespmem:s26], [sflag:$0x2] =	stream.indirect.gather [hbm4b:s5+s25], $0x80, s13, s25, $0xb8;
	[tilespmem:$0x1E000] =	vst v63  }
0xea: {  	_ =	swait.ge [sflag:s28], $0x4000  }
0xeb: {  	[sflag:s28] =	ssyncset.done $0x0  }
0xec: {  	s13 =	sor.u32 $0x15100, s23;
	[sflag:s28] =	ssyncadd.s32 $0xFFFFC000  }
0xed: {  	[spmem:s2] =	stream.indirect.scatter.add.f32 [tilespmem:s21], [sflag:$0x3], $0x80, s13, s25, $0xb8;
	[tilespmem:$0x1E000] =	vst v63  }
0xee: {  	_ =	swait.ge [sflag:s29], $0x4000  }
0xef: {  	[sflag:s29] =	ssyncset.done $0x0  }
0xf0: {  	s13 =	sor.u32 $0x14200, s23;
	[sflag:s29] =	ssyncadd.s32 $0xFFFFC000  }
0xf1: {  	[tilespmem:s21], [sflag:$0x1] =	stream.indirect.gather [hbm4b:s5+s25], $0x80, s13, s25, $0xb8;
	[tilespmem:$0x1E000] =	vst v63  }
0xf2: {  	_ =	swait.ge [sflag:s30], $0x4000  }
0xf3: {  	[sflag:s30] =	ssyncset.done $0x0  }
0xf4: {  	s13 =	sor.u32 $0x15180, s23;
	[sflag:s30] =	ssyncadd.s32 $0xFFFFC000  }
0xf5: {  	[spmem:s2] =	stream.indirect.scatter.add.f32 [tilespmem:s26], [sflag:$0x4], $0x80, s13, s25, $0xb8;
	[tilespmem:$0x1E000] =	vst v63  }
0xf6: {  	_ =	swait.ge [sflag:s31], $0x4000  }
0xf7: {  	[sflag:s31] =	ssyncset.done $0x0  }
0xf8: {  	s13 =	sor.u32 $0x14280, s23;
	[sflag:s31] =	ssyncadd.s32 $0xFFFFC000  }
0xf9: {  	[tilespmem:s26], [sflag:$0x2] =	stream.indirect.gather [hbm4b:s5+s25], $0x80, s13, s25, $0xb8;
	[tilespmem:$0x1E000] =	vst v63  }
0xfa: {  	_ =	swait.ge [sflag:s28], $0x4000  }
0xfb: {  	[sflag:s28] =	ssyncset.done $0x0  }
0xfc: {  	s13 =	sor.u32 $0x15200, s23;
	[sflag:s28] =	ssyncadd.s32 $0xFFFFC000  }
0xfd: {  	[spmem:s2] =	stream.indirect.scatter.add.f32 [tilespmem:s21], [sflag:$0x3], $0x80, s13, s25, $0xb8;
	[tilespmem:$0x1E000] =	vst v63  }
0xfe: {  	_ =	swait.ge [sflag:s29], $0x4000  }
0xff: {  	[sflag:s29] =	ssyncset.done $0x0  }
0x100: {  	s13 =	sor.u32 $0x14300, s23;
	[sflag:s29] =	ssyncadd.s32 $0xFFFFC000  }
0x101: {  	[tilespmem:s21], [sflag:$0x1] =	stream.indirect.gather [hbm4b:s5+s25], $0x80, s13, s25, $0xb8;
	[tilespmem:$0x1E000] =	vst v63  }
0x102: {  	_ =	swait.ge [sflag:s30], $0x4000  }
0x103: {  	[sflag:s30] =	ssyncset.done $0x0  }
0x104: {  	s13 =	sor.u32 $0x15280, s23;
	[sflag:s30] =	ssyncadd.s32 $0xFFFFC000  }
0x105: {  	[spmem:s2] =	stream.indirect.scatter.add.f32 [tilespmem:s26], [sflag:$0x4], $0x80, s13, s25, $0xb8;
	[tilespmem:$0x1E000] =	vst v63  }
0x106: {  	_ =	swait.ge [sflag:s31], $0x4000  }
0x107: {  	[sflag:s31] =	ssyncset.done $0x0  }
0x108: {  	s13 =	sor.u32 $0x14380, s23;
	[sflag:s31] =	ssyncadd.s32 $0xFFFFC000  }
0x109: {  	[tilespmem:s26], [sflag:$0x2] =	stream.indirect.gather [hbm4b:s5+s25], $0x80, s13, s25, $0xb8;
	[tilespmem:$0x1E000] =	vst v63  }
0x10a: {  	_ =	swait.ge [sflag:s28], $0x4000  }
0x10b: {  	[sflag:s28] =	ssyncset.done $0x0  }
0x10c: {  	s13 =	sor.u32 $0x15300, s23;
	[sflag:s28] =	ssyncadd.s32 $0xFFFFC000  }
0x10d: {  	[spmem:s2] =	stream.indirect.scatter.add.f32 [tilespmem:s21], [sflag:$0x3], $0x80, s13, s25, $0xb8;
	[tilespmem:$0x1E000] =	vst v63  }
0x10e: {  	_ =	swait.ge [sflag:s29], $0x4000  }
0x10f: {  	[sflag:s29] =	ssyncset.done $0x0  }
0x110: {  	s13 =	sor.u32 $0x14400, s23;
	[sflag:s29] =	ssyncadd.s32 $0xFFFFC000  }
0x111: {  	[tilespmem:s21], [sflag:$0x1] =	stream.indirect.gather [hbm4b:s5+s25], $0x80, s13, s25, $0xb8;
	[tilespmem:$0x1E000] =	vst v63  }
0x112: {  	_ =	swait.ge [sflag:s30], $0x4000  }
0x113: {  	[sflag:s30] =	ssyncset.done $0x0  }
0x114: {  	s13 =	sor.u32 $0x15380, s23;
	[sflag:s30] =	ssyncadd.s32 $0xFFFFC000  }
0x115: {  	[spmem:s2] =	stream.indirect.scatter.add.f32 [tilespmem:s26], [sflag:$0x4], $0x80, s13, s25, $0xb8;
	[tilespmem:$0x1E000] =	vst v63  }
0x116: {  	_ =	swait.ge [sflag:s31], $0x4000  }
0x117: {  	[sflag:s31] =	ssyncset.done $0x0  }
0x118: {  	s13 =	sor.u32 $0x14480, s23;
	[sflag:s31] =	ssyncadd.s32 $0xFFFFC000  }
0x119: {  	[tilespmem:s26], [sflag:$0x2] =	stream.indirect.gather [hbm4b:s5+s25], $0x80, s13, s25, $0xb8;
	[tilespmem:$0x1E000] =	vst v63  }
0x11a: {  	_ =	swait.ge [sflag:s28], $0x4000  }
0x11b: {  	[sflag:s28] =	ssyncset.done $0x0  }
0x11c: {  	s13 =	sor.u32 $0x15400, s23;
	[sflag:s28] =	ssyncadd.s32 $0xFFFFC000  }
0x11d: {  	[spmem:s2] =	stream.indirect.scatter.add.f32 [tilespmem:s21], [sflag:$0x3], $0x80, s13, s25, $0xb8;
	[tilespmem:$0x1E000] =	vst v63  }
0x11e: {  	_ =	swait.ge [sflag:s29], $0x4000  }
0x11f: {  	[sflag:s29] =	ssyncset.done $0x0  }
0x120: {  	s13 =	sor.u32 $0x14500, s23;
	[sflag:s29] =	ssyncadd.s32 $0xFFFFC000  }
0x121: {  	[tilespmem:s21], [sflag:$0x1] =	stream.indirect.gather [hbm4b:s5+s25], $0x80, s13, s25, $0xb8;
	[tilespmem:$0x1E000] =	vst v63  }
0x122: {  	_ =	swait.ge [sflag:s30], $0x4000  }
0x123: {  	[sflag:s30] =	ssyncset.done $0x0  }
0x124: {  	s13 =	sor.u32 $0x15480, s23;
	[sflag:s30] =	ssyncadd.s32 $0xFFFFC000  }
0x125: {  	[spmem:s2] =	stream.indirect.scatter.add.f32 [tilespmem:s26], [sflag:$0x4], $0x80, s13, s25, $0xb8;
	[tilespmem:$0x1E000] =	vst v63  }
0x126: {  	_ =	swait.ge [sflag:s31], $0x4000  }
0x127: {  	[sflag:s31] =	ssyncset.done $0x0  }
0x128: {  	s13 =	sor.u32 $0x14580, s23;
	[sflag:s31] =	ssyncadd.s32 $0xFFFFC000  }
0x129: {  	[tilespmem:s26], [sflag:$0x2] =	stream.indirect.gather [hbm4b:s5+s25], $0x80, s13, s25, $0xb8;
	[tilespmem:$0x1E000] =	vst v63  }
0x12a: {  	_ =	swait.ge [sflag:s28], $0x4000  }
0x12b: {  	[sflag:s28] =	ssyncset.done $0x0  }
0x12c: {  	s13 =	sor.u32 $0x15500, s23;
	[sflag:s28] =	ssyncadd.s32 $0xFFFFC000  }
0x12d: {  	[spmem:s2] =	stream.indirect.scatter.add.f32 [tilespmem:s21], [sflag:$0x3], $0x80, s13, s25, $0xb8;
	[tilespmem:$0x1E000] =	vst v63  }
0x12e: {  	_ =	swait.ge [sflag:s29], $0x4000  }
0x12f: {  	[sflag:s29] =	ssyncset.done $0x0  }
0x130: {  	s13 =	sor.u32 $0x14600, s23;
	[sflag:s29] =	ssyncadd.s32 $0xFFFFC000  }
0x131: {  	[tilespmem:s21], [sflag:$0x1] =	stream.indirect.gather [hbm4b:s5+s25], $0x80, s13, s25, $0xb8;
	[tilespmem:$0x1E000] =	vst v63  }
0x132: {  	_ =	swait.ge [sflag:s30], $0x4000  }
0x133: {  	[sflag:s30] =	ssyncset.done $0x0  }
0x134: {  	s13 =	sor.u32 $0x15580, s23;
	[sflag:s30] =	ssyncadd.s32 $0xFFFFC000  }
0x135: {  	[spmem:s2] =	stream.indirect.scatter.add.f32 [tilespmem:s26], [sflag:$0x4], $0x80, s13, s25, $0xb8;
	[tilespmem:$0x1E000] =	vst v63  }
0x136: {  	_ =	swait.ge [sflag:s31], $0x4000  }
0x137: {  	[sflag:s31] =	ssyncset.done $0x0  }
0x138: {  	s13 =	sor.u32 $0x14680, s23;
	[sflag:s31] =	ssyncadd.s32 $0xFFFFC000  }
0x139: {  	[tilespmem:s26], [sflag:$0x2] =	stream.indirect.gather [hbm4b:s5+s25], $0x80, s13, s25, $0xb8;
	[tilespmem:$0x1E000] =	vst v63  }
0x13a: {  	_ =	swait.ge [sflag:s28], $0x4000  }
0x13b: {  	[sflag:s28] =	ssyncset.done $0x0  }
0x13c: {  	s13 =	sor.u32 $0x15600, s23;
	[sflag:s28] =	ssyncadd.s32 $0xFFFFC000  }
0x13d: {  	[spmem:s2] =	stream.indirect.scatter.add.f32 [tilespmem:s21], [sflag:$0x3], $0x80, s13, s25, $0xb8;
	[tilespmem:$0x1E000] =	vst v63  }
0x13e: {  	_ =	swait.ge [sflag:s29], $0x4000  }
0x13f: {  	[sflag:s29] =	ssyncset.done $0x0  }
0x140: {  	s13 =	sor.u32 $0x14700, s23;
	[sflag:s29] =	ssyncadd.s32 $0xFFFFC000  }
0x141: {  	[tilespmem:s21], [sflag:$0x1] =	stream.indirect.gather [hbm4b:s5+s25], $0x80, s13, s25, $0xb8;
	[tilespmem:$0x1E000] =	vst v63  }
0x142: {  	_ =	swait.ge [sflag:s30], $0x4000  }
0x143: {  	[sflag:s30] =	ssyncset.done $0x0  }
0x144: {  	s13 =	sor.u32 $0x15680, s23;
	[sflag:s30] =	ssyncadd.s32 $0xFFFFC000  }
0x145: {  	[spmem:s2] =	stream.indirect.scatter.add.f32 [tilespmem:s26], [sflag:$0x4], $0x80, s13, s25, $0xb8;
	[tilespmem:$0x1E000] =	vst v63  }
0x146: {  	_ =	swait.ge [sflag:s31], $0x4000  }
0x147: {  	[sflag:s31] =	ssyncset.done $0x0  }
0x148: {  	s13 =	sor.u32 $0x14780, s23;
	[sflag:s31] =	ssyncadd.s32 $0xFFFFC000  }
0x149: {  	[tilespmem:s26], [sflag:$0x2] =	stream.indirect.gather [hbm4b:s5+s25], $0x80, s13, s25, $0xb8;
	[tilespmem:$0x1E000] =	vst v63  }
0x14a: {  	_ =	swait.ge [sflag:s28], $0x4000  }
0x14b: {  	[sflag:s28] =	ssyncset.done $0x0  }
0x14c: {  	s13 =	sor.u32 $0x15700, s23;
	[sflag:s28] =	ssyncadd.s32 $0xFFFFC000  }
0x14d: {  	[spmem:s2] =	stream.indirect.scatter.add.f32 [tilespmem:s21], [sflag:$0x3], $0x80, s13, s25, $0xb8;
	[tilespmem:$0x1E000] =	vst v63  }
0x14e: {  	_ =	swait.ge [sflag:s30], $0x4000  }
0x14f: {  	[sflag:s30] =	ssyncset.done $0x0  }
0x150: {  	s13 =	sor.u32 $0x15780, s23;
	[sflag:s30] =	ssyncadd.s32 $0xFFFFC000  }
0x151: {  	[spmem:s2] =	stream.indirect.scatter.add.f32 [tilespmem:s26], [sflag:$0x4], $0x80, s13, s25, $0xb8;
	[tilespmem:$0x1E000] =	vst v63  }
0x152: {  	_ =	swait.ge [sflag:s29], $0x4000  }
0x153: {  	[sflag:s29] =	ssyncset.done $0x0  }
0x154: {  	[sflag:s29] =	ssyncadd.s32 $0xFFFFC000  }
0x155: {  	_ =	swait.ge [sflag:s31], $0x4000  }
0x156: {  	[sflag:s31] =	ssyncset.done $0x0  }
0x157: {  	[sflag:s31] =	ssyncadd.s32 $0xFFFFC000  }
.Ltmp1:
0x158: {  	_ =	swait.ge [sflag:s0], $0x800;
	(pc) =	sbr.rel @p0 .LBB2_4-.Ltmp1, $4  }
0x159: {  	s13 =	smin.u32 s14, $0x4;
	[sflag:s0] =	ssyncset.done $0x0  }
0x15a: {  	s24 =	sadd.s32 $0x800, s24;
	s13 =	sshll.u32 s13, $0xB;
	[sflag:s0] =	ssyncadd.s32 $0xFFFFF800  }
0x15b: {  	s23 =	sand.u32 $0x800, s24;
	s13 =	sadd.s32 s10, s13;
	_ =	swait.ge [sflag:s0], $0x800  }
0x15c: {  	s16 =	sshrl.u32 s13, $0x3;
	s13 =	smov.u32 s15;
	[sflag:s0] =	ssyncset.done $0x0  }
0x15d: {  	s13 =	sxor.u32 $0x14800, s23;
	s14 =	sadd.s32 s1, s16;
	[sflag:s0] =	ssyncadd.s32 $0xFFFFF800  }
0x15e: {  	[tilespmem:s13], [sflag:$0x5] =	stream.linear.gather [hbm4b:s14+s3], $0x800, $0x38;
	[tilespmem:$0x1E000] =	vst v63  }
0x15f: {  	s17 =	sxor.u32 $0x15800, s23;
	s24 =	sadd.s32 s6, s16  }
0x160: {  	[tilespmem:s17], [sflag:$0x5] =	stream.linear.gather [hbm4b:s24+s3], $0x800, $0x38;
	[tilespmem:$0x1E000] =	vst v63  }
0x161: {  	s15 =	sor.u32 $0x14000, s23  }
0x162: {  	[tilespmem:s21], [sflag:$0x1] =	stream.indirect.gather [hbm4b:s5+s25], $0x80, s15, s25, $0xb8;
	[tilespmem:$0x1E000] =	vst v63  }
0x163: {  	s16 =	sor.u32 $0x14080, s23  }
0x164: {  	[tilespmem:s26], [sflag:$0x2] =	stream.indirect.gather [hbm4b:s5+s25], $0x80, s16, s25, $0xb8;
	[tilespmem:$0x1E000] =	vst v63  }
0x165: {  	_ =	swait.ge [sflag:s28], $0x4000  }
0x166: {  	[sflag:s28] =	ssyncset.done $0x0  }
0x167: {  	s17 =	sor.u32 $0x15000, s23;
	[sflag:s28] =	ssyncadd.s32 $0xFFFFC000  }
0x168: {  	[spmem:s2] =	stream.indirect.scatter.add.f32 [tilespmem:s21], [sflag:$0x3], $0x80, s17, s25, $0xb8;
	[tilespmem:$0x1E000] =	vst v63  }
0x169: {  	_ =	swait.ge [sflag:s29], $0x4000  }
0x16a: {  	[sflag:s29] =	ssyncset.done $0x0  }
0x16b: {  	s24 =	sor.u32 $0x14100, s23;
	[sflag:s29] =	ssyncadd.s32 $0xFFFFC000  }
0x16c: {  	[tilespmem:s21], [sflag:$0x1] =	stream.indirect.gather [hbm4b:s5+s25], $0x80, s24, s25, $0xb8;
	[tilespmem:$0x1E000] =	vst v63  }
0x16d: {  	_ =	swait.ge [sflag:s30], $0x4000  }
0x16e: {  	[sflag:s30] =	ssyncset.done $0x0  }
0x16f: {  	s14 =	sor.u32 $0x15080, s23;
	[sflag:s30] =	ssyncadd.s32 $0xFFFFC000  }
0x170: {  	[spmem:s2] =	stream.indirect.scatter.add.f32 [tilespmem:s26], [sflag:$0x4], $0x80, s14, s25, $0xb8;
	[tilespmem:$0x1E000] =	vst v63  }
0x171: {  	_ =	swait.ge [sflag:s31], $0x4000  }
0x172: {  	[sflag:s31] =	ssyncset.done $0x0  }
0x173: {  	s15 =	sor.u32 $0x14180, s23;
	[sflag:s31] =	ssyncadd.s32 $0xFFFFC000  }
0x174: {  	[tilespmem:s26], [sflag:$0x2] =	stream.indirect.gather [hbm4b:s5+s25], $0x80, s15, s25, $0xb8;
	[tilespmem:$0x1E000] =	vst v63  }
0x175: {  	_ =	swait.ge [sflag:s28], $0x4000  }
0x176: {  	[sflag:s28] =	ssyncset.done $0x0  }
0x177: {  	s16 =	sor.u32 $0x15100, s23;
	[sflag:s28] =	ssyncadd.s32 $0xFFFFC000  }
0x178: {  	[spmem:s2] =	stream.indirect.scatter.add.f32 [tilespmem:s21], [sflag:$0x3], $0x80, s16, s25, $0xb8;
	[tilespmem:$0x1E000] =	vst v63  }
0x179: {  	_ =	swait.ge [sflag:s29], $0x4000  }
0x17a: {  	[sflag:s29] =	ssyncset.done $0x0  }
0x17b: {  	s17 =	sor.u32 $0x14200, s23;
	[sflag:s29] =	ssyncadd.s32 $0xFFFFC000  }
0x17c: {  	[tilespmem:s21], [sflag:$0x1] =	stream.indirect.gather [hbm4b:s5+s25], $0x80, s17, s25, $0xb8;
	[tilespmem:$0x1E000] =	vst v63  }
0x17d: {  	_ =	swait.ge [sflag:s30], $0x4000  }
0x17e: {  	[sflag:s30] =	ssyncset.done $0x0  }
0x17f: {  	s24 =	sor.u32 $0x15180, s23;
	[sflag:s30] =	ssyncadd.s32 $0xFFFFC000  }
0x180: {  	[spmem:s2] =	stream.indirect.scatter.add.f32 [tilespmem:s26], [sflag:$0x4], $0x80, s24, s25, $0xb8;
	[tilespmem:$0x1E000] =	vst v63  }
0x181: {  	_ =	swait.ge [sflag:s31], $0x4000  }
0x182: {  	[sflag:s31] =	ssyncset.done $0x0  }
0x183: {  	s14 =	sor.u32 $0x14280, s23;
	[sflag:s31] =	ssyncadd.s32 $0xFFFFC000  }
0x184: {  	[tilespmem:s26], [sflag:$0x2] =	stream.indirect.gather [hbm4b:s5+s25], $0x80, s14, s25, $0xb8;
	[tilespmem:$0x1E000] =	vst v63  }
0x185: {  	_ =	swait.ge [sflag:s28], $0x4000  }
0x186: {  	[sflag:s28] =	ssyncset.done $0x0  }
0x187: {  	s15 =	sor.u32 $0x15200, s23;
	[sflag:s28] =	ssyncadd.s32 $0xFFFFC000  }
0x188: {  	[spmem:s2] =	stream.indirect.scatter.add.f32 [tilespmem:s21], [sflag:$0x3], $0x80, s15, s25, $0xb8;
	[tilespmem:$0x1E000] =	vst v63  }
0x189: {  	_ =	swait.ge [sflag:s29], $0x4000  }
0x18a: {  	[sflag:s29] =	ssyncset.done $0x0  }
0x18b: {  	s16 =	sor.u32 $0x14300, s23;
	[sflag:s29] =	ssyncadd.s32 $0xFFFFC000  }
0x18c: {  	[tilespmem:s21], [sflag:$0x1] =	stream.indirect.gather [hbm4b:s5+s25], $0x80, s16, s25, $0xb8;
	[tilespmem:$0x1E000] =	vst v63  }
0x18d: {  	_ =	swait.ge [sflag:s30], $0x4000  }
0x18e: {  	[sflag:s30] =	ssyncset.done $0x0  }
0x18f: {  	s17 =	sor.u32 $0x15280, s23;
	[sflag:s30] =	ssyncadd.s32 $0xFFFFC000  }
0x190: {  	[spmem:s2] =	stream.indirect.scatter.add.f32 [tilespmem:s26], [sflag:$0x4], $0x80, s17, s25, $0xb8;
	[tilespmem:$0x1E000] =	vst v63  }
0x191: {  	_ =	swait.ge [sflag:s31], $0x4000  }
0x192: {  	[sflag:s31] =	ssyncset.done $0x0  }
0x193: {  	s24 =	sor.u32 $0x14380, s23;
	[sflag:s31] =	ssyncadd.s32 $0xFFFFC000  }
0x194: {  	[tilespmem:s26], [sflag:$0x2] =	stream.indirect.gather [hbm4b:s5+s25], $0x80, s24, s25, $0xb8;
	[tilespmem:$0x1E000] =	vst v63  }
0x195: {  	_ =	swait.ge [sflag:s28], $0x4000  }
0x196: {  	[sflag:s28] =	ssyncset.done $0x0  }
0x197: {  	s14 =	sor.u32 $0x15300, s23;
	[sflag:s28] =	ssyncadd.s32 $0xFFFFC000  }
0x198: {  	[spmem:s2] =	stream.indirect.scatter.add.f32 [tilespmem:s21], [sflag:$0x3], $0x80, s14, s25, $0xb8;
	[tilespmem:$0x1E000] =	vst v63  }
0x199: {  	_ =	swait.ge [sflag:s29], $0x4000  }
0x19a: {  	[sflag:s29] =	ssyncset.done $0x0  }
0x19b: {  	s15 =	sor.u32 $0x14400, s23;
	[sflag:s29] =	ssyncadd.s32 $0xFFFFC000  }
0x19c: {  	[tilespmem:s21], [sflag:$0x1] =	stream.indirect.gather [hbm4b:s5+s25], $0x80, s15, s25, $0xb8;
	[tilespmem:$0x1E000] =	vst v63  }
0x19d: {  	_ =	swait.ge [sflag:s30], $0x4000  }
0x19e: {  	[sflag:s30] =	ssyncset.done $0x0  }
0x19f: {  	s16 =	sor.u32 $0x15380, s23;
	[sflag:s30] =	ssyncadd.s32 $0xFFFFC000  }
0x1a0: {  	[spmem:s2] =	stream.indirect.scatter.add.f32 [tilespmem:s26], [sflag:$0x4], $0x80, s16, s25, $0xb8;
	[tilespmem:$0x1E000] =	vst v63  }
0x1a1: {  	_ =	swait.ge [sflag:s31], $0x4000  }
0x1a2: {  	[sflag:s31] =	ssyncset.done $0x0  }
0x1a3: {  	s17 =	sor.u32 $0x14480, s23;
	[sflag:s31] =	ssyncadd.s32 $0xFFFFC000  }
0x1a4: {  	[tilespmem:s26], [sflag:$0x2] =	stream.indirect.gather [hbm4b:s5+s25], $0x80, s17, s25, $0xb8;
	[tilespmem:$0x1E000] =	vst v63  }
0x1a5: {  	_ =	swait.ge [sflag:s28], $0x4000  }
0x1a6: {  	[sflag:s28] =	ssyncset.done $0x0  }
0x1a7: {  	s24 =	sor.u32 $0x15400, s23;
	[sflag:s28] =	ssyncadd.s32 $0xFFFFC000  }
0x1a8: {  	[spmem:s2] =	stream.indirect.scatter.add.f32 [tilespmem:s21], [sflag:$0x3], $0x80, s24, s25, $0xb8;
	[tilespmem:$0x1E000] =	vst v63  }
0x1a9: {  	_ =	swait.ge [sflag:s29], $0x4000  }
0x1aa: {  	[sflag:s29] =	ssyncset.done $0x0  }
0x1ab: {  	s14 =	sor.u32 $0x14500, s23;
	[sflag:s29] =	ssyncadd.s32 $0xFFFFC000  }
0x1ac: {  	[tilespmem:s21], [sflag:$0x1] =	stream.indirect.gather [hbm4b:s5+s25], $0x80, s14, s25, $0xb8;
	[tilespmem:$0x1E000] =	vst v63  }
0x1ad: {  	_ =	swait.ge [sflag:s30], $0x4000  }
0x1ae: {  	[sflag:s30] =	ssyncset.done $0x0  }
0x1af: {  	s15 =	sor.u32 $0x15480, s23;
	[sflag:s30] =	ssyncadd.s32 $0xFFFFC000  }
0x1b0: {  	[spmem:s2] =	stream.indirect.scatter.add.f32 [tilespmem:s26], [sflag:$0x4], $0x80, s15, s25, $0xb8;
	[tilespmem:$0x1E000] =	vst v63  }
0x1b1: {  	_ =	swait.ge [sflag:s31], $0x4000  }
0x1b2: {  	[sflag:s31] =	ssyncset.done $0x0  }
0x1b3: {  	s16 =	sor.u32 $0x14580, s23;
	[sflag:s31] =	ssyncadd.s32 $0xFFFFC000  }
0x1b4: {  	[tilespmem:s26], [sflag:$0x2] =	stream.indirect.gather [hbm4b:s5+s25], $0x80, s16, s25, $0xb8;
	[tilespmem:$0x1E000] =	vst v63  }
0x1b5: {  	_ =	swait.ge [sflag:s28], $0x4000  }
0x1b6: {  	[sflag:s28] =	ssyncset.done $0x0  }
0x1b7: {  	s17 =	sor.u32 $0x15500, s23;
	[sflag:s28] =	ssyncadd.s32 $0xFFFFC000  }
0x1b8: {  	[spmem:s2] =	stream.indirect.scatter.add.f32 [tilespmem:s21], [sflag:$0x3], $0x80, s17, s25, $0xb8;
	[tilespmem:$0x1E000] =	vst v63  }
0x1b9: {  	_ =	swait.ge [sflag:s29], $0x4000  }
0x1ba: {  	[sflag:s29] =	ssyncset.done $0x0  }
0x1bb: {  	s24 =	sor.u32 $0x14600, s23;
	[sflag:s29] =	ssyncadd.s32 $0xFFFFC000  }
0x1bc: {  	[tilespmem:s21], [sflag:$0x1] =	stream.indirect.gather [hbm4b:s5+s25], $0x80, s24, s25, $0xb8;
	[tilespmem:$0x1E000] =	vst v63  }
0x1bd: {  	_ =	swait.ge [sflag:s30], $0x4000  }
0x1be: {  	[sflag:s30] =	ssyncset.done $0x0  }
0x1bf: {  	s14 =	sor.u32 $0x15580, s23;
	[sflag:s30] =	ssyncadd.s32 $0xFFFFC000  }
0x1c0: {  	[spmem:s2] =	stream.indirect.scatter.add.f32 [tilespmem:s26], [sflag:$0x4], $0x80, s14, s25, $0xb8;
	[tilespmem:$0x1E000] =	vst v63  }
0x1c1: {  	_ =	swait.ge [sflag:s31], $0x4000  }
0x1c2: {  	[sflag:s31] =	ssyncset.done $0x0  }
0x1c3: {  	s15 =	sor.u32 $0x14680, s23;
	[sflag:s31] =	ssyncadd.s32 $0xFFFFC000  }
0x1c4: {  	[tilespmem:s26], [sflag:$0x2] =	stream.indirect.gather [hbm4b:s5+s25], $0x80, s15, s25, $0xb8;
	[tilespmem:$0x1E000] =	vst v63  }
0x1c5: {  	_ =	swait.ge [sflag:s28], $0x4000  }
0x1c6: {  	[sflag:s28] =	ssyncset.done $0x0  }
0x1c7: {  	s16 =	sor.u32 $0x15600, s23;
	[sflag:s28] =	ssyncadd.s32 $0xFFFFC000  }
0x1c8: {  	[spmem:s2] =	stream.indirect.scatter.add.f32 [tilespmem:s21], [sflag:$0x3], $0x80, s16, s25, $0xb8;
	[tilespmem:$0x1E000] =	vst v63  }
0x1c9: {  	_ =	swait.ge [sflag:s29], $0x4000  }
0x1ca: {  	[sflag:s29] =	ssyncset.done $0x0  }
0x1cb: {  	s17 =	sor.u32 $0x14700, s23;
	[sflag:s29] =	ssyncadd.s32 $0xFFFFC000  }
0x1cc: {  	[tilespmem:s21], [sflag:$0x1] =	stream.indirect.gather [hbm4b:s5+s25], $0x80, s17, s25, $0xb8;
	[tilespmem:$0x1E000] =	vst v63  }
0x1cd: {  	_ =	swait.ge [sflag:s30], $0x4000  }
0x1ce: {  	[sflag:s30] =	ssyncset.done $0x0  }
0x1cf: {  	s24 =	sor.u32 $0x15680, s23;
	[sflag:s30] =	ssyncadd.s32 $0xFFFFC000  }
0x1d0: {  	[spmem:s2] =	stream.indirect.scatter.add.f32 [tilespmem:s26], [sflag:$0x4], $0x80, s24, s25, $0xb8;
	[tilespmem:$0x1E000] =	vst v63  }
0x1d1: {  	_ =	swait.ge [sflag:s31], $0x4000  }
0x1d2: {  	[sflag:s31] =	ssyncset.done $0x0  }
0x1d3: {  	s14 =	sor.u32 $0x14780, s23;
	[sflag:s31] =	ssyncadd.s32 $0xFFFFC000  }
0x1d4: {  	[tilespmem:s26], [sflag:$0x2] =	stream.indirect.gather [hbm4b:s5+s25], $0x80, s14, s25, $0xb8;
	[tilespmem:$0x1E000] =	vst v63  }
0x1d5: {  	_ =	swait.ge [sflag:s28], $0x4000  }
0x1d6: {  	[sflag:s28] =	ssyncset.done $0x0  }
0x1d7: {  	s15 =	sor.u32 $0x15700, s23;
	[sflag:s28] =	ssyncadd.s32 $0xFFFFC000  }
0x1d8: {  	[spmem:s2] =	stream.indirect.scatter.add.f32 [tilespmem:s21], [sflag:$0x3], $0x80, s15, s25, $0xb8;
	[tilespmem:$0x1E000] =	vst v63  }
0x1d9: {  	_ =	swait.ge [sflag:s30], $0x4000  }
0x1da: {  	[sflag:s30] =	ssyncset.done $0x0  }
0x1db: {  	s16 =	sor.u32 $0x15780, s23;
	[sflag:s30] =	ssyncadd.s32 $0xFFFFC000  }
0x1dc: {  	[spmem:s2] =	stream.indirect.scatter.add.f32 [tilespmem:s26], [sflag:$0x4], $0x80, s16, s25, $0xb8;
	[tilespmem:$0x1E000] =	vst v63  }
0x1dd: {  	_ =	swait.ge [sflag:s29], $0x4000  }
0x1de: {  	[sflag:s29] =	ssyncset.done $0x0  }
0x1df: {  	[sflag:s29] =	ssyncadd.s32 $0xFFFFC000  }
0x1e0: {  	_ =	swait.ge [sflag:s31], $0x4000  }
0x1e1: {  	[sflag:s31] =	ssyncset.done $0x0  }
0x1e2: {  	[sflag:s31] =	ssyncadd.s32 $0xFFFFC000  }
0x1e3: {  	_ =	swait.ge [sflag:s0], $0x800  }
0x1e4: {  	[sflag:s0] =	ssyncset.done $0x0  }
0x1e5: {  	[sflag:s0] =	ssyncadd.s32 $0xFFFFF800  }
0x1e6: {  	_ =	swait.ge [sflag:s0], $0x800  }
0x1e7: {  	[sflag:s0] =	ssyncset.done $0x0  }
0x1e8: {  	[sflag:s0] =	ssyncadd.s32 $0xFFFFF800  }
0x1e9: {  	[bflag:$0x0] =	sbarrier.arrive $0xFFFF  }
0x1ea: {  	[tilespmem:s21], [sflag:$0x6] =	stream.linear.gather [spmem:s7], $0x4000, $0x38;
	[tilespmem:$0x1E000] =	vst v63  }
0x1eb: {  	_ =	swait.ge [sflag:s22], $0x4000  }
0x1ec: {  	[sflag:s22] =	ssyncset.done $0x0  }
0x1ed: {  	s17 =	rddreg [dreg:$0x6];
	[sflag:s22] =	ssyncadd.s32 $0xFFFFC000  }
0x1ee: {  	[hbm4b:s17+s3] =	stream.linear.scatter [tilespmem:s21], [sflag:$0x6], $0x4000, $0x38;
	[tilespmem:$0x1E000] =	vst v63  }
0x1ef: {  	_ =	swait.ge [sflag:s22], $0x4000  }
0x1f0: {  	[sflag:s22] =	ssyncset.done $0x0  }
0x1f1: {  	[sflag:s22] =	ssyncadd.s32 $0xFFFFC000  }
0x1f2: {  	[tilespmem:s21], [sflag:$0x6] =	stream.linear.gather [spmem:s8], $0x4000, $0x38;
	[tilespmem:$0x1E000] =	vst v63  }
0x1f3: {  	_ =	swait.ge [sflag:s22], $0x4000  }
0x1f4: {  	[sflag:s22] =	ssyncset.done $0x0  }
0x1f5: {  	s23 =	rddreg [dreg:$0x7];
	[sflag:s22] =	ssyncadd.s32 $0xFFFFC000  }
0x1f6: {  	[hbm4b:s23+s3] =	stream.linear.scatter [tilespmem:s21], [sflag:$0x6], $0x4000, $0x38;
	[tilespmem:$0x1E000] =	vst v63  }
0x1f7: {  	_ =	swait.ge [sflag:s22], $0x4000  }
0x1f8: {  	[sflag:s22] =	ssyncset.done $0x0  }
0x1f9: {  	[sflag:s22] =	ssyncadd.s32 $0xFFFFC000  }
0x1fa: {  	[tilespmem:s21], [sflag:$0x6] =	stream.linear.gather [spmem:s9], $0x4000, $0x38;
	[tilespmem:$0x1E000] =	vst v63  }
0x1fb: {  	_ =	swait.ge [sflag:s22], $0x4000  }
0x1fc: {  	[sflag:s22] =	ssyncset.done $0x0  }
0x1fd: {  	s24 =	rddreg [dreg:$0x8];
	[sflag:s22] =	ssyncadd.s32 $0xFFFFC000  }
0x1fe: {  	[hbm4b:s24+s3] =	stream.linear.scatter [tilespmem:s21], [sflag:$0x6], $0x4000, $0x38;
	[tilespmem:$0x1E000] =	vst v63  }
0x1ff: {  	_ =	swait.ge [sflag:s22], $0x4000  }
0x200: {  	[sflag:s22] =	ssyncset.done $0x0  }
0x201: {  	[sflag:s22] =	ssyncadd.s32 $0xFFFFC000  }
0x202: {  	[tilespmem:s21], [sflag:$0x6] =	stream.linear.gather [spmem:s11], $0x4000, $0x38;
	[tilespmem:$0x1E000] =	vst v63  }
0x203: {  	_ =	swait.ge [sflag:s22], $0x4000  }
0x204: {  	[sflag:s22] =	ssyncset.done $0x0  }
0x205: {  	[sflag:s22] =	ssyncadd.s32 $0xFFFFC000  }
0x206: {  	[hbm4b:s18+s3] =	stream.linear.scatter [tilespmem:s21], [sflag:$0x6], $0x4000, $0x38;
	[tilespmem:$0x1E000] =	vst v63  }
0x207: {  	_ =	swait.ge [sflag:s22], $0x4000  }
0x208: {  	[sflag:s22] =	ssyncset.done $0x0  }
0x209: {  	[sflag:s22] =	ssyncadd.s32 $0xFFFFC000  }
0x20a: {  	[tilespmem:s21], [sflag:$0x6] =	stream.linear.gather [spmem:s12], $0x4000, $0x38;
	[tilespmem:$0x1E000] =	vst v63  }
0x20b: {  	s4 =	sadd.s32 $0x1, s4;
	_ =	swait.ge [sflag:s22], $0x4000  }
0x20c: {  	p0 =	sne.s32 s4, s20;
	[sflag:s22] =	ssyncset.done $0x0  }
.Ltmp2:
0x20d: {  	[sflag:s22] =	ssyncadd.s32 $0xFFFFC000;
	(pc) =	sbr.rel @p0 .LBB2_1-.Ltmp2, $4  }
0x20e: {  	[hbm4b:s19+s3] =	stream.linear.scatter [tilespmem:s21], [sflag:$0x6], $0x4000, $0x38;
	[tilespmem:$0x1E000] =	vst v63  }
0x20f: {  	_ =	swait.ge [sflag:s22], $0x4000  }
0x210: {  	[sflag:s22] =	ssyncset.done $0x0  }
0x211: {  	[sflag:s22] =	ssyncadd.s32 $0xFFFFC000  }
0x212: {  	_ =	sfence.sel $0x180000  }
0x213: {  	[bflag:$0x0] =	sbarrier.arrive $0xFFFF  }
0x214: {  	_ =	strace $0x9000004D  }
0x215: {  	s0 =	stileid.u32;
	[bflag:$0x2] =	sbarrier.arrive $0xFFFF  }
0x216: {  	p0 =	sne.s32 s0, $0x0;
	s0 =	rddreg [dreg:$0x3]  }
0x217: {  	s0 =	sadd.s32 @!p0 $0x100000, s0  }
0x218: {  	[sflag:s0] =	ssyncadd.tile.s32 @!p0 $0x1;
	_ =	shalt  }
.Lfunc_end2:
_tile_overlayer_lowered:
.L_overlay_start_2:
0x219: {  	(tag) =	ssettag $0x2  }
0x21a: {  	s0 =	rddreg [dreg:$0x0];
	s2 =	stileid.u32  }
0x21b: {  	s1 =	rddreg [dreg:$0x1];
	p0 =	sne.s32 s2, $0x0  }
0x21c: {  	s3 =	rddreg [dreg:$0x2];
	[bflag:$0x3] =	sbarrier.arrive $0xFFFF;
	s2 =	simm.s32 @!p0 $0x1C06  }
0x21d: {  	[timem:s3], [sflag:s2] =	dma.local @!p0 [hbm:s0], s1  }
0x21e: {  	s0 =	simm.s32 @!p0 $0x6  }
0x21f: {  	_ =	swait.ge @!p0 [sflag:s0], s1  }
0x220: {  	s1 =	ssub.s32 @!p0 $0x0, s1;
	[sflag:s0] =	ssyncset.done @!p0 $0x0  }
0x221: {  	[sflag:s0] =	ssyncadd.s32 @!p0 s1  }
0x222: {  	[bflag:$0x3] =	sbarrier.arrive $0xFFFF  }
0x223: {  	_ =	shalt  }

// kernel: kernel.9.cloned.1.call-start
scs
__scs_entry_jumppad:
0x0: {  	(pc) =	sbr.rel $0x88, $3  }
0x1: {  	(tag) =	ssettag $0x0;
	lr =	simm.s32 $0x1  }
0x2: {  	[smem:$0x3F99] =	sst lr;
	_ =	strace $0xD0000000  }
0x3: {  	_ = 	snop  }
0x4: {  	_ = 	snop  }
0x5: {  	_ = 	snop  }
0x6: {  	_ = 	snop  }
0x7: {  	_ = 	snop  }
__scs_overlays_trampoline_lowered:
0x8: {  	[smem:$0x3FA8] =	sst s0  }
0x9: {  	[smem:$0x3FA9] =	sst s1  }
0xa: {  	[smem:$0x3FAA] =	sst s2  }
0xb: {  	[smem:$0x3FAB] =	sst s3  }
0xc: {  	[smem:$0x3FAC] =	sst s4  }
0xd: {  	[smem:$0x3FAD] =	sst s5  }
0xe: {  	[smem:$0x3FAE] =	sst s6  }
0xf: {  	[smem:$0x3FAF] =	sst s7  }
0x10: {  	[smem:$0x3FB0] =	sst s8  }
0x11: {  	[smem:$0x3FB1] =	sst s9;
	s0 =	simm.s32 @!p0 $0x0  }
0x12: {  	s1 =	sld [smem:$0x3F97];
	s0 =	simm.s32 @p0 $0x1  }
0x13: {  	[smem:$0x3FB2] =	sst s0;
	s0 =	simm.s32 @!p1 $0x0  }
0x14: {  	s2 =	sld [smem:$0x3F96];
	s0 =	simm.s32 @p1 $0x1  }
0x15: {  	[smem:$0x3FB3] =	sst s0;
	s0 =	simm.s32 @!p2 $0x0  }
0x16: {  	s3 =	sld [smem:$0x3FDB];
	s0 =	simm.s32 @p2 $0x1  }
0x17: {  	s4 =	simm.s32 $0x1BF5;
	[smem:$0x3FB5] =	sst s0  }
0x18: {  	s0 =	sld [smem:$0x3F98];
	_ =	swait.ge [sflag:s4], $0x0  }
0x19: {  	s7 =	sld [smem:$0x3F99]  }
0x1a: {  	s8 =	sadd.s32 $0xFFFFE003, lr  }
0x1b: {  	s9 =	sadd.s32 $0xFFFFFEF7, lr;
	s5 =	simm.s32 $0xFFFFFFFF;
	p2 =	slt.u32 s8, $0xFFFFF086  }
0x1c: {  	p1 =	slt.u32 s9, $0xF7A;
	s5 =	simm.s32 @!p2 $0x0  }
0x1d: {  	s5 =	simm.s32 @p1 $0x1;
	p0 =	seq.s32 s7, s2  }
0x1e: {  	s7 =	smul.u32 @!p0 $0xF7A, s2;
	p2 =	seq.s32 @!p0 s5, $0x0  }
0x1f: {  	s9 =	smul.u32 $0xF7A, s1;
	s8 =	simm.s32 @!p0 $0x1BF5;
	p2 =	por !p2, p0  }
0x20: {  	[sflag:s8] =	ssyncset.s32 @!p0 $0xFFFFF086;
	s6 =	sadd.s32 @!p0 s3, s7;
	s7 =	simm.s32 @!p0 $0x108  }
0x21: {  	s3 =	sadd.s32 s3, s9;
	s6 =	sadd.s32 @!p0 $0x88, s6;
	s7 =	simm.s32 @p2 $0x1082  }
0x22: {  	[simem:s7], [sflag:s8] =	dma.local @!p0 [hbm:s6], $0xF7A  }
0x23: {  	s9 =	sor.u32 $0xD0000000, s2;
	s6 =	simm.s32 $0x108;
	_ =	swait.ge @!p0 [sflag:s8], $0x0  }
0x24: {  	s3 =	sadd.s32 $0x88, s3;
	s6 =	simm.s32 @!p1 $0x1082;
	[sflag:s4] =	ssyncset.s32 $0xFFFFF086  }
0x25: {  	[simem:s6], [sflag:s4] =	dma.local [hbm:s3], $0xF7A  }
0x26: {  	[smem:$0x3F99] =	sst s1;
	(tag) =	ssettag s2;
	_ =	strace s9  }
0x27: {  	s1 =	sld [smem:$0x3FA9]  }
0x28: {  	s2 =	sld [smem:$0x3FAA]  }
0x29: {  	s4 =	sld [smem:$0x3FAC]  }
0x2a: {  	p0 =	seq.s32 s5, $0x0;
	s5 =	sld [smem:$0x3FAD]  }
0x2b: {  	s6 =	sld [smem:$0x3FAE]  }
0x2c: {  	s7 =	sld [smem:$0x3FAF]  }
0x2d: {  	s3 =	simm.s32 $0x108;
	s8 =	sld [smem:$0x3FB0]  }
0x2e: {  	s3 =	simm.s32 @!p0 $0x1082;
	s9 =	sld [smem:$0x3FB1]  }
0x2f: {  	lr =	sadd.s32 s0, s3;
	s0 =	sld [smem:$0x3FA8]  }
0x30: {  	s3 =	sld [smem:$0x3FAB]  }
0x31: {  	[smem:$0x3FB4] =	sst s10  }
0x32: {  	s10 =	sld [smem:$0x3FB2];
	_ =	sdelay $0x3  }
0x33: {  	p0 =	seq.s32 s10, $0x1;
	s10 =	sld [smem:$0x3FB4];
	_ =	sdelay $0x3  }
0x34: {  	[smem:$0x3FB4] =	sst s10  }
0x35: {  	s10 =	sld [smem:$0x3FB3];
	_ =	sdelay $0x3  }
0x36: {  	p1 =	seq.s32 s10, $0x1;
	s10 =	sld [smem:$0x3FB4];
	_ =	sdelay $0x3  }
0x37: {  	[smem:$0x3FB4] =	sst s10  }
0x38: {  	s10 =	sld [smem:$0x3FB5]  }
0x39: {  	_ = 	snop;
	(pc) =	sbr.ind lr, $3  }
0x3a: {  	_ = 	snop  }
0x3b: {  	_ = 	snop  }
0x3c: {  	p2 =	seq.s32 s10, $0x1;
	s10 =	sld [smem:$0x3FB4]  }
0x3d: {  	_ =	shalt  }
0x3e: {  	_ =	shalt  }
0x3f: {  	_ =	shalt  }
0x40: {  	_ =	shalt  }
0x41: {  	_ =	shalt  }
0x42: {  	_ =	shalt  }
0x43: {  	_ =	shalt  }
0x44: {  	_ =	shalt  }
0x45: {  	_ =	shalt  }
0x46: {  	_ =	shalt  }
0x47: {  	_ =	shalt  }
0x48: {  	_ =	shalt  }
0x49: {  	_ =	shalt  }
0x4a: {  	_ =	shalt  }
0x4b: {  	_ =	shalt  }
0x4c: {  	_ =	shalt  }
0x4d: {  	_ =	shalt  }
0x4e: {  	_ =	shalt  }
0x4f: {  	_ =	shalt  }
0x50: {  	_ =	shalt  }
0x51: {  	_ =	shalt  }
0x52: {  	_ =	shalt  }
0x53: {  	_ =	shalt  }
0x54: {  	_ =	shalt  }
0x55: {  	_ =	shalt  }
0x56: {  	_ =	shalt  }
0x57: {  	_ =	shalt  }
0x58: {  	_ =	shalt  }
0x59: {  	_ =	shalt  }
0x5a: {  	_ =	shalt  }
0x5b: {  	_ =	shalt  }
0x5c: {  	_ =	shalt  }
0x5d: {  	_ =	shalt  }
0x5e: {  	_ =	shalt  }
0x5f: {  	_ =	shalt  }
0x60: {  	_ =	shalt  }
0x61: {  	_ =	shalt  }
0x62: {  	_ =	shalt  }
0x63: {  	_ =	shalt  }
0x64: {  	_ =	shalt  }
0x65: {  	_ =	shalt  }
0x66: {  	_ =	shalt  }
0x67: {  	_ =	shalt  }
0x68: {  	_ =	shalt  }
0x69: {  	_ =	shalt  }
0x6a: {  	_ =	shalt  }
0x6b: {  	_ =	shalt  }
0x6c: {  	_ =	shalt  }
0x6d: {  	_ =	shalt  }
0x6e: {  	_ =	shalt  }
0x6f: {  	_ =	shalt  }
0x70: {  	_ =	shalt  }
0x71: {  	_ =	shalt  }
0x72: {  	_ =	shalt  }
0x73: {  	_ =	shalt  }
0x74: {  	_ =	shalt  }
0x75: {  	_ =	shalt  }
0x76: {  	_ =	shalt  }
0x77: {  	_ =	shalt  }
0x78: {  	_ =	shalt  }
0x79: {  	_ =	shalt  }
0x7a: {  	_ =	shalt  }
0x7b: {  	_ =	shalt  }
0x7c: {  	_ =	shalt  }
0x7d: {  	_ =	shalt  }
0x7e: {  	_ =	shalt  }
0x7f: {  	_ =	shalt  }
0x80: {  	_ =	shalt  }
0x81: {  	_ =	shalt  }
0x82: {  	_ =	shalt  }
0x83: {  	_ =	shalt  }
0x84: {  	_ =	shalt  }
0x85: {  	_ =	shalt  }
0x86: {  	_ =	shalt  }
0x87: {  	_ =	shalt  }
.Lfunc_end0:
.L_simem_size_0:
called_computation_lowered:
.L_overlay_start_0:
0x88: {  	s2 =	sld [smem:$0x3FD9]  }
0x89: {  	s3 =	sld [smem:$0x3FFE];
	_ =	sdelay $0x1  }
0x8a: {  	s1 =	srdreg.scid  }
0x8b: {  	s0 =	sand.u32 $0x1, s1  }
0x8c: {  	s16 =	sshll.u32 s0, $0xA;
	s2 =	sadd.s32 s3, s2  }
0x8d: {  	s2 =	sadd.s32 s2, s16  }
0x8e: {  	[smem:$0x3FC0] =	sst s2  }
0x8f: {  	_ = 	snop  }
0x90: {  	(tm) =	ssettm $0x1  }
0x91: {  	s17 =	sld [smem:$0x3FFB];
	_ =	sdelay $0x3  }
0x92: {  	_ =	strace s17  }
0x93: {  	s2 =	sld [smem:$0x3FFC];
	_ =	sdelay $0x3  }
0x94: {  	_ =	strace s2  }
0x95: {  	s2 =	sld [smem:$0x3FFD];
	_ =	sdelay $0x3  }
0x96: {  	_ =	strace s2  }
0x97: {  	_ =	strace $0x8FFFFFFF  }
0x98: {  	s18 =	sld [smem:$0x3FDB];
	_ =	sdelay $0x1  }
0x99: {  	s19 =	simm.s32 $_scs_section_size  }
0x9a: {  	s4 =	simm.s32 $_size__tile_overlayer_lowered;
	s5 =	simm.s32 $_tile_overlayer_lowered  }
0x9b: {  	s22 =	simm.s32 $0x1BFF;
	s21 =	sshll.u32 s5, $0x1;
	s2 =	sadd.s32 s19, s18  }
0x9c: {  	s6 =	simm.s32 $0x0;
	s20 =	sshll.u32 s4, $0x1;
	s4 =	sadd.s32 s21, s2  }
0x9d: {  	[timem:s6], [sflag:s22] =	dma.local [hbm:s4], s20  }
0x9e: {  	_ =	swait.ge [sflag:s22], s20  }
0x9f: {  	s3 =	ssub.s32 $0x0, s20;
	[sflag:s22] =	ssyncset.done $0x0  }
0xa0: {  	[sflag:s22] =	ssyncadd.s32 s3;
	_ =	sdelay $0x1  }
0xa1: {  	s23 =	simm.s32 $0x1B8B  }
0xa2: {  	_ =	swait.ge [sflag:s23], $0x1  }
0xa3: {  	[sflag:s23] =	ssyncset.done $0x0  }
0xa4: {  	s25 =	simm.s32 $0x1B8E;
	s24 =	sld [smem:$0x3FFE];
	[sflag:s23] =	ssyncadd.s32 $0xFFFFFFFF  }
0xa5: {  	s26 =	simm.s32 $execute0_lowered;
	[smem:$0x3FD2] =	sst s25  }
0xa6: {  	s4 =	sshll.u32 s26, $0x1;
	_ =	strace $0x80000046;
	[dreg:$0x1] =	wrdreg $0xFFFFFFFF  }
0xa7: {  	s28 =	simm.s32 $_size_execute0_lowered;
	s2 =	sadd.s32 s2, s4;
	[dreg:$0x0] =	wrdreg $0x0  }
0xa8: {  	s4 =	sshll.u32 s28, $0x1;
	[dreg:$0x2] =	wrdreg s2  }
0xa9: {  	[dreg:$0x3] =	wrdreg s4  }
0xaa: {  	[dreg:$0x4] =	wrdreg $0xC0  }
0xab: {  	_ =	task [dreg:s6], $0x5FFFF  }
0xac: {  	[dreg:$0x1] =	wrdreg $0xFFFFFFFF  }
0xad: {  	[dreg:$0x0] =	wrdreg $0x60  }
0xae: {  	[dreg:$0x2] =	wrdreg s24  }
0xaf: {  	[dreg:$0x3] =	wrdreg $0x0  }
0xb0: {  	[dreg:$0x4] =	wrdreg $0x9  }
0xb1: {  	_ =	task.clear_ibuf [dreg:s6], $0x5FFFF;
	_ =	strace $0x90000046  }
0xb2: {  	s29 =	simm.s32 $0x9;
	_ =	strace $0x80000048  }
0xb3: {  	_ =	swait.ge [sflag:s29], $0x1  }
0xb4: {  	[sflag:s29] =	ssyncadd.s32 $0xFFFFFFFF  }
0xb5: {  	_ =	strace $0x90000048  }
0xb6: {  	_ =	sfence  }
0xb7: {  	s30 =	sld [smem:$0x0];
	_ =	sdelay $0x2  }
0xb8: {  	s31 =	sshll.u32 s1, $0xD;
	s1 =	sshrl.u32 s1, $0x2  }
0xb9: {  	s3 =	sand.u32 $0x4000, s31;
	s1 =	sadd.s32 s1, s30  }
0xba: {  	s0 =	sor.u32 s3, s0;
	s1 =	sshll.u32 s1, $0x11  }
0xbb: {  	s0 =	sor.u32 s1, s0  }
0xbc: {  	s0 =	sadd.s32 $0x8F2B, s0  }
0xbd: {  	[sflag:s0] =	ssyncadd.remote.s32 $0x1  }
0xbe: {  	_ =	sfence.sel $0xFFFF  }
0xbf: {  	[dreg:$0x0] =	wrdreg $0xFFFFFFFF;
	(pc) =	sbr.abs _section_cstart, $3  }
0xc0: {  	[dreg:$0x1] =	wrdreg $0xFFFFFFFF  }
0xc1: {  	_ =	task.clear_ibuf [dreg:s6], $0x2FFFF;
	_ =	strace $0x9FFFFFFF  }
0xc2: {  	(tm) =	ssettm $0x7FFFFFFF  }
0xc3: {  	_ =	shalt  }
tec
execute0_lowered:
.L_overlay_start_1:
0x0: {  	(tag) =	ssettag $0x1  }
0x1: {  	s5 =	rddreg [dreg:$0x0]  }
0x2: {  	s7 =	rddreg [dreg:$0x1]  }
0x3: {  	s0 =	rddreg [dreg:$0x2]  }
0x4: {  	s2 =	simm.s32 $0x0;
	s3 =	srdreg.scid;
	s1 =	stileid.u32  }
0x5: {  	s13 =	simm.s32 $0x1;
	s14 =	simm.s32 $0x80;
	s15 =	simm.s32 $0x400  }
0x6: {  	s16 =	simm.s32 $0x6000;
	s17 =	simm.s32 $0x100;
	s18 =	simm.s32 $0x6280  }
0x7: {  	s19 =	simm.s32 $0x0;
	[smem:$0x7FF] =	sst s2;
	s4 =	sand.u32 $0x1, s3  }
0x8: {  	s6 =	smul.u32 $0x500, s1;
	s3 =	sadd.s32 $0x2800, s5;
	s28 =	sshrl.u32 s1, $0x3  }
0x9: {  	s29 =	smul.u32 $0x5000, s1;
	s31 =	sshll.u32 s1, $0x7;
	_ =	strace $0x80000047  }
0xa: {  	s8 =	sshll.u32 s4, $0x7;
	s9 =	sshll.u32 s4, $0x4;
	s26 =	ssub.s32 $0x2, s4  }
0xb: {  	s6 =	sor.u32 s8, s6;
	s25 =	sor.u32 s1, s9;
	s8 =	smul.u32 $0x50000, s28  }
0xc: {  	s10 =	sshrl.u32 s26, $0x1;
	s12 =	sshrl.u32 s29, $0x2;
	s4 =	smul.u32 $0x2800, s25  }
0xd: {  	s6 =	sshrl.u32 s6, $0x3;
	s9 =	ssub.s32 s26, s10;
	s10 =	sand.u32 $0x380, s31  }
0xe: {  	s11 =	sadd.s32 s6, s5;
	s8 =	sshrl.u32 s8, $0x2;
	s9 =	smax.u32 s9, $0x1  }
0xf: {  	s30 =	sshrl.u32 s4, $0x3;
	s8 =	sadd.s32 s8, s7;
	s7 =	sadd.s32 s12, s7  }
0x10: {  	s12 =	simm.s32 $0x3800;
	s5 =	sadd.s32 s3, s30;
	s6 =	sadd.s32 s10, s8  }
0x11: {  	v0 =	vimm.f32 $0.0e+00;
	v1 =	vimm.f32 $1.000000000e+00;
	s8 =	sadd.s32 $0xC800, s11;
	s10 =	simm.s32 $0x2800;
	s11 =	simm.s32 $0x2  }
.LBB2_1:
0x12: {  	s20 =	simm.s32 $0x40;
	s21 =	simm.s32 $0x0  }
.LBB2_2:
0x13: {  	p0 =	sne.s32 s20, $0x9FC0;
	[tilespmem:s21+$0x3800] =	vst v0;
	s21 =	smov.u32 s20;
	s20 =	sadd.s32 $0x40, s20  }
.Ltmp0:
0x14: {  	(pc) =	sbr.rel @p0 .LBB2_2-.Ltmp0, $2  }
0x15: {  	_ =	sdelay $0x2  }
0x16: {  	s21 =	sshra.s32 s21, $0x2  }
0x17: {  	[tilespmem:s21+$0x3800] =	vst v0;
	s20 =	simm.s32 $0x0  }
0x18: {  	[tilespmem:s10], [sflag:$0x2] =	stream.linear.gather [hbm4b:s5+s20], $0x800, $0x38;
	[tilespmem:$0x6500] =	vst v63  }
0x19: {  	_ =	swait.ge [sflag:s11], $0x800  }
0x1a: {  	[sflag:s11] =	ssyncset.done $0x0  }
0x1b: {  	s21 =	simm.s32 $0x1;
	[sflag:s11] =	ssyncadd.s32 $0xFFFFF800  }
.LBB2_4:
0x1c: {  	s22 =	smin.u32 s21, $0x4  }
0x1d: {  	s22 =	sshll.u32 s22, $0xB  }
0x1e: {  	s23 =	sadd.s32 s4, s22  }
0x1f: {  	s31 =	sand.u32 $0x800, s20;
	s23 =	sshrl.u32 s23, $0x3  }
0x20: {  	s24 =	ssub.s32 $0x3000, s31;
	s23 =	sadd.s32 s3, s23  }
0x21: {  	[tilespmem:s24], [sflag:$0x1] =	stream.linear.gather [hbm4b:s23+s2], $0x800, $0x38;
	[tilespmem:$0x6500] =	vst v63  }
0x22: {  	v2 =	vld [tilespmem:s31+$0x2800];
	_ =	sdelay $0x7  }
0x23: {  	[tilespmem:v2+s12+$0x0] =	vst.idx.add.f32.msk $0xffff, v1  }
0x24: {  	v2 =	vld [tilespmem:s31+$0x2810];
	_ =	sdelay $0x7  }
0x25: {  	[tilespmem:v2+s12+$0x0] =	vst.idx.add.f32.msk $0xffff, v1  }
0x26: {  	v2 =	vld [tilespmem:s31+$0x2820];
	_ =	sdelay $0x7  }
0x27: {  	[tilespmem:v2+s12+$0x0] =	vst.idx.add.f32.msk $0xffff, v1  }
0x28: {  	v2 =	vld [tilespmem:s31+$0x2830];
	_ =	sdelay $0x7  }
0x29: {  	[tilespmem:v2+s12+$0x0] =	vst.idx.add.f32.msk $0xffff, v1  }
0x2a: {  	v2 =	vld [tilespmem:s31+$0x2840];
	_ =	sdelay $0x7  }
0x2b: {  	[tilespmem:v2+s12+$0x0] =	vst.idx.add.f32.msk $0xffff, v1  }
0x2c: {  	v2 =	vld [tilespmem:s31+$0x2850];
	_ =	sdelay $0x7  }
0x2d: {  	[tilespmem:v2+s12+$0x0] =	vst.idx.add.f32.msk $0xffff, v1  }
0x2e: {  	v2 =	vld [tilespmem:s31+$0x2860];
	_ =	sdelay $0x7  }
0x2f: {  	[tilespmem:v2+s12+$0x0] =	vst.idx.add.f32.msk $0xffff, v1  }
0x30: {  	v2 =	vld [tilespmem:s31+$0x2870];
	_ =	sdelay $0x7  }
0x31: {  	[tilespmem:v2+s12+$0x0] =	vst.idx.add.f32.msk $0xffff, v1  }
0x32: {  	v2 =	vld [tilespmem:s31+$0x2880];
	_ =	sdelay $0x7  }
0x33: {  	[tilespmem:v2+s12+$0x0] =	vst.idx.add.f32.msk $0xffff, v1  }
0x34: {  	v2 =	vld [tilespmem:s31+$0x2890];
	_ =	sdelay $0x7  }
0x35: {  	[tilespmem:v2+s12+$0x0] =	vst.idx.add.f32.msk $0xffff, v1  }
0x36: {  	v2 =	vld [tilespmem:s31+$0x28A0];
	_ =	sdelay $0x7  }
0x37: {  	[tilespmem:v2+s12+$0x0] =	vst.idx.add.f32.msk $0xffff, v1  }
0x38: {  	v2 =	vld [tilespmem:s31+$0x28B0];
	_ =	sdelay $0x7  }
0x39: {  	[tilespmem:v2+s12+$0x0] =	vst.idx.add.f32.msk $0xffff, v1  }
0x3a: {  	v2 =	vld [tilespmem:s31+$0x28C0];
	_ =	sdelay $0x7  }
0x3b: {  	[tilespmem:v2+s12+$0x0] =	vst.idx.add.f32.msk $0xffff, v1  }
0x3c: {  	v2 =	vld [tilespmem:s31+$0x28D0];
	_ =	sdelay $0x7  }
0x3d: {  	[tilespmem:v2+s12+$0x0] =	vst.idx.add.f32.msk $0xffff, v1  }
0x3e: {  	v2 =	vld [tilespmem:s31+$0x28E0];
	_ =	sdelay $0x7  }
0x3f: {  	[tilespmem:v2+s12+$0x0] =	vst.idx.add.f32.msk $0xffff, v1  }
0x40: {  	v2 =	vld [tilespmem:s31+$0x28F0];
	_ =	sdelay $0x7  }
0x41: {  	[tilespmem:v2+s12+$0x0] =	vst.idx.add.f32.msk $0xffff, v1  }
0x42: {  	v2 =	vld [tilespmem:s31+$0x2900];
	_ =	sdelay $0x7  }
0x43: {  	[tilespmem:v2+s12+$0x0] =	vst.idx.add.f32.msk $0xffff, v1  }
0x44: {  	v2 =	vld [tilespmem:s31+$0x2910];
	_ =	sdelay $0x7  }
0x45: {  	[tilespmem:v2+s12+$0x0] =	vst.idx.add.f32.msk $0xffff, v1  }
0x46: {  	v2 =	vld [tilespmem:s31+$0x2920];
	_ =	sdelay $0x7  }
0x47: {  	[tilespmem:v2+s12+$0x0] =	vst.idx.add.f32.msk $0xffff, v1  }
0x48: {  	v2 =	vld [tilespmem:s31+$0x2930];
	_ =	sdelay $0x7  }
0x49: {  	[tilespmem:v2+s12+$0x0] =	vst.idx.add.f32.msk $0xffff, v1  }
0x4a: {  	v2 =	vld [tilespmem:s31+$0x2940];
	_ =	sdelay $0x7  }
0x4b: {  	[tilespmem:v2+s12+$0x0] =	vst.idx.add.f32.msk $0xffff, v1  }
0x4c: {  	v2 =	vld [tilespmem:s31+$0x2950];
	_ =	sdelay $0x7  }
0x4d: {  	[tilespmem:v2+s12+$0x0] =	vst.idx.add.f32.msk $0xffff, v1  }
0x4e: {  	v2 =	vld [tilespmem:s31+$0x2960];
	_ =	sdelay $0x7  }
0x4f: {  	[tilespmem:v2+s12+$0x0] =	vst.idx.add.f32.msk $0xffff, v1  }
0x50: {  	v2 =	vld [tilespmem:s31+$0x2970];
	_ =	sdelay $0x7  }
0x51: {  	[tilespmem:v2+s12+$0x0] =	vst.idx.add.f32.msk $0xffff, v1  }
0x52: {  	v2 =	vld [tilespmem:s31+$0x2980];
	_ =	sdelay $0x7  }
0x53: {  	[tilespmem:v2+s12+$0x0] =	vst.idx.add.f32.msk $0xffff, v1  }
0x54: {  	v2 =	vld [tilespmem:s31+$0x2990];
	_ =	sdelay $0x7  }
0x55: {  	[tilespmem:v2+s12+$0x0] =	vst.idx.add.f32.msk $0xffff, v1  }
0x56: {  	v2 =	vld [tilespmem:s31+$0x29A0];
	_ =	sdelay $0x7  }
0x57: {  	[tilespmem:v2+s12+$0x0] =	vst.idx.add.f32.msk $0xffff, v1  }
0x58: {  	v2 =	vld [tilespmem:s31+$0x29B0];
	_ =	sdelay $0x7  }
0x59: {  	[tilespmem:v2+s12+$0x0] =	vst.idx.add.f32.msk $0xffff, v1  }
0x5a: {  	v2 =	vld [tilespmem:s31+$0x29C0];
	_ =	sdelay $0x7  }
0x5b: {  	[tilespmem:v2+s12+$0x0] =	vst.idx.add.f32.msk $0xffff, v1  }
0x5c: {  	v2 =	vld [tilespmem:s31+$0x29D0];
	_ =	sdelay $0x7  }
0x5d: {  	[tilespmem:v2+s12+$0x0] =	vst.idx.add.f32.msk $0xffff, v1  }
0x5e: {  	v2 =	vld [tilespmem:s31+$0x29E0];
	_ =	sdelay $0x7  }
0x5f: {  	[tilespmem:v2+s12+$0x0] =	vst.idx.add.f32.msk $0xffff, v1  }
0x60: {  	v2 =	vld [tilespmem:s31+$0x29F0];
	_ =	sdelay $0x7  }
0x61: {  	[tilespmem:v2+s12+$0x0] =	vst.idx.add.f32.msk $0xffff, v1  }
0x62: {  	v2 =	vld [tilespmem:s31+$0x2A00];
	_ =	sdelay $0x7  }
0x63: {  	[tilespmem:v2+s12+$0x0] =	vst.idx.add.f32.msk $0xffff, v1  }
0x64: {  	v2 =	vld [tilespmem:s31+$0x2A10];
	_ =	sdelay $0x7  }
0x65: {  	[tilespmem:v2+s12+$0x0] =	vst.idx.add.f32.msk $0xffff, v1  }
0x66: {  	v2 =	vld [tilespmem:s31+$0x2A20];
	_ =	sdelay $0x7  }
0x67: {  	[tilespmem:v2+s12+$0x0] =	vst.idx.add.f32.msk $0xffff, v1  }
0x68: {  	v2 =	vld [tilespmem:s31+$0x2A30];
	_ =	sdelay $0x7  }
0x69: {  	[tilespmem:v2+s12+$0x0] =	vst.idx.add.f32.msk $0xffff, v1  }
0x6a: {  	v2 =	vld [tilespmem:s31+$0x2A40];
	_ =	sdelay $0x7  }
0x6b: {  	[tilespmem:v2+s12+$0x0] =	vst.idx.add.f32.msk $0xffff, v1  }
0x6c: {  	v2 =	vld [tilespmem:s31+$0x2A50];
	_ =	sdelay $0x7  }
0x6d: {  	[tilespmem:v2+s12+$0x0] =	vst.idx.add.f32.msk $0xffff, v1  }
0x6e: {  	v2 =	vld [tilespmem:s31+$0x2A60];
	_ =	sdelay $0x7  }
0x6f: {  	[tilespmem:v2+s12+$0x0] =	vst.idx.add.f32.msk $0xffff, v1  }
0x70: {  	v2 =	vld [tilespmem:s31+$0x2A70];
	_ =	sdelay $0x7  }
0x71: {  	[tilespmem:v2+s12+$0x0] =	vst.idx.add.f32.msk $0xffff, v1  }
0x72: {  	v2 =	vld [tilespmem:s31+$0x2A80];
	_ =	sdelay $0x7  }
0x73: {  	[tilespmem:v2+s12+$0x0] =	vst.idx.add.f32.msk $0xffff, v1  }
0x74: {  	v2 =	vld [tilespmem:s31+$0x2A90];
	_ =	sdelay $0x7  }
0x75: {  	[tilespmem:v2+s12+$0x0] =	vst.idx.add.f32.msk $0xffff, v1  }
0x76: {  	v2 =	vld [tilespmem:s31+$0x2AA0];
	_ =	sdelay $0x7  }
0x77: {  	[tilespmem:v2+s12+$0x0] =	vst.idx.add.f32.msk $0xffff, v1  }
0x78: {  	v2 =	vld [tilespmem:s31+$0x2AB0];
	_ =	sdelay $0x7  }
0x79: {  	[tilespmem:v2+s12+$0x0] =	vst.idx.add.f32.msk $0xffff, v1  }
0x7a: {  	v2 =	vld [tilespmem:s31+$0x2AC0];
	_ =	sdelay $0x7  }
0x7b: {  	[tilespmem:v2+s12+$0x0] =	vst.idx.add.f32.msk $0xffff, v1  }
0x7c: {  	v2 =	vld [tilespmem:s31+$0x2AD0];
	_ =	sdelay $0x7  }
0x7d: {  	[tilespmem:v2+s12+$0x0] =	vst.idx.add.f32.msk $0xffff, v1  }
0x7e: {  	v2 =	vld [tilespmem:s31+$0x2AE0];
	_ =	sdelay $0x7  }
0x7f: {  	[tilespmem:v2+s12+$0x0] =	vst.idx.add.f32.msk $0xffff, v1  }
0x80: {  	v2 =	vld [tilespmem:s31+$0x2AF0];
	_ =	sdelay $0x7  }
0x81: {  	[tilespmem:v2+s12+$0x0] =	vst.idx.add.f32.msk $0xffff, v1  }
0x82: {  	v2 =	vld [tilespmem:s31+$0x2B00];
	_ =	sdelay $0x7  }
0x83: {  	[tilespmem:v2+s12+$0x0] =	vst.idx.add.f32.msk $0xffff, v1  }
0x84: {  	v2 =	vld [tilespmem:s31+$0x2B10];
	_ =	sdelay $0x7  }
0x85: {  	[tilespmem:v2+s12+$0x0] =	vst.idx.add.f32.msk $0xffff, v1  }
0x86: {  	v2 =	vld [tilespmem:s31+$0x2B20];
	_ =	sdelay $0x7  }
0x87: {  	[tilespmem:v2+s12+$0x0] =	vst.idx.add.f32.msk $0xffff, v1  }
0x88: {  	v2 =	vld [tilespmem:s31+$0x2B30];
	_ =	sdelay $0x7  }
0x89: {  	[tilespmem:v2+s12+$0x0] =	vst.idx.add.f32.msk $0xffff, v1  }
0x8a: {  	v2 =	vld [tilespmem:s31+$0x2B40];
	_ =	sdelay $0x7  }
0x8b: {  	[tilespmem:v2+s12+$0x0] =	vst.idx.add.f32.msk $0xffff, v1  }
0x8c: {  	v2 =	vld [tilespmem:s31+$0x2B50];
	_ =	sdelay $0x7  }
0x8d: {  	[tilespmem:v2+s12+$0x0] =	vst.idx.add.f32.msk $0xffff, v1  }
0x8e: {  	v2 =	vld [tilespmem:s31+$0x2B60];
	_ =	sdelay $0x7  }
0x8f: {  	[tilespmem:v2+s12+$0x0] =	vst.idx.add.f32.msk $0xffff, v1  }
0x90: {  	v2 =	vld [tilespmem:s31+$0x2B70];
	_ =	sdelay $0x7  }
0x91: {  	[tilespmem:v2+s12+$0x0] =	vst.idx.add.f32.msk $0xffff, v1  }
0x92: {  	v2 =	vld [tilespmem:s31+$0x2B80];
	_ =	sdelay $0x7  }
0x93: {  	[tilespmem:v2+s12+$0x0] =	vst.idx.add.f32.msk $0xffff, v1  }
0x94: {  	v2 =	vld [tilespmem:s31+$0x2B90];
	_ =	sdelay $0x7  }
0x95: {  	[tilespmem:v2+s12+$0x0] =	vst.idx.add.f32.msk $0xffff, v1  }
0x96: {  	v2 =	vld [tilespmem:s31+$0x2BA0];
	_ =	sdelay $0x7  }
0x97: {  	[tilespmem:v2+s12+$0x0] =	vst.idx.add.f32.msk $0xffff, v1  }
0x98: {  	v2 =	vld [tilespmem:s31+$0x2BB0];
	_ =	sdelay $0x7  }
0x99: {  	[tilespmem:v2+s12+$0x0] =	vst.idx.add.f32.msk $0xffff, v1  }
0x9a: {  	v2 =	vld [tilespmem:s31+$0x2BC0];
	_ =	sdelay $0x7  }
0x9b: {  	[tilespmem:v2+s12+$0x0] =	vst.idx.add.f32.msk $0xffff, v1  }
0x9c: {  	v2 =	vld [tilespmem:s31+$0x2BD0];
	_ =	sdelay $0x7  }
0x9d: {  	[tilespmem:v2+s12+$0x0] =	vst.idx.add.f32.msk $0xffff, v1  }
0x9e: {  	v2 =	vld [tilespmem:s31+$0x2BE0];
	_ =	sdelay $0x7  }
0x9f: {  	[tilespmem:v2+s12+$0x0] =	vst.idx.add.f32.msk $0xffff, v1  }
0xa0: {  	v2 =	vld [tilespmem:s31+$0x2BF0];
	_ =	sdelay $0x7  }
0xa1: {  	[tilespmem:v2+s12+$0x0] =	vst.idx.add.f32.msk $0xffff, v1  }
0xa2: {  	v2 =	vld [tilespmem:s31+$0x2C00];
	_ =	sdelay $0x7  }
0xa3: {  	[tilespmem:v2+s12+$0x0] =	vst.idx.add.f32.msk $0xffff, v1  }
0xa4: {  	v2 =	vld [tilespmem:s31+$0x2C10];
	_ =	sdelay $0x7  }
0xa5: {  	[tilespmem:v2+s12+$0x0] =	vst.idx.add.f32.msk $0xffff, v1  }
0xa6: {  	v2 =	vld [tilespmem:s31+$0x2C20];
	_ =	sdelay $0x7  }
0xa7: {  	[tilespmem:v2+s12+$0x0] =	vst.idx.add.f32.msk $0xffff, v1  }
0xa8: {  	v2 =	vld [tilespmem:s31+$0x2C30];
	_ =	sdelay $0x7  }
0xa9: {  	[tilespmem:v2+s12+$0x0] =	vst.idx.add.f32.msk $0xffff, v1  }
0xaa: {  	v2 =	vld [tilespmem:s31+$0x2C40];
	_ =	sdelay $0x7  }
0xab: {  	[tilespmem:v2+s12+$0x0] =	vst.idx.add.f32.msk $0xffff, v1  }
0xac: {  	v2 =	vld [tilespmem:s31+$0x2C50];
	_ =	sdelay $0x7  }
0xad: {  	[tilespmem:v2+s12+$0x0] =	vst.idx.add.f32.msk $0xffff, v1  }
0xae: {  	v2 =	vld [tilespmem:s31+$0x2C60];
	_ =	sdelay $0x7  }
0xaf: {  	[tilespmem:v2+s12+$0x0] =	vst.idx.add.f32.msk $0xffff, v1  }
0xb0: {  	v2 =	vld [tilespmem:s31+$0x2C70];
	_ =	sdelay $0x7  }
0xb1: {  	[tilespmem:v2+s12+$0x0] =	vst.idx.add.f32.msk $0xffff, v1  }
0xb2: {  	v2 =	vld [tilespmem:s31+$0x2C80];
	_ =	sdelay $0x7  }
0xb3: {  	[tilespmem:v2+s12+$0x0] =	vst.idx.add.f32.msk $0xffff, v1  }
0xb4: {  	v2 =	vld [tilespmem:s31+$0x2C90];
	_ =	sdelay $0x7  }
0xb5: {  	[tilespmem:v2+s12+$0x0] =	vst.idx.add.f32.msk $0xffff, v1  }
0xb6: {  	v2 =	vld [tilespmem:s31+$0x2CA0];
	_ =	sdelay $0x7  }
0xb7: {  	[tilespmem:v2+s12+$0x0] =	vst.idx.add.f32.msk $0xffff, v1  }
0xb8: {  	v2 =	vld [tilespmem:s31+$0x2CB0];
	_ =	sdelay $0x7  }
0xb9: {  	[tilespmem:v2+s12+$0x0] =	vst.idx.add.f32.msk $0xffff, v1  }
0xba: {  	v2 =	vld [tilespmem:s31+$0x2CC0];
	_ =	sdelay $0x7  }
0xbb: {  	[tilespmem:v2+s12+$0x0] =	vst.idx.add.f32.msk $0xffff, v1  }
0xbc: {  	v2 =	vld [tilespmem:s31+$0x2CD0];
	_ =	sdelay $0x7  }
0xbd: {  	[tilespmem:v2+s12+$0x0] =	vst.idx.add.f32.msk $0xffff, v1  }
0xbe: {  	v2 =	vld [tilespmem:s31+$0x2CE0];
	_ =	sdelay $0x7  }
0xbf: {  	[tilespmem:v2+s12+$0x0] =	vst.idx.add.f32.msk $0xffff, v1  }
0xc0: {  	v2 =	vld [tilespmem:s31+$0x2CF0];
	_ =	sdelay $0x7  }
0xc1: {  	[tilespmem:v2+s12+$0x0] =	vst.idx.add.f32.msk $0xffff, v1  }
0xc2: {  	v2 =	vld [tilespmem:s31+$0x2D00];
	_ =	sdelay $0x7  }
0xc3: {  	[tilespmem:v2+s12+$0x0] =	vst.idx.add.f32.msk $0xffff, v1  }
0xc4: {  	v2 =	vld [tilespmem:s31+$0x2D10];
	_ =	sdelay $0x7  }
0xc5: {  	[tilespmem:v2+s12+$0x0] =	vst.idx.add.f32.msk $0xffff, v1  }
0xc6: {  	v2 =	vld [tilespmem:s31+$0x2D20];
	_ =	sdelay $0x7  }
0xc7: {  	[tilespmem:v2+s12+$0x0] =	vst.idx.add.f32.msk $0xffff, v1  }
0xc8: {  	v2 =	vld [tilespmem:s31+$0x2D30];
	_ =	sdelay $0x7  }
0xc9: {  	[tilespmem:v2+s12+$0x0] =	vst.idx.add.f32.msk $0xffff, v1  }
0xca: {  	v2 =	vld [tilespmem:s31+$0x2D40];
	_ =	sdelay $0x7  }
0xcb: {  	[tilespmem:v2+s12+$0x0] =	vst.idx.add.f32.msk $0xffff, v1  }
0xcc: {  	v2 =	vld [tilespmem:s31+$0x2D50];
	_ =	sdelay $0x7  }
0xcd: {  	[tilespmem:v2+s12+$0x0] =	vst.idx.add.f32.msk $0xffff, v1  }
0xce: {  	v2 =	vld [tilespmem:s31+$0x2D60];
	_ =	sdelay $0x7  }
0xcf: {  	[tilespmem:v2+s12+$0x0] =	vst.idx.add.f32.msk $0xffff, v1  }
0xd0: {  	v2 =	vld [tilespmem:s31+$0x2D70];
	_ =	sdelay $0x7  }
0xd1: {  	[tilespmem:v2+s12+$0x0] =	vst.idx.add.f32.msk $0xffff, v1  }
0xd2: {  	v2 =	vld [tilespmem:s31+$0x2D80];
	_ =	sdelay $0x7  }
0xd3: {  	[tilespmem:v2+s12+$0x0] =	vst.idx.add.f32.msk $0xffff, v1  }
0xd4: {  	v2 =	vld [tilespmem:s31+$0x2D90];
	_ =	sdelay $0x7  }
0xd5: {  	[tilespmem:v2+s12+$0x0] =	vst.idx.add.f32.msk $0xffff, v1  }
0xd6: {  	v2 =	vld [tilespmem:s31+$0x2DA0];
	_ =	sdelay $0x7  }
0xd7: {  	[tilespmem:v2+s12+$0x0] =	vst.idx.add.f32.msk $0xffff, v1  }
0xd8: {  	v2 =	vld [tilespmem:s31+$0x2DB0];
	_ =	sdelay $0x7  }
0xd9: {  	[tilespmem:v2+s12+$0x0] =	vst.idx.add.f32.msk $0xffff, v1  }
0xda: {  	v2 =	vld [tilespmem:s31+$0x2DC0];
	_ =	sdelay $0x7  }
0xdb: {  	[tilespmem:v2+s12+$0x0] =	vst.idx.add.f32.msk $0xffff, v1  }
0xdc: {  	v2 =	vld [tilespmem:s31+$0x2DD0];
	_ =	sdelay $0x7  }
0xdd: {  	[tilespmem:v2+s12+$0x0] =	vst.idx.add.f32.msk $0xffff, v1  }
0xde: {  	v2 =	vld [tilespmem:s31+$0x2DE0];
	_ =	sdelay $0x7  }
0xdf: {  	[tilespmem:v2+s12+$0x0] =	vst.idx.add.f32.msk $0xffff, v1  }
0xe0: {  	v2 =	vld [tilespmem:s31+$0x2DF0];
	_ =	sdelay $0x7  }
0xe1: {  	[tilespmem:v2+s12+$0x0] =	vst.idx.add.f32.msk $0xffff, v1  }
0xe2: {  	v2 =	vld [tilespmem:s31+$0x2E00];
	_ =	sdelay $0x7  }
0xe3: {  	[tilespmem:v2+s12+$0x0] =	vst.idx.add.f32.msk $0xffff, v1  }
0xe4: {  	v2 =	vld [tilespmem:s31+$0x2E10];
	_ =	sdelay $0x7  }
0xe5: {  	[tilespmem:v2+s12+$0x0] =	vst.idx.add.f32.msk $0xffff, v1  }
0xe6: {  	v2 =	vld [tilespmem:s31+$0x2E20];
	_ =	sdelay $0x7  }
0xe7: {  	[tilespmem:v2+s12+$0x0] =	vst.idx.add.f32.msk $0xffff, v1  }
0xe8: {  	v2 =	vld [tilespmem:s31+$0x2E30];
	_ =	sdelay $0x7  }
0xe9: {  	[tilespmem:v2+s12+$0x0] =	vst.idx.add.f32.msk $0xffff, v1  }
0xea: {  	v2 =	vld [tilespmem:s31+$0x2E40];
	_ =	sdelay $0x7  }
0xeb: {  	[tilespmem:v2+s12+$0x0] =	vst.idx.add.f32.msk $0xffff, v1  }
0xec: {  	v2 =	vld [tilespmem:s31+$0x2E50];
	_ =	sdelay $0x7  }
0xed: {  	[tilespmem:v2+s12+$0x0] =	vst.idx.add.f32.msk $0xffff, v1  }
0xee: {  	v2 =	vld [tilespmem:s31+$0x2E60];
	_ =	sdelay $0x7  }
0xef: {  	[tilespmem:v2+s12+$0x0] =	vst.idx.add.f32.msk $0xffff, v1  }
0xf0: {  	v2 =	vld [tilespmem:s31+$0x2E70];
	_ =	sdelay $0x7  }
0xf1: {  	[tilespmem:v2+s12+$0x0] =	vst.idx.add.f32.msk $0xffff, v1  }
0xf2: {  	v2 =	vld [tilespmem:s31+$0x2E80];
	_ =	sdelay $0x7  }
0xf3: {  	[tilespmem:v2+s12+$0x0] =	vst.idx.add.f32.msk $0xffff, v1  }
0xf4: {  	v2 =	vld [tilespmem:s31+$0x2E90];
	_ =	sdelay $0x7  }
0xf5: {  	[tilespmem:v2+s12+$0x0] =	vst.idx.add.f32.msk $0xffff, v1  }
0xf6: {  	v2 =	vld [tilespmem:s31+$0x2EA0];
	_ =	sdelay $0x7  }
0xf7: {  	[tilespmem:v2+s12+$0x0] =	vst.idx.add.f32.msk $0xffff, v1  }
0xf8: {  	v2 =	vld [tilespmem:s31+$0x2EB0];
	_ =	sdelay $0x7  }
0xf9: {  	[tilespmem:v2+s12+$0x0] =	vst.idx.add.f32.msk $0xffff, v1  }
0xfa: {  	v2 =	vld [tilespmem:s31+$0x2EC0];
	_ =	sdelay $0x7  }
0xfb: {  	[tilespmem:v2+s12+$0x0] =	vst.idx.add.f32.msk $0xffff, v1  }
0xfc: {  	v2 =	vld [tilespmem:s31+$0x2ED0];
	_ =	sdelay $0x7  }
0xfd: {  	[tilespmem:v2+s12+$0x0] =	vst.idx.add.f32.msk $0xffff, v1  }
0xfe: {  	v2 =	vld [tilespmem:s31+$0x2EE0];
	_ =	sdelay $0x7  }
0xff: {  	[tilespmem:v2+s12+$0x0] =	vst.idx.add.f32.msk $0xffff, v1  }
0x100: {  	v2 =	vld [tilespmem:s31+$0x2EF0];
	_ =	sdelay $0x7  }
0x101: {  	[tilespmem:v2+s12+$0x0] =	vst.idx.add.f32.msk $0xffff, v1  }
0x102: {  	v2 =	vld [tilespmem:s31+$0x2F00];
	_ =	sdelay $0x7  }
0x103: {  	[tilespmem:v2+s12+$0x0] =	vst.idx.add.f32.msk $0xffff, v1  }
0x104: {  	v2 =	vld [tilespmem:s31+$0x2F10];
	_ =	sdelay $0x7  }
0x105: {  	[tilespmem:v2+s12+$0x0] =	vst.idx.add.f32.msk $0xffff, v1  }
0x106: {  	v2 =	vld [tilespmem:s31+$0x2F20];
	_ =	sdelay $0x7  }
0x107: {  	[tilespmem:v2+s12+$0x0] =	vst.idx.add.f32.msk $0xffff, v1  }
0x108: {  	v2 =	vld [tilespmem:s31+$0x2F30];
	_ =	sdelay $0x7  }
0x109: {  	[tilespmem:v2+s12+$0x0] =	vst.idx.add.f32.msk $0xffff, v1  }
0x10a: {  	v2 =	vld [tilespmem:s31+$0x2F40];
	_ =	sdelay $0x7  }
0x10b: {  	[tilespmem:v2+s12+$0x0] =	vst.idx.add.f32.msk $0xffff, v1  }
0x10c: {  	v2 =	vld [tilespmem:s31+$0x2F50];
	_ =	sdelay $0x7  }
0x10d: {  	[tilespmem:v2+s12+$0x0] =	vst.idx.add.f32.msk $0xffff, v1  }
0x10e: {  	v2 =	vld [tilespmem:s31+$0x2F60];
	_ =	sdelay $0x7  }
0x10f: {  	[tilespmem:v2+s12+$0x0] =	vst.idx.add.f32.msk $0xffff, v1  }
0x110: {  	v2 =	vld [tilespmem:s31+$0x2F70];
	_ =	sdelay $0x7  }
0x111: {  	[tilespmem:v2+s12+$0x0] =	vst.idx.add.f32.msk $0xffff, v1  }
0x112: {  	v2 =	vld [tilespmem:s31+$0x2F80];
	_ =	sdelay $0x7  }
0x113: {  	[tilespmem:v2+s12+$0x0] =	vst.idx.add.f32.msk $0xffff, v1  }
0x114: {  	v2 =	vld [tilespmem:s31+$0x2F90];
	_ =	sdelay $0x7  }
0x115: {  	[tilespmem:v2+s12+$0x0] =	vst.idx.add.f32.msk $0xffff, v1  }
0x116: {  	v2 =	vld [tilespmem:s31+$0x2FA0];
	_ =	sdelay $0x7  }
0x117: {  	[tilespmem:v2+s12+$0x0] =	vst.idx.add.f32.msk $0xffff, v1  }
0x118: {  	v2 =	vld [tilespmem:s31+$0x2FB0];
	_ =	sdelay $0x7  }
0x119: {  	[tilespmem:v2+s12+$0x0] =	vst.idx.add.f32.msk $0xffff, v1  }
0x11a: {  	v2 =	vld [tilespmem:s31+$0x2FC0];
	_ =	sdelay $0x7  }
0x11b: {  	[tilespmem:v2+s12+$0x0] =	vst.idx.add.f32.msk $0xffff, v1  }
0x11c: {  	v2 =	vld [tilespmem:s31+$0x2FD0];
	_ =	sdelay $0x7  }
0x11d: {  	[tilespmem:v2+s12+$0x0] =	vst.idx.add.f32.msk $0xffff, v1  }
0x11e: {  	v2 =	vld [tilespmem:s31+$0x2FE0];
	_ =	sdelay $0x7  }
0x11f: {  	[tilespmem:v2+s12+$0x0] =	vst.idx.add.f32.msk $0xffff, v1  }
0x120: {  	v2 =	vld [tilespmem:s31+$0x2FF0];
	_ =	sdelay $0x5  }
0x121: {  	p0 =	sne.s32 s21, $0x5  }
.Ltmp1:
0x122: {  	_ = 	snop;
	(pc) =	sbr.rel @p0 .LBB2_4-.Ltmp1, $4  }
0x123: {  	[tilespmem:v2+s12+$0x0] =	vst.idx.add.f32.msk $0xffff, v1  }
0x124: {  	_ =	swait.ge [sflag:s13], $0x800  }
0x125: {  	[sflag:s13] =	ssyncset.done $0x0  }
0x126: {  	s20 =	sadd.s32 $0x800, s20;
	s21 =	sadd.s32 $0x1, s21;
	[sflag:s13] =	ssyncadd.s32 $0xFFFFF800  }
0x127: {  	[spmem:s6] =	stream.strided.scatter [tilespmem:s12], [sflag:$0x2], $0x2800, s15, s14, $0x38;
	[tilespmem:$0x6500] =	vst v63  }
0x128: {  	_ =	swait.ge [sflag:s11], $0x2800  }
0x129: {  	[sflag:s11] =	ssyncset.done $0x0  }
0x12a: {  	[sflag:s11] =	ssyncadd.s32 $0xFFFFD800  }
0x12b: {  	[bflag:$0x0] =	sbarrier.arrive $0xFFFF  }
0x12c: {  	[tilespmem:$0x6280] =	vst v0  }
0x12d: {  	[tilespmem:$0x6290] =	vst v0  }
0x12e: {  	[tilespmem:$0x62A0] =	vst v0  }
0x12f: {  	[tilespmem:$0x62B0] =	vst v0  }
0x130: {  	[tilespmem:$0x62C0] =	vst v0  }
0x131: {  	[tilespmem:$0x62D0] =	vst v0  }
0x132: {  	[tilespmem:$0x62E0] =	vst v0  }
0x133: {  	[tilespmem:$0x62F0] =	vst v0  }
0x134: {  	[tilespmem:$0x6300] =	vst v0  }
0x135: {  	[tilespmem:$0x6310] =	vst v0  }
0x136: {  	[tilespmem:$0x6320] =	vst v0  }
0x137: {  	[tilespmem:$0x6330] =	vst v0  }
0x138: {  	[tilespmem:$0x6340] =	vst v0  }
0x139: {  	[tilespmem:$0x6350] =	vst v0  }
0x13a: {  	[tilespmem:$0x6360] =	vst v0  }
0x13b: {  	[tilespmem:$0x6370] =	vst v0  }
0x13c: {  	[tilespmem:$0x6380] =	vst v0  }
0x13d: {  	[tilespmem:$0x6390] =	vst v0  }
0x13e: {  	[tilespmem:$0x63A0] =	vst v0  }
0x13f: {  	[tilespmem:$0x63B0] =	vst v0  }
0x140: {  	[tilespmem:$0x63C0] =	vst v0  }
0x141: {  	[tilespmem:$0x63D0] =	vst v0  }
0x142: {  	[tilespmem:$0x63E0] =	vst v0  }
0x143: {  	[tilespmem:$0x63F0] =	vst v0  }
0x144: {  	[tilespmem:$0x6400] =	vst v0  }
0x145: {  	[tilespmem:$0x6410] =	vst v0  }
0x146: {  	[tilespmem:$0x6420] =	vst v0  }
0x147: {  	[tilespmem:$0x6430] =	vst v0  }
0x148: {  	[tilespmem:$0x6440] =	vst v0  }
0x149: {  	[tilespmem:$0x6450] =	vst v0  }
0x14a: {  	[tilespmem:$0x6460] =	vst v0  }
0x14b: {  	[tilespmem:$0x6470] =	vst v0  }
0x14c: {  	[tilespmem:$0x6480] =	vst v0  }
0x14d: {  	[tilespmem:$0x6490] =	vst v0  }
0x14e: {  	[tilespmem:$0x64A0] =	vst v0  }
0x14f: {  	[tilespmem:$0x64B0] =	vst v0  }
0x150: {  	[tilespmem:$0x64C0] =	vst v0  }
0x151: {  	[tilespmem:$0x64D0] =	vst v0  }
0x152: {  	[tilespmem:$0x64E0] =	vst v0  }
0x153: {  	s20 =	simm.s32 $0x0;
	[tilespmem:$0x64F0] =	vst v0  }
.LBB2_6:
0x154: {  	s21 =	sshrl.u32 s20, $0x3  }
0x155: {  	s21 =	smul.u32 $0x50000, s21;
	_ =	sdelay $0x1  }
0x156: {  	s22 =	sshll.u32 s20, $0x7;
	s21 =	sshra.s32 s21, $0x2  }
0x157: {  	s22 =	sand.u32 $0x380, s22;
	s21 =	sadd.s32 s21, s7  }
0x158: {  	s21 =	sadd.s32 s22, s21  }
0x159: {  	[tilespmem:s16], [sflag:$0x2] =	stream.strided.gather [spmem:s21], $0x280, s15, s14, $0x38;
	[tilespmem:$0x6500] =	vst v63  }
0x15a: {  	_ =	swait.ge [sflag:s11], $0x280  }
0x15b: {  	[sflag:s11] =	ssyncset.done $0x0  }
0x15c: {  	s21 =	simm.s32 $0x0;
	[sflag:s11] =	ssyncadd.s32 $0xFFFFFD80  }
0x15d: {  	s22 =	simm.s32 $0x40;
	v2 =	vld [tilespmem:s21+$0x6000]  }
.LBB2_7:
0x15e: {  	p0 =	sne.s32 s22, $0x9C0;
	v3 =	vld [tilespmem:s21+$0x6280];
	_ =	sdelay $0x2  }
.Ltmp2:
0x15f: {  	(pc) =	sbr.rel @p0 .LBB2_7-.Ltmp2, $4  }
0x160: {  	_ = 	snop  }
0x161: {  	v3 =	vadd.f32 v2, v3  }
0x162: {  	s23 =	sshra.s32 s22, $0x2  }
0x163: {  	s22 =	sadd.s32 $0x40, s22;
	v2 =	vld [tilespmem:s23+$0x6000];
	[tilespmem:s21+$0x6280] =	vst v3;
	s21 =	smov.u32 s23  }
0x164: {  	v3 =	vld [tilespmem:s21+$0x6280]  }
0x165: {  	s20 =	sadd.s32 $0x1, s20  }
0x166: {  	p0 =	sne.s32 s20, $0x10  }
.Ltmp3:
0x167: {  	_ = 	snop;
	(pc) =	sbr.rel @p0 .LBB2_6-.Ltmp3, $3  }
0x168: {  	_ = 	snop  }
0x169: {  	v2 =	vadd.f32 v2, v3;
	_ =	sdelay $0x1  }
0x16a: {  	[tilespmem:s21+$0x6280] =	vst v2  }
0x16b: {  	s19 =	sadd.s32 $0x1, s19  }
0x16c: {  	p0 =	sne.s32 s19, s9  }
.Ltmp4:
0x16d: {  	_ = 	snop;
	(pc) =	sbr.rel @p0 .LBB2_1-.Ltmp4, $4  }
0x16e: {  	[hbm4b:s8+s14] =	stream.strided.scatter [tilespmem:s18], [sflag:$0x2], $0x280, s17, s14, $0x38;
	[tilespmem:$0x6500] =	vst v63  }
0x16f: {  	_ =	swait.ge [sflag:s11], $0x280  }
0x170: {  	[sflag:s11] =	ssyncset.done $0x0  }
0x171: {  	[sflag:s11] =	ssyncadd.s32 $0xFFFFFD80  }
0x172: {  	_ =	sfence.sel $0x180000  }
0x173: {  	[bflag:$0x0] =	sbarrier.arrive $0xFFFF  }
0x174: {  	p0 =	sne.s32 s1, $0x0;
	_ =	strace $0x90000047  }
0x175: {  	s0 =	sadd.s32 @!p0 $0x100000, s0;
	[bflag:$0x2] =	sbarrier.arrive $0xFFFF  }
0x176: {  	[sflag:s0] =	ssyncadd.tile.s32 @!p0 $0x1;
	_ =	shalt  }
.Lfunc_end2:
_tile_overlayer_lowered:
.L_overlay_start_2:
0x177: {  	(tag) =	ssettag $0x2  }
0x178: {  	s0 =	rddreg [dreg:$0x0];
	s2 =	stileid.u32  }
0x179: {  	s1 =	rddreg [dreg:$0x1];
	p0 =	sne.s32 s2, $0x0  }
0x17a: {  	s3 =	rddreg [dreg:$0x2];
	[bflag:$0x3] =	sbarrier.arrive $0xFFFF;
	s2 =	simm.s32 @!p0 $0x1C02  }
0x17b: {  	[timem:s3], [sflag:s2] =	dma.local @!p0 [hbm:s0], s1  }
0x17c: {  	s0 =	simm.s32 @!p0 $0x2  }
0x17d: {  	_ =	swait.ge @!p0 [sflag:s0], s1  }
0x17e: {  	s1 =	ssub.s32 @!p0 $0x0, s1;
	[sflag:s0] =	ssyncset.done @!p0 $0x0  }
0x17f: {  	[sflag:s0] =	ssyncadd.s32 @!p0 s1  }
0x180: {  	[bflag:$0x3] =	sbarrier.arrive $0xFFFF  }
0x181: {  	_ =	shalt  }

</sc_bundles>
